<compile_context>
chip_gen: v7x
topology: tpu7x:2x2x1
jax: 0.10.2.dev20260603
libtpu: 0.0.44.dev20260713+nightly
codegen_flags: <defaults>
</compile_context>

<pallas_src>
import functools

import jax
import jax.numpy as jnp
from jax import lax
from jax.experimental import pallas as pl
from jax.experimental.pallas import tpu as pltpu
from jax.experimental.pallas import tpu_sc as plsc

N, E, D, H, O = 10000, 160000, 256, 512, 256

NCORE = 2
NSUB = 16
NW = NCORE * NSUB
EPW = E // NW
BB = 40
NB = EPW // BB
NP = 10240
RPT = NP // NSUB
CW = 128
CNTW = 128

BBF = 128
NBF = EPW // BBF
TAIL = EPW - NBF * BBF


@functools.lru_cache(maxsize=None)
def _make_segsum(nc, with_cnt):
    mesh = plsc.VectorSubcoreMesh(core_axis_name="c", subcore_axis_name="s")
    out_type = [jax.ShapeDtypeStruct((NCORE, nc, NP, CW), jnp.float32)]
    if with_cnt:
        out_type.append(
            jax.ShapeDtypeStruct((NCORE, NP, CNTW), jnp.float32))
    scratch = [
        pltpu.VMEM((NBF, BBF), jnp.int32),
        pltpu.VMEM((NBF, BBF), jnp.int32),
        pltpu.VMEM((TAIL,), jnp.int32),
        pltpu.VMEM((TAIL,), jnp.int32),
        pltpu.VMEM((BBF, CW), jnp.float32),
        pltpu.VMEM((BBF, CW), jnp.float32),
        pltpu.VMEM((TAIL, CW), jnp.float32),
        pltpu.VMEM_SHARED((NP, CW), jnp.float32),
        pltpu.SemaphoreType.DMA,
        pltpu.SemaphoreType.DMA,
        pltpu.SemaphoreType.DMA,
        pltpu.SemaphoreType.DMA,
    ]
    NWP = 4
    WP = RPT // NWP

    @functools.partial(pl.kernel, mesh=mesh, out_type=out_type,
                       scratch_types=scratch)
    def segsum(table, srcs, dsts, srcs_t, dsts_t, zeros_cw, ones_cw,
               out_rows, *rest):
        if with_cnt:
            out_cnt = rest[0]
            rest = rest[1:]
        (srcv, dstv, srct, dstt, bufa, bufb, buft, acc,
         sema, semb, semw, semz) = rest
        cid = lax.axis_index("c")
        sid = lax.axis_index("s")
        wid = sid * NCORE + cid
        r0 = sid * RPT

        def accp(p):
            return acc.at[pl.ds(r0 + p * WP, WP)]

        def zerop(p):
            return zeros_cw.at[pl.ds(r0 + p * WP, WP)]

        pltpu.sync_copy(dsts.at[wid], dstv)
        pltpu.sync_copy(dsts_t.at[wid], dstt)

        if with_cnt:
            pltpu.sync_copy(ones_cw, bufa)
            pltpu.sync_copy(zeros_cw.at[pl.ds(r0, RPT)],
                            acc.at[pl.ds(r0, RPT)])
            plsc.subcore_barrier()

            def cstep(b, carry):
                pltpu.sync_copy(bufa, acc.at[dstv.at[b]], add=True)
                return carry

            lax.fori_loop(0, NBF, cstep, 0)
            pltpu.sync_copy(bufa.at[pl.ds(0, TAIL)], acc.at[dstt],
                            add=True)
            pltpu.sync_copy(srcs.at[0, wid], srcv)
            pltpu.async_copy(table.at[srcv.at[0]], bufa, sema)
            plsc.subcore_barrier()

            def caccp(p):
                return acc.at[pl.ds(r0 + p * WP, WP)]

            def cntoutp(p):
                return out_cnt.at[cid, pl.ds(r0 + p * WP, WP)]

            pltpu.async_copy(caccp(0), cntoutp(0), semw)
            for p in range(NWP):
                pltpu.make_async_copy(caccp(p), cntoutp(p), semw).wait()
                if p + 1 < NWP:
                    pltpu.async_copy(caccp(p + 1), cntoutp(p + 1), semw)
                pltpu.async_copy(zerop(p), accp(p), semz)
            for p in range(NWP):
                pltpu.make_async_copy(zerop(p), accp(p), semz).wait()
        else:
            pltpu.sync_copy(srcs.at[0, wid], srcv)
            pltpu.async_copy(table.at[srcv.at[0]], bufa, sema)
            pltpu.sync_copy(zeros_cw.at[pl.ds(r0, RPT)],
                            acc.at[pl.ds(r0, RPT)])

        for c in range(nc):
            pltpu.sync_copy(srcs_t.at[c, wid], srct)
            plsc.subcore_barrier()

            def step(i, carry):
                b = 2 * i
                pltpu.async_copy(table.at[srcv.at[b + 1]], bufb, semb)
                pltpu.make_async_copy(table.at[srcv.at[b]],
                                      bufa, sema).wait()
                pltpu.sync_copy(bufa, acc.at[dstv.at[b]], add=True)
                pltpu.async_copy(table.at[srcv.at[b + 2]], bufa, sema)
                pltpu.make_async_copy(table.at[srcv.at[b + 1]],
                                      bufb, semb).wait()
                pltpu.sync_copy(bufb, acc.at[dstv.at[b + 1]], add=True)
                return carry

            lax.fori_loop(0, (NBF - 1) // 2, step, 0)
            pltpu.make_async_copy(table.at[srcv.at[NBF - 1]],
                                  bufa, sema).wait()
            pltpu.sync_copy(bufa, acc.at[dstv.at[NBF - 1]], add=True)
            if c + 1 < nc:
                pltpu.sync_copy(srcs.at[c + 1, wid], srcv)
                pltpu.async_copy(table.at[srcv.at[0]], bufa, sema)
            pltpu.sync_copy(table.at[srct], buft)
            pltpu.sync_copy(buft, acc.at[dstt], add=True)
            plsc.subcore_barrier()

            def outp(p):
                return out_rows.at[cid, c, pl.ds(r0 + p * WP, WP)]

            pltpu.async_copy(accp(0), outp(0), semw)
            for p in range(NWP):
                pltpu.make_async_copy(accp(p), outp(p), semw).wait()
                if p + 1 < NWP:
                    pltpu.async_copy(accp(p + 1), outp(p + 1), semw)
                if c + 1 < nc:
                    pltpu.async_copy(
                        zeros_cw.at[pl.ds(r0 + p * WP, WP)], accp(p), semz)
            if c + 1 < nc:
                for p in range(NWP):
                    pltpu.make_async_copy(
                        zeros_cw.at[pl.ds(r0 + p * WP, WP)],
                        accp(p), semz).wait()

    return segsum


BN = 512


def _mm(a, b):
    return jax.lax.dot(a.astype(jnp.bfloat16), b,
                       preferred_element_type=jnp.float32)


def _dense1_body(p_ref, c_ref, x_ref, wl_ref, bl_ref, wr_ref, out_ref):
    cnt = c_ref[0, :, 0] + c_ref[1, :, 0]
    inv = 1.0 / jnp.maximum(cnt, 1.0)
    agg = jnp.concatenate(
        [p_ref[0, k] + p_ref[1, k] for k in range(D // CW)], axis=1)
    mean = agg * inv[:, None]
    h = _mm(mean, wl_ref[...]) + bl_ref[0][None, :] + _mm(x_ref[...],
                                                          wr_ref[...])
    h = jnp.maximum(h, 0.0)
    for k in range(H // CW):
        out_ref[k] = h[:, k * CW:(k + 1) * CW]


def _dense2_body(p_ref, c_ref, h_ref, wl_ref, bl_ref, wr_ref,
                 wo_ref, bo_ref, out_ref):
    cnt = c_ref[0, :, 0] + c_ref[1, :, 0]
    inv = 1.0 / jnp.maximum(cnt, 1.0)
    agg = jnp.concatenate(
        [p_ref[0, k] + p_ref[1, k] for k in range(H // CW)], axis=1)
    mean = agg * inv[:, None]
    hin = jnp.concatenate([h_ref[k] for k in range(H // CW)], axis=1)
    h2 = _mm(mean, wl_ref[...]) + bl_ref[0][None, :] + _mm(hin, wr_ref[...])
    h2 = jnp.maximum(h2, 0.0)
    out_ref[...] = _mm(h2, wo_ref[...]) + bo_ref[0][None, :]


def _dense1(partials, cnts, x, W_l1, b_l1, W_r1):
    grid = (pl.cdiv(N, BN),)
    return pl.pallas_call(
        _dense1_body,
        grid=grid,
        in_specs=[
            pl.BlockSpec((NCORE, D // CW, BN, CW), lambda i: (0, 0, i, 0)),
            pl.BlockSpec((NCORE, BN, CNTW), lambda i: (0, i, 0)),
            pl.BlockSpec((BN, D), lambda i: (i, 0)),
            pl.BlockSpec((D, H), lambda i: (0, 0)),
            pl.BlockSpec((1, H), lambda i: (0, 0)),
            pl.BlockSpec((D, H), lambda i: (0, 0)),
        ],
        out_specs=pl.BlockSpec((H // CW, BN, CW), lambda i: (0, i, 0)),
        out_shape=jax.ShapeDtypeStruct((H // CW, N, CW), jnp.float32),
    )(partials, cnts, x, W_l1, b_l1.reshape(1, H), W_r1)


def _dense2(partials, cnts, h_chunks, W_l2, b_l2, W_r2, W_lin, b_lin):
    grid = (pl.cdiv(N, BN),)
    return pl.pallas_call(
        _dense2_body,
        grid=grid,
        in_specs=[
            pl.BlockSpec((NCORE, H // CW, BN, CW), lambda i: (0, 0, i, 0)),
            pl.BlockSpec((NCORE, BN, CNTW), lambda i: (0, i, 0)),
            pl.BlockSpec((H // CW, BN, CW), lambda i: (0, i, 0)),
            pl.BlockSpec((H, H), lambda i: (0, 0)),
            pl.BlockSpec((1, H), lambda i: (0, 0)),
            pl.BlockSpec((H, H), lambda i: (0, 0)),
            pl.BlockSpec((H, O), lambda i: (0, 0)),
            pl.BlockSpec((1, O), lambda i: (0, 0)),
        ],
        out_specs=pl.BlockSpec((BN, O), lambda i: (i, 0)),
        out_shape=jax.ShapeDtypeStruct((N, O), jnp.float32),
    )(partials, cnts, h_chunks, W_l2, b_l2.reshape(1, H), W_r2,
      W_lin, b_lin.reshape(1, O))


def kernel(x, edge_index, W_l1, b_l1, W_r1, W_l2, b_l2, W_r2, W_lin, b_lin):
    src = edge_index[0]
    dst = edge_index[1]
    nc1 = D // CW
    nc2 = H // CW
    offs1 = (jnp.arange(nc1, dtype=jnp.int32) * N)[:, None]
    offs2 = (jnp.arange(nc2, dtype=jnp.int32) * N)[:, None]
    srcw = src.reshape(NW, EPW)
    dstw = dst.reshape(NW, EPW)
    src1 = (srcw[None] + offs1[:, :, None])
    src2 = (srcw[None] + offs2[:, :, None])
    src1f = src1[:, :, :NBF * BBF].reshape(nc1, NW, NBF, BBF)
    src1t = src1[:, :, NBF * BBF:]
    src2f = src2[:, :, :NBF * BBF].reshape(nc2, NW, NBF, BBF)
    src2t = src2[:, :, NBF * BBF:]
    dstrf = dstw[:, :NBF * BBF].reshape(NW, NBF, BBF)
    dstrt = dstw[:, NBF * BBF:]

    zeros_cw = jnp.zeros((NP, CW), jnp.float32)
    ones_cw = jnp.ones((BBF, CW), jnp.float32)

    x_chunks = x.reshape(N, nc1, CW).transpose(1, 0, 2).reshape(nc1 * N, CW)
    p1, cnts = _make_segsum(nc1, True)(x_chunks, src1f, dstrf, src1t,
                                       dstrt, zeros_cw, ones_cw)

    bf = jnp.bfloat16
    h_chunks = _dense1(p1, cnts, x.astype(bf), W_l1.astype(bf), b_l1,
                       W_r1.astype(bf))

    (p2,) = _make_segsum(nc2, False)(h_chunks.reshape(nc2 * N, CW), src2f,
                                     dstrf, src2t, dstrt, zeros_cw, ones_cw)

    return _dense2(p2, cnts, h_chunks, W_l2.astype(bf), b_l2,
                   W_r2.astype(bf), W_lin.astype(bf), b_lin)

# --- scband reference (transcript-rebuilt; emitter-appended) ---
"""Pipeline reference for scband-item-gnnencoder-11768210391488 (READ-ONLY COPY).

The authoritative reference and input builder live on the scoring server;
editing this copy changes nothing except your own understanding.
"""

import jax, jax.numpy as jnp
import numpy as np

N, E, D, H, O = 10000, 160000, 256, 512, 256


def setup_inputs(seed: int = 0) -> dict:
    key = jax.random.key(seed)
    ks = jax.random.split(key, 12)
    x = jax.random.normal(ks[0], (N, D), dtype=jnp.float32)
    edge_index = jax.random.randint(ks[1], (2, E), 0, N, dtype=jnp.int32)
    s1 = 1.0 / np.sqrt(D)
    s2 = 1.0 / np.sqrt(H)
    W_l1 = jax.random.uniform(ks[2], (D, H), jnp.float32, -s1, s1)
    b_l1 = jax.random.uniform(ks[3], (H,), jnp.float32, -s1, s1)
    W_r1 = jax.random.uniform(ks[4], (D, H), jnp.float32, -s1, s1)
    W_l2 = jax.random.uniform(ks[5], (H, H), jnp.float32, -s2, s2)
    b_l2 = jax.random.uniform(ks[6], (H,), jnp.float32, -s2, s2)
    W_r2 = jax.random.uniform(ks[7], (H, H), jnp.float32, -s2, s2)
    W_lin = jax.random.uniform(ks[8], (H, O), jnp.float32, -s2, s2)
    b_lin = jax.random.uniform(ks[9], (O,), jnp.float32, -s2, s2)
    return {"x": x, "edge_index": edge_index, "W_l1": W_l1, "b_l1": b_l1, "W_r1": W_r1, "W_l2": W_l2, "b_l2": b_l2, "W_r2": W_r2, "W_lin": W_lin, "b_lin": b_lin}


def _sage_conv(x, src, dst, W_l, b_l, W_r):
    # PyG SAGEConv (mean aggregation): out = lin_l(mean_j x_j) + lin_r(x)
    msg = x[src]                                   # gather from source nodes
    agg = jax.ops.segment_sum(msg, dst, num_segments=N)
    cnt = jax.ops.segment_sum(jnp.ones((src.shape[0],), jnp.float32), dst, num_segments=N)
    mean = agg / jnp.maximum(cnt, 1.0)[:, None]
    return mean @ W_l + b_l + x @ W_r


def reference(x, edge_index, W_l1, b_l1, W_r1, W_l2, b_l2, W_r2, W_lin, b_lin):
    src = edge_index[0]
    dst = edge_index[1]
    h = jax.nn.relu(_sage_conv(x, src, dst, W_l1, b_l1, W_r1))
    h = jax.nn.relu(_sage_conv(h, src, dst, W_l2, b_l2, W_r2))
    return h @ W_lin + b_lin

if __name__ == "__main__":
    import jax
    _d = setup_inputs()
    print(jax.jit(kernel)(*tuple(_d.values())))

</pallas_src>

<mosaic_0001>
#map = affine_map<(d0, d1) -> (0, 0)>
#map1 = affine_map<(d0, d1) -> (0, 0, 0, 0)>
#map2 = affine_map<(d0, d1) -> (0, 0, 0)>
module attributes {stable_mosaic.version = 14 : i64} {
  func.func @segsum(%arg0: i32, %arg1: i32, %arg2: memref<40000x128xf32, #tpu.memory_space<hbm>>, %arg3: memref<4x32x39x128xi32, #tpu.memory_space<hbm>>, %arg4: memref<32x39x128xi32, #tpu.memory_space<hbm>>, %arg5: memref<4x32x8xi32, #tpu.memory_space<hbm>>, %arg6: memref<32x8xi32, #tpu.memory_space<hbm>>, %arg7: memref<10240x128xf32, #tpu.memory_space<hbm>>, %arg8: memref<128x128xf32, #tpu.memory_space<hbm>>, %arg9: memref<2x4x10240x128xf32, #tpu.memory_space<hbm>>, %arg10: memref<39x128xi32, #tpu.memory_space<vmem>>, %arg11: memref<39x128xi32, #tpu.memory_space<vmem>>, %arg12: memref<8xi32, #tpu.memory_space<vmem>>, %arg13: memref<8xi32, #tpu.memory_space<vmem>>, %arg14: memref<128x128xf32, #tpu.memory_space<vmem>>, %arg15: memref<128x128xf32, #tpu.memory_space<vmem>>, %arg16: memref<8x128xf32, #tpu.memory_space<vmem>>, %arg17: memref<10240x128xf32, #tpu.memory_space<vmem_shared>>, %arg18: memref<!tpu.dma_semaphore, #tpu.memory_space<semaphore_mem>>, %arg19: memref<!tpu.dma_semaphore, #tpu.memory_space<semaphore_mem>>, %arg20: memref<!tpu.dma_semaphore, #tpu.memory_space<semaphore_mem>>, %arg21: memref<!tpu.dma_semaphore, #tpu.memory_space<semaphore_mem>>) attributes {dimension_semantics = [#tpu.dimension_semantics<core_parallel>, #tpu.dimension_semantics<subcore_parallel>], iteration_bounds = array<i64: 2, 16>, scalar_prefetch = 0 : i64, scratch_operands = 12 : i64, tpu.core_type = #tpu.core_type<sc_vector_subcore>, window_params = [{transform_indices = #map}, {transform_indices = #map1}, {transform_indices = #map2}, {transform_indices = #map2}, {transform_indices = #map}, {transform_indices = #map}, {transform_indices = #map}, {transform_indices = #map1}]} {
    %mul3A = arith.constant 2 : i32
    %mul3A_0 = arith.muli %arg1, %mul3A : i32
    %add3A = arith.addi %mul3A_0, %arg0 : i32
    %mul3A_1 = arith.constant 640 : i32
    %mul3A_2 = arith.muli %arg1, %mul3A_1 : i32
    "tpu.region"() ({
      %run_scoped3A_610 = tpu.sem_alloc : memref<!tpu.dma_semaphore, #tpu.memory_space<semaphore_mem>>
      %dma_start3A_611 = arith.constant 0 : i32
      %dma_start3A_612 = arith.constant 0 : i32
      %dma_start3A_613 = tpu.memref_slice %arg4[%add3A, %dma_start3A_611, %dma_start3A_612] : memref<32x39x128xi32, #tpu.memory_space<hbm>> -> memref<1x39x128xi32, #tpu.memory_space<hbm>>
      %dma_start3A_614 = tpu.memref_squeeze %dma_start3A_613 : memref<1x39x128xi32, #tpu.memory_space<hbm>> -> memref<39x128xi32, #tpu.memory_space<hbm>>
      %dma_start3A_615 = arith.constant 0 : i32
      %dma_start3A_616 = arith.constant 0 : i32
      %dma_start3A_617 = tpu.memref_slice %arg4[%add3A, %dma_start3A_615, %dma_start3A_616] : memref<32x39x128xi32, #tpu.memory_space<hbm>> -> memref<1x39x128xi32, #tpu.memory_space<hbm>>
      %dma_start3A_618 = tpu.memref_squeeze %dma_start3A_617 : memref<1x39x128xi32, #tpu.memory_space<hbm>> -> memref<39x128xi32, #tpu.memory_space<hbm>>
      tpu.enqueue_dma source(%dma_start3A_618 : memref<39x128xi32, #tpu.memory_space<hbm>>) target(%arg11 : memref<39x128xi32, #tpu.memory_space<vmem>>) target_semaphore(%run_scoped3A_610 : memref<!tpu.dma_semaphore, #tpu.memory_space<semaphore_mem>>)
      %dma_wait3A_619 = arith.constant 0 : i32
      %dma_wait3A_620 = arith.constant 0 : i32
      %dma_wait3A_621 = tpu.memref_slice %arg4[%add3A, %dma_wait3A_619, %dma_wait3A_620] : memref<32x39x128xi32, #tpu.memory_space<hbm>> -> memref<1x39x128xi32, #tpu.memory_space<hbm>>
      %dma_wait3A_622 = tpu.memref_squeeze %dma_wait3A_621 : memref<1x39x128xi32, #tpu.memory_space<hbm>> -> memref<39x128xi32, #tpu.memory_space<hbm>>
      %dma_wait3A_623 = arith.constant 0 : i32
      %dma_wait3A_624 = arith.constant 0 : i32
      %dma_wait3A_625 = tpu.memref_slice %arg4[%add3A, %dma_wait3A_623, %dma_wait3A_624] : memref<32x39x128xi32, #tpu.memory_space<hbm>> -> memref<1x39x128xi32, #tpu.memory_space<hbm>>
      %dma_wait3A_626 = tpu.memref_squeeze %dma_wait3A_625 : memref<1x39x128xi32, #tpu.memory_space<hbm>> -> memref<39x128xi32, #tpu.memory_space<hbm>>
      tpu.wait_dma2 semaphore(%run_scoped3A_610 : memref<!tpu.dma_semaphore, #tpu.memory_space<semaphore_mem>>) src(%dma_wait3A_626 : memref<39x128xi32, #tpu.memory_space<hbm>>) dst(%arg11 : memref<39x128xi32, #tpu.memory_space<vmem>>)
      tpu.yield
    }) : () -> ()
    "tpu.region"() ({
      %run_scoped3A_610 = tpu.sem_alloc : memref<!tpu.dma_semaphore, #tpu.memory_space<semaphore_mem>>
      %dma_start3A_611 = arith.constant 0 : i32
      %dma_start3A_612 = tpu.memref_slice %arg6[%add3A, %dma_start3A_611] : memref<32x8xi32, #tpu.memory_space<hbm>> -> memref<1x8xi32, #tpu.memory_space<hbm>>
      %dma_start3A_613 = tpu.memref_squeeze %dma_start3A_612 : memref<1x8xi32, #tpu.memory_space<hbm>> -> memref<8xi32, #tpu.memory_space<hbm>>
      %dma_start3A_614 = arith.constant 0 : i32
      %dma_start3A_615 = tpu.memref_slice %arg6[%add3A, %dma_start3A_614] : memref<32x8xi32, #tpu.memory_space<hbm>> -> memref<1x8xi32, #tpu.memory_space<hbm>>
      %dma_start3A_616 = tpu.memref_squeeze %dma_start3A_615 : memref<1x8xi32, #tpu.memory_space<hbm>> -> memref<8xi32, #tpu.memory_space<hbm>>
      tpu.enqueue_dma source(%dma_start3A_616 : memref<8xi32, #tpu.memory_space<hbm>>) target(%arg13 : memref<8xi32, #tpu.memory_space<vmem>>) target_semaphore(%run_scoped3A_610 : memref<!tpu.dma_semaphore, #tpu.memory_space<semaphore_mem>>)
      %dma_wait3A_617 = arith.constant 0 : i32
      %dma_wait3A_618 = tpu.memref_slice %arg6[%add3A, %dma_wait3A_617] : memref<32x8xi32, #tpu.memory_space<hbm>> -> memref<1x8xi32, #tpu.memory_space<hbm>>
      %dma_wait3A_619 = tpu.memref_squeeze %dma_wait3A_618 : memref<1x8xi32, #tpu.memory_space<hbm>> -> memref<8xi32, #tpu.memory_space<hbm>>
      %dma_wait3A_620 = arith.constant 0 : i32
      %dma_wait3A_621 = tpu.memref_slice %arg6[%add3A, %dma_wait3A_620] : memref<32x8xi32, #tpu.memory_space<hbm>> -> memref<1x8xi32, #tpu.memory_space<hbm>>
      %dma_wait3A_622 = tpu.memref_squeeze %dma_wait3A_621 : memref<1x8xi32, #tpu.memory_space<hbm>> -> memref<8xi32, #tpu.memory_space<hbm>>
      tpu.wait_dma2 semaphore(%run_scoped3A_610 : memref<!tpu.dma_semaphore, #tpu.memory_space<semaphore_mem>>) src(%dma_wait3A_622 : memref<8xi32, #tpu.memory_space<hbm>>) dst(%arg13 : memref<8xi32, #tpu.memory_space<vmem>>)
      tpu.yield
    }) : () -> ()
    %run_scoped3A = arith.constant 0 : i32
    "tpu.region"() ({
      %run_scoped3A_610 = tpu.sem_alloc : memref<!tpu.dma_semaphore, #tpu.memory_space<semaphore_mem>>
      %dma_start3A_611 = arith.constant 0 : i32
      %dma_start3A_612 = arith.constant 0 : i32
      %dma_start3A_613 = tpu.memref_slice %arg3[%run_scoped3A, %add3A, %dma_start3A_611, %dma_start3A_612] : memref<4x32x39x128xi32, #tpu.memory_space<hbm>> -> memref<1x1x39x128xi32, #tpu.memory_space<hbm>>
      %dma_start3A_614 = tpu.memref_squeeze %dma_start3A_613 : memref<1x1x39x128xi32, #tpu.memory_space<hbm>> -> memref<39x128xi32, #tpu.memory_space<hbm>>
      %dma_start3A_615 = arith.constant 0 : i32
      %dma_start3A_616 = arith.constant 0 : i32
      %dma_start3A_617 = tpu.memref_slice %arg3[%run_scoped3A, %add3A, %dma_start3A_615, %dma_start3A_616] : memref<4x32x39x128xi32, #tpu.memory_space<hbm>> -> memref<1x1x39x128xi32, #tpu.memory_space<hbm>>
      %dma_start3A_618 = tpu.memref_squeeze %dma_start3A_617 : memref<1x1x39x128xi32, #tpu.memory_space<hbm>> -> memref<39x128xi32, #tpu.memory_space<hbm>>
      tpu.enqueue_dma source(%dma_start3A_618 : memref<39x128xi32, #tpu.memory_space<hbm>>) target(%arg10 : memref<39x128xi32, #tpu.memory_space<vmem>>) target_semaphore(%run_scoped3A_610 : memref<!tpu.dma_semaphore, #tpu.memory_space<semaphore_mem>>)
      %dma_wait3A_619 = arith.constant 0 : i32
      %dma_wait3A_620 = arith.constant 0 : i32
      %dma_wait3A_621 = tpu.memref_slice %arg3[%run_scoped3A, %add3A, %dma_wait3A_619, %dma_wait3A_620] : memref<4x32x39x128xi32, #tpu.memory_space<hbm>> -> memref<1x1x39x128xi32, #tpu.memory_space<hbm>>
      %dma_wait3A_622 = tpu.memref_squeeze %dma_wait3A_621 : memref<1x1x39x128xi32, #tpu.memory_space<hbm>> -> memref<39x128xi32, #tpu.memory_space<hbm>>
      %dma_wait3A_623 = arith.constant 0 : i32
      %dma_wait3A_624 = arith.constant 0 : i32
      %dma_wait3A_625 = tpu.memref_slice %arg3[%run_scoped3A, %add3A, %dma_wait3A_623, %dma_wait3A_624] : memref<4x32x39x128xi32, #tpu.memory_space<hbm>> -> memref<1x1x39x128xi32, #tpu.memory_space<hbm>>
      %dma_wait3A_626 = tpu.memref_squeeze %dma_wait3A_625 : memref<1x1x39x128xi32, #tpu.memory_space<hbm>> -> memref<39x128xi32, #tpu.memory_space<hbm>>
      tpu.wait_dma2 semaphore(%run_scoped3A_610 : memref<!tpu.dma_semaphore, #tpu.memory_space<semaphore_mem>>) src(%dma_wait3A_626 : memref<39x128xi32, #tpu.memory_space<hbm>>) dst(%arg10 : memref<39x128xi32, #tpu.memory_space<vmem>>)
      tpu.yield
    }) : () -> ()
    %dma_start3A = arith.constant 0 : i32
    %dma_start3A_3 = arith.constant 0 : i32
    %dma_start3A_4 = tpu.memref_slice %arg10[%dma_start3A, %dma_start3A_3] : memref<39x128xi32, #tpu.memory_space<vmem>> -> memref<1x128xi32, #tpu.memory_space<vmem>>
    %dma_start3A_5 = tpu.memref_squeeze %dma_start3A_4 : memref<1x128xi32, #tpu.memory_space<vmem>> -> memref<128xi32, #tpu.memory_space<vmem>>
    %dma_start3A_6 = arith.constant 0 : i32
    %dma_start3A_7 = arith.constant 0 : i32
    %dma_start3A_8 = tpu.memref_slice %arg2[%dma_start3A_6, %dma_start3A_7] : memref<40000x128xf32, #tpu.memory_space<hbm>> -> memref<40000x128xf32, #tpu.memory_space<hbm>>
    tpu.enqueue_indirect_dma source(%dma_start3A_8 : memref<40000x128xf32, #tpu.memory_space<hbm>>) target(%arg14 : memref<128x128xf32, #tpu.memory_space<vmem>>) offsets(%dma_start3A_5 : memref<128xi32, #tpu.memory_space<vmem>>) semaphore(%arg18 : memref<!tpu.dma_semaphore, #tpu.memory_space<semaphore_mem>>)
    "tpu.region"() ({
      %run_scoped3A_610 = tpu.sem_alloc : memref<!tpu.dma_semaphore, #tpu.memory_space<semaphore_mem>>
      %dma_start3A_611 = arith.constant 0 : i32
      %dma_start3A_612 = tpu.memref_slice %arg17[%mul3A_2, %dma_start3A_611] : memref<10240x128xf32, #tpu.memory_space<vmem_shared>> -> memref<640x128xf32, #tpu.memory_space<vmem_shared>>
      %dma_start3A_613 = arith.constant 0 : i32
      %dma_start3A_614 = tpu.memref_slice %arg7[%mul3A_2, %dma_start3A_613] : memref<10240x128xf32, #tpu.memory_space<hbm>> -> memref<640x128xf32, #tpu.memory_space<hbm>>
      tpu.enqueue_dma source(%dma_start3A_614 : memref<640x128xf32, #tpu.memory_space<hbm>>) target(%dma_start3A_612 : memref<640x128xf32, #tpu.memory_space<vmem_shared>>) target_semaphore(%run_scoped3A_610 : memref<!tpu.dma_semaphore, #tpu.memory_space<semaphore_mem>>)
      %dma_wait3A_615 = arith.constant 0 : i32
      %dma_wait3A_616 = tpu.memref_slice %arg17[%mul3A_2, %dma_wait3A_615] : memref<10240x128xf32, #tpu.memory_space<vmem_shared>> -> memref<640x128xf32, #tpu.memory_space<vmem_shared>>
      %dma_wait3A_617 = arith.constant 0 : i32
      %dma_wait3A_618 = tpu.memref_slice %arg7[%mul3A_2, %dma_wait3A_617] : memref<10240x128xf32, #tpu.memory_space<hbm>> -> memref<640x128xf32, #tpu.memory_space<hbm>>
      tpu.wait_dma2 semaphore(%run_scoped3A_610 : memref<!tpu.dma_semaphore, #tpu.memory_space<semaphore_mem>>) src(%dma_wait3A_618 : memref<640x128xf32, #tpu.memory_space<hbm>>) dst(%dma_wait3A_616 : memref<640x128xf32, #tpu.memory_space<vmem_shared>>)
      tpu.yield
    }) : () -> ()
    %run_scoped3A_9 = arith.constant 0 : i32
    "tpu.region"() ({
      %run_scoped3A_610 = tpu.sem_alloc : memref<!tpu.dma_semaphore, #tpu.memory_space<semaphore_mem>>
      %dma_start3A_611 = arith.constant 0 : i32
      %dma_start3A_612 = tpu.memref_slice %arg5[%run_scoped3A_9, %add3A, %dma_start3A_611] : memref<4x32x8xi32, #tpu.memory_space<hbm>> -> memref<1x1x8xi32, #tpu.memory_space<hbm>>
      %dma_start3A_613 = tpu.memref_squeeze %dma_start3A_612 : memref<1x1x8xi32, #tpu.memory_space<hbm>> -> memref<8xi32, #tpu.memory_space<hbm>>
      %dma_start3A_614 = arith.constant 0 : i32
      %dma_start3A_615 = tpu.memref_slice %arg5[%run_scoped3A_9, %add3A, %dma_start3A_614] : memref<4x32x8xi32, #tpu.memory_space<hbm>> -> memref<1x1x8xi32, #tpu.memory_space<hbm>>
      %dma_start3A_616 = tpu.memref_squeeze %dma_start3A_615 : memref<1x1x8xi32, #tpu.memory_space<hbm>> -> memref<8xi32, #tpu.memory_space<hbm>>
      tpu.enqueue_dma source(%dma_start3A_616 : memref<8xi32, #tpu.memory_space<hbm>>) target(%arg12 : memref<8xi32, #tpu.memory_space<vmem>>) target_semaphore(%run_scoped3A_610 : memref<!tpu.dma_semaphore, #tpu.memory_space<semaphore_mem>>)
      %dma_wait3A_617 = arith.constant 0 : i32
      %dma_wait3A_618 = tpu.memref_slice %arg5[%run_scoped3A_9, %add3A, %dma_wait3A_617] : memref<4x32x8xi32, #tpu.memory_space<hbm>> -> memref<1x1x8xi32, #tpu.memory_space<hbm>>
      %dma_wait3A_619 = tpu.memref_squeeze %dma_wait3A_618 : memref<1x1x8xi32, #tpu.memory_space<hbm>> -> memref<8xi32, #tpu.memory_space<hbm>>
      %dma_wait3A_620 = arith.constant 0 : i32
      %dma_wait3A_621 = tpu.memref_slice %arg5[%run_scoped3A_9, %add3A, %dma_wait3A_620] : memref<4x32x8xi32, #tpu.memory_space<hbm>> -> memref<1x1x8xi32, #tpu.memory_space<hbm>>
      %dma_wait3A_622 = tpu.memref_squeeze %dma_wait3A_621 : memref<1x1x8xi32, #tpu.memory_space<hbm>> -> memref<8xi32, #tpu.memory_space<hbm>>
      tpu.wait_dma2 semaphore(%run_scoped3A_610 : memref<!tpu.dma_semaphore, #tpu.memory_space<semaphore_mem>>) src(%dma_wait3A_622 : memref<8xi32, #tpu.memory_space<hbm>>) dst(%arg12 : memref<8xi32, #tpu.memory_space<vmem>>)
      tpu.yield
    }) : () -> ()
    %barrier3A = arith.constant 0 : index
    tpu.barrier barrier_id(%barrier3A)
    %scan3A = arith.constant 0 : i32
    %scan3A_10 = arith.constant 0 : i32
    %scan3A_11 = arith.constant 19 : i32
    %scan3A_12 = arith.addi %scan3A_10, %scan3A_11 : i32
    %scan3A_13 = arith.constant 1 : i32
    scf.for %scan3A_610 = %scan3A_10 to %scan3A_12 step %scan3A_13  : i32 {
      %mul3A_611 = arith.constant 2 : i32
      %mul3A_612 = arith.muli %mul3A_611, %scan3A_610 : i32
      %add3A_613 = arith.constant 1 : i32
      %add3A_614 = arith.addi %mul3A_612, %add3A_613 : i32
      %dma_start3A_615 = arith.constant 0 : i32
      %dma_start3A_616 = tpu.memref_slice %arg10[%add3A_614, %dma_start3A_615] : memref<39x128xi32, #tpu.memory_space<vmem>> -> memref<1x128xi32, #tpu.memory_space<vmem>>
      %dma_start3A_617 = tpu.memref_squeeze %dma_start3A_616 : memref<1x128xi32, #tpu.memory_space<vmem>> -> memref<128xi32, #tpu.memory_space<vmem>>
      %dma_start3A_618 = arith.constant 0 : i32
      %dma_start3A_619 = arith.constant 0 : i32
      %dma_start3A_620 = tpu.memref_slice %arg2[%dma_start3A_618, %dma_start3A_619] : memref<40000x128xf32, #tpu.memory_space<hbm>> -> memref<40000x128xf32, #tpu.memory_space<hbm>>
      tpu.enqueue_indirect_dma source(%dma_start3A_620 : memref<40000x128xf32, #tpu.memory_space<hbm>>) target(%arg15 : memref<128x128xf32, #tpu.memory_space<vmem>>) offsets(%dma_start3A_617 : memref<128xi32, #tpu.memory_space<vmem>>) semaphore(%arg19 : memref<!tpu.dma_semaphore, #tpu.memory_space<semaphore_mem>>)
      %dma_wait3A_621 = arith.constant 0 : i32
      %dma_wait3A_622 = tpu.memref_slice %arg10[%mul3A_612, %dma_wait3A_621] : memref<39x128xi32, #tpu.memory_space<vmem>> -> memref<1x128xi32, #tpu.memory_space<vmem>>
      %dma_wait3A_623 = tpu.memref_squeeze %dma_wait3A_622 : memref<1x128xi32, #tpu.memory_space<vmem>> -> memref<128xi32, #tpu.memory_space<vmem>>
      %dma_wait3A_624 = arith.constant 0 : i32
      %dma_wait3A_625 = arith.constant 0 : i32
      %dma_wait3A_626 = tpu.memref_slice %arg2[%dma_wait3A_624, %dma_wait3A_625] : memref<40000x128xf32, #tpu.memory_space<hbm>> -> memref<40000x128xf32, #tpu.memory_space<hbm>>
      tpu.wait_indirect_dma semaphore(%arg18 : memref<!tpu.dma_semaphore, #tpu.memory_space<semaphore_mem>>) src(%dma_wait3A_626 : memref<40000x128xf32, #tpu.memory_space<hbm>>) dst(%arg14 : memref<128x128xf32, #tpu.memory_space<vmem>>)
      "tpu.region"() ({
        %run_scoped3A_645 = tpu.sem_alloc : memref<!tpu.dma_semaphore, #tpu.memory_space<semaphore_mem>>
        %dma_start3A_646 = arith.constant 0 : i32
        %dma_start3A_647 = tpu.memref_slice %arg11[%mul3A_612, %dma_start3A_646] : memref<39x128xi32, #tpu.memory_space<vmem>> -> memref<1x128xi32, #tpu.memory_space<vmem>>
        %dma_start3A_648 = tpu.memref_squeeze %dma_start3A_647 : memref<1x128xi32, #tpu.memory_space<vmem>> -> memref<128xi32, #tpu.memory_space<vmem>>
        %dma_start3A_649 = arith.constant 0 : i32
        %dma_start3A_650 = arith.constant 0 : i32
        %dma_start3A_651 = tpu.memref_slice %arg17[%dma_start3A_649, %dma_start3A_650] : memref<10240x128xf32, #tpu.memory_space<vmem_shared>> -> memref<10240x128xf32, #tpu.memory_space<vmem_shared>>
        tpu.enqueue_indirect_dma source(%arg14 : memref<128x128xf32, #tpu.memory_space<vmem>>) target(%dma_start3A_651 : memref<10240x128xf32, #tpu.memory_space<vmem_shared>>) offsets(%dma_start3A_648 : memref<128xi32, #tpu.memory_space<vmem>>) semaphore(%run_scoped3A_645 : memref<!tpu.dma_semaphore, #tpu.memory_space<semaphore_mem>>) {add = true}
        %dma_wait3A_652 = arith.constant 0 : i32
        %dma_wait3A_653 = tpu.memref_slice %arg11[%mul3A_612, %dma_wait3A_652] : memref<39x128xi32, #tpu.memory_space<vmem>> -> memref<1x128xi32, #tpu.memory_space<vmem>>
        %dma_wait3A_654 = tpu.memref_squeeze %dma_wait3A_653 : memref<1x128xi32, #tpu.memory_space<vmem>> -> memref<128xi32, #tpu.memory_space<vmem>>
        %dma_wait3A_655 = arith.constant 0 : i32
        %dma_wait3A_656 = arith.constant 0 : i32
        %dma_wait3A_657 = tpu.memref_slice %arg17[%dma_wait3A_655, %dma_wait3A_656] : memref<10240x128xf32, #tpu.memory_space<vmem_shared>> -> memref<10240x128xf32, #tpu.memory_space<vmem_shared>>
        tpu.wait_indirect_dma semaphore(%run_scoped3A_645 : memref<!tpu.dma_semaphore, #tpu.memory_space<semaphore_mem>>) src(%arg14 : memref<128x128xf32, #tpu.memory_space<vmem>>) dst(%dma_wait3A_657 : memref<10240x128xf32, #tpu.memory_space<vmem_shared>>)
        tpu.yield
      }) : () -> ()
      %add3A_627 = arith.constant 2 : i32
      %add3A_628 = arith.addi %mul3A_612, %add3A_627 : i32
      %dma_start3A_629 = arith.constant 0 : i32
      %dma_start3A_630 = tpu.memref_slice %arg10[%add3A_628, %dma_start3A_629] : memref<39x128xi32, #tpu.memory_space<vmem>> -> memref<1x128xi32, #tpu.memory_space<vmem>>
      %dma_start3A_631 = tpu.memref_squeeze %dma_start3A_630 : memref<1x128xi32, #tpu.memory_space<vmem>> -> memref<128xi32, #tpu.memory_space<vmem>>
      %dma_start3A_632 = arith.constant 0 : i32
      %dma_start3A_633 = arith.constant 0 : i32
      %dma_start3A_634 = tpu.memref_slice %arg2[%dma_start3A_632, %dma_start3A_633] : memref<40000x128xf32, #tpu.memory_space<hbm>> -> memref<40000x128xf32, #tpu.memory_space<hbm>>
      tpu.enqueue_indirect_dma source(%dma_start3A_634 : memref<40000x128xf32, #tpu.memory_space<hbm>>) target(%arg14 : memref<128x128xf32, #tpu.memory_space<vmem>>) offsets(%dma_start3A_631 : memref<128xi32, #tpu.memory_space<vmem>>) semaphore(%arg18 : memref<!tpu.dma_semaphore, #tpu.memory_space<semaphore_mem>>)
      %add3A_635 = arith.constant 1 : i32
      %add3A_636 = arith.addi %mul3A_612, %add3A_635 : i32
      %dma_wait3A_637 = arith.constant 0 : i32
      %dma_wait3A_638 = tpu.memref_slice %arg10[%add3A_636, %dma_wait3A_637] : memref<39x128xi32, #tpu.memory_space<vmem>> -> memref<1x128xi32, #tpu.memory_space<vmem>>
      %dma_wait3A_639 = tpu.memref_squeeze %dma_wait3A_638 : memref<1x128xi32, #tpu.memory_space<vmem>> -> memref<128xi32, #tpu.memory_space<vmem>>
      %dma_wait3A_640 = arith.constant 0 : i32
      %dma_wait3A_641 = arith.constant 0 : i32
      %dma_wait3A_642 = tpu.memref_slice %arg2[%dma_wait3A_640, %dma_wait3A_641] : memref<40000x128xf32, #tpu.memory_space<hbm>> -> memref<40000x128xf32, #tpu.memory_space<hbm>>
      tpu.wait_indirect_dma semaphore(%arg19 : memref<!tpu.dma_semaphore, #tpu.memory_space<semaphore_mem>>) src(%dma_wait3A_642 : memref<40000x128xf32, #tpu.memory_space<hbm>>) dst(%arg15 : memref<128x128xf32, #tpu.memory_space<vmem>>)
      %add3A_643 = arith.constant 1 : i32
      %add3A_644 = arith.addi %mul3A_612, %add3A_643 : i32
      "tpu.region"() ({
        %run_scoped3A_645 = tpu.sem_alloc : memref<!tpu.dma_semaphore, #tpu.memory_space<semaphore_mem>>
        %dma_start3A_646 = arith.constant 0 : i32
        %dma_start3A_647 = tpu.memref_slice %arg11[%add3A_644, %dma_start3A_646] : memref<39x128xi32, #tpu.memory_space<vmem>> -> memref<1x128xi32, #tpu.memory_space<vmem>>
        %dma_start3A_648 = tpu.memref_squeeze %dma_start3A_647 : memref<1x128xi32, #tpu.memory_space<vmem>> -> memref<128xi32, #tpu.memory_space<vmem>>
        %dma_start3A_649 = arith.constant 0 : i32
        %dma_start3A_650 = arith.constant 0 : i32
        %dma_start3A_651 = tpu.memref_slice %arg17[%dma_start3A_649, %dma_start3A_650] : memref<10240x128xf32, #tpu.memory_space<vmem_shared>> -> memref<10240x128xf32, #tpu.memory_space<vmem_shared>>
        tpu.enqueue_indirect_dma source(%arg15 : memref<128x128xf32, #tpu.memory_space<vmem>>) target(%dma_start3A_651 : memref<10240x128xf32, #tpu.memory_space<vmem_shared>>) offsets(%dma_start3A_648 : memref<128xi32, #tpu.memory_space<vmem>>) semaphore(%run_scoped3A_645 : memref<!tpu.dma_semaphore, #tpu.memory_space<semaphore_mem>>) {add = true}
        %dma_wait3A_652 = arith.constant 0 : i32
        %dma_wait3A_653 = tpu.memref_slice %arg11[%add3A_644, %dma_wait3A_652] : memref<39x128xi32, #tpu.memory_space<vmem>> -> memref<1x128xi32, #tpu.memory_space<vmem>>
        %dma_wait3A_654 = tpu.memref_squeeze %dma_wait3A_653 : memref<1x128xi32, #tpu.memory_space<vmem>> -> memref<128xi32, #tpu.memory_space<vmem>>
        %dma_wait3A_655 = arith.constant 0 : i32
        %dma_wait3A_656 = arith.constant 0 : i32
        %dma_wait3A_657 = tpu.memref_slice %arg17[%dma_wait3A_655, %dma_wait3A_656] : memref<10240x128xf32, #tpu.memory_space<vmem_shared>> -> memref<10240x128xf32, #tpu.memory_space<vmem_shared>>
        tpu.wait_indirect_dma semaphore(%run_scoped3A_645 : memref<!tpu.dma_semaphore, #tpu.memory_space<semaphore_mem>>) src(%arg15 : memref<128x128xf32, #tpu.memory_space<vmem>>) dst(%dma_wait3A_657 : memref<10240x128xf32, #tpu.memory_space<vmem_shared>>)
        tpu.yield
      }) : () -> ()
    }
    %scan3A_14 = arith.constant 19 : i32
    %dma_wait3A = arith.constant 38 : i32
    %dma_wait3A_15 = arith.constant 0 : i32
    %dma_wait3A_16 = tpu.memref_slice %arg10[%dma_wait3A, %dma_wait3A_15] : memref<39x128xi32, #tpu.memory_space<vmem>> -> memref<1x128xi32, #tpu.memory_space<vmem>>
    %dma_wait3A_17 = tpu.memref_squeeze %dma_wait3A_16 : memref<1x128xi32, #tpu.memory_space<vmem>> -> memref<128xi32, #tpu.memory_space<vmem>>
    %dma_wait3A_18 = arith.constant 0 : i32
    %dma_wait3A_19 = arith.constant 0 : i32
    %dma_wait3A_20 = tpu.memref_slice %arg2[%dma_wait3A_18, %dma_wait3A_19] : memref<40000x128xf32, #tpu.memory_space<hbm>> -> memref<40000x128xf32, #tpu.memory_space<hbm>>
    tpu.wait_indirect_dma semaphore(%arg18 : memref<!tpu.dma_semaphore, #tpu.memory_space<semaphore_mem>>) src(%dma_wait3A_20 : memref<40000x128xf32, #tpu.memory_space<hbm>>) dst(%arg14 : memref<128x128xf32, #tpu.memory_space<vmem>>)
    %run_scoped3A_21 = arith.constant 38 : i32
    "tpu.region"() ({
      %run_scoped3A_610 = tpu.sem_alloc : memref<!tpu.dma_semaphore, #tpu.memory_space<semaphore_mem>>
      %dma_start3A_611 = arith.constant 0 : i32
      %dma_start3A_612 = tpu.memref_slice %arg11[%run_scoped3A_21, %dma_start3A_611] : memref<39x128xi32, #tpu.memory_space<vmem>> -> memref<1x128xi32, #tpu.memory_space<vmem>>
      %dma_start3A_613 = tpu.memref_squeeze %dma_start3A_612 : memref<1x128xi32, #tpu.memory_space<vmem>> -> memref<128xi32, #tpu.memory_space<vmem>>
      %dma_start3A_614 = arith.constant 0 : i32
      %dma_start3A_615 = arith.constant 0 : i32
      %dma_start3A_616 = tpu.memref_slice %arg17[%dma_start3A_614, %dma_start3A_615] : memref<10240x128xf32, #tpu.memory_space<vmem_shared>> -> memref<10240x128xf32, #tpu.memory_space<vmem_shared>>
      tpu.enqueue_indirect_dma source(%arg14 : memref<128x128xf32, #tpu.memory_space<vmem>>) target(%dma_start3A_616 : memref<10240x128xf32, #tpu.memory_space<vmem_shared>>) offsets(%dma_start3A_613 : memref<128xi32, #tpu.memory_space<vmem>>) semaphore(%run_scoped3A_610 : memref<!tpu.dma_semaphore, #tpu.memory_space<semaphore_mem>>) {add = true}
      %dma_wait3A_617 = arith.constant 0 : i32
      %dma_wait3A_618 = tpu.memref_slice %arg11[%run_scoped3A_21, %dma_wait3A_617] : memref<39x128xi32, #tpu.memory_space<vmem>> -> memref<1x128xi32, #tpu.memory_space<vmem>>
      %dma_wait3A_619 = tpu.memref_squeeze %dma_wait3A_618 : memref<1x128xi32, #tpu.memory_space<vmem>> -> memref<128xi32, #tpu.memory_space<vmem>>
      %dma_wait3A_620 = arith.constant 0 : i32
      %dma_wait3A_621 = arith.constant 0 : i32
      %dma_wait3A_622 = tpu.memref_slice %arg17[%dma_wait3A_620, %dma_wait3A_621] : memref<10240x128xf32, #tpu.memory_space<vmem_shared>> -> memref<10240x128xf32, #tpu.memory_space<vmem_shared>>
      tpu.wait_indirect_dma semaphore(%run_scoped3A_610 : memref<!tpu.dma_semaphore, #tpu.memory_space<semaphore_mem>>) src(%arg14 : memref<128x128xf32, #tpu.memory_space<vmem>>) dst(%dma_wait3A_622 : memref<10240x128xf32, #tpu.memory_space<vmem_shared>>)
      tpu.yield
    }) : () -> ()
    %run_scoped3A_22 = arith.constant 1 : i32
    "tpu.region"() ({
      %run_scoped3A_610 = tpu.sem_alloc : memref<!tpu.dma_semaphore, #tpu.memory_space<semaphore_mem>>
      %dma_start3A_611 = arith.constant 0 : i32
      %dma_start3A_612 = arith.constant 0 : i32
      %dma_start3A_613 = tpu.memref_slice %arg3[%run_scoped3A_22, %add3A, %dma_start3A_611, %dma_start3A_612] : memref<4x32x39x128xi32, #tpu.memory_space<hbm>> -> memref<1x1x39x128xi32, #tpu.memory_space<hbm>>
      %dma_start3A_614 = tpu.memref_squeeze %dma_start3A_613 : memref<1x1x39x128xi32, #tpu.memory_space<hbm>> -> memref<39x128xi32, #tpu.memory_space<hbm>>
      %dma_start3A_615 = arith.constant 0 : i32
      %dma_start3A_616 = arith.constant 0 : i32
      %dma_start3A_617 = tpu.memref_slice %arg3[%run_scoped3A_22, %add3A, %dma_start3A_615, %dma_start3A_616] : memref<4x32x39x128xi32, #tpu.memory_space<hbm>> -> memref<1x1x39x128xi32, #tpu.memory_space<hbm>>
      %dma_start3A_618 = tpu.memref_squeeze %dma_start3A_617 : memref<1x1x39x128xi32, #tpu.memory_space<hbm>> -> memref<39x128xi32, #tpu.memory_space<hbm>>
      tpu.enqueue_dma source(%dma_start3A_618 : memref<39x128xi32, #tpu.memory_space<hbm>>) target(%arg10 : memref<39x128xi32, #tpu.memory_space<vmem>>) target_semaphore(%run_scoped3A_610 : memref<!tpu.dma_semaphore, #tpu.memory_space<semaphore_mem>>)
      %dma_wait3A_619 = arith.constant 0 : i32
      %dma_wait3A_620 = arith.constant 0 : i32
      %dma_wait3A_621 = tpu.memref_slice %arg3[%run_scoped3A_22, %add3A, %dma_wait3A_619, %dma_wait3A_620] : memref<4x32x39x128xi32, #tpu.memory_space<hbm>> -> memref<1x1x39x128xi32, #tpu.memory_space<hbm>>
      %dma_wait3A_622 = tpu.memref_squeeze %dma_wait3A_621 : memref<1x1x39x128xi32, #tpu.memory_space<hbm>> -> memref<39x128xi32, #tpu.memory_space<hbm>>
      %dma_wait3A_623 = arith.constant 0 : i32
      %dma_wait3A_624 = arith.constant 0 : i32
      %dma_wait3A_625 = tpu.memref_slice %arg3[%run_scoped3A_22, %add3A, %dma_wait3A_623, %dma_wait3A_624] : memref<4x32x39x128xi32, #tpu.memory_space<hbm>> -> memref<1x1x39x128xi32, #tpu.memory_space<hbm>>
      %dma_wait3A_626 = tpu.memref_squeeze %dma_wait3A_625 : memref<1x1x39x128xi32, #tpu.memory_space<hbm>> -> memref<39x128xi32, #tpu.memory_space<hbm>>
      tpu.wait_dma2 semaphore(%run_scoped3A_610 : memref<!tpu.dma_semaphore, #tpu.memory_space<semaphore_mem>>) src(%dma_wait3A_626 : memref<39x128xi32, #tpu.memory_space<hbm>>) dst(%arg10 : memref<39x128xi32, #tpu.memory_space<vmem>>)
      tpu.yield
    }) : () -> ()
    %dma_start3A_23 = arith.constant 0 : i32
    %dma_start3A_24 = arith.constant 0 : i32
    %dma_start3A_25 = tpu.memref_slice %arg10[%dma_start3A_23, %dma_start3A_24] : memref<39x128xi32, #tpu.memory_space<vmem>> -> memref<1x128xi32, #tpu.memory_space<vmem>>
    %dma_start3A_26 = tpu.memref_squeeze %dma_start3A_25 : memref<1x128xi32, #tpu.memory_space<vmem>> -> memref<128xi32, #tpu.memory_space<vmem>>
    %dma_start3A_27 = arith.constant 0 : i32
    %dma_start3A_28 = arith.constant 0 : i32
    %dma_start3A_29 = tpu.memref_slice %arg2[%dma_start3A_27, %dma_start3A_28] : memref<40000x128xf32, #tpu.memory_space<hbm>> -> memref<40000x128xf32, #tpu.memory_space<hbm>>
    tpu.enqueue_indirect_dma source(%dma_start3A_29 : memref<40000x128xf32, #tpu.memory_space<hbm>>) target(%arg14 : memref<128x128xf32, #tpu.memory_space<vmem>>) offsets(%dma_start3A_26 : memref<128xi32, #tpu.memory_space<vmem>>) semaphore(%arg18 : memref<!tpu.dma_semaphore, #tpu.memory_space<semaphore_mem>>)
    "tpu.region"() ({
      %run_scoped3A_610 = tpu.sem_alloc : memref<!tpu.dma_semaphore, #tpu.memory_space<semaphore_mem>>
      %dma_start3A_611 = arith.constant 0 : i32
      %dma_start3A_612 = arith.constant 0 : i32
      %dma_start3A_613 = tpu.memref_slice %arg2[%dma_start3A_611, %dma_start3A_612] : memref<40000x128xf32, #tpu.memory_space<hbm>> -> memref<40000x128xf32, #tpu.memory_space<hbm>>
      tpu.enqueue_indirect_dma source(%dma_start3A_613 : memref<40000x128xf32, #tpu.memory_space<hbm>>) target(%arg16 : memref<8x128xf32, #tpu.memory_space<vmem>>) offsets(%arg12 : memref<8xi32, #tpu.memory_space<vmem>>) semaphore(%run_scoped3A_610 : memref<!tpu.dma_semaphore, #tpu.memory_space<semaphore_mem>>)
      %dma_wait3A_614 = arith.constant 0 : i32
      %dma_wait3A_615 = arith.constant 0 : i32
      %dma_wait3A_616 = tpu.memref_slice %arg2[%dma_wait3A_614, %dma_wait3A_615] : memref<40000x128xf32, #tpu.memory_space<hbm>> -> memref<40000x128xf32, #tpu.memory_space<hbm>>
      tpu.wait_indirect_dma semaphore(%run_scoped3A_610 : memref<!tpu.dma_semaphore, #tpu.memory_space<semaphore_mem>>) src(%dma_wait3A_616 : memref<40000x128xf32, #tpu.memory_space<hbm>>) dst(%arg16 : memref<8x128xf32, #tpu.memory_space<vmem>>)
      tpu.yield
    }) : () -> ()
    "tpu.region"() ({
      %run_scoped3A_610 = tpu.sem_alloc : memref<!tpu.dma_semaphore, #tpu.memory_space<semaphore_mem>>
      %dma_start3A_611 = arith.constant 0 : i32
      %dma_start3A_612 = arith.constant 0 : i32
      %dma_start3A_613 = tpu.memref_slice %arg17[%dma_start3A_611, %dma_start3A_612] : memref<10240x128xf32, #tpu.memory_space<vmem_shared>> -> memref<10240x128xf32, #tpu.memory_space<vmem_shared>>
      tpu.enqueue_indirect_dma source(%arg16 : memref<8x128xf32, #tpu.memory_space<vmem>>) target(%dma_start3A_613 : memref<10240x128xf32, #tpu.memory_space<vmem_shared>>) offsets(%arg13 : memref<8xi32, #tpu.memory_space<vmem>>) semaphore(%run_scoped3A_610 : memref<!tpu.dma_semaphore, #tpu.memory_space<semaphore_mem>>) {add = true}
      %dma_wait3A_614 = arith.constant 0 : i32
      %dma_wait3A_615 = arith.constant 0 : i32
      %dma_wait3A_616 = tpu.memref_slice %arg17[%dma_wait3A_614, %dma_wait3A_615] : memref<10240x128xf32, #tpu.memory_space<vmem_shared>> -> memref<10240x128xf32, #tpu.memory_space<vmem_shared>>
      tpu.wait_indirect_dma semaphore(%run_scoped3A_610 : memref<!tpu.dma_semaphore, #tpu.memory_space<semaphore_mem>>) src(%arg16 : memref<8x128xf32, #tpu.memory_space<vmem>>) dst(%dma_wait3A_616 : memref<10240x128xf32, #tpu.memory_space<vmem_shared>>)
      tpu.yield
    }) : () -> ()
    %barrier3A_30 = arith.constant 0 : index
    tpu.barrier barrier_id(%barrier3A_30)
    %add3A_31 = arith.constant 0 : i32
    %add3A_32 = arith.addi %mul3A_2, %add3A_31 : i32
    %add3A_33 = arith.constant 0 : i32
    %add3A_34 = arith.addi %mul3A_2, %add3A_33 : i32
    %dma_start3A_35 = arith.constant 0 : i32
    %dma_start3A_36 = arith.constant 0 : i32
    %dma_start3A_37 = tpu.memref_slice %arg9[%arg0, %dma_start3A_35, %add3A_34, %dma_start3A_36] : memref<2x4x10240x128xf32, #tpu.memory_space<hbm>> -> memref<1x1x160x128xf32, #tpu.memory_space<hbm>>
    %dma_start3A_38 = tpu.memref_squeeze %dma_start3A_37 : memref<1x1x160x128xf32, #tpu.memory_space<hbm>> -> memref<160x128xf32, #tpu.memory_space<hbm>>
    %dma_start3A_39 = arith.constant 0 : i32
    %dma_start3A_40 = tpu.memref_slice %arg17[%add3A_32, %dma_start3A_39] : memref<10240x128xf32, #tpu.memory_space<vmem_shared>> -> memref<160x128xf32, #tpu.memory_space<vmem_shared>>
    tpu.enqueue_dma source(%dma_start3A_40 : memref<160x128xf32, #tpu.memory_space<vmem_shared>>) target(%dma_start3A_38 : memref<160x128xf32, #tpu.memory_space<hbm>>) target_semaphore(%arg20 : memref<!tpu.dma_semaphore, #tpu.memory_space<semaphore_mem>>)
    %add3A_41 = arith.constant 0 : i32
    %add3A_42 = arith.addi %mul3A_2, %add3A_41 : i32
    %add3A_43 = arith.constant 0 : i32
    %add3A_44 = arith.addi %mul3A_2, %add3A_43 : i32
    %dma_wait3A_45 = arith.constant 0 : i32
    %dma_wait3A_46 = arith.constant 0 : i32
    %dma_wait3A_47 = tpu.memref_slice %arg9[%arg0, %dma_wait3A_45, %add3A_44, %dma_wait3A_46] : memref<2x4x10240x128xf32, #tpu.memory_space<hbm>> -> memref<1x1x160x128xf32, #tpu.memory_space<hbm>>
    %dma_wait3A_48 = tpu.memref_squeeze %dma_wait3A_47 : memref<1x1x160x128xf32, #tpu.memory_space<hbm>> -> memref<160x128xf32, #tpu.memory_space<hbm>>
    %dma_wait3A_49 = arith.constant 0 : i32
    %dma_wait3A_50 = tpu.memref_slice %arg17[%add3A_42, %dma_wait3A_49] : memref<10240x128xf32, #tpu.memory_space<vmem_shared>> -> memref<160x128xf32, #tpu.memory_space<vmem_shared>>
    tpu.wait_dma2 semaphore(%arg20 : memref<!tpu.dma_semaphore, #tpu.memory_space<semaphore_mem>>) src(%dma_wait3A_50 : memref<160x128xf32, #tpu.memory_space<vmem_shared>>) dst(%dma_wait3A_48 : memref<160x128xf32, #tpu.memory_space<hbm>>)
    %add3A_51 = arith.constant 160 : i32
    %add3A_52 = arith.addi %mul3A_2, %add3A_51 : i32
    %add3A_53 = arith.constant 160 : i32
    %add3A_54 = arith.addi %mul3A_2, %add3A_53 : i32
    %dma_start3A_55 = arith.constant 0 : i32
    %dma_start3A_56 = arith.constant 0 : i32
    %dma_start3A_57 = tpu.memref_slice %arg9[%arg0, %dma_start3A_55, %add3A_54, %dma_start3A_56] : memref<2x4x10240x128xf32, #tpu.memory_space<hbm>> -> memref<1x1x160x128xf32, #tpu.memory_space<hbm>>
    %dma_start3A_58 = tpu.memref_squeeze %dma_start3A_57 : memref<1x1x160x128xf32, #tpu.memory_space<hbm>> -> memref<160x128xf32, #tpu.memory_space<hbm>>
    %dma_start3A_59 = arith.constant 0 : i32
    %dma_start3A_60 = tpu.memref_slice %arg17[%add3A_52, %dma_start3A_59] : memref<10240x128xf32, #tpu.memory_space<vmem_shared>> -> memref<160x128xf32, #tpu.memory_space<vmem_shared>>
    tpu.enqueue_dma source(%dma_start3A_60 : memref<160x128xf32, #tpu.memory_space<vmem_shared>>) target(%dma_start3A_58 : memref<160x128xf32, #tpu.memory_space<hbm>>) target_semaphore(%arg20 : memref<!tpu.dma_semaphore, #tpu.memory_space<semaphore_mem>>)
    %add3A_61 = arith.constant 0 : i32
    %add3A_62 = arith.addi %mul3A_2, %add3A_61 : i32
    %add3A_63 = arith.constant 0 : i32
    %add3A_64 = arith.addi %mul3A_2, %add3A_63 : i32
    %dma_start3A_65 = arith.constant 0 : i32
    %dma_start3A_66 = tpu.memref_slice %arg17[%add3A_64, %dma_start3A_65] : memref<10240x128xf32, #tpu.memory_space<vmem_shared>> -> memref<160x128xf32, #tpu.memory_space<vmem_shared>>
    %dma_start3A_67 = arith.constant 0 : i32
    %dma_start3A_68 = tpu.memref_slice %arg7[%add3A_62, %dma_start3A_67] : memref<10240x128xf32, #tpu.memory_space<hbm>> -> memref<160x128xf32, #tpu.memory_space<hbm>>
    tpu.enqueue_dma source(%dma_start3A_68 : memref<160x128xf32, #tpu.memory_space<hbm>>) target(%dma_start3A_66 : memref<160x128xf32, #tpu.memory_space<vmem_shared>>) target_semaphore(%arg21 : memref<!tpu.dma_semaphore, #tpu.memory_space<semaphore_mem>>)
    %add3A_69 = arith.constant 160 : i32
    %add3A_70 = arith.addi %mul3A_2, %add3A_69 : i32
    %add3A_71 = arith.constant 160 : i32
    %add3A_72 = arith.addi %mul3A_2, %add3A_71 : i32
    %dma_wait3A_73 = arith.constant 0 : i32
    %dma_wait3A_74 = arith.constant 0 : i32
    %dma_wait3A_75 = tpu.memref_slice %arg9[%arg0, %dma_wait3A_73, %add3A_72, %dma_wait3A_74] : memref<2x4x10240x128xf32, #tpu.memory_space<hbm>> -> memref<1x1x160x128xf32, #tpu.memory_space<hbm>>
    %dma_wait3A_76 = tpu.memref_squeeze %dma_wait3A_75 : memref<1x1x160x128xf32, #tpu.memory_space<hbm>> -> memref<160x128xf32, #tpu.memory_space<hbm>>
    %dma_wait3A_77 = arith.constant 0 : i32
    %dma_wait3A_78 = tpu.memref_slice %arg17[%add3A_70, %dma_wait3A_77] : memref<10240x128xf32, #tpu.memory_space<vmem_shared>> -> memref<160x128xf32, #tpu.memory_space<vmem_shared>>
    tpu.wait_dma2 semaphore(%arg20 : memref<!tpu.dma_semaphore, #tpu.memory_space<semaphore_mem>>) src(%dma_wait3A_78 : memref<160x128xf32, #tpu.memory_space<vmem_shared>>) dst(%dma_wait3A_76 : memref<160x128xf32, #tpu.memory_space<hbm>>)
    %add3A_79 = arith.constant 320 : i32
    %add3A_80 = arith.addi %mul3A_2, %add3A_79 : i32
    %add3A_81 = arith.constant 320 : i32
    %add3A_82 = arith.addi %mul3A_2, %add3A_81 : i32
    %dma_start3A_83 = arith.constant 0 : i32
    %dma_start3A_84 = arith.constant 0 : i32
    %dma_start3A_85 = tpu.memref_slice %arg9[%arg0, %dma_start3A_83, %add3A_82, %dma_start3A_84] : memref<2x4x10240x128xf32, #tpu.memory_space<hbm>> -> memref<1x1x160x128xf32, #tpu.memory_space<hbm>>
    %dma_start3A_86 = tpu.memref_squeeze %dma_start3A_85 : memref<1x1x160x128xf32, #tpu.memory_space<hbm>> -> memref<160x128xf32, #tpu.memory_space<hbm>>
    %dma_start3A_87 = arith.constant 0 : i32
    %dma_start3A_88 = tpu.memref_slice %arg17[%add3A_80, %dma_start3A_87] : memref<10240x128xf32, #tpu.memory_space<vmem_shared>> -> memref<160x128xf32, #tpu.memory_space<vmem_shared>>
    tpu.enqueue_dma source(%dma_start3A_88 : memref<160x128xf32, #tpu.memory_space<vmem_shared>>) target(%dma_start3A_86 : memref<160x128xf32, #tpu.memory_space<hbm>>) target_semaphore(%arg20 : memref<!tpu.dma_semaphore, #tpu.memory_space<semaphore_mem>>)
    %add3A_89 = arith.constant 160 : i32
    %add3A_90 = arith.addi %mul3A_2, %add3A_89 : i32
    %add3A_91 = arith.constant 160 : i32
    %add3A_92 = arith.addi %mul3A_2, %add3A_91 : i32
    %dma_start3A_93 = arith.constant 0 : i32
    %dma_start3A_94 = tpu.memref_slice %arg17[%add3A_92, %dma_start3A_93] : memref<10240x128xf32, #tpu.memory_space<vmem_shared>> -> memref<160x128xf32, #tpu.memory_space<vmem_shared>>
    %dma_start3A_95 = arith.constant 0 : i32
    %dma_start3A_96 = tpu.memref_slice %arg7[%add3A_90, %dma_start3A_95] : memref<10240x128xf32, #tpu.memory_space<hbm>> -> memref<160x128xf32, #tpu.memory_space<hbm>>
    tpu.enqueue_dma source(%dma_start3A_96 : memref<160x128xf32, #tpu.memory_space<hbm>>) target(%dma_start3A_94 : memref<160x128xf32, #tpu.memory_space<vmem_shared>>) target_semaphore(%arg21 : memref<!tpu.dma_semaphore, #tpu.memory_space<semaphore_mem>>)
    %add3A_97 = arith.constant 320 : i32
    %add3A_98 = arith.addi %mul3A_2, %add3A_97 : i32
    %add3A_99 = arith.constant 320 : i32
    %add3A_100 = arith.addi %mul3A_2, %add3A_99 : i32
    %dma_wait3A_101 = arith.constant 0 : i32
    %dma_wait3A_102 = arith.constant 0 : i32
    %dma_wait3A_103 = tpu.memref_slice %arg9[%arg0, %dma_wait3A_101, %add3A_100, %dma_wait3A_102] : memref<2x4x10240x128xf32, #tpu.memory_space<hbm>> -> memref<1x1x160x128xf32, #tpu.memory_space<hbm>>
    %dma_wait3A_104 = tpu.memref_squeeze %dma_wait3A_103 : memref<1x1x160x128xf32, #tpu.memory_space<hbm>> -> memref<160x128xf32, #tpu.memory_space<hbm>>
    %dma_wait3A_105 = arith.constant 0 : i32
    %dma_wait3A_106 = tpu.memref_slice %arg17[%add3A_98, %dma_wait3A_105] : memref<10240x128xf32, #tpu.memory_space<vmem_shared>> -> memref<160x128xf32, #tpu.memory_space<vmem_shared>>
    tpu.wait_dma2 semaphore(%arg20 : memref<!tpu.dma_semaphore, #tpu.memory_space<semaphore_mem>>) src(%dma_wait3A_106 : memref<160x128xf32, #tpu.memory_space<vmem_shared>>) dst(%dma_wait3A_104 : memref<160x128xf32, #tpu.memory_space<hbm>>)
    %add3A_107 = arith.constant 480 : i32
    %add3A_108 = arith.addi %mul3A_2, %add3A_107 : i32
    %add3A_109 = arith.constant 480 : i32
    %add3A_110 = arith.addi %mul3A_2, %add3A_109 : i32
    %dma_start3A_111 = arith.constant 0 : i32
    %dma_start3A_112 = arith.constant 0 : i32
    %dma_start3A_113 = tpu.memref_slice %arg9[%arg0, %dma_start3A_111, %add3A_110, %dma_start3A_112] : memref<2x4x10240x128xf32, #tpu.memory_space<hbm>> -> memref<1x1x160x128xf32, #tpu.memory_space<hbm>>
    %dma_start3A_114 = tpu.memref_squeeze %dma_start3A_113 : memref<1x1x160x128xf32, #tpu.memory_space<hbm>> -> memref<160x128xf32, #tpu.memory_space<hbm>>
    %dma_start3A_115 = arith.constant 0 : i32
    %dma_start3A_116 = tpu.memref_slice %arg17[%add3A_108, %dma_start3A_115] : memref<10240x128xf32, #tpu.memory_space<vmem_shared>> -> memref<160x128xf32, #tpu.memory_space<vmem_shared>>
    tpu.enqueue_dma source(%dma_start3A_116 : memref<160x128xf32, #tpu.memory_space<vmem_shared>>) target(%dma_start3A_114 : memref<160x128xf32, #tpu.memory_space<hbm>>) target_semaphore(%arg20 : memref<!tpu.dma_semaphore, #tpu.memory_space<semaphore_mem>>)
    %add3A_117 = arith.constant 320 : i32
    %add3A_118 = arith.addi %mul3A_2, %add3A_117 : i32
    %add3A_119 = arith.constant 320 : i32
    %add3A_120 = arith.addi %mul3A_2, %add3A_119 : i32
    %dma_start3A_121 = arith.constant 0 : i32
    %dma_start3A_122 = tpu.memref_slice %arg17[%add3A_120, %dma_start3A_121] : memref<10240x128xf32, #tpu.memory_space<vmem_shared>> -> memref<160x128xf32, #tpu.memory_space<vmem_shared>>
    %dma_start3A_123 = arith.constant 0 : i32
    %dma_start3A_124 = tpu.memref_slice %arg7[%add3A_118, %dma_start3A_123] : memref<10240x128xf32, #tpu.memory_space<hbm>> -> memref<160x128xf32, #tpu.memory_space<hbm>>
    tpu.enqueue_dma source(%dma_start3A_124 : memref<160x128xf32, #tpu.memory_space<hbm>>) target(%dma_start3A_122 : memref<160x128xf32, #tpu.memory_space<vmem_shared>>) target_semaphore(%arg21 : memref<!tpu.dma_semaphore, #tpu.memory_space<semaphore_mem>>)
    %add3A_125 = arith.constant 480 : i32
    %add3A_126 = arith.addi %mul3A_2, %add3A_125 : i32
    %add3A_127 = arith.constant 480 : i32
    %add3A_128 = arith.addi %mul3A_2, %add3A_127 : i32
    %dma_wait3A_129 = arith.constant 0 : i32
    %dma_wait3A_130 = arith.constant 0 : i32
    %dma_wait3A_131 = tpu.memref_slice %arg9[%arg0, %dma_wait3A_129, %add3A_128, %dma_wait3A_130] : memref<2x4x10240x128xf32, #tpu.memory_space<hbm>> -> memref<1x1x160x128xf32, #tpu.memory_space<hbm>>
    %dma_wait3A_132 = tpu.memref_squeeze %dma_wait3A_131 : memref<1x1x160x128xf32, #tpu.memory_space<hbm>> -> memref<160x128xf32, #tpu.memory_space<hbm>>
    %dma_wait3A_133 = arith.constant 0 : i32
    %dma_wait3A_134 = tpu.memref_slice %arg17[%add3A_126, %dma_wait3A_133] : memref<10240x128xf32, #tpu.memory_space<vmem_shared>> -> memref<160x128xf32, #tpu.memory_space<vmem_shared>>
    tpu.wait_dma2 semaphore(%arg20 : memref<!tpu.dma_semaphore, #tpu.memory_space<semaphore_mem>>) src(%dma_wait3A_134 : memref<160x128xf32, #tpu.memory_space<vmem_shared>>) dst(%dma_wait3A_132 : memref<160x128xf32, #tpu.memory_space<hbm>>)
    %add3A_135 = arith.constant 480 : i32
    %add3A_136 = arith.addi %mul3A_2, %add3A_135 : i32
    %add3A_137 = arith.constant 480 : i32
    %add3A_138 = arith.addi %mul3A_2, %add3A_137 : i32
    %dma_start3A_139 = arith.constant 0 : i32
    %dma_start3A_140 = tpu.memref_slice %arg17[%add3A_138, %dma_start3A_139] : memref<10240x128xf32, #tpu.memory_space<vmem_shared>> -> memref<160x128xf32, #tpu.memory_space<vmem_shared>>
    %dma_start3A_141 = arith.constant 0 : i32
    %dma_start3A_142 = tpu.memref_slice %arg7[%add3A_136, %dma_start3A_141] : memref<10240x128xf32, #tpu.memory_space<hbm>> -> memref<160x128xf32, #tpu.memory_space<hbm>>
    tpu.enqueue_dma source(%dma_start3A_142 : memref<160x128xf32, #tpu.memory_space<hbm>>) target(%dma_start3A_140 : memref<160x128xf32, #tpu.memory_space<vmem_shared>>) target_semaphore(%arg21 : memref<!tpu.dma_semaphore, #tpu.memory_space<semaphore_mem>>)
    %add3A_143 = arith.constant 0 : i32
    %add3A_144 = arith.addi %mul3A_2, %add3A_143 : i32
    %add3A_145 = arith.constant 0 : i32
    %add3A_146 = arith.addi %mul3A_2, %add3A_145 : i32
    %dma_wait3A_147 = arith.constant 0 : i32
    %dma_wait3A_148 = tpu.memref_slice %arg17[%add3A_146, %dma_wait3A_147] : memref<10240x128xf32, #tpu.memory_space<vmem_shared>> -> memref<160x128xf32, #tpu.memory_space<vmem_shared>>
    %dma_wait3A_149 = arith.constant 0 : i32
    %dma_wait3A_150 = tpu.memref_slice %arg7[%add3A_144, %dma_wait3A_149] : memref<10240x128xf32, #tpu.memory_space<hbm>> -> memref<160x128xf32, #tpu.memory_space<hbm>>
    tpu.wait_dma2 semaphore(%arg21 : memref<!tpu.dma_semaphore, #tpu.memory_space<semaphore_mem>>) src(%dma_wait3A_150 : memref<160x128xf32, #tpu.memory_space<hbm>>) dst(%dma_wait3A_148 : memref<160x128xf32, #tpu.memory_space<vmem_shared>>)
    %add3A_151 = arith.constant 160 : i32
    %add3A_152 = arith.addi %mul3A_2, %add3A_151 : i32
    %add3A_153 = arith.constant 160 : i32
    %add3A_154 = arith.addi %mul3A_2, %add3A_153 : i32
    %dma_wait3A_155 = arith.constant 0 : i32
    %dma_wait3A_156 = tpu.memref_slice %arg17[%add3A_154, %dma_wait3A_155] : memref<10240x128xf32, #tpu.memory_space<vmem_shared>> -> memref<160x128xf32, #tpu.memory_space<vmem_shared>>
    %dma_wait3A_157 = arith.constant 0 : i32
    %dma_wait3A_158 = tpu.memref_slice %arg7[%add3A_152, %dma_wait3A_157] : memref<10240x128xf32, #tpu.memory_space<hbm>> -> memref<160x128xf32, #tpu.memory_space<hbm>>
    tpu.wait_dma2 semaphore(%arg21 : memref<!tpu.dma_semaphore, #tpu.memory_space<semaphore_mem>>) src(%dma_wait3A_158 : memref<160x128xf32, #tpu.memory_space<hbm>>) dst(%dma_wait3A_156 : memref<160x128xf32, #tpu.memory_space<vmem_shared>>)
    %add3A_159 = arith.constant 320 : i32
    %add3A_160 = arith.addi %mul3A_2, %add3A_159 : i32
    %add3A_161 = arith.constant 320 : i32
    %add3A_162 = arith.addi %mul3A_2, %add3A_161 : i32
    %dma_wait3A_163 = arith.constant 0 : i32
    %dma_wait3A_164 = tpu.memref_slice %arg17[%add3A_162, %dma_wait3A_163] : memref<10240x128xf32, #tpu.memory_space<vmem_shared>> -> memref<160x128xf32, #tpu.memory_space<vmem_shared>>
    %dma_wait3A_165 = arith.constant 0 : i32
    %dma_wait3A_166 = tpu.memref_slice %arg7[%add3A_160, %dma_wait3A_165] : memref<10240x128xf32, #tpu.memory_space<hbm>> -> memref<160x128xf32, #tpu.memory_space<hbm>>
    tpu.wait_dma2 semaphore(%arg21 : memref<!tpu.dma_semaphore, #tpu.memory_space<semaphore_mem>>) src(%dma_wait3A_166 : memref<160x128xf32, #tpu.memory_space<hbm>>) dst(%dma_wait3A_164 : memref<160x128xf32, #tpu.memory_space<vmem_shared>>)
    %add3A_167 = arith.constant 480 : i32
    %add3A_168 = arith.addi %mul3A_2, %add3A_167 : i32
    %add3A_169 = arith.constant 480 : i32
    %add3A_170 = arith.addi %mul3A_2, %add3A_169 : i32
    %dma_wait3A_171 = arith.constant 0 : i32
    %dma_wait3A_172 = tpu.memref_slice %arg17[%add3A_170, %dma_wait3A_171] : memref<10240x128xf32, #tpu.memory_space<vmem_shared>> -> memref<160x128xf32, #tpu.memory_space<vmem_shared>>
    %dma_wait3A_173 = arith.constant 0 : i32
    %dma_wait3A_174 = tpu.memref_slice %arg7[%add3A_168, %dma_wait3A_173] : memref<10240x128xf32, #tpu.memory_space<hbm>> -> memref<160x128xf32, #tpu.memory_space<hbm>>
    tpu.wait_dma2 semaphore(%arg21 : memref<!tpu.dma_semaphore, #tpu.memory_space<semaphore_mem>>) src(%dma_wait3A_174 : memref<160x128xf32, #tpu.memory_space<hbm>>) dst(%dma_wait3A_172 : memref<160x128xf32, #tpu.memory_space<vmem_shared>>)
    %run_scoped3A_175 = arith.constant 1 : i32
    "tpu.region"() ({
      %run_scoped3A_610 = tpu.sem_alloc : memref<!tpu.dma_semaphore, #tpu.memory_space<semaphore_mem>>
      %dma_start3A_611 = arith.constant 0 : i32
      %dma_start3A_612 = tpu.memref_slice %arg5[%run_scoped3A_175, %add3A, %dma_start3A_611] : memref<4x32x8xi32, #tpu.memory_space<hbm>> -> memref<1x1x8xi32, #tpu.memory_space<hbm>>
      %dma_start3A_613 = tpu.memref_squeeze %dma_start3A_612 : memref<1x1x8xi32, #tpu.memory_space<hbm>> -> memref<8xi32, #tpu.memory_space<hbm>>
      %dma_start3A_614 = arith.constant 0 : i32
      %dma_start3A_615 = tpu.memref_slice %arg5[%run_scoped3A_175, %add3A, %dma_start3A_614] : memref<4x32x8xi32, #tpu.memory_space<hbm>> -> memref<1x1x8xi32, #tpu.memory_space<hbm>>
      %dma_start3A_616 = tpu.memref_squeeze %dma_start3A_615 : memref<1x1x8xi32, #tpu.memory_space<hbm>> -> memref<8xi32, #tpu.memory_space<hbm>>
      tpu.enqueue_dma source(%dma_start3A_616 : memref<8xi32, #tpu.memory_space<hbm>>) target(%arg12 : memref<8xi32, #tpu.memory_space<vmem>>) target_semaphore(%run_scoped3A_610 : memref<!tpu.dma_semaphore, #tpu.memory_space<semaphore_mem>>)
      %dma_wait3A_617 = arith.constant 0 : i32
      %dma_wait3A_618 = tpu.memref_slice %arg5[%run_scoped3A_175, %add3A, %dma_wait3A_617] : memref<4x32x8xi32, #tpu.memory_space<hbm>> -> memref<1x1x8xi32, #tpu.memory_space<hbm>>
      %dma_wait3A_619 = tpu.memref_squeeze %dma_wait3A_618 : memref<1x1x8xi32, #tpu.memory_space<hbm>> -> memref<8xi32, #tpu.memory_space<hbm>>
      %dma_wait3A_620 = arith.constant 0 : i32
      %dma_wait3A_621 = tpu.memref_slice %arg5[%run_scoped3A_175, %add3A, %dma_wait3A_620] : memref<4x32x8xi32, #tpu.memory_space<hbm>> -> memref<1x1x8xi32, #tpu.memory_space<hbm>>
      %dma_wait3A_622 = tpu.memref_squeeze %dma_wait3A_621 : memref<1x1x8xi32, #tpu.memory_space<hbm>> -> memref<8xi32, #tpu.memory_space<hbm>>
      tpu.wait_dma2 semaphore(%run_scoped3A_610 : memref<!tpu.dma_semaphore, #tpu.memory_space<semaphore_mem>>) src(%dma_wait3A_622 : memref<8xi32, #tpu.memory_space<hbm>>) dst(%arg12 : memref<8xi32, #tpu.memory_space<vmem>>)
      tpu.yield
    }) : () -> ()
    %barrier3A_176 = arith.constant 0 : index
    tpu.barrier barrier_id(%barrier3A_176)
    %scan3A_177 = arith.constant 0 : i32
    %scan3A_178 = arith.constant 0 : i32
    %scan3A_179 = arith.constant 19 : i32
    %scan3A_180 = arith.addi %scan3A_178, %scan3A_179 : i32
    %scan3A_181 = arith.constant 1 : i32
    scf.for %scan3A_610 = %scan3A_178 to %scan3A_180 step %scan3A_181  : i32 {
      %mul3A_611 = arith.constant 2 : i32
      %mul3A_612 = arith.muli %mul3A_611, %scan3A_610 : i32
      %add3A_613 = arith.constant 1 : i32
      %add3A_614 = arith.addi %mul3A_612, %add3A_613 : i32
      %dma_start3A_615 = arith.constant 0 : i32
      %dma_start3A_616 = tpu.memref_slice %arg10[%add3A_614, %dma_start3A_615] : memref<39x128xi32, #tpu.memory_space<vmem>> -> memref<1x128xi32, #tpu.memory_space<vmem>>
      %dma_start3A_617 = tpu.memref_squeeze %dma_start3A_616 : memref<1x128xi32, #tpu.memory_space<vmem>> -> memref<128xi32, #tpu.memory_space<vmem>>
      %dma_start3A_618 = arith.constant 0 : i32
      %dma_start3A_619 = arith.constant 0 : i32
      %dma_start3A_620 = tpu.memref_slice %arg2[%dma_start3A_618, %dma_start3A_619] : memref<40000x128xf32, #tpu.memory_space<hbm>> -> memref<40000x128xf32, #tpu.memory_space<hbm>>
      tpu.enqueue_indirect_dma source(%dma_start3A_620 : memref<40000x128xf32, #tpu.memory_space<hbm>>) target(%arg15 : memref<128x128xf32, #tpu.memory_space<vmem>>) offsets(%dma_start3A_617 : memref<128xi32, #tpu.memory_space<vmem>>) semaphore(%arg19 : memref<!tpu.dma_semaphore, #tpu.memory_space<semaphore_mem>>)
      %dma_wait3A_621 = arith.constant 0 : i32
      %dma_wait3A_622 = tpu.memref_slice %arg10[%mul3A_612, %dma_wait3A_621] : memref<39x128xi32, #tpu.memory_space<vmem>> -> memref<1x128xi32, #tpu.memory_space<vmem>>
      %dma_wait3A_623 = tpu.memref_squeeze %dma_wait3A_622 : memref<1x128xi32, #tpu.memory_space<vmem>> -> memref<128xi32, #tpu.memory_space<vmem>>
      %dma_wait3A_624 = arith.constant 0 : i32
      %dma_wait3A_625 = arith.constant 0 : i32
      %dma_wait3A_626 = tpu.memref_slice %arg2[%dma_wait3A_624, %dma_wait3A_625] : memref<40000x128xf32, #tpu.memory_space<hbm>> -> memref<40000x128xf32, #tpu.memory_space<hbm>>
      tpu.wait_indirect_dma semaphore(%arg18 : memref<!tpu.dma_semaphore, #tpu.memory_space<semaphore_mem>>) src(%dma_wait3A_626 : memref<40000x128xf32, #tpu.memory_space<hbm>>) dst(%arg14 : memref<128x128xf32, #tpu.memory_space<vmem>>)
      "tpu.region"() ({
        %run_scoped3A_645 = tpu.sem_alloc : memref<!tpu.dma_semaphore, #tpu.memory_space<semaphore_mem>>
        %dma_start3A_646 = arith.constant 0 : i32
        %dma_start3A_647 = tpu.memref_slice %arg11[%mul3A_612, %dma_start3A_646] : memref<39x128xi32, #tpu.memory_space<vmem>> -> memref<1x128xi32, #tpu.memory_space<vmem>>
        %dma_start3A_648 = tpu.memref_squeeze %dma_start3A_647 : memref<1x128xi32, #tpu.memory_space<vmem>> -> memref<128xi32, #tpu.memory_space<vmem>>
        %dma_start3A_649 = arith.constant 0 : i32
        %dma_start3A_650 = arith.constant 0 : i32
        %dma_start3A_651 = tpu.memref_slice %arg17[%dma_start3A_649, %dma_start3A_650] : memref<10240x128xf32, #tpu.memory_space<vmem_shared>> -> memref<10240x128xf32, #tpu.memory_space<vmem_shared>>
        tpu.enqueue_indirect_dma source(%arg14 : memref<128x128xf32, #tpu.memory_space<vmem>>) target(%dma_start3A_651 : memref<10240x128xf32, #tpu.memory_space<vmem_shared>>) offsets(%dma_start3A_648 : memref<128xi32, #tpu.memory_space<vmem>>) semaphore(%run_scoped3A_645 : memref<!tpu.dma_semaphore, #tpu.memory_space<semaphore_mem>>) {add = true}
        %dma_wait3A_652 = arith.constant 0 : i32
        %dma_wait3A_653 = tpu.memref_slice %arg11[%mul3A_612, %dma_wait3A_652] : memref<39x128xi32, #tpu.memory_space<vmem>> -> memref<1x128xi32, #tpu.memory_space<vmem>>
        %dma_wait3A_654 = tpu.memref_squeeze %dma_wait3A_653 : memref<1x128xi32, #tpu.memory_space<vmem>> -> memref<128xi32, #tpu.memory_space<vmem>>
        %dma_wait3A_655 = arith.constant 0 : i32
        %dma_wait3A_656 = arith.constant 0 : i32
        %dma_wait3A_657 = tpu.memref_slice %arg17[%dma_wait3A_655, %dma_wait3A_656] : memref<10240x128xf32, #tpu.memory_space<vmem_shared>> -> memref<10240x128xf32, #tpu.memory_space<vmem_shared>>
        tpu.wait_indirect_dma semaphore(%run_scoped3A_645 : memref<!tpu.dma_semaphore, #tpu.memory_space<semaphore_mem>>) src(%arg14 : memref<128x128xf32, #tpu.memory_space<vmem>>) dst(%dma_wait3A_657 : memref<10240x128xf32, #tpu.memory_space<vmem_shared>>)
        tpu.yield
      }) : () -> ()
      %add3A_627 = arith.constant 2 : i32
      %add3A_628 = arith.addi %mul3A_612, %add3A_627 : i32
      %dma_start3A_629 = arith.constant 0 : i32
      %dma_start3A_630 = tpu.memref_slice %arg10[%add3A_628, %dma_start3A_629] : memref<39x128xi32, #tpu.memory_space<vmem>> -> memref<1x128xi32, #tpu.memory_space<vmem>>
      %dma_start3A_631 = tpu.memref_squeeze %dma_start3A_630 : memref<1x128xi32, #tpu.memory_space<vmem>> -> memref<128xi32, #tpu.memory_space<vmem>>
      %dma_start3A_632 = arith.constant 0 : i32
      %dma_start3A_633 = arith.constant 0 : i32
      %dma_start3A_634 = tpu.memref_slice %arg2[%dma_start3A_632, %dma_start3A_633] : memref<40000x128xf32, #tpu.memory_space<hbm>> -> memref<40000x128xf32, #tpu.memory_space<hbm>>
      tpu.enqueue_indirect_dma source(%dma_start3A_634 : memref<40000x128xf32, #tpu.memory_space<hbm>>) target(%arg14 : memref<128x128xf32, #tpu.memory_space<vmem>>) offsets(%dma_start3A_631 : memref<128xi32, #tpu.memory_space<vmem>>) semaphore(%arg18 : memref<!tpu.dma_semaphore, #tpu.memory_space<semaphore_mem>>)
      %add3A_635 = arith.constant 1 : i32
      %add3A_636 = arith.addi %mul3A_612, %add3A_635 : i32
      %dma_wait3A_637 = arith.constant 0 : i32
      %dma_wait3A_638 = tpu.memref_slice %arg10[%add3A_636, %dma_wait3A_637] : memref<39x128xi32, #tpu.memory_space<vmem>> -> memref<1x128xi32, #tpu.memory_space<vmem>>
      %dma_wait3A_639 = tpu.memref_squeeze %dma_wait3A_638 : memref<1x128xi32, #tpu.memory_space<vmem>> -> memref<128xi32, #tpu.memory_space<vmem>>
      %dma_wait3A_640 = arith.constant 0 : i32
      %dma_wait3A_641 = arith.constant 0 : i32
      %dma_wait3A_642 = tpu.memref_slice %arg2[%dma_wait3A_640, %dma_wait3A_641] : memref<40000x128xf32, #tpu.memory_space<hbm>> -> memref<40000x128xf32, #tpu.memory_space<hbm>>
      tpu.wait_indirect_dma semaphore(%arg19 : memref<!tpu.dma_semaphore, #tpu.memory_space<semaphore_mem>>) src(%dma_wait3A_642 : memref<40000x128xf32, #tpu.memory_space<hbm>>) dst(%arg15 : memref<128x128xf32, #tpu.memory_space<vmem>>)
      %add3A_643 = arith.constant 1 : i32
      %add3A_644 = arith.addi %mul3A_612, %add3A_643 : i32
      "tpu.region"() ({
        %run_scoped3A_645 = tpu.sem_alloc : memref<!tpu.dma_semaphore, #tpu.memory_space<semaphore_mem>>
        %dma_start3A_646 = arith.constant 0 : i32
        %dma_start3A_647 = tpu.memref_slice %arg11[%add3A_644, %dma_start3A_646] : memref<39x128xi32, #tpu.memory_space<vmem>> -> memref<1x128xi32, #tpu.memory_space<vmem>>
        %dma_start3A_648 = tpu.memref_squeeze %dma_start3A_647 : memref<1x128xi32, #tpu.memory_space<vmem>> -> memref<128xi32, #tpu.memory_space<vmem>>
        %dma_start3A_649 = arith.constant 0 : i32
        %dma_start3A_650 = arith.constant 0 : i32
        %dma_start3A_651 = tpu.memref_slice %arg17[%dma_start3A_649, %dma_start3A_650] : memref<10240x128xf32, #tpu.memory_space<vmem_shared>> -> memref<10240x128xf32, #tpu.memory_space<vmem_shared>>
        tpu.enqueue_indirect_dma source(%arg15 : memref<128x128xf32, #tpu.memory_space<vmem>>) target(%dma_start3A_651 : memref<10240x128xf32, #tpu.memory_space<vmem_shared>>) offsets(%dma_start3A_648 : memref<128xi32, #tpu.memory_space<vmem>>) semaphore(%run_scoped3A_645 : memref<!tpu.dma_semaphore, #tpu.memory_space<semaphore_mem>>) {add = true}
        %dma_wait3A_652 = arith.constant 0 : i32
        %dma_wait3A_653 = tpu.memref_slice %arg11[%add3A_644, %dma_wait3A_652] : memref<39x128xi32, #tpu.memory_space<vmem>> -> memref<1x128xi32, #tpu.memory_space<vmem>>
        %dma_wait3A_654 = tpu.memref_squeeze %dma_wait3A_653 : memref<1x128xi32, #tpu.memory_space<vmem>> -> memref<128xi32, #tpu.memory_space<vmem>>
        %dma_wait3A_655 = arith.constant 0 : i32
        %dma_wait3A_656 = arith.constant 0 : i32
        %dma_wait3A_657 = tpu.memref_slice %arg17[%dma_wait3A_655, %dma_wait3A_656] : memref<10240x128xf32, #tpu.memory_space<vmem_shared>> -> memref<10240x128xf32, #tpu.memory_space<vmem_shared>>
        tpu.wait_indirect_dma semaphore(%run_scoped3A_645 : memref<!tpu.dma_semaphore, #tpu.memory_space<semaphore_mem>>) src(%arg15 : memref<128x128xf32, #tpu.memory_space<vmem>>) dst(%dma_wait3A_657 : memref<10240x128xf32, #tpu.memory_space<vmem_shared>>)
        tpu.yield
      }) : () -> ()
    }
    %scan3A_182 = arith.constant 19 : i32
    %dma_wait3A_183 = arith.constant 38 : i32
    %dma_wait3A_184 = arith.constant 0 : i32
    %dma_wait3A_185 = tpu.memref_slice %arg10[%dma_wait3A_183, %dma_wait3A_184] : memref<39x128xi32, #tpu.memory_space<vmem>> -> memref<1x128xi32, #tpu.memory_space<vmem>>
    %dma_wait3A_186 = tpu.memref_squeeze %dma_wait3A_185 : memref<1x128xi32, #tpu.memory_space<vmem>> -> memref<128xi32, #tpu.memory_space<vmem>>
    %dma_wait3A_187 = arith.constant 0 : i32
    %dma_wait3A_188 = arith.constant 0 : i32
    %dma_wait3A_189 = tpu.memref_slice %arg2[%dma_wait3A_187, %dma_wait3A_188] : memref<40000x128xf32, #tpu.memory_space<hbm>> -> memref<40000x128xf32, #tpu.memory_space<hbm>>
    tpu.wait_indirect_dma semaphore(%arg18 : memref<!tpu.dma_semaphore, #tpu.memory_space<semaphore_mem>>) src(%dma_wait3A_189 : memref<40000x128xf32, #tpu.memory_space<hbm>>) dst(%arg14 : memref<128x128xf32, #tpu.memory_space<vmem>>)
    %run_scoped3A_190 = arith.constant 38 : i32
    "tpu.region"() ({
      %run_scoped3A_610 = tpu.sem_alloc : memref<!tpu.dma_semaphore, #tpu.memory_space<semaphore_mem>>
      %dma_start3A_611 = arith.constant 0 : i32
      %dma_start3A_612 = tpu.memref_slice %arg11[%run_scoped3A_190, %dma_start3A_611] : memref<39x128xi32, #tpu.memory_space<vmem>> -> memref<1x128xi32, #tpu.memory_space<vmem>>
      %dma_start3A_613 = tpu.memref_squeeze %dma_start3A_612 : memref<1x128xi32, #tpu.memory_space<vmem>> -> memref<128xi32, #tpu.memory_space<vmem>>
      %dma_start3A_614 = arith.constant 0 : i32
      %dma_start3A_615 = arith.constant 0 : i32
      %dma_start3A_616 = tpu.memref_slice %arg17[%dma_start3A_614, %dma_start3A_615] : memref<10240x128xf32, #tpu.memory_space<vmem_shared>> -> memref<10240x128xf32, #tpu.memory_space<vmem_shared>>
      tpu.enqueue_indirect_dma source(%arg14 : memref<128x128xf32, #tpu.memory_space<vmem>>) target(%dma_start3A_616 : memref<10240x128xf32, #tpu.memory_space<vmem_shared>>) offsets(%dma_start3A_613 : memref<128xi32, #tpu.memory_space<vmem>>) semaphore(%run_scoped3A_610 : memref<!tpu.dma_semaphore, #tpu.memory_space<semaphore_mem>>) {add = true}
      %dma_wait3A_617 = arith.constant 0 : i32
      %dma_wait3A_618 = tpu.memref_slice %arg11[%run_scoped3A_190, %dma_wait3A_617] : memref<39x128xi32, #tpu.memory_space<vmem>> -> memref<1x128xi32, #tpu.memory_space<vmem>>
      %dma_wait3A_619 = tpu.memref_squeeze %dma_wait3A_618 : memref<1x128xi32, #tpu.memory_space<vmem>> -> memref<128xi32, #tpu.memory_space<vmem>>
      %dma_wait3A_620 = arith.constant 0 : i32
      %dma_wait3A_621 = arith.constant 0 : i32
      %dma_wait3A_622 = tpu.memref_slice %arg17[%dma_wait3A_620, %dma_wait3A_621] : memref<10240x128xf32, #tpu.memory_space<vmem_shared>> -> memref<10240x128xf32, #tpu.memory_space<vmem_shared>>
      tpu.wait_indirect_dma semaphore(%run_scoped3A_610 : memref<!tpu.dma_semaphore, #tpu.memory_space<semaphore_mem>>) src(%arg14 : memref<128x128xf32, #tpu.memory_space<vmem>>) dst(%dma_wait3A_622 : memref<10240x128xf32, #tpu.memory_space<vmem_shared>>)
      tpu.yield
    }) : () -> ()
    %run_scoped3A_191 = arith.constant 2 : i32
    "tpu.region"() ({
      %run_scoped3A_610 = tpu.sem_alloc : memref<!tpu.dma_semaphore, #tpu.memory_space<semaphore_mem>>
      %dma_start3A_611 = arith.constant 0 : i32
      %dma_start3A_612 = arith.constant 0 : i32
      %dma_start3A_613 = tpu.memref_slice %arg3[%run_scoped3A_191, %add3A, %dma_start3A_611, %dma_start3A_612] : memref<4x32x39x128xi32, #tpu.memory_space<hbm>> -> memref<1x1x39x128xi32, #tpu.memory_space<hbm>>
      %dma_start3A_614 = tpu.memref_squeeze %dma_start3A_613 : memref<1x1x39x128xi32, #tpu.memory_space<hbm>> -> memref<39x128xi32, #tpu.memory_space<hbm>>
      %dma_start3A_615 = arith.constant 0 : i32
      %dma_start3A_616 = arith.constant 0 : i32
      %dma_start3A_617 = tpu.memref_slice %arg3[%run_scoped3A_191, %add3A, %dma_start3A_615, %dma_start3A_616] : memref<4x32x39x128xi32, #tpu.memory_space<hbm>> -> memref<1x1x39x128xi32, #tpu.memory_space<hbm>>
      %dma_start3A_618 = tpu.memref_squeeze %dma_start3A_617 : memref<1x1x39x128xi32, #tpu.memory_space<hbm>> -> memref<39x128xi32, #tpu.memory_space<hbm>>
      tpu.enqueue_dma source(%dma_start3A_618 : memref<39x128xi32, #tpu.memory_space<hbm>>) target(%arg10 : memref<39x128xi32, #tpu.memory_space<vmem>>) target_semaphore(%run_scoped3A_610 : memref<!tpu.dma_semaphore, #tpu.memory_space<semaphore_mem>>)
      %dma_wait3A_619 = arith.constant 0 : i32
      %dma_wait3A_620 = arith.constant 0 : i32
      %dma_wait3A_621 = tpu.memref_slice %arg3[%run_scoped3A_191, %add3A, %dma_wait3A_619, %dma_wait3A_620] : memref<4x32x39x128xi32, #tpu.memory_space<hbm>> -> memref<1x1x39x128xi32, #tpu.memory_space<hbm>>
      %dma_wait3A_622 = tpu.memref_squeeze %dma_wait3A_621 : memref<1x1x39x128xi32, #tpu.memory_space<hbm>> -> memref<39x128xi32, #tpu.memory_space<hbm>>
      %dma_wait3A_623 = arith.constant 0 : i32
      %dma_wait3A_624 = arith.constant 0 : i32
      %dma_wait3A_625 = tpu.memref_slice %arg3[%run_scoped3A_191, %add3A, %dma_wait3A_623, %dma_wait3A_624] : memref<4x32x39x128xi32, #tpu.memory_space<hbm>> -> memref<1x1x39x128xi32, #tpu.memory_space<hbm>>
      %dma_wait3A_626 = tpu.memref_squeeze %dma_wait3A_625 : memref<1x1x39x128xi32, #tpu.memory_space<hbm>> -> memref<39x128xi32, #tpu.memory_space<hbm>>
      tpu.wait_dma2 semaphore(%run_scoped3A_610 : memref<!tpu.dma_semaphore, #tpu.memory_space<semaphore_mem>>) src(%dma_wait3A_626 : memref<39x128xi32, #tpu.memory_space<hbm>>) dst(%arg10 : memref<39x128xi32, #tpu.memory_space<vmem>>)
      tpu.yield
    }) : () -> ()
    %dma_start3A_192 = arith.constant 0 : i32
    %dma_start3A_193 = arith.constant 0 : i32
    %dma_start3A_194 = tpu.memref_slice %arg10[%dma_start3A_192, %dma_start3A_193] : memref<39x128xi32, #tpu.memory_space<vmem>> -> memref<1x128xi32, #tpu.memory_space<vmem>>
    %dma_start3A_195 = tpu.memref_squeeze %dma_start3A_194 : memref<1x128xi32, #tpu.memory_space<vmem>> -> memref<128xi32, #tpu.memory_space<vmem>>
    %dma_start3A_196 = arith.constant 0 : i32
    %dma_start3A_197 = arith.constant 0 : i32
    %dma_start3A_198 = tpu.memref_slice %arg2[%dma_start3A_196, %dma_start3A_197] : memref<40000x128xf32, #tpu.memory_space<hbm>> -> memref<40000x128xf32, #tpu.memory_space<hbm>>
    tpu.enqueue_indirect_dma source(%dma_start3A_198 : memref<40000x128xf32, #tpu.memory_space<hbm>>) target(%arg14 : memref<128x128xf32, #tpu.memory_space<vmem>>) offsets(%dma_start3A_195 : memref<128xi32, #tpu.memory_space<vmem>>) semaphore(%arg18 : memref<!tpu.dma_semaphore, #tpu.memory_space<semaphore_mem>>)
    "tpu.region"() ({
      %run_scoped3A_610 = tpu.sem_alloc : memref<!tpu.dma_semaphore, #tpu.memory_space<semaphore_mem>>
      %dma_start3A_611 = arith.constant 0 : i32
      %dma_start3A_612 = arith.constant 0 : i32
      %dma_start3A_613 = tpu.memref_slice %arg2[%dma_start3A_611, %dma_start3A_612] : memref<40000x128xf32, #tpu.memory_space<hbm>> -> memref<40000x128xf32, #tpu.memory_space<hbm>>
      tpu.enqueue_indirect_dma source(%dma_start3A_613 : memref<40000x128xf32, #tpu.memory_space<hbm>>) target(%arg16 : memref<8x128xf32, #tpu.memory_space<vmem>>) offsets(%arg12 : memref<8xi32, #tpu.memory_space<vmem>>) semaphore(%run_scoped3A_610 : memref<!tpu.dma_semaphore, #tpu.memory_space<semaphore_mem>>)
      %dma_wait3A_614 = arith.constant 0 : i32
      %dma_wait3A_615 = arith.constant 0 : i32
      %dma_wait3A_616 = tpu.memref_slice %arg2[%dma_wait3A_614, %dma_wait3A_615] : memref<40000x128xf32, #tpu.memory_space<hbm>> -> memref<40000x128xf32, #tpu.memory_space<hbm>>
      tpu.wait_indirect_dma semaphore(%run_scoped3A_610 : memref<!tpu.dma_semaphore, #tpu.memory_space<semaphore_mem>>) src(%dma_wait3A_616 : memref<40000x128xf32, #tpu.memory_space<hbm>>) dst(%arg16 : memref<8x128xf32, #tpu.memory_space<vmem>>)
      tpu.yield
    }) : () -> ()
    "tpu.region"() ({
      %run_scoped3A_610 = tpu.sem_alloc : memref<!tpu.dma_semaphore, #tpu.memory_space<semaphore_mem>>
      %dma_start3A_611 = arith.constant 0 : i32
      %dma_start3A_612 = arith.constant 0 : i32
      %dma_start3A_613 = tpu.memref_slice %arg17[%dma_start3A_611, %dma_start3A_612] : memref<10240x128xf32, #tpu.memory_space<vmem_shared>> -> memref<10240x128xf32, #tpu.memory_space<vmem_shared>>
      tpu.enqueue_indirect_dma source(%arg16 : memref<8x128xf32, #tpu.memory_space<vmem>>) target(%dma_start3A_613 : memref<10240x128xf32, #tpu.memory_space<vmem_shared>>) offsets(%arg13 : memref<8xi32, #tpu.memory_space<vmem>>) semaphore(%run_scoped3A_610 : memref<!tpu.dma_semaphore, #tpu.memory_space<semaphore_mem>>) {add = true}
      %dma_wait3A_614 = arith.constant 0 : i32
      %dma_wait3A_615 = arith.constant 0 : i32
      %dma_wait3A_616 = tpu.memref_slice %arg17[%dma_wait3A_614, %dma_wait3A_615] : memref<10240x128xf32, #tpu.memory_space<vmem_shared>> -> memref<10240x128xf32, #tpu.memory_space<vmem_shared>>
      tpu.wait_indirect_dma semaphore(%run_scoped3A_610 : memref<!tpu.dma_semaphore, #tpu.memory_space<semaphore_mem>>) src(%arg16 : memref<8x128xf32, #tpu.memory_space<vmem>>) dst(%dma_wait3A_616 : memref<10240x128xf32, #tpu.memory_space<vmem_shared>>)
      tpu.yield
    }) : () -> ()
    %barrier3A_199 = arith.constant 0 : index
    tpu.barrier barrier_id(%barrier3A_199)
    %add3A_200 = arith.constant 0 : i32
    %add3A_201 = arith.addi %mul3A_2, %add3A_200 : i32
    %add3A_202 = arith.constant 0 : i32
    %add3A_203 = arith.addi %mul3A_2, %add3A_202 : i32
    %dma_start3A_204 = arith.constant 1 : i32
    %dma_start3A_205 = arith.constant 0 : i32
    %dma_start3A_206 = tpu.memref_slice %arg9[%arg0, %dma_start3A_204, %add3A_203, %dma_start3A_205] : memref<2x4x10240x128xf32, #tpu.memory_space<hbm>> -> memref<1x1x160x128xf32, #tpu.memory_space<hbm>>
    %dma_start3A_207 = tpu.memref_squeeze %dma_start3A_206 : memref<1x1x160x128xf32, #tpu.memory_space<hbm>> -> memref<160x128xf32, #tpu.memory_space<hbm>>
    %dma_start3A_208 = arith.constant 0 : i32
    %dma_start3A_209 = tpu.memref_slice %arg17[%add3A_201, %dma_start3A_208] : memref<10240x128xf32, #tpu.memory_space<vmem_shared>> -> memref<160x128xf32, #tpu.memory_space<vmem_shared>>
    tpu.enqueue_dma source(%dma_start3A_209 : memref<160x128xf32, #tpu.memory_space<vmem_shared>>) target(%dma_start3A_207 : memref<160x128xf32, #tpu.memory_space<hbm>>) target_semaphore(%arg20 : memref<!tpu.dma_semaphore, #tpu.memory_space<semaphore_mem>>)
    %add3A_210 = arith.constant 0 : i32
    %add3A_211 = arith.addi %mul3A_2, %add3A_210 : i32
    %add3A_212 = arith.constant 0 : i32
    %add3A_213 = arith.addi %mul3A_2, %add3A_212 : i32
    %dma_wait3A_214 = arith.constant 1 : i32
    %dma_wait3A_215 = arith.constant 0 : i32
    %dma_wait3A_216 = tpu.memref_slice %arg9[%arg0, %dma_wait3A_214, %add3A_213, %dma_wait3A_215] : memref<2x4x10240x128xf32, #tpu.memory_space<hbm>> -> memref<1x1x160x128xf32, #tpu.memory_space<hbm>>
    %dma_wait3A_217 = tpu.memref_squeeze %dma_wait3A_216 : memref<1x1x160x128xf32, #tpu.memory_space<hbm>> -> memref<160x128xf32, #tpu.memory_space<hbm>>
    %dma_wait3A_218 = arith.constant 0 : i32
    %dma_wait3A_219 = tpu.memref_slice %arg17[%add3A_211, %dma_wait3A_218] : memref<10240x128xf32, #tpu.memory_space<vmem_shared>> -> memref<160x128xf32, #tpu.memory_space<vmem_shared>>
    tpu.wait_dma2 semaphore(%arg20 : memref<!tpu.dma_semaphore, #tpu.memory_space<semaphore_mem>>) src(%dma_wait3A_219 : memref<160x128xf32, #tpu.memory_space<vmem_shared>>) dst(%dma_wait3A_217 : memref<160x128xf32, #tpu.memory_space<hbm>>)
    %add3A_220 = arith.constant 160 : i32
    %add3A_221 = arith.addi %mul3A_2, %add3A_220 : i32
    %add3A_222 = arith.constant 160 : i32
    %add3A_223 = arith.addi %mul3A_2, %add3A_222 : i32
    %dma_start3A_224 = arith.constant 1 : i32
    %dma_start3A_225 = arith.constant 0 : i32
    %dma_start3A_226 = tpu.memref_slice %arg9[%arg0, %dma_start3A_224, %add3A_223, %dma_start3A_225] : memref<2x4x10240x128xf32, #tpu.memory_space<hbm>> -> memref<1x1x160x128xf32, #tpu.memory_space<hbm>>
    %dma_start3A_227 = tpu.memref_squeeze %dma_start3A_226 : memref<1x1x160x128xf32, #tpu.memory_space<hbm>> -> memref<160x128xf32, #tpu.memory_space<hbm>>
    %dma_start3A_228 = arith.constant 0 : i32
    %dma_start3A_229 = tpu.memref_slice %arg17[%add3A_221, %dma_start3A_228] : memref<10240x128xf32, #tpu.memory_space<vmem_shared>> -> memref<160x128xf32, #tpu.memory_space<vmem_shared>>
    tpu.enqueue_dma source(%dma_start3A_229 : memref<160x128xf32, #tpu.memory_space<vmem_shared>>) target(%dma_start3A_227 : memref<160x128xf32, #tpu.memory_space<hbm>>) target_semaphore(%arg20 : memref<!tpu.dma_semaphore, #tpu.memory_space<semaphore_mem>>)
    %add3A_230 = arith.constant 0 : i32
    %add3A_231 = arith.addi %mul3A_2, %add3A_230 : i32
    %add3A_232 = arith.constant 0 : i32
    %add3A_233 = arith.addi %mul3A_2, %add3A_232 : i32
    %dma_start3A_234 = arith.constant 0 : i32
    %dma_start3A_235 = tpu.memref_slice %arg17[%add3A_233, %dma_start3A_234] : memref<10240x128xf32, #tpu.memory_space<vmem_shared>> -> memref<160x128xf32, #tpu.memory_space<vmem_shared>>
    %dma_start3A_236 = arith.constant 0 : i32
    %dma_start3A_237 = tpu.memref_slice %arg7[%add3A_231, %dma_start3A_236] : memref<10240x128xf32, #tpu.memory_space<hbm>> -> memref<160x128xf32, #tpu.memory_space<hbm>>
    tpu.enqueue_dma source(%dma_start3A_237 : memref<160x128xf32, #tpu.memory_space<hbm>>) target(%dma_start3A_235 : memref<160x128xf32, #tpu.memory_space<vmem_shared>>) target_semaphore(%arg21 : memref<!tpu.dma_semaphore, #tpu.memory_space<semaphore_mem>>)
    %add3A_238 = arith.constant 160 : i32
    %add3A_239 = arith.addi %mul3A_2, %add3A_238 : i32
    %add3A_240 = arith.constant 160 : i32
    %add3A_241 = arith.addi %mul3A_2, %add3A_240 : i32
    %dma_wait3A_242 = arith.constant 1 : i32
    %dma_wait3A_243 = arith.constant 0 : i32
    %dma_wait3A_244 = tpu.memref_slice %arg9[%arg0, %dma_wait3A_242, %add3A_241, %dma_wait3A_243] : memref<2x4x10240x128xf32, #tpu.memory_space<hbm>> -> memref<1x1x160x128xf32, #tpu.memory_space<hbm>>
    %dma_wait3A_245 = tpu.memref_squeeze %dma_wait3A_244 : memref<1x1x160x128xf32, #tpu.memory_space<hbm>> -> memref<160x128xf32, #tpu.memory_space<hbm>>
    %dma_wait3A_246 = arith.constant 0 : i32
    %dma_wait3A_247 = tpu.memref_slice %arg17[%add3A_239, %dma_wait3A_246] : memref<10240x128xf32, #tpu.memory_space<vmem_shared>> -> memref<160x128xf32, #tpu.memory_space<vmem_shared>>
    tpu.wait_dma2 semaphore(%arg20 : memref<!tpu.dma_semaphore, #tpu.memory_space<semaphore_mem>>) src(%dma_wait3A_247 : memref<160x128xf32, #tpu.memory_space<vmem_shared>>) dst(%dma_wait3A_245 : memref<160x128xf32, #tpu.memory_space<hbm>>)
    %add3A_248 = arith.constant 320 : i32
    %add3A_249 = arith.addi %mul3A_2, %add3A_248 : i32
    %add3A_250 = arith.constant 320 : i32
    %add3A_251 = arith.addi %mul3A_2, %add3A_250 : i32
    %dma_start3A_252 = arith.constant 1 : i32
    %dma_start3A_253 = arith.constant 0 : i32
    %dma_start3A_254 = tpu.memref_slice %arg9[%arg0, %dma_start3A_252, %add3A_251, %dma_start3A_253] : memref<2x4x10240x128xf32, #tpu.memory_space<hbm>> -> memref<1x1x160x128xf32, #tpu.memory_space<hbm>>
    %dma_start3A_255 = tpu.memref_squeeze %dma_start3A_254 : memref<1x1x160x128xf32, #tpu.memory_space<hbm>> -> memref<160x128xf32, #tpu.memory_space<hbm>>
    %dma_start3A_256 = arith.constant 0 : i32
    %dma_start3A_257 = tpu.memref_slice %arg17[%add3A_249, %dma_start3A_256] : memref<10240x128xf32, #tpu.memory_space<vmem_shared>> -> memref<160x128xf32, #tpu.memory_space<vmem_shared>>
    tpu.enqueue_dma source(%dma_start3A_257 : memref<160x128xf32, #tpu.memory_space<vmem_shared>>) target(%dma_start3A_255 : memref<160x128xf32, #tpu.memory_space<hbm>>) target_semaphore(%arg20 : memref<!tpu.dma_semaphore, #tpu.memory_space<semaphore_mem>>)
    %add3A_258 = arith.constant 160 : i32
    %add3A_259 = arith.addi %mul3A_2, %add3A_258 : i32
    %add3A_260 = arith.constant 160 : i32
    %add3A_261 = arith.addi %mul3A_2, %add3A_260 : i32
    %dma_start3A_262 = arith.constant 0 : i32
    %dma_start3A_263 = tpu.memref_slice %arg17[%add3A_261, %dma_start3A_262] : memref<10240x128xf32, #tpu.memory_space<vmem_shared>> -> memref<160x128xf32, #tpu.memory_space<vmem_shared>>
    %dma_start3A_264 = arith.constant 0 : i32
    %dma_start3A_265 = tpu.memref_slice %arg7[%add3A_259, %dma_start3A_264] : memref<10240x128xf32, #tpu.memory_space<hbm>> -> memref<160x128xf32, #tpu.memory_space<hbm>>
    tpu.enqueue_dma source(%dma_start3A_265 : memref<160x128xf32, #tpu.memory_space<hbm>>) target(%dma_start3A_263 : memref<160x128xf32, #tpu.memory_space<vmem_shared>>) target_semaphore(%arg21 : memref<!tpu.dma_semaphore, #tpu.memory_space<semaphore_mem>>)
    %add3A_266 = arith.constant 320 : i32
    %add3A_267 = arith.addi %mul3A_2, %add3A_266 : i32
    %add3A_268 = arith.constant 320 : i32
    %add3A_269 = arith.addi %mul3A_2, %add3A_268 : i32
    %dma_wait3A_270 = arith.constant 1 : i32
    %dma_wait3A_271 = arith.constant 0 : i32
    %dma_wait3A_272 = tpu.memref_slice %arg9[%arg0, %dma_wait3A_270, %add3A_269, %dma_wait3A_271] : memref<2x4x10240x128xf32, #tpu.memory_space<hbm>> -> memref<1x1x160x128xf32, #tpu.memory_space<hbm>>
    %dma_wait3A_273 = tpu.memref_squeeze %dma_wait3A_272 : memref<1x1x160x128xf32, #tpu.memory_space<hbm>> -> memref<160x128xf32, #tpu.memory_space<hbm>>
    %dma_wait3A_274 = arith.constant 0 : i32
    %dma_wait3A_275 = tpu.memref_slice %arg17[%add3A_267, %dma_wait3A_274] : memref<10240x128xf32, #tpu.memory_space<vmem_shared>> -> memref<160x128xf32, #tpu.memory_space<vmem_shared>>
    tpu.wait_dma2 semaphore(%arg20 : memref<!tpu.dma_semaphore, #tpu.memory_space<semaphore_mem>>) src(%dma_wait3A_275 : memref<160x128xf32, #tpu.memory_space<vmem_shared>>) dst(%dma_wait3A_273 : memref<160x128xf32, #tpu.memory_space<hbm>>)
    %add3A_276 = arith.constant 480 : i32
    %add3A_277 = arith.addi %mul3A_2, %add3A_276 : i32
    %add3A_278 = arith.constant 480 : i32
    %add3A_279 = arith.addi %mul3A_2, %add3A_278 : i32
    %dma_start3A_280 = arith.constant 1 : i32
    %dma_start3A_281 = arith.constant 0 : i32
    %dma_start3A_282 = tpu.memref_slice %arg9[%arg0, %dma_start3A_280, %add3A_279, %dma_start3A_281] : memref<2x4x10240x128xf32, #tpu.memory_space<hbm>> -> memref<1x1x160x128xf32, #tpu.memory_space<hbm>>
    %dma_start3A_283 = tpu.memref_squeeze %dma_start3A_282 : memref<1x1x160x128xf32, #tpu.memory_space<hbm>> -> memref<160x128xf32, #tpu.memory_space<hbm>>
    %dma_start3A_284 = arith.constant 0 : i32
    %dma_start3A_285 = tpu.memref_slice %arg17[%add3A_277, %dma_start3A_284] : memref<10240x128xf32, #tpu.memory_space<vmem_shared>> -> memref<160x128xf32, #tpu.memory_space<vmem_shared>>
    tpu.enqueue_dma source(%dma_start3A_285 : memref<160x128xf32, #tpu.memory_space<vmem_shared>>) target(%dma_start3A_283 : memref<160x128xf32, #tpu.memory_space<hbm>>) target_semaphore(%arg20 : memref<!tpu.dma_semaphore, #tpu.memory_space<semaphore_mem>>)
    %add3A_286 = arith.constant 320 : i32
    %add3A_287 = arith.addi %mul3A_2, %add3A_286 : i32
    %add3A_288 = arith.constant 320 : i32
    %add3A_289 = arith.addi %mul3A_2, %add3A_288 : i32
    %dma_start3A_290 = arith.constant 0 : i32
    %dma_start3A_291 = tpu.memref_slice %arg17[%add3A_289, %dma_start3A_290] : memref<10240x128xf32, #tpu.memory_space<vmem_shared>> -> memref<160x128xf32, #tpu.memory_space<vmem_shared>>
    %dma_start3A_292 = arith.constant 0 : i32
    %dma_start3A_293 = tpu.memref_slice %arg7[%add3A_287, %dma_start3A_292] : memref<10240x128xf32, #tpu.memory_space<hbm>> -> memref<160x128xf32, #tpu.memory_space<hbm>>
    tpu.enqueue_dma source(%dma_start3A_293 : memref<160x128xf32, #tpu.memory_space<hbm>>) target(%dma_start3A_291 : memref<160x128xf32, #tpu.memory_space<vmem_shared>>) target_semaphore(%arg21 : memref<!tpu.dma_semaphore, #tpu.memory_space<semaphore_mem>>)
    %add3A_294 = arith.constant 480 : i32
    %add3A_295 = arith.addi %mul3A_2, %add3A_294 : i32
    %add3A_296 = arith.constant 480 : i32
    %add3A_297 = arith.addi %mul3A_2, %add3A_296 : i32
    %dma_wait3A_298 = arith.constant 1 : i32
    %dma_wait3A_299 = arith.constant 0 : i32
    %dma_wait3A_300 = tpu.memref_slice %arg9[%arg0, %dma_wait3A_298, %add3A_297, %dma_wait3A_299] : memref<2x4x10240x128xf32, #tpu.memory_space<hbm>> -> memref<1x1x160x128xf32, #tpu.memory_space<hbm>>
    %dma_wait3A_301 = tpu.memref_squeeze %dma_wait3A_300 : memref<1x1x160x128xf32, #tpu.memory_space<hbm>> -> memref<160x128xf32, #tpu.memory_space<hbm>>
    %dma_wait3A_302 = arith.constant 0 : i32
    %dma_wait3A_303 = tpu.memref_slice %arg17[%add3A_295, %dma_wait3A_302] : memref<10240x128xf32, #tpu.memory_space<vmem_shared>> -> memref<160x128xf32, #tpu.memory_space<vmem_shared>>
    tpu.wait_dma2 semaphore(%arg20 : memref<!tpu.dma_semaphore, #tpu.memory_space<semaphore_mem>>) src(%dma_wait3A_303 : memref<160x128xf32, #tpu.memory_space<vmem_shared>>) dst(%dma_wait3A_301 : memref<160x128xf32, #tpu.memory_space<hbm>>)
    %add3A_304 = arith.constant 480 : i32
    %add3A_305 = arith.addi %mul3A_2, %add3A_304 : i32
    %add3A_306 = arith.constant 480 : i32
    %add3A_307 = arith.addi %mul3A_2, %add3A_306 : i32
    %dma_start3A_308 = arith.constant 0 : i32
    %dma_start3A_309 = tpu.memref_slice %arg17[%add3A_307, %dma_start3A_308] : memref<10240x128xf32, #tpu.memory_space<vmem_shared>> -> memref<160x128xf32, #tpu.memory_space<vmem_shared>>
    %dma_start3A_310 = arith.constant 0 : i32
    %dma_start3A_311 = tpu.memref_slice %arg7[%add3A_305, %dma_start3A_310] : memref<10240x128xf32, #tpu.memory_space<hbm>> -> memref<160x128xf32, #tpu.memory_space<hbm>>
    tpu.enqueue_dma source(%dma_start3A_311 : memref<160x128xf32, #tpu.memory_space<hbm>>) target(%dma_start3A_309 : memref<160x128xf32, #tpu.memory_space<vmem_shared>>) target_semaphore(%arg21 : memref<!tpu.dma_semaphore, #tpu.memory_space<semaphore_mem>>)
    %add3A_312 = arith.constant 0 : i32
    %add3A_313 = arith.addi %mul3A_2, %add3A_312 : i32
    %add3A_314 = arith.constant 0 : i32
    %add3A_315 = arith.addi %mul3A_2, %add3A_314 : i32
    %dma_wait3A_316 = arith.constant 0 : i32
    %dma_wait3A_317 = tpu.memref_slice %arg17[%add3A_315, %dma_wait3A_316] : memref<10240x128xf32, #tpu.memory_space<vmem_shared>> -> memref<160x128xf32, #tpu.memory_space<vmem_shared>>
    %dma_wait3A_318 = arith.constant 0 : i32
    %dma_wait3A_319 = tpu.memref_slice %arg7[%add3A_313, %dma_wait3A_318] : memref<10240x128xf32, #tpu.memory_space<hbm>> -> memref<160x128xf32, #tpu.memory_space<hbm>>
    tpu.wait_dma2 semaphore(%arg21 : memref<!tpu.dma_semaphore, #tpu.memory_space<semaphore_mem>>) src(%dma_wait3A_319 : memref<160x128xf32, #tpu.memory_space<hbm>>) dst(%dma_wait3A_317 : memref<160x128xf32, #tpu.memory_space<vmem_shared>>)
    %add3A_320 = arith.constant 160 : i32
    %add3A_321 = arith.addi %mul3A_2, %add3A_320 : i32
    %add3A_322 = arith.constant 160 : i32
    %add3A_323 = arith.addi %mul3A_2, %add3A_322 : i32
    %dma_wait3A_324 = arith.constant 0 : i32
    %dma_wait3A_325 = tpu.memref_slice %arg17[%add3A_323, %dma_wait3A_324] : memref<10240x128xf32, #tpu.memory_space<vmem_shared>> -> memref<160x128xf32, #tpu.memory_space<vmem_shared>>
    %dma_wait3A_326 = arith.constant 0 : i32
    %dma_wait3A_327 = tpu.memref_slice %arg7[%add3A_321, %dma_wait3A_326] : memref<10240x128xf32, #tpu.memory_space<hbm>> -> memref<160x128xf32, #tpu.memory_space<hbm>>
    tpu.wait_dma2 semaphore(%arg21 : memref<!tpu.dma_semaphore, #tpu.memory_space<semaphore_mem>>) src(%dma_wait3A_327 : memref<160x128xf32, #tpu.memory_space<hbm>>) dst(%dma_wait3A_325 : memref<160x128xf32, #tpu.memory_space<vmem_shared>>)
    %add3A_328 = arith.constant 320 : i32
    %add3A_329 = arith.addi %mul3A_2, %add3A_328 : i32
    %add3A_330 = arith.constant 320 : i32
    %add3A_331 = arith.addi %mul3A_2, %add3A_330 : i32
    %dma_wait3A_332 = arith.constant 0 : i32
    %dma_wait3A_333 = tpu.memref_slice %arg17[%add3A_331, %dma_wait3A_332] : memref<10240x128xf32, #tpu.memory_space<vmem_shared>> -> memref<160x128xf32, #tpu.memory_space<vmem_shared>>
    %dma_wait3A_334 = arith.constant 0 : i32
    %dma_wait3A_335 = tpu.memref_slice %arg7[%add3A_329, %dma_wait3A_334] : memref<10240x128xf32, #tpu.memory_space<hbm>> -> memref<160x128xf32, #tpu.memory_space<hbm>>
    tpu.wait_dma2 semaphore(%arg21 : memref<!tpu.dma_semaphore, #tpu.memory_space<semaphore_mem>>) src(%dma_wait3A_335 : memref<160x128xf32, #tpu.memory_space<hbm>>) dst(%dma_wait3A_333 : memref<160x128xf32, #tpu.memory_space<vmem_shared>>)
    %add3A_336 = arith.constant 480 : i32
    %add3A_337 = arith.addi %mul3A_2, %add3A_336 : i32
    %add3A_338 = arith.constant 480 : i32
    %add3A_339 = arith.addi %mul3A_2, %add3A_338 : i32
    %dma_wait3A_340 = arith.constant 0 : i32
    %dma_wait3A_341 = tpu.memref_slice %arg17[%add3A_339, %dma_wait3A_340] : memref<10240x128xf32, #tpu.memory_space<vmem_shared>> -> memref<160x128xf32, #tpu.memory_space<vmem_shared>>
    %dma_wait3A_342 = arith.constant 0 : i32
    %dma_wait3A_343 = tpu.memref_slice %arg7[%add3A_337, %dma_wait3A_342] : memref<10240x128xf32, #tpu.memory_space<hbm>> -> memref<160x128xf32, #tpu.memory_space<hbm>>
    tpu.wait_dma2 semaphore(%arg21 : memref<!tpu.dma_semaphore, #tpu.memory_space<semaphore_mem>>) src(%dma_wait3A_343 : memref<160x128xf32, #tpu.memory_space<hbm>>) dst(%dma_wait3A_341 : memref<160x128xf32, #tpu.memory_space<vmem_shared>>)
    %run_scoped3A_344 = arith.constant 2 : i32
    "tpu.region"() ({
      %run_scoped3A_610 = tpu.sem_alloc : memref<!tpu.dma_semaphore, #tpu.memory_space<semaphore_mem>>
      %dma_start3A_611 = arith.constant 0 : i32
      %dma_start3A_612 = tpu.memref_slice %arg5[%run_scoped3A_344, %add3A, %dma_start3A_611] : memref<4x32x8xi32, #tpu.memory_space<hbm>> -> memref<1x1x8xi32, #tpu.memory_space<hbm>>
      %dma_start3A_613 = tpu.memref_squeeze %dma_start3A_612 : memref<1x1x8xi32, #tpu.memory_space<hbm>> -> memref<8xi32, #tpu.memory_space<hbm>>
      %dma_start3A_614 = arith.constant 0 : i32
      %dma_start3A_615 = tpu.memref_slice %arg5[%run_scoped3A_344, %add3A, %dma_start3A_614] : memref<4x32x8xi32, #tpu.memory_space<hbm>> -> memref<1x1x8xi32, #tpu.memory_space<hbm>>
      %dma_start3A_616 = tpu.memref_squeeze %dma_start3A_615 : memref<1x1x8xi32, #tpu.memory_space<hbm>> -> memref<8xi32, #tpu.memory_space<hbm>>
      tpu.enqueue_dma source(%dma_start3A_616 : memref<8xi32, #tpu.memory_space<hbm>>) target(%arg12 : memref<8xi32, #tpu.memory_space<vmem>>) target_semaphore(%run_scoped3A_610 : memref<!tpu.dma_semaphore, #tpu.memory_space<semaphore_mem>>)
      %dma_wait3A_617 = arith.constant 0 : i32
      %dma_wait3A_618 = tpu.memref_slice %arg5[%run_scoped3A_344, %add3A, %dma_wait3A_617] : memref<4x32x8xi32, #tpu.memory_space<hbm>> -> memref<1x1x8xi32, #tpu.memory_space<hbm>>
      %dma_wait3A_619 = tpu.memref_squeeze %dma_wait3A_618 : memref<1x1x8xi32, #tpu.memory_space<hbm>> -> memref<8xi32, #tpu.memory_space<hbm>>
      %dma_wait3A_620 = arith.constant 0 : i32
      %dma_wait3A_621 = tpu.memref_slice %arg5[%run_scoped3A_344, %add3A, %dma_wait3A_620] : memref<4x32x8xi32, #tpu.memory_space<hbm>> -> memref<1x1x8xi32, #tpu.memory_space<hbm>>
      %dma_wait3A_622 = tpu.memref_squeeze %dma_wait3A_621 : memref<1x1x8xi32, #tpu.memory_space<hbm>> -> memref<8xi32, #tpu.memory_space<hbm>>
      tpu.wait_dma2 semaphore(%run_scoped3A_610 : memref<!tpu.dma_semaphore, #tpu.memory_space<semaphore_mem>>) src(%dma_wait3A_622 : memref<8xi32, #tpu.memory_space<hbm>>) dst(%arg12 : memref<8xi32, #tpu.memory_space<vmem>>)
      tpu.yield
    }) : () -> ()
    %barrier3A_345 = arith.constant 0 : index
    tpu.barrier barrier_id(%barrier3A_345)
    %scan3A_346 = arith.constant 0 : i32
    %scan3A_347 = arith.constant 0 : i32
    %scan3A_348 = arith.constant 19 : i32
    %scan3A_349 = arith.addi %scan3A_347, %scan3A_348 : i32
    %scan3A_350 = arith.constant 1 : i32
    scf.for %scan3A_610 = %scan3A_347 to %scan3A_349 step %scan3A_350  : i32 {
      %mul3A_611 = arith.constant 2 : i32
      %mul3A_612 = arith.muli %mul3A_611, %scan3A_610 : i32
      %add3A_613 = arith.constant 1 : i32
      %add3A_614 = arith.addi %mul3A_612, %add3A_613 : i32
      %dma_start3A_615 = arith.constant 0 : i32
      %dma_start3A_616 = tpu.memref_slice %arg10[%add3A_614, %dma_start3A_615] : memref<39x128xi32, #tpu.memory_space<vmem>> -> memref<1x128xi32, #tpu.memory_space<vmem>>
      %dma_start3A_617 = tpu.memref_squeeze %dma_start3A_616 : memref<1x128xi32, #tpu.memory_space<vmem>> -> memref<128xi32, #tpu.memory_space<vmem>>
      %dma_start3A_618 = arith.constant 0 : i32
      %dma_start3A_619 = arith.constant 0 : i32
      %dma_start3A_620 = tpu.memref_slice %arg2[%dma_start3A_618, %dma_start3A_619] : memref<40000x128xf32, #tpu.memory_space<hbm>> -> memref<40000x128xf32, #tpu.memory_space<hbm>>
      tpu.enqueue_indirect_dma source(%dma_start3A_620 : memref<40000x128xf32, #tpu.memory_space<hbm>>) target(%arg15 : memref<128x128xf32, #tpu.memory_space<vmem>>) offsets(%dma_start3A_617 : memref<128xi32, #tpu.memory_space<vmem>>) semaphore(%arg19 : memref<!tpu.dma_semaphore, #tpu.memory_space<semaphore_mem>>)
      %dma_wait3A_621 = arith.constant 0 : i32
      %dma_wait3A_622 = tpu.memref_slice %arg10[%mul3A_612, %dma_wait3A_621] : memref<39x128xi32, #tpu.memory_space<vmem>> -> memref<1x128xi32, #tpu.memory_space<vmem>>
      %dma_wait3A_623 = tpu.memref_squeeze %dma_wait3A_622 : memref<1x128xi32, #tpu.memory_space<vmem>> -> memref<128xi32, #tpu.memory_space<vmem>>
      %dma_wait3A_624 = arith.constant 0 : i32
      %dma_wait3A_625 = arith.constant 0 : i32
      %dma_wait3A_626 = tpu.memref_slice %arg2[%dma_wait3A_624, %dma_wait3A_625] : memref<40000x128xf32, #tpu.memory_space<hbm>> -> memref<40000x128xf32, #tpu.memory_space<hbm>>
      tpu.wait_indirect_dma semaphore(%arg18 : memref<!tpu.dma_semaphore, #tpu.memory_space<semaphore_mem>>) src(%dma_wait3A_626 : memref<40000x128xf32, #tpu.memory_space<hbm>>) dst(%arg14 : memref<128x128xf32, #tpu.memory_space<vmem>>)
      "tpu.region"() ({
        %run_scoped3A_645 = tpu.sem_alloc : memref<!tpu.dma_semaphore, #tpu.memory_space<semaphore_mem>>
        %dma_start3A_646 = arith.constant 0 : i32
        %dma_start3A_647 = tpu.memref_slice %arg11[%mul3A_612, %dma_start3A_646] : memref<39x128xi32, #tpu.memory_space<vmem>> -> memref<1x128xi32, #tpu.memory_space<vmem>>
        %dma_start3A_648 = tpu.memref_squeeze %dma_start3A_647 : memref<1x128xi32, #tpu.memory_space<vmem>> -> memref<128xi32, #tpu.memory_space<vmem>>
        %dma_start3A_649 = arith.constant 0 : i32
        %dma_start3A_650 = arith.constant 0 : i32
        %dma_start3A_651 = tpu.memref_slice %arg17[%dma_start3A_649, %dma_start3A_650] : memref<10240x128xf32, #tpu.memory_space<vmem_shared>> -> memref<10240x128xf32, #tpu.memory_space<vmem_shared>>
        tpu.enqueue_indirect_dma source(%arg14 : memref<128x128xf32, #tpu.memory_space<vmem>>) target(%dma_start3A_651 : memref<10240x128xf32, #tpu.memory_space<vmem_shared>>) offsets(%dma_start3A_648 : memref<128xi32, #tpu.memory_space<vmem>>) semaphore(%run_scoped3A_645 : memref<!tpu.dma_semaphore, #tpu.memory_space<semaphore_mem>>) {add = true}
        %dma_wait3A_652 = arith.constant 0 : i32
        %dma_wait3A_653 = tpu.memref_slice %arg11[%mul3A_612, %dma_wait3A_652] : memref<39x128xi32, #tpu.memory_space<vmem>> -> memref<1x128xi32, #tpu.memory_space<vmem>>
        %dma_wait3A_654 = tpu.memref_squeeze %dma_wait3A_653 : memref<1x128xi32, #tpu.memory_space<vmem>> -> memref<128xi32, #tpu.memory_space<vmem>>
        %dma_wait3A_655 = arith.constant 0 : i32
        %dma_wait3A_656 = arith.constant 0 : i32
        %dma_wait3A_657 = tpu.memref_slice %arg17[%dma_wait3A_655, %dma_wait3A_656] : memref<10240x128xf32, #tpu.memory_space<vmem_shared>> -> memref<10240x128xf32, #tpu.memory_space<vmem_shared>>
        tpu.wait_indirect_dma semaphore(%run_scoped3A_645 : memref<!tpu.dma_semaphore, #tpu.memory_space<semaphore_mem>>) src(%arg14 : memref<128x128xf32, #tpu.memory_space<vmem>>) dst(%dma_wait3A_657 : memref<10240x128xf32, #tpu.memory_space<vmem_shared>>)
        tpu.yield
      }) : () -> ()
      %add3A_627 = arith.constant 2 : i32
      %add3A_628 = arith.addi %mul3A_612, %add3A_627 : i32
      %dma_start3A_629 = arith.constant 0 : i32
      %dma_start3A_630 = tpu.memref_slice %arg10[%add3A_628, %dma_start3A_629] : memref<39x128xi32, #tpu.memory_space<vmem>> -> memref<1x128xi32, #tpu.memory_space<vmem>>
      %dma_start3A_631 = tpu.memref_squeeze %dma_start3A_630 : memref<1x128xi32, #tpu.memory_space<vmem>> -> memref<128xi32, #tpu.memory_space<vmem>>
      %dma_start3A_632 = arith.constant 0 : i32
      %dma_start3A_633 = arith.constant 0 : i32
      %dma_start3A_634 = tpu.memref_slice %arg2[%dma_start3A_632, %dma_start3A_633] : memref<40000x128xf32, #tpu.memory_space<hbm>> -> memref<40000x128xf32, #tpu.memory_space<hbm>>
      tpu.enqueue_indirect_dma source(%dma_start3A_634 : memref<40000x128xf32, #tpu.memory_space<hbm>>) target(%arg14 : memref<128x128xf32, #tpu.memory_space<vmem>>) offsets(%dma_start3A_631 : memref<128xi32, #tpu.memory_space<vmem>>) semaphore(%arg18 : memref<!tpu.dma_semaphore, #tpu.memory_space<semaphore_mem>>)
      %add3A_635 = arith.constant 1 : i32
      %add3A_636 = arith.addi %mul3A_612, %add3A_635 : i32
      %dma_wait3A_637 = arith.constant 0 : i32
      %dma_wait3A_638 = tpu.memref_slice %arg10[%add3A_636, %dma_wait3A_637] : memref<39x128xi32, #tpu.memory_space<vmem>> -> memref<1x128xi32, #tpu.memory_space<vmem>>
      %dma_wait3A_639 = tpu.memref_squeeze %dma_wait3A_638 : memref<1x128xi32, #tpu.memory_space<vmem>> -> memref<128xi32, #tpu.memory_space<vmem>>
      %dma_wait3A_640 = arith.constant 0 : i32
      %dma_wait3A_641 = arith.constant 0 : i32
      %dma_wait3A_642 = tpu.memref_slice %arg2[%dma_wait3A_640, %dma_wait3A_641] : memref<40000x128xf32, #tpu.memory_space<hbm>> -> memref<40000x128xf32, #tpu.memory_space<hbm>>
      tpu.wait_indirect_dma semaphore(%arg19 : memref<!tpu.dma_semaphore, #tpu.memory_space<semaphore_mem>>) src(%dma_wait3A_642 : memref<40000x128xf32, #tpu.memory_space<hbm>>) dst(%arg15 : memref<128x128xf32, #tpu.memory_space<vmem>>)
      %add3A_643 = arith.constant 1 : i32
      %add3A_644 = arith.addi %mul3A_612, %add3A_643 : i32
      "tpu.region"() ({
        %run_scoped3A_645 = tpu.sem_alloc : memref<!tpu.dma_semaphore, #tpu.memory_space<semaphore_mem>>
        %dma_start3A_646 = arith.constant 0 : i32
        %dma_start3A_647 = tpu.memref_slice %arg11[%add3A_644, %dma_start3A_646] : memref<39x128xi32, #tpu.memory_space<vmem>> -> memref<1x128xi32, #tpu.memory_space<vmem>>
        %dma_start3A_648 = tpu.memref_squeeze %dma_start3A_647 : memref<1x128xi32, #tpu.memory_space<vmem>> -> memref<128xi32, #tpu.memory_space<vmem>>
        %dma_start3A_649 = arith.constant 0 : i32
        %dma_start3A_650 = arith.constant 0 : i32
        %dma_start3A_651 = tpu.memref_slice %arg17[%dma_start3A_649, %dma_start3A_650] : memref<10240x128xf32, #tpu.memory_space<vmem_shared>> -> memref<10240x128xf32, #tpu.memory_space<vmem_shared>>
        tpu.enqueue_indirect_dma source(%arg15 : memref<128x128xf32, #tpu.memory_space<vmem>>) target(%dma_start3A_651 : memref<10240x128xf32, #tpu.memory_space<vmem_shared>>) offsets(%dma_start3A_648 : memref<128xi32, #tpu.memory_space<vmem>>) semaphore(%run_scoped3A_645 : memref<!tpu.dma_semaphore, #tpu.memory_space<semaphore_mem>>) {add = true}
        %dma_wait3A_652 = arith.constant 0 : i32
        %dma_wait3A_653 = tpu.memref_slice %arg11[%add3A_644, %dma_wait3A_652] : memref<39x128xi32, #tpu.memory_space<vmem>> -> memref<1x128xi32, #tpu.memory_space<vmem>>
        %dma_wait3A_654 = tpu.memref_squeeze %dma_wait3A_653 : memref<1x128xi32, #tpu.memory_space<vmem>> -> memref<128xi32, #tpu.memory_space<vmem>>
        %dma_wait3A_655 = arith.constant 0 : i32
        %dma_wait3A_656 = arith.constant 0 : i32
        %dma_wait3A_657 = tpu.memref_slice %arg17[%dma_wait3A_655, %dma_wait3A_656] : memref<10240x128xf32, #tpu.memory_space<vmem_shared>> -> memref<10240x128xf32, #tpu.memory_space<vmem_shared>>
        tpu.wait_indirect_dma semaphore(%run_scoped3A_645 : memref<!tpu.dma_semaphore, #tpu.memory_space<semaphore_mem>>) src(%arg15 : memref<128x128xf32, #tpu.memory_space<vmem>>) dst(%dma_wait3A_657 : memref<10240x128xf32, #tpu.memory_space<vmem_shared>>)
        tpu.yield
      }) : () -> ()
    }
    %scan3A_351 = arith.constant 19 : i32
    %dma_wait3A_352 = arith.constant 38 : i32
    %dma_wait3A_353 = arith.constant 0 : i32
    %dma_wait3A_354 = tpu.memref_slice %arg10[%dma_wait3A_352, %dma_wait3A_353] : memref<39x128xi32, #tpu.memory_space<vmem>> -> memref<1x128xi32, #tpu.memory_space<vmem>>
    %dma_wait3A_355 = tpu.memref_squeeze %dma_wait3A_354 : memref<1x128xi32, #tpu.memory_space<vmem>> -> memref<128xi32, #tpu.memory_space<vmem>>
    %dma_wait3A_356 = arith.constant 0 : i32
    %dma_wait3A_357 = arith.constant 0 : i32
    %dma_wait3A_358 = tpu.memref_slice %arg2[%dma_wait3A_356, %dma_wait3A_357] : memref<40000x128xf32, #tpu.memory_space<hbm>> -> memref<40000x128xf32, #tpu.memory_space<hbm>>
    tpu.wait_indirect_dma semaphore(%arg18 : memref<!tpu.dma_semaphore, #tpu.memory_space<semaphore_mem>>) src(%dma_wait3A_358 : memref<40000x128xf32, #tpu.memory_space<hbm>>) dst(%arg14 : memref<128x128xf32, #tpu.memory_space<vmem>>)
    %run_scoped3A_359 = arith.constant 38 : i32
    "tpu.region"() ({
      %run_scoped3A_610 = tpu.sem_alloc : memref<!tpu.dma_semaphore, #tpu.memory_space<semaphore_mem>>
      %dma_start3A_611 = arith.constant 0 : i32
      %dma_start3A_612 = tpu.memref_slice %arg11[%run_scoped3A_359, %dma_start3A_611] : memref<39x128xi32, #tpu.memory_space<vmem>> -> memref<1x128xi32, #tpu.memory_space<vmem>>
      %dma_start3A_613 = tpu.memref_squeeze %dma_start3A_612 : memref<1x128xi32, #tpu.memory_space<vmem>> -> memref<128xi32, #tpu.memory_space<vmem>>
      %dma_start3A_614 = arith.constant 0 : i32
      %dma_start3A_615 = arith.constant 0 : i32
      %dma_start3A_616 = tpu.memref_slice %arg17[%dma_start3A_614, %dma_start3A_615] : memref<10240x128xf32, #tpu.memory_space<vmem_shared>> -> memref<10240x128xf32, #tpu.memory_space<vmem_shared>>
      tpu.enqueue_indirect_dma source(%arg14 : memref<128x128xf32, #tpu.memory_space<vmem>>) target(%dma_start3A_616 : memref<10240x128xf32, #tpu.memory_space<vmem_shared>>) offsets(%dma_start3A_613 : memref<128xi32, #tpu.memory_space<vmem>>) semaphore(%run_scoped3A_610 : memref<!tpu.dma_semaphore, #tpu.memory_space<semaphore_mem>>) {add = true}
      %dma_wait3A_617 = arith.constant 0 : i32
      %dma_wait3A_618 = tpu.memref_slice %arg11[%run_scoped3A_359, %dma_wait3A_617] : memref<39x128xi32, #tpu.memory_space<vmem>> -> memref<1x128xi32, #tpu.memory_space<vmem>>
      %dma_wait3A_619 = tpu.memref_squeeze %dma_wait3A_618 : memref<1x128xi32, #tpu.memory_space<vmem>> -> memref<128xi32, #tpu.memory_space<vmem>>
      %dma_wait3A_620 = arith.constant 0 : i32
      %dma_wait3A_621 = arith.constant 0 : i32
      %dma_wait3A_622 = tpu.memref_slice %arg17[%dma_wait3A_620, %dma_wait3A_621] : memref<10240x128xf32, #tpu.memory_space<vmem_shared>> -> memref<10240x128xf32, #tpu.memory_space<vmem_shared>>
      tpu.wait_indirect_dma semaphore(%run_scoped3A_610 : memref<!tpu.dma_semaphore, #tpu.memory_space<semaphore_mem>>) src(%arg14 : memref<128x128xf32, #tpu.memory_space<vmem>>) dst(%dma_wait3A_622 : memref<10240x128xf32, #tpu.memory_space<vmem_shared>>)
      tpu.yield
    }) : () -> ()
    %run_scoped3A_360 = arith.constant 3 : i32
    "tpu.region"() ({
      %run_scoped3A_610 = tpu.sem_alloc : memref<!tpu.dma_semaphore, #tpu.memory_space<semaphore_mem>>
      %dma_start3A_611 = arith.constant 0 : i32
      %dma_start3A_612 = arith.constant 0 : i32
      %dma_start3A_613 = tpu.memref_slice %arg3[%run_scoped3A_360, %add3A, %dma_start3A_611, %dma_start3A_612] : memref<4x32x39x128xi32, #tpu.memory_space<hbm>> -> memref<1x1x39x128xi32, #tpu.memory_space<hbm>>
      %dma_start3A_614 = tpu.memref_squeeze %dma_start3A_613 : memref<1x1x39x128xi32, #tpu.memory_space<hbm>> -> memref<39x128xi32, #tpu.memory_space<hbm>>
      %dma_start3A_615 = arith.constant 0 : i32
      %dma_start3A_616 = arith.constant 0 : i32
      %dma_start3A_617 = tpu.memref_slice %arg3[%run_scoped3A_360, %add3A, %dma_start3A_615, %dma_start3A_616] : memref<4x32x39x128xi32, #tpu.memory_space<hbm>> -> memref<1x1x39x128xi32, #tpu.memory_space<hbm>>
      %dma_start3A_618 = tpu.memref_squeeze %dma_start3A_617 : memref<1x1x39x128xi32, #tpu.memory_space<hbm>> -> memref<39x128xi32, #tpu.memory_space<hbm>>
      tpu.enqueue_dma source(%dma_start3A_618 : memref<39x128xi32, #tpu.memory_space<hbm>>) target(%arg10 : memref<39x128xi32, #tpu.memory_space<vmem>>) target_semaphore(%run_scoped3A_610 : memref<!tpu.dma_semaphore, #tpu.memory_space<semaphore_mem>>)
      %dma_wait3A_619 = arith.constant 0 : i32
      %dma_wait3A_620 = arith.constant 0 : i32
      %dma_wait3A_621 = tpu.memref_slice %arg3[%run_scoped3A_360, %add3A, %dma_wait3A_619, %dma_wait3A_620] : memref<4x32x39x128xi32, #tpu.memory_space<hbm>> -> memref<1x1x39x128xi32, #tpu.memory_space<hbm>>
      %dma_wait3A_622 = tpu.memref_squeeze %dma_wait3A_621 : memref<1x1x39x128xi32, #tpu.memory_space<hbm>> -> memref<39x128xi32, #tpu.memory_space<hbm>>
      %dma_wait3A_623 = arith.constant 0 : i32
      %dma_wait3A_624 = arith.constant 0 : i32
      %dma_wait3A_625 = tpu.memref_slice %arg3[%run_scoped3A_360, %add3A, %dma_wait3A_623, %dma_wait3A_624] : memref<4x32x39x128xi32, #tpu.memory_space<hbm>> -> memref<1x1x39x128xi32, #tpu.memory_space<hbm>>
      %dma_wait3A_626 = tpu.memref_squeeze %dma_wait3A_625 : memref<1x1x39x128xi32, #tpu.memory_space<hbm>> -> memref<39x128xi32, #tpu.memory_space<hbm>>
      tpu.wait_dma2 semaphore(%run_scoped3A_610 : memref<!tpu.dma_semaphore, #tpu.memory_space<semaphore_mem>>) src(%dma_wait3A_626 : memref<39x128xi32, #tpu.memory_space<hbm>>) dst(%arg10 : memref<39x128xi32, #tpu.memory_space<vmem>>)
      tpu.yield
    }) : () -> ()
    %dma_start3A_361 = arith.constant 0 : i32
    %dma_start3A_362 = arith.constant 0 : i32
    %dma_start3A_363 = tpu.memref_slice %arg10[%dma_start3A_361, %dma_start3A_362] : memref<39x128xi32, #tpu.memory_space<vmem>> -> memref<1x128xi32, #tpu.memory_space<vmem>>
    %dma_start3A_364 = tpu.memref_squeeze %dma_start3A_363 : memref<1x128xi32, #tpu.memory_space<vmem>> -> memref<128xi32, #tpu.memory_space<vmem>>
    %dma_start3A_365 = arith.constant 0 : i32
    %dma_start3A_366 = arith.constant 0 : i32
    %dma_start3A_367 = tpu.memref_slice %arg2[%dma_start3A_365, %dma_start3A_366] : memref<40000x128xf32, #tpu.memory_space<hbm>> -> memref<40000x128xf32, #tpu.memory_space<hbm>>
    tpu.enqueue_indirect_dma source(%dma_start3A_367 : memref<40000x128xf32, #tpu.memory_space<hbm>>) target(%arg14 : memref<128x128xf32, #tpu.memory_space<vmem>>) offsets(%dma_start3A_364 : memref<128xi32, #tpu.memory_space<vmem>>) semaphore(%arg18 : memref<!tpu.dma_semaphore, #tpu.memory_space<semaphore_mem>>)
    "tpu.region"() ({
      %run_scoped3A_610 = tpu.sem_alloc : memref<!tpu.dma_semaphore, #tpu.memory_space<semaphore_mem>>
      %dma_start3A_611 = arith.constant 0 : i32
      %dma_start3A_612 = arith.constant 0 : i32
      %dma_start3A_613 = tpu.memref_slice %arg2[%dma_start3A_611, %dma_start3A_612] : memref<40000x128xf32, #tpu.memory_space<hbm>> -> memref<40000x128xf32, #tpu.memory_space<hbm>>
      tpu.enqueue_indirect_dma source(%dma_start3A_613 : memref<40000x128xf32, #tpu.memory_space<hbm>>) target(%arg16 : memref<8x128xf32, #tpu.memory_space<vmem>>) offsets(%arg12 : memref<8xi32, #tpu.memory_space<vmem>>) semaphore(%run_scoped3A_610 : memref<!tpu.dma_semaphore, #tpu.memory_space<semaphore_mem>>)
      %dma_wait3A_614 = arith.constant 0 : i32
      %dma_wait3A_615 = arith.constant 0 : i32
      %dma_wait3A_616 = tpu.memref_slice %arg2[%dma_wait3A_614, %dma_wait3A_615] : memref<40000x128xf32, #tpu.memory_space<hbm>> -> memref<40000x128xf32, #tpu.memory_space<hbm>>
      tpu.wait_indirect_dma semaphore(%run_scoped3A_610 : memref<!tpu.dma_semaphore, #tpu.memory_space<semaphore_mem>>) src(%dma_wait3A_616 : memref<40000x128xf32, #tpu.memory_space<hbm>>) dst(%arg16 : memref<8x128xf32, #tpu.memory_space<vmem>>)
      tpu.yield
    }) : () -> ()
    "tpu.region"() ({
      %run_scoped3A_610 = tpu.sem_alloc : memref<!tpu.dma_semaphore, #tpu.memory_space<semaphore_mem>>
      %dma_start3A_611 = arith.constant 0 : i32
      %dma_start3A_612 = arith.constant 0 : i32
      %dma_start3A_613 = tpu.memref_slice %arg17[%dma_start3A_611, %dma_start3A_612] : memref<10240x128xf32, #tpu.memory_space<vmem_shared>> -> memref<10240x128xf32, #tpu.memory_space<vmem_shared>>
      tpu.enqueue_indirect_dma source(%arg16 : memref<8x128xf32, #tpu.memory_space<vmem>>) target(%dma_start3A_613 : memref<10240x128xf32, #tpu.memory_space<vmem_shared>>) offsets(%arg13 : memref<8xi32, #tpu.memory_space<vmem>>) semaphore(%run_scoped3A_610 : memref<!tpu.dma_semaphore, #tpu.memory_space<semaphore_mem>>) {add = true}
      %dma_wait3A_614 = arith.constant 0 : i32
      %dma_wait3A_615 = arith.constant 0 : i32
      %dma_wait3A_616 = tpu.memref_slice %arg17[%dma_wait3A_614, %dma_wait3A_615] : memref<10240x128xf32, #tpu.memory_space<vmem_shared>> -> memref<10240x128xf32, #tpu.memory_space<vmem_shared>>
      tpu.wait_indirect_dma semaphore(%run_scoped3A_610 : memref<!tpu.dma_semaphore, #tpu.memory_space<semaphore_mem>>) src(%arg16 : memref<8x128xf32, #tpu.memory_space<vmem>>) dst(%dma_wait3A_616 : memref<10240x128xf32, #tpu.memory_space<vmem_shared>>)
      tpu.yield
    }) : () -> ()
    %barrier3A_368 = arith.constant 0 : index
    tpu.barrier barrier_id(%barrier3A_368)
    %add3A_369 = arith.constant 0 : i32
    %add3A_370 = arith.addi %mul3A_2, %add3A_369 : i32
    %add3A_371 = arith.constant 0 : i32
    %add3A_372 = arith.addi %mul3A_2, %add3A_371 : i32
    %dma_start3A_373 = arith.constant 2 : i32
    %dma_start3A_374 = arith.constant 0 : i32
    %dma_start3A_375 = tpu.memref_slice %arg9[%arg0, %dma_start3A_373, %add3A_372, %dma_start3A_374] : memref<2x4x10240x128xf32, #tpu.memory_space<hbm>> -> memref<1x1x160x128xf32, #tpu.memory_space<hbm>>
    %dma_start3A_376 = tpu.memref_squeeze %dma_start3A_375 : memref<1x1x160x128xf32, #tpu.memory_space<hbm>> -> memref<160x128xf32, #tpu.memory_space<hbm>>
    %dma_start3A_377 = arith.constant 0 : i32
    %dma_start3A_378 = tpu.memref_slice %arg17[%add3A_370, %dma_start3A_377] : memref<10240x128xf32, #tpu.memory_space<vmem_shared>> -> memref<160x128xf32, #tpu.memory_space<vmem_shared>>
    tpu.enqueue_dma source(%dma_start3A_378 : memref<160x128xf32, #tpu.memory_space<vmem_shared>>) target(%dma_start3A_376 : memref<160x128xf32, #tpu.memory_space<hbm>>) target_semaphore(%arg20 : memref<!tpu.dma_semaphore, #tpu.memory_space<semaphore_mem>>)
    %add3A_379 = arith.constant 0 : i32
    %add3A_380 = arith.addi %mul3A_2, %add3A_379 : i32
    %add3A_381 = arith.constant 0 : i32
    %add3A_382 = arith.addi %mul3A_2, %add3A_381 : i32
    %dma_wait3A_383 = arith.constant 2 : i32
    %dma_wait3A_384 = arith.constant 0 : i32
    %dma_wait3A_385 = tpu.memref_slice %arg9[%arg0, %dma_wait3A_383, %add3A_382, %dma_wait3A_384] : memref<2x4x10240x128xf32, #tpu.memory_space<hbm>> -> memref<1x1x160x128xf32, #tpu.memory_space<hbm>>
    %dma_wait3A_386 = tpu.memref_squeeze %dma_wait3A_385 : memref<1x1x160x128xf32, #tpu.memory_space<hbm>> -> memref<160x128xf32, #tpu.memory_space<hbm>>
    %dma_wait3A_387 = arith.constant 0 : i32
    %dma_wait3A_388 = tpu.memref_slice %arg17[%add3A_380, %dma_wait3A_387] : memref<10240x128xf32, #tpu.memory_space<vmem_shared>> -> memref<160x128xf32, #tpu.memory_space<vmem_shared>>
    tpu.wait_dma2 semaphore(%arg20 : memref<!tpu.dma_semaphore, #tpu.memory_space<semaphore_mem>>) src(%dma_wait3A_388 : memref<160x128xf32, #tpu.memory_space<vmem_shared>>) dst(%dma_wait3A_386 : memref<160x128xf32, #tpu.memory_space<hbm>>)
    %add3A_389 = arith.constant 160 : i32
    %add3A_390 = arith.addi %mul3A_2, %add3A_389 : i32
    %add3A_391 = arith.constant 160 : i32
    %add3A_392 = arith.addi %mul3A_2, %add3A_391 : i32
    %dma_start3A_393 = arith.constant 2 : i32
    %dma_start3A_394 = arith.constant 0 : i32
    %dma_start3A_395 = tpu.memref_slice %arg9[%arg0, %dma_start3A_393, %add3A_392, %dma_start3A_394] : memref<2x4x10240x128xf32, #tpu.memory_space<hbm>> -> memref<1x1x160x128xf32, #tpu.memory_space<hbm>>
    %dma_start3A_396 = tpu.memref_squeeze %dma_start3A_395 : memref<1x1x160x128xf32, #tpu.memory_space<hbm>> -> memref<160x128xf32, #tpu.memory_space<hbm>>
    %dma_start3A_397 = arith.constant 0 : i32
    %dma_start3A_398 = tpu.memref_slice %arg17[%add3A_390, %dma_start3A_397] : memref<10240x128xf32, #tpu.memory_space<vmem_shared>> -> memref<160x128xf32, #tpu.memory_space<vmem_shared>>
    tpu.enqueue_dma source(%dma_start3A_398 : memref<160x128xf32, #tpu.memory_space<vmem_shared>>) target(%dma_start3A_396 : memref<160x128xf32, #tpu.memory_space<hbm>>) target_semaphore(%arg20 : memref<!tpu.dma_semaphore, #tpu.memory_space<semaphore_mem>>)
    %add3A_399 = arith.constant 0 : i32
    %add3A_400 = arith.addi %mul3A_2, %add3A_399 : i32
    %add3A_401 = arith.constant 0 : i32
    %add3A_402 = arith.addi %mul3A_2, %add3A_401 : i32
    %dma_start3A_403 = arith.constant 0 : i32
    %dma_start3A_404 = tpu.memref_slice %arg17[%add3A_402, %dma_start3A_403] : memref<10240x128xf32, #tpu.memory_space<vmem_shared>> -> memref<160x128xf32, #tpu.memory_space<vmem_shared>>
    %dma_start3A_405 = arith.constant 0 : i32
    %dma_start3A_406 = tpu.memref_slice %arg7[%add3A_400, %dma_start3A_405] : memref<10240x128xf32, #tpu.memory_space<hbm>> -> memref<160x128xf32, #tpu.memory_space<hbm>>
    tpu.enqueue_dma source(%dma_start3A_406 : memref<160x128xf32, #tpu.memory_space<hbm>>) target(%dma_start3A_404 : memref<160x128xf32, #tpu.memory_space<vmem_shared>>) target_semaphore(%arg21 : memref<!tpu.dma_semaphore, #tpu.memory_space<semaphore_mem>>)
    %add3A_407 = arith.constant 160 : i32
    %add3A_408 = arith.addi %mul3A_2, %add3A_407 : i32
    %add3A_409 = arith.constant 160 : i32
    %add3A_410 = arith.addi %mul3A_2, %add3A_409 : i32
    %dma_wait3A_411 = arith.constant 2 : i32
    %dma_wait3A_412 = arith.constant 0 : i32
    %dma_wait3A_413 = tpu.memref_slice %arg9[%arg0, %dma_wait3A_411, %add3A_410, %dma_wait3A_412] : memref<2x4x10240x128xf32, #tpu.memory_space<hbm>> -> memref<1x1x160x128xf32, #tpu.memory_space<hbm>>
    %dma_wait3A_414 = tpu.memref_squeeze %dma_wait3A_413 : memref<1x1x160x128xf32, #tpu.memory_space<hbm>> -> memref<160x128xf32, #tpu.memory_space<hbm>>
    %dma_wait3A_415 = arith.constant 0 : i32
    %dma_wait3A_416 = tpu.memref_slice %arg17[%add3A_408, %dma_wait3A_415] : memref<10240x128xf32, #tpu.memory_space<vmem_shared>> -> memref<160x128xf32, #tpu.memory_space<vmem_shared>>
    tpu.wait_dma2 semaphore(%arg20 : memref<!tpu.dma_semaphore, #tpu.memory_space<semaphore_mem>>) src(%dma_wait3A_416 : memref<160x128xf32, #tpu.memory_space<vmem_shared>>) dst(%dma_wait3A_414 : memref<160x128xf32, #tpu.memory_space<hbm>>)
    %add3A_417 = arith.constant 320 : i32
    %add3A_418 = arith.addi %mul3A_2, %add3A_417 : i32
    %add3A_419 = arith.constant 320 : i32
    %add3A_420 = arith.addi %mul3A_2, %add3A_419 : i32
    %dma_start3A_421 = arith.constant 2 : i32
    %dma_start3A_422 = arith.constant 0 : i32
    %dma_start3A_423 = tpu.memref_slice %arg9[%arg0, %dma_start3A_421, %add3A_420, %dma_start3A_422] : memref<2x4x10240x128xf32, #tpu.memory_space<hbm>> -> memref<1x1x160x128xf32, #tpu.memory_space<hbm>>
    %dma_start3A_424 = tpu.memref_squeeze %dma_start3A_423 : memref<1x1x160x128xf32, #tpu.memory_space<hbm>> -> memref<160x128xf32, #tpu.memory_space<hbm>>
    %dma_start3A_425 = arith.constant 0 : i32
    %dma_start3A_426 = tpu.memref_slice %arg17[%add3A_418, %dma_start3A_425] : memref<10240x128xf32, #tpu.memory_space<vmem_shared>> -> memref<160x128xf32, #tpu.memory_space<vmem_shared>>
    tpu.enqueue_dma source(%dma_start3A_426 : memref<160x128xf32, #tpu.memory_space<vmem_shared>>) target(%dma_start3A_424 : memref<160x128xf32, #tpu.memory_space<hbm>>) target_semaphore(%arg20 : memref<!tpu.dma_semaphore, #tpu.memory_space<semaphore_mem>>)
    %add3A_427 = arith.constant 160 : i32
    %add3A_428 = arith.addi %mul3A_2, %add3A_427 : i32
    %add3A_429 = arith.constant 160 : i32
    %add3A_430 = arith.addi %mul3A_2, %add3A_429 : i32
    %dma_start3A_431 = arith.constant 0 : i32
    %dma_start3A_432 = tpu.memref_slice %arg17[%add3A_430, %dma_start3A_431] : memref<10240x128xf32, #tpu.memory_space<vmem_shared>> -> memref<160x128xf32, #tpu.memory_space<vmem_shared>>
    %dma_start3A_433 = arith.constant 0 : i32
    %dma_start3A_434 = tpu.memref_slice %arg7[%add3A_428, %dma_start3A_433] : memref<10240x128xf32, #tpu.memory_space<hbm>> -> memref<160x128xf32, #tpu.memory_space<hbm>>
    tpu.enqueue_dma source(%dma_start3A_434 : memref<160x128xf32, #tpu.memory_space<hbm>>) target(%dma_start3A_432 : memref<160x128xf32, #tpu.memory_space<vmem_shared>>) target_semaphore(%arg21 : memref<!tpu.dma_semaphore, #tpu.memory_space<semaphore_mem>>)
    %add3A_435 = arith.constant 320 : i32
    %add3A_436 = arith.addi %mul3A_2, %add3A_435 : i32
    %add3A_437 = arith.constant 320 : i32
    %add3A_438 = arith.addi %mul3A_2, %add3A_437 : i32
    %dma_wait3A_439 = arith.constant 2 : i32
    %dma_wait3A_440 = arith.constant 0 : i32
    %dma_wait3A_441 = tpu.memref_slice %arg9[%arg0, %dma_wait3A_439, %add3A_438, %dma_wait3A_440] : memref<2x4x10240x128xf32, #tpu.memory_space<hbm>> -> memref<1x1x160x128xf32, #tpu.memory_space<hbm>>
    %dma_wait3A_442 = tpu.memref_squeeze %dma_wait3A_441 : memref<1x1x160x128xf32, #tpu.memory_space<hbm>> -> memref<160x128xf32, #tpu.memory_space<hbm>>
    %dma_wait3A_443 = arith.constant 0 : i32
    %dma_wait3A_444 = tpu.memref_slice %arg17[%add3A_436, %dma_wait3A_443] : memref<10240x128xf32, #tpu.memory_space<vmem_shared>> -> memref<160x128xf32, #tpu.memory_space<vmem_shared>>
    tpu.wait_dma2 semaphore(%arg20 : memref<!tpu.dma_semaphore, #tpu.memory_space<semaphore_mem>>) src(%dma_wait3A_444 : memref<160x128xf32, #tpu.memory_space<vmem_shared>>) dst(%dma_wait3A_442 : memref<160x128xf32, #tpu.memory_space<hbm>>)
    %add3A_445 = arith.constant 480 : i32
    %add3A_446 = arith.addi %mul3A_2, %add3A_445 : i32
    %add3A_447 = arith.constant 480 : i32
    %add3A_448 = arith.addi %mul3A_2, %add3A_447 : i32
    %dma_start3A_449 = arith.constant 2 : i32
    %dma_start3A_450 = arith.constant 0 : i32
    %dma_start3A_451 = tpu.memref_slice %arg9[%arg0, %dma_start3A_449, %add3A_448, %dma_start3A_450] : memref<2x4x10240x128xf32, #tpu.memory_space<hbm>> -> memref<1x1x160x128xf32, #tpu.memory_space<hbm>>
    %dma_start3A_452 = tpu.memref_squeeze %dma_start3A_451 : memref<1x1x160x128xf32, #tpu.memory_space<hbm>> -> memref<160x128xf32, #tpu.memory_space<hbm>>
    %dma_start3A_453 = arith.constant 0 : i32
    %dma_start3A_454 = tpu.memref_slice %arg17[%add3A_446, %dma_start3A_453] : memref<10240x128xf32, #tpu.memory_space<vmem_shared>> -> memref<160x128xf32, #tpu.memory_space<vmem_shared>>
    tpu.enqueue_dma source(%dma_start3A_454 : memref<160x128xf32, #tpu.memory_space<vmem_shared>>) target(%dma_start3A_452 : memref<160x128xf32, #tpu.memory_space<hbm>>) target_semaphore(%arg20 : memref<!tpu.dma_semaphore, #tpu.memory_space<semaphore_mem>>)
    %add3A_455 = arith.constant 320 : i32
    %add3A_456 = arith.addi %mul3A_2, %add3A_455 : i32
    %add3A_457 = arith.constant 320 : i32
    %add3A_458 = arith.addi %mul3A_2, %add3A_457 : i32
    %dma_start3A_459 = arith.constant 0 : i32
    %dma_start3A_460 = tpu.memref_slice %arg17[%add3A_458, %dma_start3A_459] : memref<10240x128xf32, #tpu.memory_space<vmem_shared>> -> memref<160x128xf32, #tpu.memory_space<vmem_shared>>
    %dma_start3A_461 = arith.constant 0 : i32
    %dma_start3A_462 = tpu.memref_slice %arg7[%add3A_456, %dma_start3A_461] : memref<10240x128xf32, #tpu.memory_space<hbm>> -> memref<160x128xf32, #tpu.memory_space<hbm>>
    tpu.enqueue_dma source(%dma_start3A_462 : memref<160x128xf32, #tpu.memory_space<hbm>>) target(%dma_start3A_460 : memref<160x128xf32, #tpu.memory_space<vmem_shared>>) target_semaphore(%arg21 : memref<!tpu.dma_semaphore, #tpu.memory_space<semaphore_mem>>)
    %add3A_463 = arith.constant 480 : i32
    %add3A_464 = arith.addi %mul3A_2, %add3A_463 : i32
    %add3A_465 = arith.constant 480 : i32
    %add3A_466 = arith.addi %mul3A_2, %add3A_465 : i32
    %dma_wait3A_467 = arith.constant 2 : i32
    %dma_wait3A_468 = arith.constant 0 : i32
    %dma_wait3A_469 = tpu.memref_slice %arg9[%arg0, %dma_wait3A_467, %add3A_466, %dma_wait3A_468] : memref<2x4x10240x128xf32, #tpu.memory_space<hbm>> -> memref<1x1x160x128xf32, #tpu.memory_space<hbm>>
    %dma_wait3A_470 = tpu.memref_squeeze %dma_wait3A_469 : memref<1x1x160x128xf32, #tpu.memory_space<hbm>> -> memref<160x128xf32, #tpu.memory_space<hbm>>
    %dma_wait3A_471 = arith.constant 0 : i32
    %dma_wait3A_472 = tpu.memref_slice %arg17[%add3A_464, %dma_wait3A_471] : memref<10240x128xf32, #tpu.memory_space<vmem_shared>> -> memref<160x128xf32, #tpu.memory_space<vmem_shared>>
    tpu.wait_dma2 semaphore(%arg20 : memref<!tpu.dma_semaphore, #tpu.memory_space<semaphore_mem>>) src(%dma_wait3A_472 : memref<160x128xf32, #tpu.memory_space<vmem_shared>>) dst(%dma_wait3A_470 : memref<160x128xf32, #tpu.memory_space<hbm>>)
    %add3A_473 = arith.constant 480 : i32
    %add3A_474 = arith.addi %mul3A_2, %add3A_473 : i32
    %add3A_475 = arith.constant 480 : i32
    %add3A_476 = arith.addi %mul3A_2, %add3A_475 : i32
    %dma_start3A_477 = arith.constant 0 : i32
    %dma_start3A_478 = tpu.memref_slice %arg17[%add3A_476, %dma_start3A_477] : memref<10240x128xf32, #tpu.memory_space<vmem_shared>> -> memref<160x128xf32, #tpu.memory_space<vmem_shared>>
    %dma_start3A_479 = arith.constant 0 : i32
    %dma_start3A_480 = tpu.memref_slice %arg7[%add3A_474, %dma_start3A_479] : memref<10240x128xf32, #tpu.memory_space<hbm>> -> memref<160x128xf32, #tpu.memory_space<hbm>>
    tpu.enqueue_dma source(%dma_start3A_480 : memref<160x128xf32, #tpu.memory_space<hbm>>) target(%dma_start3A_478 : memref<160x128xf32, #tpu.memory_space<vmem_shared>>) target_semaphore(%arg21 : memref<!tpu.dma_semaphore, #tpu.memory_space<semaphore_mem>>)
    %add3A_481 = arith.constant 0 : i32
    %add3A_482 = arith.addi %mul3A_2, %add3A_481 : i32
    %add3A_483 = arith.constant 0 : i32
    %add3A_484 = arith.addi %mul3A_2, %add3A_483 : i32
    %dma_wait3A_485 = arith.constant 0 : i32
    %dma_wait3A_486 = tpu.memref_slice %arg17[%add3A_484, %dma_wait3A_485] : memref<10240x128xf32, #tpu.memory_space<vmem_shared>> -> memref<160x128xf32, #tpu.memory_space<vmem_shared>>
    %dma_wait3A_487 = arith.constant 0 : i32
    %dma_wait3A_488 = tpu.memref_slice %arg7[%add3A_482, %dma_wait3A_487] : memref<10240x128xf32, #tpu.memory_space<hbm>> -> memref<160x128xf32, #tpu.memory_space<hbm>>
    tpu.wait_dma2 semaphore(%arg21 : memref<!tpu.dma_semaphore, #tpu.memory_space<semaphore_mem>>) src(%dma_wait3A_488 : memref<160x128xf32, #tpu.memory_space<hbm>>) dst(%dma_wait3A_486 : memref<160x128xf32, #tpu.memory_space<vmem_shared>>)
    %add3A_489 = arith.constant 160 : i32
    %add3A_490 = arith.addi %mul3A_2, %add3A_489 : i32
    %add3A_491 = arith.constant 160 : i32
    %add3A_492 = arith.addi %mul3A_2, %add3A_491 : i32
    %dma_wait3A_493 = arith.constant 0 : i32
    %dma_wait3A_494 = tpu.memref_slice %arg17[%add3A_492, %dma_wait3A_493] : memref<10240x128xf32, #tpu.memory_space<vmem_shared>> -> memref<160x128xf32, #tpu.memory_space<vmem_shared>>
    %dma_wait3A_495 = arith.constant 0 : i32
    %dma_wait3A_496 = tpu.memref_slice %arg7[%add3A_490, %dma_wait3A_495] : memref<10240x128xf32, #tpu.memory_space<hbm>> -> memref<160x128xf32, #tpu.memory_space<hbm>>
    tpu.wait_dma2 semaphore(%arg21 : memref<!tpu.dma_semaphore, #tpu.memory_space<semaphore_mem>>) src(%dma_wait3A_496 : memref<160x128xf32, #tpu.memory_space<hbm>>) dst(%dma_wait3A_494 : memref<160x128xf32, #tpu.memory_space<vmem_shared>>)
    %add3A_497 = arith.constant 320 : i32
    %add3A_498 = arith.addi %mul3A_2, %add3A_497 : i32
    %add3A_499 = arith.constant 320 : i32
    %add3A_500 = arith.addi %mul3A_2, %add3A_499 : i32
    %dma_wait3A_501 = arith.constant 0 : i32
    %dma_wait3A_502 = tpu.memref_slice %arg17[%add3A_500, %dma_wait3A_501] : memref<10240x128xf32, #tpu.memory_space<vmem_shared>> -> memref<160x128xf32, #tpu.memory_space<vmem_shared>>
    %dma_wait3A_503 = arith.constant 0 : i32
    %dma_wait3A_504 = tpu.memref_slice %arg7[%add3A_498, %dma_wait3A_503] : memref<10240x128xf32, #tpu.memory_space<hbm>> -> memref<160x128xf32, #tpu.memory_space<hbm>>
    tpu.wait_dma2 semaphore(%arg21 : memref<!tpu.dma_semaphore, #tpu.memory_space<semaphore_mem>>) src(%dma_wait3A_504 : memref<160x128xf32, #tpu.memory_space<hbm>>) dst(%dma_wait3A_502 : memref<160x128xf32, #tpu.memory_space<vmem_shared>>)
    %add3A_505 = arith.constant 480 : i32
    %add3A_506 = arith.addi %mul3A_2, %add3A_505 : i32
    %add3A_507 = arith.constant 480 : i32
    %add3A_508 = arith.addi %mul3A_2, %add3A_507 : i32
    %dma_wait3A_509 = arith.constant 0 : i32
    %dma_wait3A_510 = tpu.memref_slice %arg17[%add3A_508, %dma_wait3A_509] : memref<10240x128xf32, #tpu.memory_space<vmem_shared>> -> memref<160x128xf32, #tpu.memory_space<vmem_shared>>
    %dma_wait3A_511 = arith.constant 0 : i32
    %dma_wait3A_512 = tpu.memref_slice %arg7[%add3A_506, %dma_wait3A_511] : memref<10240x128xf32, #tpu.memory_space<hbm>> -> memref<160x128xf32, #tpu.memory_space<hbm>>
    tpu.wait_dma2 semaphore(%arg21 : memref<!tpu.dma_semaphore, #tpu.memory_space<semaphore_mem>>) src(%dma_wait3A_512 : memref<160x128xf32, #tpu.memory_space<hbm>>) dst(%dma_wait3A_510 : memref<160x128xf32, #tpu.memory_space<vmem_shared>>)
    %run_scoped3A_513 = arith.constant 3 : i32
    "tpu.region"() ({
      %run_scoped3A_610 = tpu.sem_alloc : memref<!tpu.dma_semaphore, #tpu.memory_space<semaphore_mem>>
      %dma_start3A_611 = arith.constant 0 : i32
      %dma_start3A_612 = tpu.memref_slice %arg5[%run_scoped3A_513, %add3A, %dma_start3A_611] : memref<4x32x8xi32, #tpu.memory_space<hbm>> -> memref<1x1x8xi32, #tpu.memory_space<hbm>>
      %dma_start3A_613 = tpu.memref_squeeze %dma_start3A_612 : memref<1x1x8xi32, #tpu.memory_space<hbm>> -> memref<8xi32, #tpu.memory_space<hbm>>
      %dma_start3A_614 = arith.constant 0 : i32
      %dma_start3A_615 = tpu.memref_slice %arg5[%run_scoped3A_513, %add3A, %dma_start3A_614] : memref<4x32x8xi32, #tpu.memory_space<hbm>> -> memref<1x1x8xi32, #tpu.memory_space<hbm>>
      %dma_start3A_616 = tpu.memref_squeeze %dma_start3A_615 : memref<1x1x8xi32, #tpu.memory_space<hbm>> -> memref<8xi32, #tpu.memory_space<hbm>>
      tpu.enqueue_dma source(%dma_start3A_616 : memref<8xi32, #tpu.memory_space<hbm>>) target(%arg12 : memref<8xi32, #tpu.memory_space<vmem>>) target_semaphore(%run_scoped3A_610 : memref<!tpu.dma_semaphore, #tpu.memory_space<semaphore_mem>>)
      %dma_wait3A_617 = arith.constant 0 : i32
      %dma_wait3A_618 = tpu.memref_slice %arg5[%run_scoped3A_513, %add3A, %dma_wait3A_617] : memref<4x32x8xi32, #tpu.memory_space<hbm>> -> memref<1x1x8xi32, #tpu.memory_space<hbm>>
      %dma_wait3A_619 = tpu.memref_squeeze %dma_wait3A_618 : memref<1x1x8xi32, #tpu.memory_space<hbm>> -> memref<8xi32, #tpu.memory_space<hbm>>
      %dma_wait3A_620 = arith.constant 0 : i32
      %dma_wait3A_621 = tpu.memref_slice %arg5[%run_scoped3A_513, %add3A, %dma_wait3A_620] : memref<4x32x8xi32, #tpu.memory_space<hbm>> -> memref<1x1x8xi32, #tpu.memory_space<hbm>>
      %dma_wait3A_622 = tpu.memref_squeeze %dma_wait3A_621 : memref<1x1x8xi32, #tpu.memory_space<hbm>> -> memref<8xi32, #tpu.memory_space<hbm>>
      tpu.wait_dma2 semaphore(%run_scoped3A_610 : memref<!tpu.dma_semaphore, #tpu.memory_space<semaphore_mem>>) src(%dma_wait3A_622 : memref<8xi32, #tpu.memory_space<hbm>>) dst(%arg12 : memref<8xi32, #tpu.memory_space<vmem>>)
      tpu.yield
    }) : () -> ()
    %barrier3A_514 = arith.constant 0 : index
    tpu.barrier barrier_id(%barrier3A_514)
    %scan3A_515 = arith.constant 0 : i32
    %scan3A_516 = arith.constant 0 : i32
    %scan3A_517 = arith.constant 19 : i32
    %scan3A_518 = arith.addi %scan3A_516, %scan3A_517 : i32
    %scan3A_519 = arith.constant 1 : i32
    scf.for %scan3A_610 = %scan3A_516 to %scan3A_518 step %scan3A_519  : i32 {
      %mul3A_611 = arith.constant 2 : i32
      %mul3A_612 = arith.muli %mul3A_611, %scan3A_610 : i32
      %add3A_613 = arith.constant 1 : i32
      %add3A_614 = arith.addi %mul3A_612, %add3A_613 : i32
      %dma_start3A_615 = arith.constant 0 : i32
      %dma_start3A_616 = tpu.memref_slice %arg10[%add3A_614, %dma_start3A_615] : memref<39x128xi32, #tpu.memory_space<vmem>> -> memref<1x128xi32, #tpu.memory_space<vmem>>
      %dma_start3A_617 = tpu.memref_squeeze %dma_start3A_616 : memref<1x128xi32, #tpu.memory_space<vmem>> -> memref<128xi32, #tpu.memory_space<vmem>>
      %dma_start3A_618 = arith.constant 0 : i32
      %dma_start3A_619 = arith.constant 0 : i32
      %dma_start3A_620 = tpu.memref_slice %arg2[%dma_start3A_618, %dma_start3A_619] : memref<40000x128xf32, #tpu.memory_space<hbm>> -> memref<40000x128xf32, #tpu.memory_space<hbm>>
      tpu.enqueue_indirect_dma source(%dma_start3A_620 : memref<40000x128xf32, #tpu.memory_space<hbm>>) target(%arg15 : memref<128x128xf32, #tpu.memory_space<vmem>>) offsets(%dma_start3A_617 : memref<128xi32, #tpu.memory_space<vmem>>) semaphore(%arg19 : memref<!tpu.dma_semaphore, #tpu.memory_space<semaphore_mem>>)
      %dma_wait3A_621 = arith.constant 0 : i32
      %dma_wait3A_622 = tpu.memref_slice %arg10[%mul3A_612, %dma_wait3A_621] : memref<39x128xi32, #tpu.memory_space<vmem>> -> memref<1x128xi32, #tpu.memory_space<vmem>>
      %dma_wait3A_623 = tpu.memref_squeeze %dma_wait3A_622 : memref<1x128xi32, #tpu.memory_space<vmem>> -> memref<128xi32, #tpu.memory_space<vmem>>
      %dma_wait3A_624 = arith.constant 0 : i32
      %dma_wait3A_625 = arith.constant 0 : i32
      %dma_wait3A_626 = tpu.memref_slice %arg2[%dma_wait3A_624, %dma_wait3A_625] : memref<40000x128xf32, #tpu.memory_space<hbm>> -> memref<40000x128xf32, #tpu.memory_space<hbm>>
      tpu.wait_indirect_dma semaphore(%arg18 : memref<!tpu.dma_semaphore, #tpu.memory_space<semaphore_mem>>) src(%dma_wait3A_626 : memref<40000x128xf32, #tpu.memory_space<hbm>>) dst(%arg14 : memref<128x128xf32, #tpu.memory_space<vmem>>)
      "tpu.region"() ({
        %run_scoped3A_645 = tpu.sem_alloc : memref<!tpu.dma_semaphore, #tpu.memory_space<semaphore_mem>>
        %dma_start3A_646 = arith.constant 0 : i32
        %dma_start3A_647 = tpu.memref_slice %arg11[%mul3A_612, %dma_start3A_646] : memref<39x128xi32, #tpu.memory_space<vmem>> -> memref<1x128xi32, #tpu.memory_space<vmem>>
        %dma_start3A_648 = tpu.memref_squeeze %dma_start3A_647 : memref<1x128xi32, #tpu.memory_space<vmem>> -> memref<128xi32, #tpu.memory_space<vmem>>
        %dma_start3A_649 = arith.constant 0 : i32
        %dma_start3A_650 = arith.constant 0 : i32
        %dma_start3A_651 = tpu.memref_slice %arg17[%dma_start3A_649, %dma_start3A_650] : memref<10240x128xf32, #tpu.memory_space<vmem_shared>> -> memref<10240x128xf32, #tpu.memory_space<vmem_shared>>
        tpu.enqueue_indirect_dma source(%arg14 : memref<128x128xf32, #tpu.memory_space<vmem>>) target(%dma_start3A_651 : memref<10240x128xf32, #tpu.memory_space<vmem_shared>>) offsets(%dma_start3A_648 : memref<128xi32, #tpu.memory_space<vmem>>) semaphore(%run_scoped3A_645 : memref<!tpu.dma_semaphore, #tpu.memory_space<semaphore_mem>>) {add = true}
        %dma_wait3A_652 = arith.constant 0 : i32
        %dma_wait3A_653 = tpu.memref_slice %arg11[%mul3A_612, %dma_wait3A_652] : memref<39x128xi32, #tpu.memory_space<vmem>> -> memref<1x128xi32, #tpu.memory_space<vmem>>
        %dma_wait3A_654 = tpu.memref_squeeze %dma_wait3A_653 : memref<1x128xi32, #tpu.memory_space<vmem>> -> memref<128xi32, #tpu.memory_space<vmem>>
        %dma_wait3A_655 = arith.constant 0 : i32
        %dma_wait3A_656 = arith.constant 0 : i32
        %dma_wait3A_657 = tpu.memref_slice %arg17[%dma_wait3A_655, %dma_wait3A_656] : memref<10240x128xf32, #tpu.memory_space<vmem_shared>> -> memref<10240x128xf32, #tpu.memory_space<vmem_shared>>
        tpu.wait_indirect_dma semaphore(%run_scoped3A_645 : memref<!tpu.dma_semaphore, #tpu.memory_space<semaphore_mem>>) src(%arg14 : memref<128x128xf32, #tpu.memory_space<vmem>>) dst(%dma_wait3A_657 : memref<10240x128xf32, #tpu.memory_space<vmem_shared>>)
        tpu.yield
      }) : () -> ()
      %add3A_627 = arith.constant 2 : i32
      %add3A_628 = arith.addi %mul3A_612, %add3A_627 : i32
      %dma_start3A_629 = arith.constant 0 : i32
      %dma_start3A_630 = tpu.memref_slice %arg10[%add3A_628, %dma_start3A_629] : memref<39x128xi32, #tpu.memory_space<vmem>> -> memref<1x128xi32, #tpu.memory_space<vmem>>
      %dma_start3A_631 = tpu.memref_squeeze %dma_start3A_630 : memref<1x128xi32, #tpu.memory_space<vmem>> -> memref<128xi32, #tpu.memory_space<vmem>>
      %dma_start3A_632 = arith.constant 0 : i32
      %dma_start3A_633 = arith.constant 0 : i32
      %dma_start3A_634 = tpu.memref_slice %arg2[%dma_start3A_632, %dma_start3A_633] : memref<40000x128xf32, #tpu.memory_space<hbm>> -> memref<40000x128xf32, #tpu.memory_space<hbm>>
      tpu.enqueue_indirect_dma source(%dma_start3A_634 : memref<40000x128xf32, #tpu.memory_space<hbm>>) target(%arg14 : memref<128x128xf32, #tpu.memory_space<vmem>>) offsets(%dma_start3A_631 : memref<128xi32, #tpu.memory_space<vmem>>) semaphore(%arg18 : memref<!tpu.dma_semaphore, #tpu.memory_space<semaphore_mem>>)
      %add3A_635 = arith.constant 1 : i32
      %add3A_636 = arith.addi %mul3A_612, %add3A_635 : i32
      %dma_wait3A_637 = arith.constant 0 : i32
      %dma_wait3A_638 = tpu.memref_slice %arg10[%add3A_636, %dma_wait3A_637] : memref<39x128xi32, #tpu.memory_space<vmem>> -> memref<1x128xi32, #tpu.memory_space<vmem>>
      %dma_wait3A_639 = tpu.memref_squeeze %dma_wait3A_638 : memref<1x128xi32, #tpu.memory_space<vmem>> -> memref<128xi32, #tpu.memory_space<vmem>>
      %dma_wait3A_640 = arith.constant 0 : i32
      %dma_wait3A_641 = arith.constant 0 : i32
      %dma_wait3A_642 = tpu.memref_slice %arg2[%dma_wait3A_640, %dma_wait3A_641] : memref<40000x128xf32, #tpu.memory_space<hbm>> -> memref<40000x128xf32, #tpu.memory_space<hbm>>
      tpu.wait_indirect_dma semaphore(%arg19 : memref<!tpu.dma_semaphore, #tpu.memory_space<semaphore_mem>>) src(%dma_wait3A_642 : memref<40000x128xf32, #tpu.memory_space<hbm>>) dst(%arg15 : memref<128x128xf32, #tpu.memory_space<vmem>>)
      %add3A_643 = arith.constant 1 : i32
      %add3A_644 = arith.addi %mul3A_612, %add3A_643 : i32
      "tpu.region"() ({
        %run_scoped3A_645 = tpu.sem_alloc : memref<!tpu.dma_semaphore, #tpu.memory_space<semaphore_mem>>
        %dma_start3A_646 = arith.constant 0 : i32
        %dma_start3A_647 = tpu.memref_slice %arg11[%add3A_644, %dma_start3A_646] : memref<39x128xi32, #tpu.memory_space<vmem>> -> memref<1x128xi32, #tpu.memory_space<vmem>>
        %dma_start3A_648 = tpu.memref_squeeze %dma_start3A_647 : memref<1x128xi32, #tpu.memory_space<vmem>> -> memref<128xi32, #tpu.memory_space<vmem>>
        %dma_start3A_649 = arith.constant 0 : i32
        %dma_start3A_650 = arith.constant 0 : i32
        %dma_start3A_651 = tpu.memref_slice %arg17[%dma_start3A_649, %dma_start3A_650] : memref<10240x128xf32, #tpu.memory_space<vmem_shared>> -> memref<10240x128xf32, #tpu.memory_space<vmem_shared>>
        tpu.enqueue_indirect_dma source(%arg15 : memref<128x128xf32, #tpu.memory_space<vmem>>) target(%dma_start3A_651 : memref<10240x128xf32, #tpu.memory_space<vmem_shared>>) offsets(%dma_start3A_648 : memref<128xi32, #tpu.memory_space<vmem>>) semaphore(%run_scoped3A_645 : memref<!tpu.dma_semaphore, #tpu.memory_space<semaphore_mem>>) {add = true}
        %dma_wait3A_652 = arith.constant 0 : i32
        %dma_wait3A_653 = tpu.memref_slice %arg11[%add3A_644, %dma_wait3A_652] : memref<39x128xi32, #tpu.memory_space<vmem>> -> memref<1x128xi32, #tpu.memory_space<vmem>>
        %dma_wait3A_654 = tpu.memref_squeeze %dma_wait3A_653 : memref<1x128xi32, #tpu.memory_space<vmem>> -> memref<128xi32, #tpu.memory_space<vmem>>
        %dma_wait3A_655 = arith.constant 0 : i32
        %dma_wait3A_656 = arith.constant 0 : i32
        %dma_wait3A_657 = tpu.memref_slice %arg17[%dma_wait3A_655, %dma_wait3A_656] : memref<10240x128xf32, #tpu.memory_space<vmem_shared>> -> memref<10240x128xf32, #tpu.memory_space<vmem_shared>>
        tpu.wait_indirect_dma semaphore(%run_scoped3A_645 : memref<!tpu.dma_semaphore, #tpu.memory_space<semaphore_mem>>) src(%arg15 : memref<128x128xf32, #tpu.memory_space<vmem>>) dst(%dma_wait3A_657 : memref<10240x128xf32, #tpu.memory_space<vmem_shared>>)
        tpu.yield
      }) : () -> ()
    }
    %scan3A_520 = arith.constant 19 : i32
    %dma_wait3A_521 = arith.constant 38 : i32
    %dma_wait3A_522 = arith.constant 0 : i32
    %dma_wait3A_523 = tpu.memref_slice %arg10[%dma_wait3A_521, %dma_wait3A_522] : memref<39x128xi32, #tpu.memory_space<vmem>> -> memref<1x128xi32, #tpu.memory_space<vmem>>
    %dma_wait3A_524 = tpu.memref_squeeze %dma_wait3A_523 : memref<1x128xi32, #tpu.memory_space<vmem>> -> memref<128xi32, #tpu.memory_space<vmem>>
    %dma_wait3A_525 = arith.constant 0 : i32
    %dma_wait3A_526 = arith.constant 0 : i32
    %dma_wait3A_527 = tpu.memref_slice %arg2[%dma_wait3A_525, %dma_wait3A_526] : memref<40000x128xf32, #tpu.memory_space<hbm>> -> memref<40000x128xf32, #tpu.memory_space<hbm>>
    tpu.wait_indirect_dma semaphore(%arg18 : memref<!tpu.dma_semaphore, #tpu.memory_space<semaphore_mem>>) src(%dma_wait3A_527 : memref<40000x128xf32, #tpu.memory_space<hbm>>) dst(%arg14 : memref<128x128xf32, #tpu.memory_space<vmem>>)
    %run_scoped3A_528 = arith.constant 38 : i32
    "tpu.region"() ({
      %run_scoped3A_610 = tpu.sem_alloc : memref<!tpu.dma_semaphore, #tpu.memory_space<semaphore_mem>>
      %dma_start3A_611 = arith.constant 0 : i32
      %dma_start3A_612 = tpu.memref_slice %arg11[%run_scoped3A_528, %dma_start3A_611] : memref<39x128xi32, #tpu.memory_space<vmem>> -> memref<1x128xi32, #tpu.memory_space<vmem>>
      %dma_start3A_613 = tpu.memref_squeeze %dma_start3A_612 : memref<1x128xi32, #tpu.memory_space<vmem>> -> memref<128xi32, #tpu.memory_space<vmem>>
      %dma_start3A_614 = arith.constant 0 : i32
      %dma_start3A_615 = arith.constant 0 : i32
      %dma_start3A_616 = tpu.memref_slice %arg17[%dma_start3A_614, %dma_start3A_615] : memref<10240x128xf32, #tpu.memory_space<vmem_shared>> -> memref<10240x128xf32, #tpu.memory_space<vmem_shared>>
      tpu.enqueue_indirect_dma source(%arg14 : memref<128x128xf32, #tpu.memory_space<vmem>>) target(%dma_start3A_616 : memref<10240x128xf32, #tpu.memory_space<vmem_shared>>) offsets(%dma_start3A_613 : memref<128xi32, #tpu.memory_space<vmem>>) semaphore(%run_scoped3A_610 : memref<!tpu.dma_semaphore, #tpu.memory_space<semaphore_mem>>) {add = true}
      %dma_wait3A_617 = arith.constant 0 : i32
      %dma_wait3A_618 = tpu.memref_slice %arg11[%run_scoped3A_528, %dma_wait3A_617] : memref<39x128xi32, #tpu.memory_space<vmem>> -> memref<1x128xi32, #tpu.memory_space<vmem>>
      %dma_wait3A_619 = tpu.memref_squeeze %dma_wait3A_618 : memref<1x128xi32, #tpu.memory_space<vmem>> -> memref<128xi32, #tpu.memory_space<vmem>>
      %dma_wait3A_620 = arith.constant 0 : i32
      %dma_wait3A_621 = arith.constant 0 : i32
      %dma_wait3A_622 = tpu.memref_slice %arg17[%dma_wait3A_620, %dma_wait3A_621] : memref<10240x128xf32, #tpu.memory_space<vmem_shared>> -> memref<10240x128xf32, #tpu.memory_space<vmem_shared>>
      tpu.wait_indirect_dma semaphore(%run_scoped3A_610 : memref<!tpu.dma_semaphore, #tpu.memory_space<semaphore_mem>>) src(%arg14 : memref<128x128xf32, #tpu.memory_space<vmem>>) dst(%dma_wait3A_622 : memref<10240x128xf32, #tpu.memory_space<vmem_shared>>)
      tpu.yield
    }) : () -> ()
    "tpu.region"() ({
      %run_scoped3A_610 = tpu.sem_alloc : memref<!tpu.dma_semaphore, #tpu.memory_space<semaphore_mem>>
      %dma_start3A_611 = arith.constant 0 : i32
      %dma_start3A_612 = arith.constant 0 : i32
      %dma_start3A_613 = tpu.memref_slice %arg2[%dma_start3A_611, %dma_start3A_612] : memref<40000x128xf32, #tpu.memory_space<hbm>> -> memref<40000x128xf32, #tpu.memory_space<hbm>>
      tpu.enqueue_indirect_dma source(%dma_start3A_613 : memref<40000x128xf32, #tpu.memory_space<hbm>>) target(%arg16 : memref<8x128xf32, #tpu.memory_space<vmem>>) offsets(%arg12 : memref<8xi32, #tpu.memory_space<vmem>>) semaphore(%run_scoped3A_610 : memref<!tpu.dma_semaphore, #tpu.memory_space<semaphore_mem>>)
      %dma_wait3A_614 = arith.constant 0 : i32
      %dma_wait3A_615 = arith.constant 0 : i32
      %dma_wait3A_616 = tpu.memref_slice %arg2[%dma_wait3A_614, %dma_wait3A_615] : memref<40000x128xf32, #tpu.memory_space<hbm>> -> memref<40000x128xf32, #tpu.memory_space<hbm>>
      tpu.wait_indirect_dma semaphore(%run_scoped3A_610 : memref<!tpu.dma_semaphore, #tpu.memory_space<semaphore_mem>>) src(%dma_wait3A_616 : memref<40000x128xf32, #tpu.memory_space<hbm>>) dst(%arg16 : memref<8x128xf32, #tpu.memory_space<vmem>>)
      tpu.yield
    }) : () -> ()
    "tpu.region"() ({
      %run_scoped3A_610 = tpu.sem_alloc : memref<!tpu.dma_semaphore, #tpu.memory_space<semaphore_mem>>
      %dma_start3A_611 = arith.constant 0 : i32
      %dma_start3A_612 = arith.constant 0 : i32
      %dma_start3A_613 = tpu.memref_slice %arg17[%dma_start3A_611, %dma_start3A_612] : memref<10240x128xf32, #tpu.memory_space<vmem_shared>> -> memref<10240x128xf32, #tpu.memory_space<vmem_shared>>
      tpu.enqueue_indirect_dma source(%arg16 : memref<8x128xf32, #tpu.memory_space<vmem>>) target(%dma_start3A_613 : memref<10240x128xf32, #tpu.memory_space<vmem_shared>>) offsets(%arg13 : memref<8xi32, #tpu.memory_space<vmem>>) semaphore(%run_scoped3A_610 : memref<!tpu.dma_semaphore, #tpu.memory_space<semaphore_mem>>) {add = true}
      %dma_wait3A_614 = arith.constant 0 : i32
      %dma_wait3A_615 = arith.constant 0 : i32
      %dma_wait3A_616 = tpu.memref_slice %arg17[%dma_wait3A_614, %dma_wait3A_615] : memref<10240x128xf32, #tpu.memory_space<vmem_shared>> -> memref<10240x128xf32, #tpu.memory_space<vmem_shared>>
      tpu.wait_indirect_dma semaphore(%run_scoped3A_610 : memref<!tpu.dma_semaphore, #tpu.memory_space<semaphore_mem>>) src(%arg16 : memref<8x128xf32, #tpu.memory_space<vmem>>) dst(%dma_wait3A_616 : memref<10240x128xf32, #tpu.memory_space<vmem_shared>>)
      tpu.yield
    }) : () -> ()
    %barrier3A_529 = arith.constant 0 : index
    tpu.barrier barrier_id(%barrier3A_529)
    %add3A_530 = arith.constant 0 : i32
    %add3A_531 = arith.addi %mul3A_2, %add3A_530 : i32
    %add3A_532 = arith.constant 0 : i32
    %add3A_533 = arith.addi %mul3A_2, %add3A_532 : i32
    %dma_start3A_534 = arith.constant 3 : i32
    %dma_start3A_535 = arith.constant 0 : i32
    %dma_start3A_536 = tpu.memref_slice %arg9[%arg0, %dma_start3A_534, %add3A_533, %dma_start3A_535] : memref<2x4x10240x128xf32, #tpu.memory_space<hbm>> -> memref<1x1x160x128xf32, #tpu.memory_space<hbm>>
    %dma_start3A_537 = tpu.memref_squeeze %dma_start3A_536 : memref<1x1x160x128xf32, #tpu.memory_space<hbm>> -> memref<160x128xf32, #tpu.memory_space<hbm>>
    %dma_start3A_538 = arith.constant 0 : i32
    %dma_start3A_539 = tpu.memref_slice %arg17[%add3A_531, %dma_start3A_538] : memref<10240x128xf32, #tpu.memory_space<vmem_shared>> -> memref<160x128xf32, #tpu.memory_space<vmem_shared>>
    tpu.enqueue_dma source(%dma_start3A_539 : memref<160x128xf32, #tpu.memory_space<vmem_shared>>) target(%dma_start3A_537 : memref<160x128xf32, #tpu.memory_space<hbm>>) target_semaphore(%arg20 : memref<!tpu.dma_semaphore, #tpu.memory_space<semaphore_mem>>)
    %add3A_540 = arith.constant 0 : i32
    %add3A_541 = arith.addi %mul3A_2, %add3A_540 : i32
    %add3A_542 = arith.constant 0 : i32
    %add3A_543 = arith.addi %mul3A_2, %add3A_542 : i32
    %dma_wait3A_544 = arith.constant 3 : i32
    %dma_wait3A_545 = arith.constant 0 : i32
    %dma_wait3A_546 = tpu.memref_slice %arg9[%arg0, %dma_wait3A_544, %add3A_543, %dma_wait3A_545] : memref<2x4x10240x128xf32, #tpu.memory_space<hbm>> -> memref<1x1x160x128xf32, #tpu.memory_space<hbm>>
    %dma_wait3A_547 = tpu.memref_squeeze %dma_wait3A_546 : memref<1x1x160x128xf32, #tpu.memory_space<hbm>> -> memref<160x128xf32, #tpu.memory_space<hbm>>
    %dma_wait3A_548 = arith.constant 0 : i32
    %dma_wait3A_549 = tpu.memref_slice %arg17[%add3A_541, %dma_wait3A_548] : memref<10240x128xf32, #tpu.memory_space<vmem_shared>> -> memref<160x128xf32, #tpu.memory_space<vmem_shared>>
    tpu.wait_dma2 semaphore(%arg20 : memref<!tpu.dma_semaphore, #tpu.memory_space<semaphore_mem>>) src(%dma_wait3A_549 : memref<160x128xf32, #tpu.memory_space<vmem_shared>>) dst(%dma_wait3A_547 : memref<160x128xf32, #tpu.memory_space<hbm>>)
    %add3A_550 = arith.constant 160 : i32
    %add3A_551 = arith.addi %mul3A_2, %add3A_550 : i32
    %add3A_552 = arith.constant 160 : i32
    %add3A_553 = arith.addi %mul3A_2, %add3A_552 : i32
    %dma_start3A_554 = arith.constant 3 : i32
    %dma_start3A_555 = arith.constant 0 : i32
    %dma_start3A_556 = tpu.memref_slice %arg9[%arg0, %dma_start3A_554, %add3A_553, %dma_start3A_555] : memref<2x4x10240x128xf32, #tpu.memory_space<hbm>> -> memref<1x1x160x128xf32, #tpu.memory_space<hbm>>
    %dma_start3A_557 = tpu.memref_squeeze %dma_start3A_556 : memref<1x1x160x128xf32, #tpu.memory_space<hbm>> -> memref<160x128xf32, #tpu.memory_space<hbm>>
    %dma_start3A_558 = arith.constant 0 : i32
    %dma_start3A_559 = tpu.memref_slice %arg17[%add3A_551, %dma_start3A_558] : memref<10240x128xf32, #tpu.memory_space<vmem_shared>> -> memref<160x128xf32, #tpu.memory_space<vmem_shared>>
    tpu.enqueue_dma source(%dma_start3A_559 : memref<160x128xf32, #tpu.memory_space<vmem_shared>>) target(%dma_start3A_557 : memref<160x128xf32, #tpu.memory_space<hbm>>) target_semaphore(%arg20 : memref<!tpu.dma_semaphore, #tpu.memory_space<semaphore_mem>>)
    %add3A_560 = arith.constant 160 : i32
    %add3A_561 = arith.addi %mul3A_2, %add3A_560 : i32
    %add3A_562 = arith.constant 160 : i32
    %add3A_563 = arith.addi %mul3A_2, %add3A_562 : i32
    %dma_wait3A_564 = arith.constant 3 : i32
    %dma_wait3A_565 = arith.constant 0 : i32
    %dma_wait3A_566 = tpu.memref_slice %arg9[%arg0, %dma_wait3A_564, %add3A_563, %dma_wait3A_565] : memref<2x4x10240x128xf32, #tpu.memory_space<hbm>> -> memref<1x1x160x128xf32, #tpu.memory_space<hbm>>
    %dma_wait3A_567 = tpu.memref_squeeze %dma_wait3A_566 : memref<1x1x160x128xf32, #tpu.memory_space<hbm>> -> memref<160x128xf32, #tpu.memory_space<hbm>>
    %dma_wait3A_568 = arith.constant 0 : i32
    %dma_wait3A_569 = tpu.memref_slice %arg17[%add3A_561, %dma_wait3A_568] : memref<10240x128xf32, #tpu.memory_space<vmem_shared>> -> memref<160x128xf32, #tpu.memory_space<vmem_shared>>
    tpu.wait_dma2 semaphore(%arg20 : memref<!tpu.dma_semaphore, #tpu.memory_space<semaphore_mem>>) src(%dma_wait3A_569 : memref<160x128xf32, #tpu.memory_space<vmem_shared>>) dst(%dma_wait3A_567 : memref<160x128xf32, #tpu.memory_space<hbm>>)
    %add3A_570 = arith.constant 320 : i32
    %add3A_571 = arith.addi %mul3A_2, %add3A_570 : i32
    %add3A_572 = arith.constant 320 : i32
    %add3A_573 = arith.addi %mul3A_2, %add3A_572 : i32
    %dma_start3A_574 = arith.constant 3 : i32
    %dma_start3A_575 = arith.constant 0 : i32
    %dma_start3A_576 = tpu.memref_slice %arg9[%arg0, %dma_start3A_574, %add3A_573, %dma_start3A_575] : memref<2x4x10240x128xf32, #tpu.memory_space<hbm>> -> memref<1x1x160x128xf32, #tpu.memory_space<hbm>>
    %dma_start3A_577 = tpu.memref_squeeze %dma_start3A_576 : memref<1x1x160x128xf32, #tpu.memory_space<hbm>> -> memref<160x128xf32, #tpu.memory_space<hbm>>
    %dma_start3A_578 = arith.constant 0 : i32
    %dma_start3A_579 = tpu.memref_slice %arg17[%add3A_571, %dma_start3A_578] : memref<10240x128xf32, #tpu.memory_space<vmem_shared>> -> memref<160x128xf32, #tpu.memory_space<vmem_shared>>
    tpu.enqueue_dma source(%dma_start3A_579 : memref<160x128xf32, #tpu.memory_space<vmem_shared>>) target(%dma_start3A_577 : memref<160x128xf32, #tpu.memory_space<hbm>>) target_semaphore(%arg20 : memref<!tpu.dma_semaphore, #tpu.memory_space<semaphore_mem>>)
    %add3A_580 = arith.constant 320 : i32
    %add3A_581 = arith.addi %mul3A_2, %add3A_580 : i32
    %add3A_582 = arith.constant 320 : i32
    %add3A_583 = arith.addi %mul3A_2, %add3A_582 : i32
    %dma_wait3A_584 = arith.constant 3 : i32
    %dma_wait3A_585 = arith.constant 0 : i32
    %dma_wait3A_586 = tpu.memref_slice %arg9[%arg0, %dma_wait3A_584, %add3A_583, %dma_wait3A_585] : memref<2x4x10240x128xf32, #tpu.memory_space<hbm>> -> memref<1x1x160x128xf32, #tpu.memory_space<hbm>>
    %dma_wait3A_587 = tpu.memref_squeeze %dma_wait3A_586 : memref<1x1x160x128xf32, #tpu.memory_space<hbm>> -> memref<160x128xf32, #tpu.memory_space<hbm>>
    %dma_wait3A_588 = arith.constant 0 : i32
    %dma_wait3A_589 = tpu.memref_slice %arg17[%add3A_581, %dma_wait3A_588] : memref<10240x128xf32, #tpu.memory_space<vmem_shared>> -> memref<160x128xf32, #tpu.memory_space<vmem_shared>>
    tpu.wait_dma2 semaphore(%arg20 : memref<!tpu.dma_semaphore, #tpu.memory_space<semaphore_mem>>) src(%dma_wait3A_589 : memref<160x128xf32, #tpu.memory_space<vmem_shared>>) dst(%dma_wait3A_587 : memref<160x128xf32, #tpu.memory_space<hbm>>)
    %add3A_590 = arith.constant 480 : i32
    %add3A_591 = arith.addi %mul3A_2, %add3A_590 : i32
    %add3A_592 = arith.constant 480 : i32
    %add3A_593 = arith.addi %mul3A_2, %add3A_592 : i32
    %dma_start3A_594 = arith.constant 3 : i32
    %dma_start3A_595 = arith.constant 0 : i32
    %dma_start3A_596 = tpu.memref_slice %arg9[%arg0, %dma_start3A_594, %add3A_593, %dma_start3A_595] : memref<2x4x10240x128xf32, #tpu.memory_space<hbm>> -> memref<1x1x160x128xf32, #tpu.memory_space<hbm>>
    %dma_start3A_597 = tpu.memref_squeeze %dma_start3A_596 : memref<1x1x160x128xf32, #tpu.memory_space<hbm>> -> memref<160x128xf32, #tpu.memory_space<hbm>>
    %dma_start3A_598 = arith.constant 0 : i32
    %dma_start3A_599 = tpu.memref_slice %arg17[%add3A_591, %dma_start3A_598] : memref<10240x128xf32, #tpu.memory_space<vmem_shared>> -> memref<160x128xf32, #tpu.memory_space<vmem_shared>>
    tpu.enqueue_dma source(%dma_start3A_599 : memref<160x128xf32, #tpu.memory_space<vmem_shared>>) target(%dma_start3A_597 : memref<160x128xf32, #tpu.memory_space<hbm>>) target_semaphore(%arg20 : memref<!tpu.dma_semaphore, #tpu.memory_space<semaphore_mem>>)
    %add3A_600 = arith.constant 480 : i32
    %add3A_601 = arith.addi %mul3A_2, %add3A_600 : i32
    %add3A_602 = arith.constant 480 : i32
    %add3A_603 = arith.addi %mul3A_2, %add3A_602 : i32
    %dma_wait3A_604 = arith.constant 3 : i32
    %dma_wait3A_605 = arith.constant 0 : i32
    %dma_wait3A_606 = tpu.memref_slice %arg9[%arg0, %dma_wait3A_604, %add3A_603, %dma_wait3A_605] : memref<2x4x10240x128xf32, #tpu.memory_space<hbm>> -> memref<1x1x160x128xf32, #tpu.memory_space<hbm>>
    %dma_wait3A_607 = tpu.memref_squeeze %dma_wait3A_606 : memref<1x1x160x128xf32, #tpu.memory_space<hbm>> -> memref<160x128xf32, #tpu.memory_space<hbm>>
    %dma_wait3A_608 = arith.constant 0 : i32
    %dma_wait3A_609 = tpu.memref_slice %arg17[%add3A_601, %dma_wait3A_608] : memref<10240x128xf32, #tpu.memory_space<vmem_shared>> -> memref<160x128xf32, #tpu.memory_space<vmem_shared>>
    tpu.wait_dma2 semaphore(%arg20 : memref<!tpu.dma_semaphore, #tpu.memory_space<semaphore_mem>>) src(%dma_wait3A_609 : memref<160x128xf32, #tpu.memory_space<vmem_shared>>) dst(%dma_wait3A_607 : memref<160x128xf32, #tpu.memory_space<hbm>>)
    return
  }
}

#map = affine_map<(d0, d1) -> (0, 0)>
#map1 = affine_map<(d0, d1) -> (0, 0, 0, 0)>
#map2 = affine_map<(d0, d1) -> (0, 0, 0)>
module attributes {stable_mosaic.version = 14 : i64} {
  func.func @segsum(%arg0: i32, %arg1: i32, %arg2: memref<20000x128xf32, #tpu.memory_space<hbm>>, %arg3: memref<2x32x39x128xi32, #tpu.memory_space<hbm>>, %arg4: memref<32x39x128xi32, #tpu.memory_space<hbm>>, %arg5: memref<2x32x8xi32, #tpu.memory_space<hbm>>, %arg6: memref<32x8xi32, #tpu.memory_space<hbm>>, %arg7: memref<10240x128xf32, #tpu.memory_space<hbm>>, %arg8: memref<128x128xf32, #tpu.memory_space<hbm>>, %arg9: memref<2x2x10240x128xf32, #tpu.memory_space<hbm>>, %arg10: memref<2x10240x128xf32, #tpu.memory_space<hbm>>, %arg11: memref<39x128xi32, #tpu.memory_space<vmem>>, %arg12: memref<39x128xi32, #tpu.memory_space<vmem>>, %arg13: memref<8xi32, #tpu.memory_space<vmem>>, %arg14: memref<8xi32, #tpu.memory_space<vmem>>, %arg15: memref<128x128xf32, #tpu.memory_space<vmem>>, %arg16: memref<128x128xf32, #tpu.memory_space<vmem>>, %arg17: memref<8x128xf32, #tpu.memory_space<vmem>>, %arg18: memref<10240x128xf32, #tpu.memory_space<vmem_shared>>, %arg19: memref<!tpu.dma_semaphore, #tpu.memory_space<semaphore_mem>>, %arg20: memref<!tpu.dma_semaphore, #tpu.memory_space<semaphore_mem>>, %arg21: memref<!tpu.dma_semaphore, #tpu.memory_space<semaphore_mem>>, %arg22: memref<!tpu.dma_semaphore, #tpu.memory_space<semaphore_mem>>) attributes {dimension_semantics = [#tpu.dimension_semantics<core_parallel>, #tpu.dimension_semantics<subcore_parallel>], iteration_bounds = array<i64: 2, 16>, scalar_prefetch = 0 : i64, scratch_operands = 12 : i64, tpu.core_type = #tpu.core_type<sc_vector_subcore>, window_params = [{transform_indices = #map}, {transform_indices = #map1}, {transform_indices = #map2}, {transform_indices = #map2}, {transform_indices = #map}, {transform_indices = #map}, {transform_indices = #map}, {transform_indices = #map1}, {transform_indices = #map2}]} {
    %mul3A = arith.constant 2 : i32
    %mul3A_0 = arith.muli %arg1, %mul3A : i32
    %add3A = arith.addi %mul3A_0, %arg0 : i32
    %mul3A_1 = arith.constant 640 : i32
    %mul3A_2 = arith.muli %arg1, %mul3A_1 : i32
    "tpu.region"() ({
      %run_scoped3A_416 = tpu.sem_alloc : memref<!tpu.dma_semaphore, #tpu.memory_space<semaphore_mem>>
      %dma_start3A_417 = arith.constant 0 : i32
      %dma_start3A_418 = arith.constant 0 : i32
      %dma_start3A_419 = tpu.memref_slice %arg4[%add3A, %dma_start3A_417, %dma_start3A_418] : memref<32x39x128xi32, #tpu.memory_space<hbm>> -> memref<1x39x128xi32, #tpu.memory_space<hbm>>
      %dma_start3A_420 = tpu.memref_squeeze %dma_start3A_419 : memref<1x39x128xi32, #tpu.memory_space<hbm>> -> memref<39x128xi32, #tpu.memory_space<hbm>>
      %dma_start3A_421 = arith.constant 0 : i32
      %dma_start3A_422 = arith.constant 0 : i32
      %dma_start3A_423 = tpu.memref_slice %arg4[%add3A, %dma_start3A_421, %dma_start3A_422] : memref<32x39x128xi32, #tpu.memory_space<hbm>> -> memref<1x39x128xi32, #tpu.memory_space<hbm>>
      %dma_start3A_424 = tpu.memref_squeeze %dma_start3A_423 : memref<1x39x128xi32, #tpu.memory_space<hbm>> -> memref<39x128xi32, #tpu.memory_space<hbm>>
      tpu.enqueue_dma source(%dma_start3A_424 : memref<39x128xi32, #tpu.memory_space<hbm>>) target(%arg12 : memref<39x128xi32, #tpu.memory_space<vmem>>) target_semaphore(%run_scoped3A_416 : memref<!tpu.dma_semaphore, #tpu.memory_space<semaphore_mem>>)
      %dma_wait3A_425 = arith.constant 0 : i32
      %dma_wait3A_426 = arith.constant 0 : i32
      %dma_wait3A_427 = tpu.memref_slice %arg4[%add3A, %dma_wait3A_425, %dma_wait3A_426] : memref<32x39x128xi32, #tpu.memory_space<hbm>> -> memref<1x39x128xi32, #tpu.memory_space<hbm>>
      %dma_wait3A_428 = tpu.memref_squeeze %dma_wait3A_427 : memref<1x39x128xi32, #tpu.memory_space<hbm>> -> memref<39x128xi32, #tpu.memory_space<hbm>>
      %dma_wait3A_429 = arith.constant 0 : i32
      %dma_wait3A_430 = arith.constant 0 : i32
      %dma_wait3A_431 = tpu.memref_slice %arg4[%add3A, %dma_wait3A_429, %dma_wait3A_430] : memref<32x39x128xi32, #tpu.memory_space<hbm>> -> memref<1x39x128xi32, #tpu.memory_space<hbm>>
      %dma_wait3A_432 = tpu.memref_squeeze %dma_wait3A_431 : memref<1x39x128xi32, #tpu.memory_space<hbm>> -> memref<39x128xi32, #tpu.memory_space<hbm>>
      tpu.wait_dma2 semaphore(%run_scoped3A_416 : memref<!tpu.dma_semaphore, #tpu.memory_space<semaphore_mem>>) src(%dma_wait3A_432 : memref<39x128xi32, #tpu.memory_space<hbm>>) dst(%arg12 : memref<39x128xi32, #tpu.memory_space<vmem>>)
      tpu.yield
    }) : () -> ()
    "tpu.region"() ({
      %run_scoped3A_416 = tpu.sem_alloc : memref<!tpu.dma_semaphore, #tpu.memory_space<semaphore_mem>>
      %dma_start3A_417 = arith.constant 0 : i32
      %dma_start3A_418 = tpu.memref_slice %arg6[%add3A, %dma_start3A_417] : memref<32x8xi32, #tpu.memory_space<hbm>> -> memref<1x8xi32, #tpu.memory_space<hbm>>
      %dma_start3A_419 = tpu.memref_squeeze %dma_start3A_418 : memref<1x8xi32, #tpu.memory_space<hbm>> -> memref<8xi32, #tpu.memory_space<hbm>>
      %dma_start3A_420 = arith.constant 0 : i32
      %dma_start3A_421 = tpu.memref_slice %arg6[%add3A, %dma_start3A_420] : memref<32x8xi32, #tpu.memory_space<hbm>> -> memref<1x8xi32, #tpu.memory_space<hbm>>
      %dma_start3A_422 = tpu.memref_squeeze %dma_start3A_421 : memref<1x8xi32, #tpu.memory_space<hbm>> -> memref<8xi32, #tpu.memory_space<hbm>>
      tpu.enqueue_dma source(%dma_start3A_422 : memref<8xi32, #tpu.memory_space<hbm>>) target(%arg14 : memref<8xi32, #tpu.memory_space<vmem>>) target_semaphore(%run_scoped3A_416 : memref<!tpu.dma_semaphore, #tpu.memory_space<semaphore_mem>>)
      %dma_wait3A_423 = arith.constant 0 : i32
      %dma_wait3A_424 = tpu.memref_slice %arg6[%add3A, %dma_wait3A_423] : memref<32x8xi32, #tpu.memory_space<hbm>> -> memref<1x8xi32, #tpu.memory_space<hbm>>
      %dma_wait3A_425 = tpu.memref_squeeze %dma_wait3A_424 : memref<1x8xi32, #tpu.memory_space<hbm>> -> memref<8xi32, #tpu.memory_space<hbm>>
      %dma_wait3A_426 = arith.constant 0 : i32
      %dma_wait3A_427 = tpu.memref_slice %arg6[%add3A, %dma_wait3A_426] : memref<32x8xi32, #tpu.memory_space<hbm>> -> memref<1x8xi32, #tpu.memory_space<hbm>>
      %dma_wait3A_428 = tpu.memref_squeeze %dma_wait3A_427 : memref<1x8xi32, #tpu.memory_space<hbm>> -> memref<8xi32, #tpu.memory_space<hbm>>
      tpu.wait_dma2 semaphore(%run_scoped3A_416 : memref<!tpu.dma_semaphore, #tpu.memory_space<semaphore_mem>>) src(%dma_wait3A_428 : memref<8xi32, #tpu.memory_space<hbm>>) dst(%arg14 : memref<8xi32, #tpu.memory_space<vmem>>)
      tpu.yield
    }) : () -> ()
    "tpu.region"() ({
      %run_scoped3A_416 = tpu.sem_alloc : memref<!tpu.dma_semaphore, #tpu.memory_space<semaphore_mem>>
      tpu.enqueue_dma source(%arg8 : memref<128x128xf32, #tpu.memory_space<hbm>>) target(%arg15 : memref<128x128xf32, #tpu.memory_space<vmem>>) target_semaphore(%run_scoped3A_416 : memref<!tpu.dma_semaphore, #tpu.memory_space<semaphore_mem>>)
      tpu.wait_dma2 semaphore(%run_scoped3A_416 : memref<!tpu.dma_semaphore, #tpu.memory_space<semaphore_mem>>) src(%arg8 : memref<128x128xf32, #tpu.memory_space<hbm>>) dst(%arg15 : memref<128x128xf32, #tpu.memory_space<vmem>>)
      tpu.yield
    }) : () -> ()
    "tpu.region"() ({
      %run_scoped3A_416 = tpu.sem_alloc : memref<!tpu.dma_semaphore, #tpu.memory_space<semaphore_mem>>
      %dma_start3A_417 = arith.constant 0 : i32
      %dma_start3A_418 = tpu.memref_slice %arg18[%mul3A_2, %dma_start3A_417] : memref<10240x128xf32, #tpu.memory_space<vmem_shared>> -> memref<640x128xf32, #tpu.memory_space<vmem_shared>>
      %dma_start3A_419 = arith.constant 0 : i32
      %dma_start3A_420 = tpu.memref_slice %arg7[%mul3A_2, %dma_start3A_419] : memref<10240x128xf32, #tpu.memory_space<hbm>> -> memref<640x128xf32, #tpu.memory_space<hbm>>
      tpu.enqueue_dma source(%dma_start3A_420 : memref<640x128xf32, #tpu.memory_space<hbm>>) target(%dma_start3A_418 : memref<640x128xf32, #tpu.memory_space<vmem_shared>>) target_semaphore(%run_scoped3A_416 : memref<!tpu.dma_semaphore, #tpu.memory_space<semaphore_mem>>)
      %dma_wait3A_421 = arith.constant 0 : i32
      %dma_wait3A_422 = tpu.memref_slice %arg18[%mul3A_2, %dma_wait3A_421] : memref<10240x128xf32, #tpu.memory_space<vmem_shared>> -> memref<640x128xf32, #tpu.memory_space<vmem_shared>>
      %dma_wait3A_423 = arith.constant 0 : i32
      %dma_wait3A_424 = tpu.memref_slice %arg7[%mul3A_2, %dma_wait3A_423] : memref<10240x128xf32, #tpu.memory_space<hbm>> -> memref<640x128xf32, #tpu.memory_space<hbm>>
      tpu.wait_dma2 semaphore(%run_scoped3A_416 : memref<!tpu.dma_semaphore, #tpu.memory_space<semaphore_mem>>) src(%dma_wait3A_424 : memref<640x128xf32, #tpu.memory_space<hbm>>) dst(%dma_wait3A_422 : memref<640x128xf32, #tpu.memory_space<vmem_shared>>)
      tpu.yield
    }) : () -> ()
    %barrier3A = arith.constant 0 : index
    tpu.barrier barrier_id(%barrier3A)
    %scan3A = arith.constant 0 : i32
    %scan3A_3 = arith.constant 0 : i32
    %scan3A_4 = arith.constant 39 : i32
    %scan3A_5 = arith.addi %scan3A_3, %scan3A_4 : i32
    %scan3A_6 = arith.constant 1 : i32
    scf.for %scan3A_416 = %scan3A_3 to %scan3A_5 step %scan3A_6  : i32 {
      "tpu.region"() ({
        %run_scoped3A_417 = tpu.sem_alloc : memref<!tpu.dma_semaphore, #tpu.memory_space<semaphore_mem>>
        %dma_start3A_418 = arith.constant 0 : i32
        %dma_start3A_419 = tpu.memref_slice %arg12[%scan3A_416, %dma_start3A_418] : memref<39x128xi32, #tpu.memory_space<vmem>> -> memref<1x128xi32, #tpu.memory_space<vmem>>
        %dma_start3A_420 = tpu.memref_squeeze %dma_start3A_419 : memref<1x128xi32, #tpu.memory_space<vmem>> -> memref<128xi32, #tpu.memory_space<vmem>>
        %dma_start3A_421 = arith.constant 0 : i32
        %dma_start3A_422 = arith.constant 0 : i32
        %dma_start3A_423 = tpu.memref_slice %arg18[%dma_start3A_421, %dma_start3A_422] : memref<10240x128xf32, #tpu.memory_space<vmem_shared>> -> memref<10240x128xf32, #tpu.memory_space<vmem_shared>>
        tpu.enqueue_indirect_dma source(%arg15 : memref<128x128xf32, #tpu.memory_space<vmem>>) target(%dma_start3A_423 : memref<10240x128xf32, #tpu.memory_space<vmem_shared>>) offsets(%dma_start3A_420 : memref<128xi32, #tpu.memory_space<vmem>>) semaphore(%run_scoped3A_417 : memref<!tpu.dma_semaphore, #tpu.memory_space<semaphore_mem>>) {add = true}
        %dma_wait3A_424 = arith.constant 0 : i32
        %dma_wait3A_425 = tpu.memref_slice %arg12[%scan3A_416, %dma_wait3A_424] : memref<39x128xi32, #tpu.memory_space<vmem>> -> memref<1x128xi32, #tpu.memory_space<vmem>>
        %dma_wait3A_426 = tpu.memref_squeeze %dma_wait3A_425 : memref<1x128xi32, #tpu.memory_space<vmem>> -> memref<128xi32, #tpu.memory_space<vmem>>
        %dma_wait3A_427 = arith.constant 0 : i32
        %dma_wait3A_428 = arith.constant 0 : i32
        %dma_wait3A_429 = tpu.memref_slice %arg18[%dma_wait3A_427, %dma_wait3A_428] : memref<10240x128xf32, #tpu.memory_space<vmem_shared>> -> memref<10240x128xf32, #tpu.memory_space<vmem_shared>>
        tpu.wait_indirect_dma semaphore(%run_scoped3A_417 : memref<!tpu.dma_semaphore, #tpu.memory_space<semaphore_mem>>) src(%arg15 : memref<128x128xf32, #tpu.memory_space<vmem>>) dst(%dma_wait3A_429 : memref<10240x128xf32, #tpu.memory_space<vmem_shared>>)
        tpu.yield
      }) : () -> ()
    }
    %scan3A_7 = arith.constant 39 : i32
    "tpu.region"() ({
      %run_scoped3A_416 = tpu.sem_alloc : memref<!tpu.dma_semaphore, #tpu.memory_space<semaphore_mem>>
      %dma_start3A_417 = arith.constant 0 : i32
      %dma_start3A_418 = arith.constant 0 : i32
      %dma_start3A_419 = tpu.memref_slice %arg15[%dma_start3A_417, %dma_start3A_418] : memref<128x128xf32, #tpu.memory_space<vmem>> -> memref<8x128xf32, #tpu.memory_space<vmem>>
      %dma_start3A_420 = arith.constant 0 : i32
      %dma_start3A_421 = arith.constant 0 : i32
      %dma_start3A_422 = tpu.memref_slice %arg18[%dma_start3A_420, %dma_start3A_421] : memref<10240x128xf32, #tpu.memory_space<vmem_shared>> -> memref<10240x128xf32, #tpu.memory_space<vmem_shared>>
      tpu.enqueue_indirect_dma source(%dma_start3A_419 : memref<8x128xf32, #tpu.memory_space<vmem>>) target(%dma_start3A_422 : memref<10240x128xf32, #tpu.memory_space<vmem_shared>>) offsets(%arg14 : memref<8xi32, #tpu.memory_space<vmem>>) semaphore(%run_scoped3A_416 : memref<!tpu.dma_semaphore, #tpu.memory_space<semaphore_mem>>) {add = true}
      %dma_wait3A_423 = arith.constant 0 : i32
      %dma_wait3A_424 = arith.constant 0 : i32
      %dma_wait3A_425 = tpu.memref_slice %arg15[%dma_wait3A_423, %dma_wait3A_424] : memref<128x128xf32, #tpu.memory_space<vmem>> -> memref<8x128xf32, #tpu.memory_space<vmem>>
      %dma_wait3A_426 = arith.constant 0 : i32
      %dma_wait3A_427 = arith.constant 0 : i32
      %dma_wait3A_428 = tpu.memref_slice %arg18[%dma_wait3A_426, %dma_wait3A_427] : memref<10240x128xf32, #tpu.memory_space<vmem_shared>> -> memref<10240x128xf32, #tpu.memory_space<vmem_shared>>
      tpu.wait_indirect_dma semaphore(%run_scoped3A_416 : memref<!tpu.dma_semaphore, #tpu.memory_space<semaphore_mem>>) src(%dma_wait3A_425 : memref<8x128xf32, #tpu.memory_space<vmem>>) dst(%dma_wait3A_428 : memref<10240x128xf32, #tpu.memory_space<vmem_shared>>)
      tpu.yield
    }) : () -> ()
    %run_scoped3A = arith.constant 0 : i32
    "tpu.region"() ({
      %run_scoped3A_416 = tpu.sem_alloc : memref<!tpu.dma_semaphore, #tpu.memory_space<semaphore_mem>>
      %dma_start3A_417 = arith.constant 0 : i32
      %dma_start3A_418 = arith.constant 0 : i32
      %dma_start3A_419 = tpu.memref_slice %arg3[%run_scoped3A, %add3A, %dma_start3A_417, %dma_start3A_418] : memref<2x32x39x128xi32, #tpu.memory_space<hbm>> -> memref<1x1x39x128xi32, #tpu.memory_space<hbm>>
      %dma_start3A_420 = tpu.memref_squeeze %dma_start3A_419 : memref<1x1x39x128xi32, #tpu.memory_space<hbm>> -> memref<39x128xi32, #tpu.memory_space<hbm>>
      %dma_start3A_421 = arith.constant 0 : i32
      %dma_start3A_422 = arith.constant 0 : i32
      %dma_start3A_423 = tpu.memref_slice %arg3[%run_scoped3A, %add3A, %dma_start3A_421, %dma_start3A_422] : memref<2x32x39x128xi32, #tpu.memory_space<hbm>> -> memref<1x1x39x128xi32, #tpu.memory_space<hbm>>
      %dma_start3A_424 = tpu.memref_squeeze %dma_start3A_423 : memref<1x1x39x128xi32, #tpu.memory_space<hbm>> -> memref<39x128xi32, #tpu.memory_space<hbm>>
      tpu.enqueue_dma source(%dma_start3A_424 : memref<39x128xi32, #tpu.memory_space<hbm>>) target(%arg11 : memref<39x128xi32, #tpu.memory_space<vmem>>) target_semaphore(%run_scoped3A_416 : memref<!tpu.dma_semaphore, #tpu.memory_space<semaphore_mem>>)
      %dma_wait3A_425 = arith.constant 0 : i32
      %dma_wait3A_426 = arith.constant 0 : i32
      %dma_wait3A_427 = tpu.memref_slice %arg3[%run_scoped3A, %add3A, %dma_wait3A_425, %dma_wait3A_426] : memref<2x32x39x128xi32, #tpu.memory_space<hbm>> -> memref<1x1x39x128xi32, #tpu.memory_space<hbm>>
      %dma_wait3A_428 = tpu.memref_squeeze %dma_wait3A_427 : memref<1x1x39x128xi32, #tpu.memory_space<hbm>> -> memref<39x128xi32, #tpu.memory_space<hbm>>
      %dma_wait3A_429 = arith.constant 0 : i32
      %dma_wait3A_430 = arith.constant 0 : i32
      %dma_wait3A_431 = tpu.memref_slice %arg3[%run_scoped3A, %add3A, %dma_wait3A_429, %dma_wait3A_430] : memref<2x32x39x128xi32, #tpu.memory_space<hbm>> -> memref<1x1x39x128xi32, #tpu.memory_space<hbm>>
      %dma_wait3A_432 = tpu.memref_squeeze %dma_wait3A_431 : memref<1x1x39x128xi32, #tpu.memory_space<hbm>> -> memref<39x128xi32, #tpu.memory_space<hbm>>
      tpu.wait_dma2 semaphore(%run_scoped3A_416 : memref<!tpu.dma_semaphore, #tpu.memory_space<semaphore_mem>>) src(%dma_wait3A_432 : memref<39x128xi32, #tpu.memory_space<hbm>>) dst(%arg11 : memref<39x128xi32, #tpu.memory_space<vmem>>)
      tpu.yield
    }) : () -> ()
    %dma_start3A = arith.constant 0 : i32
    %dma_start3A_8 = arith.constant 0 : i32
    %dma_start3A_9 = tpu.memref_slice %arg11[%dma_start3A, %dma_start3A_8] : memref<39x128xi32, #tpu.memory_space<vmem>> -> memref<1x128xi32, #tpu.memory_space<vmem>>
    %dma_start3A_10 = tpu.memref_squeeze %dma_start3A_9 : memref<1x128xi32, #tpu.memory_space<vmem>> -> memref<128xi32, #tpu.memory_space<vmem>>
    %dma_start3A_11 = arith.constant 0 : i32
    %dma_start3A_12 = arith.constant 0 : i32
    %dma_start3A_13 = tpu.memref_slice %arg2[%dma_start3A_11, %dma_start3A_12] : memref<20000x128xf32, #tpu.memory_space<hbm>> -> memref<20000x128xf32, #tpu.memory_space<hbm>>
    tpu.enqueue_indirect_dma source(%dma_start3A_13 : memref<20000x128xf32, #tpu.memory_space<hbm>>) target(%arg15 : memref<128x128xf32, #tpu.memory_space<vmem>>) offsets(%dma_start3A_10 : memref<128xi32, #tpu.memory_space<vmem>>) semaphore(%arg19 : memref<!tpu.dma_semaphore, #tpu.memory_space<semaphore_mem>>)
    %barrier3A_14 = arith.constant 0 : index
    tpu.barrier barrier_id(%barrier3A_14)
    %add3A_15 = arith.constant 0 : i32
    %add3A_16 = arith.addi %mul3A_2, %add3A_15 : i32
    %add3A_17 = arith.constant 0 : i32
    %add3A_18 = arith.addi %mul3A_2, %add3A_17 : i32
    %dma_start3A_19 = arith.constant 0 : i32
    %dma_start3A_20 = tpu.memref_slice %arg10[%arg0, %add3A_18, %dma_start3A_19] : memref<2x10240x128xf32, #tpu.memory_space<hbm>> -> memref<1x160x128xf32, #tpu.memory_space<hbm>>
    %dma_start3A_21 = tpu.memref_squeeze %dma_start3A_20 : memref<1x160x128xf32, #tpu.memory_space<hbm>> -> memref<160x128xf32, #tpu.memory_space<hbm>>
    %dma_start3A_22 = arith.constant 0 : i32
    %dma_start3A_23 = tpu.memref_slice %arg18[%add3A_16, %dma_start3A_22] : memref<10240x128xf32, #tpu.memory_space<vmem_shared>> -> memref<160x128xf32, #tpu.memory_space<vmem_shared>>
    tpu.enqueue_dma source(%dma_start3A_23 : memref<160x128xf32, #tpu.memory_space<vmem_shared>>) target(%dma_start3A_21 : memref<160x128xf32, #tpu.memory_space<hbm>>) target_semaphore(%arg21 : memref<!tpu.dma_semaphore, #tpu.memory_space<semaphore_mem>>)
    %add3A_24 = arith.constant 0 : i32
    %add3A_25 = arith.addi %mul3A_2, %add3A_24 : i32
    %add3A_26 = arith.constant 0 : i32
    %add3A_27 = arith.addi %mul3A_2, %add3A_26 : i32
    %dma_wait3A = arith.constant 0 : i32
    %dma_wait3A_28 = tpu.memref_slice %arg10[%arg0, %add3A_27, %dma_wait3A] : memref<2x10240x128xf32, #tpu.memory_space<hbm>> -> memref<1x160x128xf32, #tpu.memory_space<hbm>>
    %dma_wait3A_29 = tpu.memref_squeeze %dma_wait3A_28 : memref<1x160x128xf32, #tpu.memory_space<hbm>> -> memref<160x128xf32, #tpu.memory_space<hbm>>
    %dma_wait3A_30 = arith.constant 0 : i32
    %dma_wait3A_31 = tpu.memref_slice %arg18[%add3A_25, %dma_wait3A_30] : memref<10240x128xf32, #tpu.memory_space<vmem_shared>> -> memref<160x128xf32, #tpu.memory_space<vmem_shared>>
    tpu.wait_dma2 semaphore(%arg21 : memref<!tpu.dma_semaphore, #tpu.memory_space<semaphore_mem>>) src(%dma_wait3A_31 : memref<160x128xf32, #tpu.memory_space<vmem_shared>>) dst(%dma_wait3A_29 : memref<160x128xf32, #tpu.memory_space<hbm>>)
    %add3A_32 = arith.constant 160 : i32
    %add3A_33 = arith.addi %mul3A_2, %add3A_32 : i32
    %add3A_34 = arith.constant 160 : i32
    %add3A_35 = arith.addi %mul3A_2, %add3A_34 : i32
    %dma_start3A_36 = arith.constant 0 : i32
    %dma_start3A_37 = tpu.memref_slice %arg10[%arg0, %add3A_35, %dma_start3A_36] : memref<2x10240x128xf32, #tpu.memory_space<hbm>> -> memref<1x160x128xf32, #tpu.memory_space<hbm>>
    %dma_start3A_38 = tpu.memref_squeeze %dma_start3A_37 : memref<1x160x128xf32, #tpu.memory_space<hbm>> -> memref<160x128xf32, #tpu.memory_space<hbm>>
    %dma_start3A_39 = arith.constant 0 : i32
    %dma_start3A_40 = tpu.memref_slice %arg18[%add3A_33, %dma_start3A_39] : memref<10240x128xf32, #tpu.memory_space<vmem_shared>> -> memref<160x128xf32, #tpu.memory_space<vmem_shared>>
    tpu.enqueue_dma source(%dma_start3A_40 : memref<160x128xf32, #tpu.memory_space<vmem_shared>>) target(%dma_start3A_38 : memref<160x128xf32, #tpu.memory_space<hbm>>) target_semaphore(%arg21 : memref<!tpu.dma_semaphore, #tpu.memory_space<semaphore_mem>>)
    %add3A_41 = arith.constant 0 : i32
    %add3A_42 = arith.addi %mul3A_2, %add3A_41 : i32
    %add3A_43 = arith.constant 0 : i32
    %add3A_44 = arith.addi %mul3A_2, %add3A_43 : i32
    %dma_start3A_45 = arith.constant 0 : i32
    %dma_start3A_46 = tpu.memref_slice %arg18[%add3A_44, %dma_start3A_45] : memref<10240x128xf32, #tpu.memory_space<vmem_shared>> -> memref<160x128xf32, #tpu.memory_space<vmem_shared>>
    %dma_start3A_47 = arith.constant 0 : i32
    %dma_start3A_48 = tpu.memref_slice %arg7[%add3A_42, %dma_start3A_47] : memref<10240x128xf32, #tpu.memory_space<hbm>> -> memref<160x128xf32, #tpu.memory_space<hbm>>
    tpu.enqueue_dma source(%dma_start3A_48 : memref<160x128xf32, #tpu.memory_space<hbm>>) target(%dma_start3A_46 : memref<160x128xf32, #tpu.memory_space<vmem_shared>>) target_semaphore(%arg22 : memref<!tpu.dma_semaphore, #tpu.memory_space<semaphore_mem>>)
    %add3A_49 = arith.constant 160 : i32
    %add3A_50 = arith.addi %mul3A_2, %add3A_49 : i32
    %add3A_51 = arith.constant 160 : i32
    %add3A_52 = arith.addi %mul3A_2, %add3A_51 : i32
    %dma_wait3A_53 = arith.constant 0 : i32
    %dma_wait3A_54 = tpu.memref_slice %arg10[%arg0, %add3A_52, %dma_wait3A_53] : memref<2x10240x128xf32, #tpu.memory_space<hbm>> -> memref<1x160x128xf32, #tpu.memory_space<hbm>>
    %dma_wait3A_55 = tpu.memref_squeeze %dma_wait3A_54 : memref<1x160x128xf32, #tpu.memory_space<hbm>> -> memref<160x128xf32, #tpu.memory_space<hbm>>
    %dma_wait3A_56 = arith.constant 0 : i32
    %dma_wait3A_57 = tpu.memref_slice %arg18[%add3A_50, %dma_wait3A_56] : memref<10240x128xf32, #tpu.memory_space<vmem_shared>> -> memref<160x128xf32, #tpu.memory_space<vmem_shared>>
    tpu.wait_dma2 semaphore(%arg21 : memref<!tpu.dma_semaphore, #tpu.memory_space<semaphore_mem>>) src(%dma_wait3A_57 : memref<160x128xf32, #tpu.memory_space<vmem_shared>>) dst(%dma_wait3A_55 : memref<160x128xf32, #tpu.memory_space<hbm>>)
    %add3A_58 = arith.constant 320 : i32
    %add3A_59 = arith.addi %mul3A_2, %add3A_58 : i32
    %add3A_60 = arith.constant 320 : i32
    %add3A_61 = arith.addi %mul3A_2, %add3A_60 : i32
    %dma_start3A_62 = arith.constant 0 : i32
    %dma_start3A_63 = tpu.memref_slice %arg10[%arg0, %add3A_61, %dma_start3A_62] : memref<2x10240x128xf32, #tpu.memory_space<hbm>> -> memref<1x160x128xf32, #tpu.memory_space<hbm>>
    %dma_start3A_64 = tpu.memref_squeeze %dma_start3A_63 : memref<1x160x128xf32, #tpu.memory_space<hbm>> -> memref<160x128xf32, #tpu.memory_space<hbm>>
    %dma_start3A_65 = arith.constant 0 : i32
    %dma_start3A_66 = tpu.memref_slice %arg18[%add3A_59, %dma_start3A_65] : memref<10240x128xf32, #tpu.memory_space<vmem_shared>> -> memref<160x128xf32, #tpu.memory_space<vmem_shared>>
    tpu.enqueue_dma source(%dma_start3A_66 : memref<160x128xf32, #tpu.memory_space<vmem_shared>>) target(%dma_start3A_64 : memref<160x128xf32, #tpu.memory_space<hbm>>) target_semaphore(%arg21 : memref<!tpu.dma_semaphore, #tpu.memory_space<semaphore_mem>>)
    %add3A_67 = arith.constant 160 : i32
    %add3A_68 = arith.addi %mul3A_2, %add3A_67 : i32
    %add3A_69 = arith.constant 160 : i32
    %add3A_70 = arith.addi %mul3A_2, %add3A_69 : i32
    %dma_start3A_71 = arith.constant 0 : i32
    %dma_start3A_72 = tpu.memref_slice %arg18[%add3A_70, %dma_start3A_71] : memref<10240x128xf32, #tpu.memory_space<vmem_shared>> -> memref<160x128xf32, #tpu.memory_space<vmem_shared>>
    %dma_start3A_73 = arith.constant 0 : i32
    %dma_start3A_74 = tpu.memref_slice %arg7[%add3A_68, %dma_start3A_73] : memref<10240x128xf32, #tpu.memory_space<hbm>> -> memref<160x128xf32, #tpu.memory_space<hbm>>
    tpu.enqueue_dma source(%dma_start3A_74 : memref<160x128xf32, #tpu.memory_space<hbm>>) target(%dma_start3A_72 : memref<160x128xf32, #tpu.memory_space<vmem_shared>>) target_semaphore(%arg22 : memref<!tpu.dma_semaphore, #tpu.memory_space<semaphore_mem>>)
    %add3A_75 = arith.constant 320 : i32
    %add3A_76 = arith.addi %mul3A_2, %add3A_75 : i32
    %add3A_77 = arith.constant 320 : i32
    %add3A_78 = arith.addi %mul3A_2, %add3A_77 : i32
    %dma_wait3A_79 = arith.constant 0 : i32
    %dma_wait3A_80 = tpu.memref_slice %arg10[%arg0, %add3A_78, %dma_wait3A_79] : memref<2x10240x128xf32, #tpu.memory_space<hbm>> -> memref<1x160x128xf32, #tpu.memory_space<hbm>>
    %dma_wait3A_81 = tpu.memref_squeeze %dma_wait3A_80 : memref<1x160x128xf32, #tpu.memory_space<hbm>> -> memref<160x128xf32, #tpu.memory_space<hbm>>
    %dma_wait3A_82 = arith.constant 0 : i32
    %dma_wait3A_83 = tpu.memref_slice %arg18[%add3A_76, %dma_wait3A_82] : memref<10240x128xf32, #tpu.memory_space<vmem_shared>> -> memref<160x128xf32, #tpu.memory_space<vmem_shared>>
    tpu.wait_dma2 semaphore(%arg21 : memref<!tpu.dma_semaphore, #tpu.memory_space<semaphore_mem>>) src(%dma_wait3A_83 : memref<160x128xf32, #tpu.memory_space<vmem_shared>>) dst(%dma_wait3A_81 : memref<160x128xf32, #tpu.memory_space<hbm>>)
    %add3A_84 = arith.constant 480 : i32
    %add3A_85 = arith.addi %mul3A_2, %add3A_84 : i32
    %add3A_86 = arith.constant 480 : i32
    %add3A_87 = arith.addi %mul3A_2, %add3A_86 : i32
    %dma_start3A_88 = arith.constant 0 : i32
    %dma_start3A_89 = tpu.memref_slice %arg10[%arg0, %add3A_87, %dma_start3A_88] : memref<2x10240x128xf32, #tpu.memory_space<hbm>> -> memref<1x160x128xf32, #tpu.memory_space<hbm>>
    %dma_start3A_90 = tpu.memref_squeeze %dma_start3A_89 : memref<1x160x128xf32, #tpu.memory_space<hbm>> -> memref<160x128xf32, #tpu.memory_space<hbm>>
    %dma_start3A_91 = arith.constant 0 : i32
    %dma_start3A_92 = tpu.memref_slice %arg18[%add3A_85, %dma_start3A_91] : memref<10240x128xf32, #tpu.memory_space<vmem_shared>> -> memref<160x128xf32, #tpu.memory_space<vmem_shared>>
    tpu.enqueue_dma source(%dma_start3A_92 : memref<160x128xf32, #tpu.memory_space<vmem_shared>>) target(%dma_start3A_90 : memref<160x128xf32, #tpu.memory_space<hbm>>) target_semaphore(%arg21 : memref<!tpu.dma_semaphore, #tpu.memory_space<semaphore_mem>>)
    %add3A_93 = arith.constant 320 : i32
    %add3A_94 = arith.addi %mul3A_2, %add3A_93 : i32
    %add3A_95 = arith.constant 320 : i32
    %add3A_96 = arith.addi %mul3A_2, %add3A_95 : i32
    %dma_start3A_97 = arith.constant 0 : i32
    %dma_start3A_98 = tpu.memref_slice %arg18[%add3A_96, %dma_start3A_97] : memref<10240x128xf32, #tpu.memory_space<vmem_shared>> -> memref<160x128xf32, #tpu.memory_space<vmem_shared>>
    %dma_start3A_99 = arith.constant 0 : i32
    %dma_start3A_100 = tpu.memref_slice %arg7[%add3A_94, %dma_start3A_99] : memref<10240x128xf32, #tpu.memory_space<hbm>> -> memref<160x128xf32, #tpu.memory_space<hbm>>
    tpu.enqueue_dma source(%dma_start3A_100 : memref<160x128xf32, #tpu.memory_space<hbm>>) target(%dma_start3A_98 : memref<160x128xf32, #tpu.memory_space<vmem_shared>>) target_semaphore(%arg22 : memref<!tpu.dma_semaphore, #tpu.memory_space<semaphore_mem>>)
    %add3A_101 = arith.constant 480 : i32
    %add3A_102 = arith.addi %mul3A_2, %add3A_101 : i32
    %add3A_103 = arith.constant 480 : i32
    %add3A_104 = arith.addi %mul3A_2, %add3A_103 : i32
    %dma_wait3A_105 = arith.constant 0 : i32
    %dma_wait3A_106 = tpu.memref_slice %arg10[%arg0, %add3A_104, %dma_wait3A_105] : memref<2x10240x128xf32, #tpu.memory_space<hbm>> -> memref<1x160x128xf32, #tpu.memory_space<hbm>>
    %dma_wait3A_107 = tpu.memref_squeeze %dma_wait3A_106 : memref<1x160x128xf32, #tpu.memory_space<hbm>> -> memref<160x128xf32, #tpu.memory_space<hbm>>
    %dma_wait3A_108 = arith.constant 0 : i32
    %dma_wait3A_109 = tpu.memref_slice %arg18[%add3A_102, %dma_wait3A_108] : memref<10240x128xf32, #tpu.memory_space<vmem_shared>> -> memref<160x128xf32, #tpu.memory_space<vmem_shared>>
    tpu.wait_dma2 semaphore(%arg21 : memref<!tpu.dma_semaphore, #tpu.memory_space<semaphore_mem>>) src(%dma_wait3A_109 : memref<160x128xf32, #tpu.memory_space<vmem_shared>>) dst(%dma_wait3A_107 : memref<160x128xf32, #tpu.memory_space<hbm>>)
    %add3A_110 = arith.constant 480 : i32
    %add3A_111 = arith.addi %mul3A_2, %add3A_110 : i32
    %add3A_112 = arith.constant 480 : i32
    %add3A_113 = arith.addi %mul3A_2, %add3A_112 : i32
    %dma_start3A_114 = arith.constant 0 : i32
    %dma_start3A_115 = tpu.memref_slice %arg18[%add3A_113, %dma_start3A_114] : memref<10240x128xf32, #tpu.memory_space<vmem_shared>> -> memref<160x128xf32, #tpu.memory_space<vmem_shared>>
    %dma_start3A_116 = arith.constant 0 : i32
    %dma_start3A_117 = tpu.memref_slice %arg7[%add3A_111, %dma_start3A_116] : memref<10240x128xf32, #tpu.memory_space<hbm>> -> memref<160x128xf32, #tpu.memory_space<hbm>>
    tpu.enqueue_dma source(%dma_start3A_117 : memref<160x128xf32, #tpu.memory_space<hbm>>) target(%dma_start3A_115 : memref<160x128xf32, #tpu.memory_space<vmem_shared>>) target_semaphore(%arg22 : memref<!tpu.dma_semaphore, #tpu.memory_space<semaphore_mem>>)
    %add3A_118 = arith.constant 0 : i32
    %add3A_119 = arith.addi %mul3A_2, %add3A_118 : i32
    %add3A_120 = arith.constant 0 : i32
    %add3A_121 = arith.addi %mul3A_2, %add3A_120 : i32
    %dma_wait3A_122 = arith.constant 0 : i32
    %dma_wait3A_123 = tpu.memref_slice %arg18[%add3A_121, %dma_wait3A_122] : memref<10240x128xf32, #tpu.memory_space<vmem_shared>> -> memref<160x128xf32, #tpu.memory_space<vmem_shared>>
    %dma_wait3A_124 = arith.constant 0 : i32
    %dma_wait3A_125 = tpu.memref_slice %arg7[%add3A_119, %dma_wait3A_124] : memref<10240x128xf32, #tpu.memory_space<hbm>> -> memref<160x128xf32, #tpu.memory_space<hbm>>
    tpu.wait_dma2 semaphore(%arg22 : memref<!tpu.dma_semaphore, #tpu.memory_space<semaphore_mem>>) src(%dma_wait3A_125 : memref<160x128xf32, #tpu.memory_space<hbm>>) dst(%dma_wait3A_123 : memref<160x128xf32, #tpu.memory_space<vmem_shared>>)
    %add3A_126 = arith.constant 160 : i32
    %add3A_127 = arith.addi %mul3A_2, %add3A_126 : i32
    %add3A_128 = arith.constant 160 : i32
    %add3A_129 = arith.addi %mul3A_2, %add3A_128 : i32
    %dma_wait3A_130 = arith.constant 0 : i32
    %dma_wait3A_131 = tpu.memref_slice %arg18[%add3A_129, %dma_wait3A_130] : memref<10240x128xf32, #tpu.memory_space<vmem_shared>> -> memref<160x128xf32, #tpu.memory_space<vmem_shared>>
    %dma_wait3A_132 = arith.constant 0 : i32
    %dma_wait3A_133 = tpu.memref_slice %arg7[%add3A_127, %dma_wait3A_132] : memref<10240x128xf32, #tpu.memory_space<hbm>> -> memref<160x128xf32, #tpu.memory_space<hbm>>
    tpu.wait_dma2 semaphore(%arg22 : memref<!tpu.dma_semaphore, #tpu.memory_space<semaphore_mem>>) src(%dma_wait3A_133 : memref<160x128xf32, #tpu.memory_space<hbm>>) dst(%dma_wait3A_131 : memref<160x128xf32, #tpu.memory_space<vmem_shared>>)
    %add3A_134 = arith.constant 320 : i32
    %add3A_135 = arith.addi %mul3A_2, %add3A_134 : i32
    %add3A_136 = arith.constant 320 : i32
    %add3A_137 = arith.addi %mul3A_2, %add3A_136 : i32
    %dma_wait3A_138 = arith.constant 0 : i32
    %dma_wait3A_139 = tpu.memref_slice %arg18[%add3A_137, %dma_wait3A_138] : memref<10240x128xf32, #tpu.memory_space<vmem_shared>> -> memref<160x128xf32, #tpu.memory_space<vmem_shared>>
    %dma_wait3A_140 = arith.constant 0 : i32
    %dma_wait3A_141 = tpu.memref_slice %arg7[%add3A_135, %dma_wait3A_140] : memref<10240x128xf32, #tpu.memory_space<hbm>> -> memref<160x128xf32, #tpu.memory_space<hbm>>
    tpu.wait_dma2 semaphore(%arg22 : memref<!tpu.dma_semaphore, #tpu.memory_space<semaphore_mem>>) src(%dma_wait3A_141 : memref<160x128xf32, #tpu.memory_space<hbm>>) dst(%dma_wait3A_139 : memref<160x128xf32, #tpu.memory_space<vmem_shared>>)
    %add3A_142 = arith.constant 480 : i32
    %add3A_143 = arith.addi %mul3A_2, %add3A_142 : i32
    %add3A_144 = arith.constant 480 : i32
    %add3A_145 = arith.addi %mul3A_2, %add3A_144 : i32
    %dma_wait3A_146 = arith.constant 0 : i32
    %dma_wait3A_147 = tpu.memref_slice %arg18[%add3A_145, %dma_wait3A_146] : memref<10240x128xf32, #tpu.memory_space<vmem_shared>> -> memref<160x128xf32, #tpu.memory_space<vmem_shared>>
    %dma_wait3A_148 = arith.constant 0 : i32
    %dma_wait3A_149 = tpu.memref_slice %arg7[%add3A_143, %dma_wait3A_148] : memref<10240x128xf32, #tpu.memory_space<hbm>> -> memref<160x128xf32, #tpu.memory_space<hbm>>
    tpu.wait_dma2 semaphore(%arg22 : memref<!tpu.dma_semaphore, #tpu.memory_space<semaphore_mem>>) src(%dma_wait3A_149 : memref<160x128xf32, #tpu.memory_space<hbm>>) dst(%dma_wait3A_147 : memref<160x128xf32, #tpu.memory_space<vmem_shared>>)
    %run_scoped3A_150 = arith.constant 0 : i32
    "tpu.region"() ({
      %run_scoped3A_416 = tpu.sem_alloc : memref<!tpu.dma_semaphore, #tpu.memory_space<semaphore_mem>>
      %dma_start3A_417 = arith.constant 0 : i32
      %dma_start3A_418 = tpu.memref_slice %arg5[%run_scoped3A_150, %add3A, %dma_start3A_417] : memref<2x32x8xi32, #tpu.memory_space<hbm>> -> memref<1x1x8xi32, #tpu.memory_space<hbm>>
      %dma_start3A_419 = tpu.memref_squeeze %dma_start3A_418 : memref<1x1x8xi32, #tpu.memory_space<hbm>> -> memref<8xi32, #tpu.memory_space<hbm>>
      %dma_start3A_420 = arith.constant 0 : i32
      %dma_start3A_421 = tpu.memref_slice %arg5[%run_scoped3A_150, %add3A, %dma_start3A_420] : memref<2x32x8xi32, #tpu.memory_space<hbm>> -> memref<1x1x8xi32, #tpu.memory_space<hbm>>
      %dma_start3A_422 = tpu.memref_squeeze %dma_start3A_421 : memref<1x1x8xi32, #tpu.memory_space<hbm>> -> memref<8xi32, #tpu.memory_space<hbm>>
      tpu.enqueue_dma source(%dma_start3A_422 : memref<8xi32, #tpu.memory_space<hbm>>) target(%arg13 : memref<8xi32, #tpu.memory_space<vmem>>) target_semaphore(%run_scoped3A_416 : memref<!tpu.dma_semaphore, #tpu.memory_space<semaphore_mem>>)
      %dma_wait3A_423 = arith.constant 0 : i32
      %dma_wait3A_424 = tpu.memref_slice %arg5[%run_scoped3A_150, %add3A, %dma_wait3A_423] : memref<2x32x8xi32, #tpu.memory_space<hbm>> -> memref<1x1x8xi32, #tpu.memory_space<hbm>>
      %dma_wait3A_425 = tpu.memref_squeeze %dma_wait3A_424 : memref<1x1x8xi32, #tpu.memory_space<hbm>> -> memref<8xi32, #tpu.memory_space<hbm>>
      %dma_wait3A_426 = arith.constant 0 : i32
      %dma_wait3A_427 = tpu.memref_slice %arg5[%run_scoped3A_150, %add3A, %dma_wait3A_426] : memref<2x32x8xi32, #tpu.memory_space<hbm>> -> memref<1x1x8xi32, #tpu.memory_space<hbm>>
      %dma_wait3A_428 = tpu.memref_squeeze %dma_wait3A_427 : memref<1x1x8xi32, #tpu.memory_space<hbm>> -> memref<8xi32, #tpu.memory_space<hbm>>
      tpu.wait_dma2 semaphore(%run_scoped3A_416 : memref<!tpu.dma_semaphore, #tpu.memory_space<semaphore_mem>>) src(%dma_wait3A_428 : memref<8xi32, #tpu.memory_space<hbm>>) dst(%arg13 : memref<8xi32, #tpu.memory_space<vmem>>)
      tpu.yield
    }) : () -> ()
    %barrier3A_151 = arith.constant 0 : index
    tpu.barrier barrier_id(%barrier3A_151)
    %scan3A_152 = arith.constant 0 : i32
    %scan3A_153 = arith.constant 0 : i32
    %scan3A_154 = arith.constant 19 : i32
    %scan3A_155 = arith.addi %scan3A_153, %scan3A_154 : i32
    %scan3A_156 = arith.constant 1 : i32
    scf.for %scan3A_416 = %scan3A_153 to %scan3A_155 step %scan3A_156  : i32 {
      %mul3A_417 = arith.constant 2 : i32
      %mul3A_418 = arith.muli %mul3A_417, %scan3A_416 : i32
      %add3A_419 = arith.constant 1 : i32
      %add3A_420 = arith.addi %mul3A_418, %add3A_419 : i32
      %dma_start3A_421 = arith.constant 0 : i32
      %dma_start3A_422 = tpu.memref_slice %arg11[%add3A_420, %dma_start3A_421] : memref<39x128xi32, #tpu.memory_space<vmem>> -> memref<1x128xi32, #tpu.memory_space<vmem>>
      %dma_start3A_423 = tpu.memref_squeeze %dma_start3A_422 : memref<1x128xi32, #tpu.memory_space<vmem>> -> memref<128xi32, #tpu.memory_space<vmem>>
      %dma_start3A_424 = arith.constant 0 : i32
      %dma_start3A_425 = arith.constant 0 : i32
      %dma_start3A_426 = tpu.memref_slice %arg2[%dma_start3A_424, %dma_start3A_425] : memref<20000x128xf32, #tpu.memory_space<hbm>> -> memref<20000x128xf32, #tpu.memory_space<hbm>>
      tpu.enqueue_indirect_dma source(%dma_start3A_426 : memref<20000x128xf32, #tpu.memory_space<hbm>>) target(%arg16 : memref<128x128xf32, #tpu.memory_space<vmem>>) offsets(%dma_start3A_423 : memref<128xi32, #tpu.memory_space<vmem>>) semaphore(%arg20 : memref<!tpu.dma_semaphore, #tpu.memory_space<semaphore_mem>>)
      %dma_wait3A_427 = arith.constant 0 : i32
      %dma_wait3A_428 = tpu.memref_slice %arg11[%mul3A_418, %dma_wait3A_427] : memref<39x128xi32, #tpu.memory_space<vmem>> -> memref<1x128xi32, #tpu.memory_space<vmem>>
      %dma_wait3A_429 = tpu.memref_squeeze %dma_wait3A_428 : memref<1x128xi32, #tpu.memory_space<vmem>> -> memref<128xi32, #tpu.memory_space<vmem>>
      %dma_wait3A_430 = arith.constant 0 : i32
      %dma_wait3A_431 = arith.constant 0 : i32
      %dma_wait3A_432 = tpu.memref_slice %arg2[%dma_wait3A_430, %dma_wait3A_431] : memref<20000x128xf32, #tpu.memory_space<hbm>> -> memref<20000x128xf32, #tpu.memory_space<hbm>>
      tpu.wait_indirect_dma semaphore(%arg19 : memref<!tpu.dma_semaphore, #tpu.memory_space<semaphore_mem>>) src(%dma_wait3A_432 : memref<20000x128xf32, #tpu.memory_space<hbm>>) dst(%arg15 : memref<128x128xf32, #tpu.memory_space<vmem>>)
      "tpu.region"() ({
        %run_scoped3A_451 = tpu.sem_alloc : memref<!tpu.dma_semaphore, #tpu.memory_space<semaphore_mem>>
        %dma_start3A_452 = arith.constant 0 : i32
        %dma_start3A_453 = tpu.memref_slice %arg12[%mul3A_418, %dma_start3A_452] : memref<39x128xi32, #tpu.memory_space<vmem>> -> memref<1x128xi32, #tpu.memory_space<vmem>>
        %dma_start3A_454 = tpu.memref_squeeze %dma_start3A_453 : memref<1x128xi32, #tpu.memory_space<vmem>> -> memref<128xi32, #tpu.memory_space<vmem>>
        %dma_start3A_455 = arith.constant 0 : i32
        %dma_start3A_456 = arith.constant 0 : i32
        %dma_start3A_457 = tpu.memref_slice %arg18[%dma_start3A_455, %dma_start3A_456] : memref<10240x128xf32, #tpu.memory_space<vmem_shared>> -> memref<10240x128xf32, #tpu.memory_space<vmem_shared>>
        tpu.enqueue_indirect_dma source(%arg15 : memref<128x128xf32, #tpu.memory_space<vmem>>) target(%dma_start3A_457 : memref<10240x128xf32, #tpu.memory_space<vmem_shared>>) offsets(%dma_start3A_454 : memref<128xi32, #tpu.memory_space<vmem>>) semaphore(%run_scoped3A_451 : memref<!tpu.dma_semaphore, #tpu.memory_space<semaphore_mem>>) {add = true}
        %dma_wait3A_458 = arith.constant 0 : i32
        %dma_wait3A_459 = tpu.memref_slice %arg12[%mul3A_418, %dma_wait3A_458] : memref<39x128xi32, #tpu.memory_space<vmem>> -> memref<1x128xi32, #tpu.memory_space<vmem>>
        %dma_wait3A_460 = tpu.memref_squeeze %dma_wait3A_459 : memref<1x128xi32, #tpu.memory_space<vmem>> -> memref<128xi32, #tpu.memory_space<vmem>>
        %dma_wait3A_461 = arith.constant 0 : i32
        %dma_wait3A_462 = arith.constant 0 : i32
        %dma_wait3A_463 = tpu.memref_slice %arg18[%dma_wait3A_461, %dma_wait3A_462] : memref<10240x128xf32, #tpu.memory_space<vmem_shared>> -> memref<10240x128xf32, #tpu.memory_space<vmem_shared>>
        tpu.wait_indirect_dma semaphore(%run_scoped3A_451 : memref<!tpu.dma_semaphore, #tpu.memory_space<semaphore_mem>>) src(%arg15 : memref<128x128xf32, #tpu.memory_space<vmem>>) dst(%dma_wait3A_463 : memref<10240x128xf32, #tpu.memory_space<vmem_shared>>)
        tpu.yield
      }) : () -> ()
      %add3A_433 = arith.constant 2 : i32
      %add3A_434 = arith.addi %mul3A_418, %add3A_433 : i32
      %dma_start3A_435 = arith.constant 0 : i32
      %dma_start3A_436 = tpu.memref_slice %arg11[%add3A_434, %dma_start3A_435] : memref<39x128xi32, #tpu.memory_space<vmem>> -> memref<1x128xi32, #tpu.memory_space<vmem>>
      %dma_start3A_437 = tpu.memref_squeeze %dma_start3A_436 : memref<1x128xi32, #tpu.memory_space<vmem>> -> memref<128xi32, #tpu.memory_space<vmem>>
      %dma_start3A_438 = arith.constant 0 : i32
      %dma_start3A_439 = arith.constant 0 : i32
      %dma_start3A_440 = tpu.memref_slice %arg2[%dma_start3A_438, %dma_start3A_439] : memref<20000x128xf32, #tpu.memory_space<hbm>> -> memref<20000x128xf32, #tpu.memory_space<hbm>>
      tpu.enqueue_indirect_dma source(%dma_start3A_440 : memref<20000x128xf32, #tpu.memory_space<hbm>>) target(%arg15 : memref<128x128xf32, #tpu.memory_space<vmem>>) offsets(%dma_start3A_437 : memref<128xi32, #tpu.memory_space<vmem>>) semaphore(%arg19 : memref<!tpu.dma_semaphore, #tpu.memory_space<semaphore_mem>>)
      %add3A_441 = arith.constant 1 : i32
      %add3A_442 = arith.addi %mul3A_418, %add3A_441 : i32
      %dma_wait3A_443 = arith.constant 0 : i32
      %dma_wait3A_444 = tpu.memref_slice %arg11[%add3A_442, %dma_wait3A_443] : memref<39x128xi32, #tpu.memory_space<vmem>> -> memref<1x128xi32, #tpu.memory_space<vmem>>
      %dma_wait3A_445 = tpu.memref_squeeze %dma_wait3A_444 : memref<1x128xi32, #tpu.memory_space<vmem>> -> memref<128xi32, #tpu.memory_space<vmem>>
      %dma_wait3A_446 = arith.constant 0 : i32
      %dma_wait3A_447 = arith.constant 0 : i32
      %dma_wait3A_448 = tpu.memref_slice %arg2[%dma_wait3A_446, %dma_wait3A_447] : memref<20000x128xf32, #tpu.memory_space<hbm>> -> memref<20000x128xf32, #tpu.memory_space<hbm>>
      tpu.wait_indirect_dma semaphore(%arg20 : memref<!tpu.dma_semaphore, #tpu.memory_space<semaphore_mem>>) src(%dma_wait3A_448 : memref<20000x128xf32, #tpu.memory_space<hbm>>) dst(%arg16 : memref<128x128xf32, #tpu.memory_space<vmem>>)
      %add3A_449 = arith.constant 1 : i32
      %add3A_450 = arith.addi %mul3A_418, %add3A_449 : i32
      "tpu.region"() ({
        %run_scoped3A_451 = tpu.sem_alloc : memref<!tpu.dma_semaphore, #tpu.memory_space<semaphore_mem>>
        %dma_start3A_452 = arith.constant 0 : i32
        %dma_start3A_453 = tpu.memref_slice %arg12[%add3A_450, %dma_start3A_452] : memref<39x128xi32, #tpu.memory_space<vmem>> -> memref<1x128xi32, #tpu.memory_space<vmem>>
        %dma_start3A_454 = tpu.memref_squeeze %dma_start3A_453 : memref<1x128xi32, #tpu.memory_space<vmem>> -> memref<128xi32, #tpu.memory_space<vmem>>
        %dma_start3A_455 = arith.constant 0 : i32
        %dma_start3A_456 = arith.constant 0 : i32
        %dma_start3A_457 = tpu.memref_slice %arg18[%dma_start3A_455, %dma_start3A_456] : memref<10240x128xf32, #tpu.memory_space<vmem_shared>> -> memref<10240x128xf32, #tpu.memory_space<vmem_shared>>
        tpu.enqueue_indirect_dma source(%arg16 : memref<128x128xf32, #tpu.memory_space<vmem>>) target(%dma_start3A_457 : memref<10240x128xf32, #tpu.memory_space<vmem_shared>>) offsets(%dma_start3A_454 : memref<128xi32, #tpu.memory_space<vmem>>) semaphore(%run_scoped3A_451 : memref<!tpu.dma_semaphore, #tpu.memory_space<semaphore_mem>>) {add = true}
        %dma_wait3A_458 = arith.constant 0 : i32
        %dma_wait3A_459 = tpu.memref_slice %arg12[%add3A_450, %dma_wait3A_458] : memref<39x128xi32, #tpu.memory_space<vmem>> -> memref<1x128xi32, #tpu.memory_space<vmem>>
        %dma_wait3A_460 = tpu.memref_squeeze %dma_wait3A_459 : memref<1x128xi32, #tpu.memory_space<vmem>> -> memref<128xi32, #tpu.memory_space<vmem>>
        %dma_wait3A_461 = arith.constant 0 : i32
        %dma_wait3A_462 = arith.constant 0 : i32
        %dma_wait3A_463 = tpu.memref_slice %arg18[%dma_wait3A_461, %dma_wait3A_462] : memref<10240x128xf32, #tpu.memory_space<vmem_shared>> -> memref<10240x128xf32, #tpu.memory_space<vmem_shared>>
        tpu.wait_indirect_dma semaphore(%run_scoped3A_451 : memref<!tpu.dma_semaphore, #tpu.memory_space<semaphore_mem>>) src(%arg16 : memref<128x128xf32, #tpu.memory_space<vmem>>) dst(%dma_wait3A_463 : memref<10240x128xf32, #tpu.memory_space<vmem_shared>>)
        tpu.yield
      }) : () -> ()
    }
    %scan3A_157 = arith.constant 19 : i32
    %dma_wait3A_158 = arith.constant 38 : i32
    %dma_wait3A_159 = arith.constant 0 : i32
    %dma_wait3A_160 = tpu.memref_slice %arg11[%dma_wait3A_158, %dma_wait3A_159] : memref<39x128xi32, #tpu.memory_space<vmem>> -> memref<1x128xi32, #tpu.memory_space<vmem>>
    %dma_wait3A_161 = tpu.memref_squeeze %dma_wait3A_160 : memref<1x128xi32, #tpu.memory_space<vmem>> -> memref<128xi32, #tpu.memory_space<vmem>>
    %dma_wait3A_162 = arith.constant 0 : i32
    %dma_wait3A_163 = arith.constant 0 : i32
    %dma_wait3A_164 = tpu.memref_slice %arg2[%dma_wait3A_162, %dma_wait3A_163] : memref<20000x128xf32, #tpu.memory_space<hbm>> -> memref<20000x128xf32, #tpu.memory_space<hbm>>
    tpu.wait_indirect_dma semaphore(%arg19 : memref<!tpu.dma_semaphore, #tpu.memory_space<semaphore_mem>>) src(%dma_wait3A_164 : memref<20000x128xf32, #tpu.memory_space<hbm>>) dst(%arg15 : memref<128x128xf32, #tpu.memory_space<vmem>>)
    %run_scoped3A_165 = arith.constant 38 : i32
    "tpu.region"() ({
      %run_scoped3A_416 = tpu.sem_alloc : memref<!tpu.dma_semaphore, #tpu.memory_space<semaphore_mem>>
      %dma_start3A_417 = arith.constant 0 : i32
      %dma_start3A_418 = tpu.memref_slice %arg12[%run_scoped3A_165, %dma_start3A_417] : memref<39x128xi32, #tpu.memory_space<vmem>> -> memref<1x128xi32, #tpu.memory_space<vmem>>
      %dma_start3A_419 = tpu.memref_squeeze %dma_start3A_418 : memref<1x128xi32, #tpu.memory_space<vmem>> -> memref<128xi32, #tpu.memory_space<vmem>>
      %dma_start3A_420 = arith.constant 0 : i32
      %dma_start3A_421 = arith.constant 0 : i32
      %dma_start3A_422 = tpu.memref_slice %arg18[%dma_start3A_420, %dma_start3A_421] : memref<10240x128xf32, #tpu.memory_space<vmem_shared>> -> memref<10240x128xf32, #tpu.memory_space<vmem_shared>>
      tpu.enqueue_indirect_dma source(%arg15 : memref<128x128xf32, #tpu.memory_space<vmem>>) target(%dma_start3A_422 : memref<10240x128xf32, #tpu.memory_space<vmem_shared>>) offsets(%dma_start3A_419 : memref<128xi32, #tpu.memory_space<vmem>>) semaphore(%run_scoped3A_416 : memref<!tpu.dma_semaphore, #tpu.memory_space<semaphore_mem>>) {add = true}
      %dma_wait3A_423 = arith.constant 0 : i32
      %dma_wait3A_424 = tpu.memref_slice %arg12[%run_scoped3A_165, %dma_wait3A_423] : memref<39x128xi32, #tpu.memory_space<vmem>> -> memref<1x128xi32, #tpu.memory_space<vmem>>
      %dma_wait3A_425 = tpu.memref_squeeze %dma_wait3A_424 : memref<1x128xi32, #tpu.memory_space<vmem>> -> memref<128xi32, #tpu.memory_space<vmem>>
      %dma_wait3A_426 = arith.constant 0 : i32
      %dma_wait3A_427 = arith.constant 0 : i32
      %dma_wait3A_428 = tpu.memref_slice %arg18[%dma_wait3A_426, %dma_wait3A_427] : memref<10240x128xf32, #tpu.memory_space<vmem_shared>> -> memref<10240x128xf32, #tpu.memory_space<vmem_shared>>
      tpu.wait_indirect_dma semaphore(%run_scoped3A_416 : memref<!tpu.dma_semaphore, #tpu.memory_space<semaphore_mem>>) src(%arg15 : memref<128x128xf32, #tpu.memory_space<vmem>>) dst(%dma_wait3A_428 : memref<10240x128xf32, #tpu.memory_space<vmem_shared>>)
      tpu.yield
    }) : () -> ()
    %run_scoped3A_166 = arith.constant 1 : i32
    "tpu.region"() ({
      %run_scoped3A_416 = tpu.sem_alloc : memref<!tpu.dma_semaphore, #tpu.memory_space<semaphore_mem>>
      %dma_start3A_417 = arith.constant 0 : i32
      %dma_start3A_418 = arith.constant 0 : i32
      %dma_start3A_419 = tpu.memref_slice %arg3[%run_scoped3A_166, %add3A, %dma_start3A_417, %dma_start3A_418] : memref<2x32x39x128xi32, #tpu.memory_space<hbm>> -> memref<1x1x39x128xi32, #tpu.memory_space<hbm>>
      %dma_start3A_420 = tpu.memref_squeeze %dma_start3A_419 : memref<1x1x39x128xi32, #tpu.memory_space<hbm>> -> memref<39x128xi32, #tpu.memory_space<hbm>>
      %dma_start3A_421 = arith.constant 0 : i32
      %dma_start3A_422 = arith.constant 0 : i32
      %dma_start3A_423 = tpu.memref_slice %arg3[%run_scoped3A_166, %add3A, %dma_start3A_421, %dma_start3A_422] : memref<2x32x39x128xi32, #tpu.memory_space<hbm>> -> memref<1x1x39x128xi32, #tpu.memory_space<hbm>>
      %dma_start3A_424 = tpu.memref_squeeze %dma_start3A_423 : memref<1x1x39x128xi32, #tpu.memory_space<hbm>> -> memref<39x128xi32, #tpu.memory_space<hbm>>
      tpu.enqueue_dma source(%dma_start3A_424 : memref<39x128xi32, #tpu.memory_space<hbm>>) target(%arg11 : memref<39x128xi32, #tpu.memory_space<vmem>>) target_semaphore(%run_scoped3A_416 : memref<!tpu.dma_semaphore, #tpu.memory_space<semaphore_mem>>)
      %dma_wait3A_425 = arith.constant 0 : i32
      %dma_wait3A_426 = arith.constant 0 : i32
      %dma_wait3A_427 = tpu.memref_slice %arg3[%run_scoped3A_166, %add3A, %dma_wait3A_425, %dma_wait3A_426] : memref<2x32x39x128xi32, #tpu.memory_space<hbm>> -> memref<1x1x39x128xi32, #tpu.memory_space<hbm>>
      %dma_wait3A_428 = tpu.memref_squeeze %dma_wait3A_427 : memref<1x1x39x128xi32, #tpu.memory_space<hbm>> -> memref<39x128xi32, #tpu.memory_space<hbm>>
      %dma_wait3A_429 = arith.constant 0 : i32
      %dma_wait3A_430 = arith.constant 0 : i32
      %dma_wait3A_431 = tpu.memref_slice %arg3[%run_scoped3A_166, %add3A, %dma_wait3A_429, %dma_wait3A_430] : memref<2x32x39x128xi32, #tpu.memory_space<hbm>> -> memref<1x1x39x128xi32, #tpu.memory_space<hbm>>
      %dma_wait3A_432 = tpu.memref_squeeze %dma_wait3A_431 : memref<1x1x39x128xi32, #tpu.memory_space<hbm>> -> memref<39x128xi32, #tpu.memory_space<hbm>>
      tpu.wait_dma2 semaphore(%run_scoped3A_416 : memref<!tpu.dma_semaphore, #tpu.memory_space<semaphore_mem>>) src(%dma_wait3A_432 : memref<39x128xi32, #tpu.memory_space<hbm>>) dst(%arg11 : memref<39x128xi32, #tpu.memory_space<vmem>>)
      tpu.yield
    }) : () -> ()
    %dma_start3A_167 = arith.constant 0 : i32
    %dma_start3A_168 = arith.constant 0 : i32
    %dma_start3A_169 = tpu.memref_slice %arg11[%dma_start3A_167, %dma_start3A_168] : memref<39x128xi32, #tpu.memory_space<vmem>> -> memref<1x128xi32, #tpu.memory_space<vmem>>
    %dma_start3A_170 = tpu.memref_squeeze %dma_start3A_169 : memref<1x128xi32, #tpu.memory_space<vmem>> -> memref<128xi32, #tpu.memory_space<vmem>>
    %dma_start3A_171 = arith.constant 0 : i32
    %dma_start3A_172 = arith.constant 0 : i32
    %dma_start3A_173 = tpu.memref_slice %arg2[%dma_start3A_171, %dma_start3A_172] : memref<20000x128xf32, #tpu.memory_space<hbm>> -> memref<20000x128xf32, #tpu.memory_space<hbm>>
    tpu.enqueue_indirect_dma source(%dma_start3A_173 : memref<20000x128xf32, #tpu.memory_space<hbm>>) target(%arg15 : memref<128x128xf32, #tpu.memory_space<vmem>>) offsets(%dma_start3A_170 : memref<128xi32, #tpu.memory_space<vmem>>) semaphore(%arg19 : memref<!tpu.dma_semaphore, #tpu.memory_space<semaphore_mem>>)
    "tpu.region"() ({
      %run_scoped3A_416 = tpu.sem_alloc : memref<!tpu.dma_semaphore, #tpu.memory_space<semaphore_mem>>
      %dma_start3A_417 = arith.constant 0 : i32
      %dma_start3A_418 = arith.constant 0 : i32
      %dma_start3A_419 = tpu.memref_slice %arg2[%dma_start3A_417, %dma_start3A_418] : memref<20000x128xf32, #tpu.memory_space<hbm>> -> memref<20000x128xf32, #tpu.memory_space<hbm>>
      tpu.enqueue_indirect_dma source(%dma_start3A_419 : memref<20000x128xf32, #tpu.memory_space<hbm>>) target(%arg17 : memref<8x128xf32, #tpu.memory_space<vmem>>) offsets(%arg13 : memref<8xi32, #tpu.memory_space<vmem>>) semaphore(%run_scoped3A_416 : memref<!tpu.dma_semaphore, #tpu.memory_space<semaphore_mem>>)
      %dma_wait3A_420 = arith.constant 0 : i32
      %dma_wait3A_421 = arith.constant 0 : i32
      %dma_wait3A_422 = tpu.memref_slice %arg2[%dma_wait3A_420, %dma_wait3A_421] : memref<20000x128xf32, #tpu.memory_space<hbm>> -> memref<20000x128xf32, #tpu.memory_space<hbm>>
      tpu.wait_indirect_dma semaphore(%run_scoped3A_416 : memref<!tpu.dma_semaphore, #tpu.memory_space<semaphore_mem>>) src(%dma_wait3A_422 : memref<20000x128xf32, #tpu.memory_space<hbm>>) dst(%arg17 : memref<8x128xf32, #tpu.memory_space<vmem>>)
      tpu.yield
    }) : () -> ()
    "tpu.region"() ({
      %run_scoped3A_416 = tpu.sem_alloc : memref<!tpu.dma_semaphore, #tpu.memory_space<semaphore_mem>>
      %dma_start3A_417 = arith.constant 0 : i32
      %dma_start3A_418 = arith.constant 0 : i32
      %dma_start3A_419 = tpu.memref_slice %arg18[%dma_start3A_417, %dma_start3A_418] : memref<10240x128xf32, #tpu.memory_space<vmem_shared>> -> memref<10240x128xf32, #tpu.memory_space<vmem_shared>>
      tpu.enqueue_indirect_dma source(%arg17 : memref<8x128xf32, #tpu.memory_space<vmem>>) target(%dma_start3A_419 : memref<10240x128xf32, #tpu.memory_space<vmem_shared>>) offsets(%arg14 : memref<8xi32, #tpu.memory_space<vmem>>) semaphore(%run_scoped3A_416 : memref<!tpu.dma_semaphore, #tpu.memory_space<semaphore_mem>>) {add = true}
      %dma_wait3A_420 = arith.constant 0 : i32
      %dma_wait3A_421 = arith.constant 0 : i32
      %dma_wait3A_422 = tpu.memref_slice %arg18[%dma_wait3A_420, %dma_wait3A_421] : memref<10240x128xf32, #tpu.memory_space<vmem_shared>> -> memref<10240x128xf32, #tpu.memory_space<vmem_shared>>
      tpu.wait_indirect_dma semaphore(%run_scoped3A_416 : memref<!tpu.dma_semaphore, #tpu.memory_space<semaphore_mem>>) src(%arg17 : memref<8x128xf32, #tpu.memory_space<vmem>>) dst(%dma_wait3A_422 : memref<10240x128xf32, #tpu.memory_space<vmem_shared>>)
      tpu.yield
    }) : () -> ()
    %barrier3A_174 = arith.constant 0 : index
    tpu.barrier barrier_id(%barrier3A_174)
    %add3A_175 = arith.constant 0 : i32
    %add3A_176 = arith.addi %mul3A_2, %add3A_175 : i32
    %add3A_177 = arith.constant 0 : i32
    %add3A_178 = arith.addi %mul3A_2, %add3A_177 : i32
    %dma_start3A_179 = arith.constant 0 : i32
    %dma_start3A_180 = arith.constant 0 : i32
    %dma_start3A_181 = tpu.memref_slice %arg9[%arg0, %dma_start3A_179, %add3A_178, %dma_start3A_180] : memref<2x2x10240x128xf32, #tpu.memory_space<hbm>> -> memref<1x1x160x128xf32, #tpu.memory_space<hbm>>
    %dma_start3A_182 = tpu.memref_squeeze %dma_start3A_181 : memref<1x1x160x128xf32, #tpu.memory_space<hbm>> -> memref<160x128xf32, #tpu.memory_space<hbm>>
    %dma_start3A_183 = arith.constant 0 : i32
    %dma_start3A_184 = tpu.memref_slice %arg18[%add3A_176, %dma_start3A_183] : memref<10240x128xf32, #tpu.memory_space<vmem_shared>> -> memref<160x128xf32, #tpu.memory_space<vmem_shared>>
    tpu.enqueue_dma source(%dma_start3A_184 : memref<160x128xf32, #tpu.memory_space<vmem_shared>>) target(%dma_start3A_182 : memref<160x128xf32, #tpu.memory_space<hbm>>) target_semaphore(%arg21 : memref<!tpu.dma_semaphore, #tpu.memory_space<semaphore_mem>>)
    %add3A_185 = arith.constant 0 : i32
    %add3A_186 = arith.addi %mul3A_2, %add3A_185 : i32
    %add3A_187 = arith.constant 0 : i32
    %add3A_188 = arith.addi %mul3A_2, %add3A_187 : i32
    %dma_wait3A_189 = arith.constant 0 : i32
    %dma_wait3A_190 = arith.constant 0 : i32
    %dma_wait3A_191 = tpu.memref_slice %arg9[%arg0, %dma_wait3A_189, %add3A_188, %dma_wait3A_190] : memref<2x2x10240x128xf32, #tpu.memory_space<hbm>> -> memref<1x1x160x128xf32, #tpu.memory_space<hbm>>
    %dma_wait3A_192 = tpu.memref_squeeze %dma_wait3A_191 : memref<1x1x160x128xf32, #tpu.memory_space<hbm>> -> memref<160x128xf32, #tpu.memory_space<hbm>>
    %dma_wait3A_193 = arith.constant 0 : i32
    %dma_wait3A_194 = tpu.memref_slice %arg18[%add3A_186, %dma_wait3A_193] : memref<10240x128xf32, #tpu.memory_space<vmem_shared>> -> memref<160x128xf32, #tpu.memory_space<vmem_shared>>
    tpu.wait_dma2 semaphore(%arg21 : memref<!tpu.dma_semaphore, #tpu.memory_space<semaphore_mem>>) src(%dma_wait3A_194 : memref<160x128xf32, #tpu.memory_space<vmem_shared>>) dst(%dma_wait3A_192 : memref<160x128xf32, #tpu.memory_space<hbm>>)
    %add3A_195 = arith.constant 160 : i32
    %add3A_196 = arith.addi %mul3A_2, %add3A_195 : i32
    %add3A_197 = arith.constant 160 : i32
    %add3A_198 = arith.addi %mul3A_2, %add3A_197 : i32
    %dma_start3A_199 = arith.constant 0 : i32
    %dma_start3A_200 = arith.constant 0 : i32
    %dma_start3A_201 = tpu.memref_slice %arg9[%arg0, %dma_start3A_199, %add3A_198, %dma_start3A_200] : memref<2x2x10240x128xf32, #tpu.memory_space<hbm>> -> memref<1x1x160x128xf32, #tpu.memory_space<hbm>>
    %dma_start3A_202 = tpu.memref_squeeze %dma_start3A_201 : memref<1x1x160x128xf32, #tpu.memory_space<hbm>> -> memref<160x128xf32, #tpu.memory_space<hbm>>
    %dma_start3A_203 = arith.constant 0 : i32
    %dma_start3A_204 = tpu.memref_slice %arg18[%add3A_196, %dma_start3A_203] : memref<10240x128xf32, #tpu.memory_space<vmem_shared>> -> memref<160x128xf32, #tpu.memory_space<vmem_shared>>
    tpu.enqueue_dma source(%dma_start3A_204 : memref<160x128xf32, #tpu.memory_space<vmem_shared>>) target(%dma_start3A_202 : memref<160x128xf32, #tpu.memory_space<hbm>>) target_semaphore(%arg21 : memref<!tpu.dma_semaphore, #tpu.memory_space<semaphore_mem>>)
    %add3A_205 = arith.constant 0 : i32
    %add3A_206 = arith.addi %mul3A_2, %add3A_205 : i32
    %add3A_207 = arith.constant 0 : i32
    %add3A_208 = arith.addi %mul3A_2, %add3A_207 : i32
    %dma_start3A_209 = arith.constant 0 : i32
    %dma_start3A_210 = tpu.memref_slice %arg18[%add3A_208, %dma_start3A_209] : memref<10240x128xf32, #tpu.memory_space<vmem_shared>> -> memref<160x128xf32, #tpu.memory_space<vmem_shared>>
    %dma_start3A_211 = arith.constant 0 : i32
    %dma_start3A_212 = tpu.memref_slice %arg7[%add3A_206, %dma_start3A_211] : memref<10240x128xf32, #tpu.memory_space<hbm>> -> memref<160x128xf32, #tpu.memory_space<hbm>>
    tpu.enqueue_dma source(%dma_start3A_212 : memref<160x128xf32, #tpu.memory_space<hbm>>) target(%dma_start3A_210 : memref<160x128xf32, #tpu.memory_space<vmem_shared>>) target_semaphore(%arg22 : memref<!tpu.dma_semaphore, #tpu.memory_space<semaphore_mem>>)
    %add3A_213 = arith.constant 160 : i32
    %add3A_214 = arith.addi %mul3A_2, %add3A_213 : i32
    %add3A_215 = arith.constant 160 : i32
    %add3A_216 = arith.addi %mul3A_2, %add3A_215 : i32
    %dma_wait3A_217 = arith.constant 0 : i32
    %dma_wait3A_218 = arith.constant 0 : i32
    %dma_wait3A_219 = tpu.memref_slice %arg9[%arg0, %dma_wait3A_217, %add3A_216, %dma_wait3A_218] : memref<2x2x10240x128xf32, #tpu.memory_space<hbm>> -> memref<1x1x160x128xf32, #tpu.memory_space<hbm>>
    %dma_wait3A_220 = tpu.memref_squeeze %dma_wait3A_219 : memref<1x1x160x128xf32, #tpu.memory_space<hbm>> -> memref<160x128xf32, #tpu.memory_space<hbm>>
    %dma_wait3A_221 = arith.constant 0 : i32
    %dma_wait3A_222 = tpu.memref_slice %arg18[%add3A_214, %dma_wait3A_221] : memref<10240x128xf32, #tpu.memory_space<vmem_shared>> -> memref<160x128xf32, #tpu.memory_space<vmem_shared>>
    tpu.wait_dma2 semaphore(%arg21 : memref<!tpu.dma_semaphore, #tpu.memory_space<semaphore_mem>>) src(%dma_wait3A_222 : memref<160x128xf32, #tpu.memory_space<vmem_shared>>) dst(%dma_wait3A_220 : memref<160x128xf32, #tpu.memory_space<hbm>>)
    %add3A_223 = arith.constant 320 : i32
    %add3A_224 = arith.addi %mul3A_2, %add3A_223 : i32
    %add3A_225 = arith.constant 320 : i32
    %add3A_226 = arith.addi %mul3A_2, %add3A_225 : i32
    %dma_start3A_227 = arith.constant 0 : i32
    %dma_start3A_228 = arith.constant 0 : i32
    %dma_start3A_229 = tpu.memref_slice %arg9[%arg0, %dma_start3A_227, %add3A_226, %dma_start3A_228] : memref<2x2x10240x128xf32, #tpu.memory_space<hbm>> -> memref<1x1x160x128xf32, #tpu.memory_space<hbm>>
    %dma_start3A_230 = tpu.memref_squeeze %dma_start3A_229 : memref<1x1x160x128xf32, #tpu.memory_space<hbm>> -> memref<160x128xf32, #tpu.memory_space<hbm>>
    %dma_start3A_231 = arith.constant 0 : i32
    %dma_start3A_232 = tpu.memref_slice %arg18[%add3A_224, %dma_start3A_231] : memref<10240x128xf32, #tpu.memory_space<vmem_shared>> -> memref<160x128xf32, #tpu.memory_space<vmem_shared>>
    tpu.enqueue_dma source(%dma_start3A_232 : memref<160x128xf32, #tpu.memory_space<vmem_shared>>) target(%dma_start3A_230 : memref<160x128xf32, #tpu.memory_space<hbm>>) target_semaphore(%arg21 : memref<!tpu.dma_semaphore, #tpu.memory_space<semaphore_mem>>)
    %add3A_233 = arith.constant 160 : i32
    %add3A_234 = arith.addi %mul3A_2, %add3A_233 : i32
    %add3A_235 = arith.constant 160 : i32
    %add3A_236 = arith.addi %mul3A_2, %add3A_235 : i32
    %dma_start3A_237 = arith.constant 0 : i32
    %dma_start3A_238 = tpu.memref_slice %arg18[%add3A_236, %dma_start3A_237] : memref<10240x128xf32, #tpu.memory_space<vmem_shared>> -> memref<160x128xf32, #tpu.memory_space<vmem_shared>>
    %dma_start3A_239 = arith.constant 0 : i32
    %dma_start3A_240 = tpu.memref_slice %arg7[%add3A_234, %dma_start3A_239] : memref<10240x128xf32, #tpu.memory_space<hbm>> -> memref<160x128xf32, #tpu.memory_space<hbm>>
    tpu.enqueue_dma source(%dma_start3A_240 : memref<160x128xf32, #tpu.memory_space<hbm>>) target(%dma_start3A_238 : memref<160x128xf32, #tpu.memory_space<vmem_shared>>) target_semaphore(%arg22 : memref<!tpu.dma_semaphore, #tpu.memory_space<semaphore_mem>>)
    %add3A_241 = arith.constant 320 : i32
    %add3A_242 = arith.addi %mul3A_2, %add3A_241 : i32
    %add3A_243 = arith.constant 320 : i32
    %add3A_244 = arith.addi %mul3A_2, %add3A_243 : i32
    %dma_wait3A_245 = arith.constant 0 : i32
    %dma_wait3A_246 = arith.constant 0 : i32
    %dma_wait3A_247 = tpu.memref_slice %arg9[%arg0, %dma_wait3A_245, %add3A_244, %dma_wait3A_246] : memref<2x2x10240x128xf32, #tpu.memory_space<hbm>> -> memref<1x1x160x128xf32, #tpu.memory_space<hbm>>
    %dma_wait3A_248 = tpu.memref_squeeze %dma_wait3A_247 : memref<1x1x160x128xf32, #tpu.memory_space<hbm>> -> memref<160x128xf32, #tpu.memory_space<hbm>>
    %dma_wait3A_249 = arith.constant 0 : i32
    %dma_wait3A_250 = tpu.memref_slice %arg18[%add3A_242, %dma_wait3A_249] : memref<10240x128xf32, #tpu.memory_space<vmem_shared>> -> memref<160x128xf32, #tpu.memory_space<vmem_shared>>
    tpu.wait_dma2 semaphore(%arg21 : memref<!tpu.dma_semaphore, #tpu.memory_space<semaphore_mem>>) src(%dma_wait3A_250 : memref<160x128xf32, #tpu.memory_space<vmem_shared>>) dst(%dma_wait3A_248 : memref<160x128xf32, #tpu.memory_space<hbm>>)
    %add3A_251 = arith.constant 480 : i32
    %add3A_252 = arith.addi %mul3A_2, %add3A_251 : i32
    %add3A_253 = arith.constant 480 : i32
    %add3A_254 = arith.addi %mul3A_2, %add3A_253 : i32
    %dma_start3A_255 = arith.constant 0 : i32
    %dma_start3A_256 = arith.constant 0 : i32
    %dma_start3A_257 = tpu.memref_slice %arg9[%arg0, %dma_start3A_255, %add3A_254, %dma_start3A_256] : memref<2x2x10240x128xf32, #tpu.memory_space<hbm>> -> memref<1x1x160x128xf32, #tpu.memory_space<hbm>>
    %dma_start3A_258 = tpu.memref_squeeze %dma_start3A_257 : memref<1x1x160x128xf32, #tpu.memory_space<hbm>> -> memref<160x128xf32, #tpu.memory_space<hbm>>
    %dma_start3A_259 = arith.constant 0 : i32
    %dma_start3A_260 = tpu.memref_slice %arg18[%add3A_252, %dma_start3A_259] : memref<10240x128xf32, #tpu.memory_space<vmem_shared>> -> memref<160x128xf32, #tpu.memory_space<vmem_shared>>
    tpu.enqueue_dma source(%dma_start3A_260 : memref<160x128xf32, #tpu.memory_space<vmem_shared>>) target(%dma_start3A_258 : memref<160x128xf32, #tpu.memory_space<hbm>>) target_semaphore(%arg21 : memref<!tpu.dma_semaphore, #tpu.memory_space<semaphore_mem>>)
    %add3A_261 = arith.constant 320 : i32
    %add3A_262 = arith.addi %mul3A_2, %add3A_261 : i32
    %add3A_263 = arith.constant 320 : i32
    %add3A_264 = arith.addi %mul3A_2, %add3A_263 : i32
    %dma_start3A_265 = arith.constant 0 : i32
    %dma_start3A_266 = tpu.memref_slice %arg18[%add3A_264, %dma_start3A_265] : memref<10240x128xf32, #tpu.memory_space<vmem_shared>> -> memref<160x128xf32, #tpu.memory_space<vmem_shared>>
    %dma_start3A_267 = arith.constant 0 : i32
    %dma_start3A_268 = tpu.memref_slice %arg7[%add3A_262, %dma_start3A_267] : memref<10240x128xf32, #tpu.memory_space<hbm>> -> memref<160x128xf32, #tpu.memory_space<hbm>>
    tpu.enqueue_dma source(%dma_start3A_268 : memref<160x128xf32, #tpu.memory_space<hbm>>) target(%dma_start3A_266 : memref<160x128xf32, #tpu.memory_space<vmem_shared>>) target_semaphore(%arg22 : memref<!tpu.dma_semaphore, #tpu.memory_space<semaphore_mem>>)
    %add3A_269 = arith.constant 480 : i32
    %add3A_270 = arith.addi %mul3A_2, %add3A_269 : i32
    %add3A_271 = arith.constant 480 : i32
    %add3A_272 = arith.addi %mul3A_2, %add3A_271 : i32
    %dma_wait3A_273 = arith.constant 0 : i32
    %dma_wait3A_274 = arith.constant 0 : i32
    %dma_wait3A_275 = tpu.memref_slice %arg9[%arg0, %dma_wait3A_273, %add3A_272, %dma_wait3A_274] : memref<2x2x10240x128xf32, #tpu.memory_space<hbm>> -> memref<1x1x160x128xf32, #tpu.memory_space<hbm>>
    %dma_wait3A_276 = tpu.memref_squeeze %dma_wait3A_275 : memref<1x1x160x128xf32, #tpu.memory_space<hbm>> -> memref<160x128xf32, #tpu.memory_space<hbm>>
    %dma_wait3A_277 = arith.constant 0 : i32
    %dma_wait3A_278 = tpu.memref_slice %arg18[%add3A_270, %dma_wait3A_277] : memref<10240x128xf32, #tpu.memory_space<vmem_shared>> -> memref<160x128xf32, #tpu.memory_space<vmem_shared>>
    tpu.wait_dma2 semaphore(%arg21 : memref<!tpu.dma_semaphore, #tpu.memory_space<semaphore_mem>>) src(%dma_wait3A_278 : memref<160x128xf32, #tpu.memory_space<vmem_shared>>) dst(%dma_wait3A_276 : memref<160x128xf32, #tpu.memory_space<hbm>>)
    %add3A_279 = arith.constant 480 : i32
    %add3A_280 = arith.addi %mul3A_2, %add3A_279 : i32
    %add3A_281 = arith.constant 480 : i32
    %add3A_282 = arith.addi %mul3A_2, %add3A_281 : i32
    %dma_start3A_283 = arith.constant 0 : i32
    %dma_start3A_284 = tpu.memref_slice %arg18[%add3A_282, %dma_start3A_283] : memref<10240x128xf32, #tpu.memory_space<vmem_shared>> -> memref<160x128xf32, #tpu.memory_space<vmem_shared>>
    %dma_start3A_285 = arith.constant 0 : i32
    %dma_start3A_286 = tpu.memref_slice %arg7[%add3A_280, %dma_start3A_285] : memref<10240x128xf32, #tpu.memory_space<hbm>> -> memref<160x128xf32, #tpu.memory_space<hbm>>
    tpu.enqueue_dma source(%dma_start3A_286 : memref<160x128xf32, #tpu.memory_space<hbm>>) target(%dma_start3A_284 : memref<160x128xf32, #tpu.memory_space<vmem_shared>>) target_semaphore(%arg22 : memref<!tpu.dma_semaphore, #tpu.memory_space<semaphore_mem>>)
    %add3A_287 = arith.constant 0 : i32
    %add3A_288 = arith.addi %mul3A_2, %add3A_287 : i32
    %add3A_289 = arith.constant 0 : i32
    %add3A_290 = arith.addi %mul3A_2, %add3A_289 : i32
    %dma_wait3A_291 = arith.constant 0 : i32
    %dma_wait3A_292 = tpu.memref_slice %arg18[%add3A_290, %dma_wait3A_291] : memref<10240x128xf32, #tpu.memory_space<vmem_shared>> -> memref<160x128xf32, #tpu.memory_space<vmem_shared>>
    %dma_wait3A_293 = arith.constant 0 : i32
    %dma_wait3A_294 = tpu.memref_slice %arg7[%add3A_288, %dma_wait3A_293] : memref<10240x128xf32, #tpu.memory_space<hbm>> -> memref<160x128xf32, #tpu.memory_space<hbm>>
    tpu.wait_dma2 semaphore(%arg22 : memref<!tpu.dma_semaphore, #tpu.memory_space<semaphore_mem>>) src(%dma_wait3A_294 : memref<160x128xf32, #tpu.memory_space<hbm>>) dst(%dma_wait3A_292 : memref<160x128xf32, #tpu.memory_space<vmem_shared>>)
    %add3A_295 = arith.constant 160 : i32
    %add3A_296 = arith.addi %mul3A_2, %add3A_295 : i32
    %add3A_297 = arith.constant 160 : i32
    %add3A_298 = arith.addi %mul3A_2, %add3A_297 : i32
    %dma_wait3A_299 = arith.constant 0 : i32
    %dma_wait3A_300 = tpu.memref_slice %arg18[%add3A_298, %dma_wait3A_299] : memref<10240x128xf32, #tpu.memory_space<vmem_shared>> -> memref<160x128xf32, #tpu.memory_space<vmem_shared>>
    %dma_wait3A_301 = arith.constant 0 : i32
    %dma_wait3A_302 = tpu.memref_slice %arg7[%add3A_296, %dma_wait3A_301] : memref<10240x128xf32, #tpu.memory_space<hbm>> -> memref<160x128xf32, #tpu.memory_space<hbm>>
    tpu.wait_dma2 semaphore(%arg22 : memref<!tpu.dma_semaphore, #tpu.memory_space<semaphore_mem>>) src(%dma_wait3A_302 : memref<160x128xf32, #tpu.memory_space<hbm>>) dst(%dma_wait3A_300 : memref<160x128xf32, #tpu.memory_space<vmem_shared>>)
    %add3A_303 = arith.constant 320 : i32
    %add3A_304 = arith.addi %mul3A_2, %add3A_303 : i32
    %add3A_305 = arith.constant 320 : i32
    %add3A_306 = arith.addi %mul3A_2, %add3A_305 : i32
    %dma_wait3A_307 = arith.constant 0 : i32
    %dma_wait3A_308 = tpu.memref_slice %arg18[%add3A_306, %dma_wait3A_307] : memref<10240x128xf32, #tpu.memory_space<vmem_shared>> -> memref<160x128xf32, #tpu.memory_space<vmem_shared>>
    %dma_wait3A_309 = arith.constant 0 : i32
    %dma_wait3A_310 = tpu.memref_slice %arg7[%add3A_304, %dma_wait3A_309] : memref<10240x128xf32, #tpu.memory_space<hbm>> -> memref<160x128xf32, #tpu.memory_space<hbm>>
    tpu.wait_dma2 semaphore(%arg22 : memref<!tpu.dma_semaphore, #tpu.memory_space<semaphore_mem>>) src(%dma_wait3A_310 : memref<160x128xf32, #tpu.memory_space<hbm>>) dst(%dma_wait3A_308 : memref<160x128xf32, #tpu.memory_space<vmem_shared>>)
    %add3A_311 = arith.constant 480 : i32
    %add3A_312 = arith.addi %mul3A_2, %add3A_311 : i32
    %add3A_313 = arith.constant 480 : i32
    %add3A_314 = arith.addi %mul3A_2, %add3A_313 : i32
    %dma_wait3A_315 = arith.constant 0 : i32
    %dma_wait3A_316 = tpu.memref_slice %arg18[%add3A_314, %dma_wait3A_315] : memref<10240x128xf32, #tpu.memory_space<vmem_shared>> -> memref<160x128xf32, #tpu.memory_space<vmem_shared>>
    %dma_wait3A_317 = arith.constant 0 : i32
    %dma_wait3A_318 = tpu.memref_slice %arg7[%add3A_312, %dma_wait3A_317] : memref<10240x128xf32, #tpu.memory_space<hbm>> -> memref<160x128xf32, #tpu.memory_space<hbm>>
    tpu.wait_dma2 semaphore(%arg22 : memref<!tpu.dma_semaphore, #tpu.memory_space<semaphore_mem>>) src(%dma_wait3A_318 : memref<160x128xf32, #tpu.memory_space<hbm>>) dst(%dma_wait3A_316 : memref<160x128xf32, #tpu.memory_space<vmem_shared>>)
    %run_scoped3A_319 = arith.constant 1 : i32
    "tpu.region"() ({
      %run_scoped3A_416 = tpu.sem_alloc : memref<!tpu.dma_semaphore, #tpu.memory_space<semaphore_mem>>
      %dma_start3A_417 = arith.constant 0 : i32
      %dma_start3A_418 = tpu.memref_slice %arg5[%run_scoped3A_319, %add3A, %dma_start3A_417] : memref<2x32x8xi32, #tpu.memory_space<hbm>> -> memref<1x1x8xi32, #tpu.memory_space<hbm>>
      %dma_start3A_419 = tpu.memref_squeeze %dma_start3A_418 : memref<1x1x8xi32, #tpu.memory_space<hbm>> -> memref<8xi32, #tpu.memory_space<hbm>>
      %dma_start3A_420 = arith.constant 0 : i32
      %dma_start3A_421 = tpu.memref_slice %arg5[%run_scoped3A_319, %add3A, %dma_start3A_420] : memref<2x32x8xi32, #tpu.memory_space<hbm>> -> memref<1x1x8xi32, #tpu.memory_space<hbm>>
      %dma_start3A_422 = tpu.memref_squeeze %dma_start3A_421 : memref<1x1x8xi32, #tpu.memory_space<hbm>> -> memref<8xi32, #tpu.memory_space<hbm>>
      tpu.enqueue_dma source(%dma_start3A_422 : memref<8xi32, #tpu.memory_space<hbm>>) target(%arg13 : memref<8xi32, #tpu.memory_space<vmem>>) target_semaphore(%run_scoped3A_416 : memref<!tpu.dma_semaphore, #tpu.memory_space<semaphore_mem>>)
      %dma_wait3A_423 = arith.constant 0 : i32
      %dma_wait3A_424 = tpu.memref_slice %arg5[%run_scoped3A_319, %add3A, %dma_wait3A_423] : memref<2x32x8xi32, #tpu.memory_space<hbm>> -> memref<1x1x8xi32, #tpu.memory_space<hbm>>
      %dma_wait3A_425 = tpu.memref_squeeze %dma_wait3A_424 : memref<1x1x8xi32, #tpu.memory_space<hbm>> -> memref<8xi32, #tpu.memory_space<hbm>>
      %dma_wait3A_426 = arith.constant 0 : i32
      %dma_wait3A_427 = tpu.memref_slice %arg5[%run_scoped3A_319, %add3A, %dma_wait3A_426] : memref<2x32x8xi32, #tpu.memory_space<hbm>> -> memref<1x1x8xi32, #tpu.memory_space<hbm>>
      %dma_wait3A_428 = tpu.memref_squeeze %dma_wait3A_427 : memref<1x1x8xi32, #tpu.memory_space<hbm>> -> memref<8xi32, #tpu.memory_space<hbm>>
      tpu.wait_dma2 semaphore(%run_scoped3A_416 : memref<!tpu.dma_semaphore, #tpu.memory_space<semaphore_mem>>) src(%dma_wait3A_428 : memref<8xi32, #tpu.memory_space<hbm>>) dst(%arg13 : memref<8xi32, #tpu.memory_space<vmem>>)
      tpu.yield
    }) : () -> ()
    %barrier3A_320 = arith.constant 0 : index
    tpu.barrier barrier_id(%barrier3A_320)
    %scan3A_321 = arith.constant 0 : i32
    %scan3A_322 = arith.constant 0 : i32
    %scan3A_323 = arith.constant 19 : i32
    %scan3A_324 = arith.addi %scan3A_322, %scan3A_323 : i32
    %scan3A_325 = arith.constant 1 : i32
    scf.for %scan3A_416 = %scan3A_322 to %scan3A_324 step %scan3A_325  : i32 {
      %mul3A_417 = arith.constant 2 : i32
      %mul3A_418 = arith.muli %mul3A_417, %scan3A_416 : i32
      %add3A_419 = arith.constant 1 : i32
      %add3A_420 = arith.addi %mul3A_418, %add3A_419 : i32
      %dma_start3A_421 = arith.constant 0 : i32
      %dma_start3A_422 = tpu.memref_slice %arg11[%add3A_420, %dma_start3A_421] : memref<39x128xi32, #tpu.memory_space<vmem>> -> memref<1x128xi32, #tpu.memory_space<vmem>>
      %dma_start3A_423 = tpu.memref_squeeze %dma_start3A_422 : memref<1x128xi32, #tpu.memory_space<vmem>> -> memref<128xi32, #tpu.memory_space<vmem>>
      %dma_start3A_424 = arith.constant 0 : i32
      %dma_start3A_425 = arith.constant 0 : i32
      %dma_start3A_426 = tpu.memref_slice %arg2[%dma_start3A_424, %dma_start3A_425] : memref<20000x128xf32, #tpu.memory_space<hbm>> -> memref<20000x128xf32, #tpu.memory_space<hbm>>
      tpu.enqueue_indirect_dma source(%dma_start3A_426 : memref<20000x128xf32, #tpu.memory_space<hbm>>) target(%arg16 : memref<128x128xf32, #tpu.memory_space<vmem>>) offsets(%dma_start3A_423 : memref<128xi32, #tpu.memory_space<vmem>>) semaphore(%arg20 : memref<!tpu.dma_semaphore, #tpu.memory_space<semaphore_mem>>)
      %dma_wait3A_427 = arith.constant 0 : i32
      %dma_wait3A_428 = tpu.memref_slice %arg11[%mul3A_418, %dma_wait3A_427] : memref<39x128xi32, #tpu.memory_space<vmem>> -> memref<1x128xi32, #tpu.memory_space<vmem>>
      %dma_wait3A_429 = tpu.memref_squeeze %dma_wait3A_428 : memref<1x128xi32, #tpu.memory_space<vmem>> -> memref<128xi32, #tpu.memory_space<vmem>>
      %dma_wait3A_430 = arith.constant 0 : i32
      %dma_wait3A_431 = arith.constant 0 : i32
      %dma_wait3A_432 = tpu.memref_slice %arg2[%dma_wait3A_430, %dma_wait3A_431] : memref<20000x128xf32, #tpu.memory_space<hbm>> -> memref<20000x128xf32, #tpu.memory_space<hbm>>
      tpu.wait_indirect_dma semaphore(%arg19 : memref<!tpu.dma_semaphore, #tpu.memory_space<semaphore_mem>>) src(%dma_wait3A_432 : memref<20000x128xf32, #tpu.memory_space<hbm>>) dst(%arg15 : memref<128x128xf32, #tpu.memory_space<vmem>>)
      "tpu.region"() ({
        %run_scoped3A_451 = tpu.sem_alloc : memref<!tpu.dma_semaphore, #tpu.memory_space<semaphore_mem>>
        %dma_start3A_452 = arith.constant 0 : i32
        %dma_start3A_453 = tpu.memref_slice %arg12[%mul3A_418, %dma_start3A_452] : memref<39x128xi32, #tpu.memory_space<vmem>> -> memref<1x128xi32, #tpu.memory_space<vmem>>
        %dma_start3A_454 = tpu.memref_squeeze %dma_start3A_453 : memref<1x128xi32, #tpu.memory_space<vmem>> -> memref<128xi32, #tpu.memory_space<vmem>>
        %dma_start3A_455 = arith.constant 0 : i32
        %dma_start3A_456 = arith.constant 0 : i32
        %dma_start3A_457 = tpu.memref_slice %arg18[%dma_start3A_455, %dma_start3A_456] : memref<10240x128xf32, #tpu.memory_space<vmem_shared>> -> memref<10240x128xf32, #tpu.memory_space<vmem_shared>>
        tpu.enqueue_indirect_dma source(%arg15 : memref<128x128xf32, #tpu.memory_space<vmem>>) target(%dma_start3A_457 : memref<10240x128xf32, #tpu.memory_space<vmem_shared>>) offsets(%dma_start3A_454 : memref<128xi32, #tpu.memory_space<vmem>>) semaphore(%run_scoped3A_451 : memref<!tpu.dma_semaphore, #tpu.memory_space<semaphore_mem>>) {add = true}
        %dma_wait3A_458 = arith.constant 0 : i32
        %dma_wait3A_459 = tpu.memref_slice %arg12[%mul3A_418, %dma_wait3A_458] : memref<39x128xi32, #tpu.memory_space<vmem>> -> memref<1x128xi32, #tpu.memory_space<vmem>>
        %dma_wait3A_460 = tpu.memref_squeeze %dma_wait3A_459 : memref<1x128xi32, #tpu.memory_space<vmem>> -> memref<128xi32, #tpu.memory_space<vmem>>
        %dma_wait3A_461 = arith.constant 0 : i32
        %dma_wait3A_462 = arith.constant 0 : i32
        %dma_wait3A_463 = tpu.memref_slice %arg18[%dma_wait3A_461, %dma_wait3A_462] : memref<10240x128xf32, #tpu.memory_space<vmem_shared>> -> memref<10240x128xf32, #tpu.memory_space<vmem_shared>>
        tpu.wait_indirect_dma semaphore(%run_scoped3A_451 : memref<!tpu.dma_semaphore, #tpu.memory_space<semaphore_mem>>) src(%arg15 : memref<128x128xf32, #tpu.memory_space<vmem>>) dst(%dma_wait3A_463 : memref<10240x128xf32, #tpu.memory_space<vmem_shared>>)
        tpu.yield
      }) : () -> ()
      %add3A_433 = arith.constant 2 : i32
      %add3A_434 = arith.addi %mul3A_418, %add3A_433 : i32
      %dma_start3A_435 = arith.constant 0 : i32
      %dma_start3A_436 = tpu.memref_slice %arg11[%add3A_434, %dma_start3A_435] : memref<39x128xi32, #tpu.memory_space<vmem>> -> memref<1x128xi32, #tpu.memory_space<vmem>>
      %dma_start3A_437 = tpu.memref_squeeze %dma_start3A_436 : memref<1x128xi32, #tpu.memory_space<vmem>> -> memref<128xi32, #tpu.memory_space<vmem>>
      %dma_start3A_438 = arith.constant 0 : i32
      %dma_start3A_439 = arith.constant 0 : i32
      %dma_start3A_440 = tpu.memref_slice %arg2[%dma_start3A_438, %dma_start3A_439] : memref<20000x128xf32, #tpu.memory_space<hbm>> -> memref<20000x128xf32, #tpu.memory_space<hbm>>
      tpu.enqueue_indirect_dma source(%dma_start3A_440 : memref<20000x128xf32, #tpu.memory_space<hbm>>) target(%arg15 : memref<128x128xf32, #tpu.memory_space<vmem>>) offsets(%dma_start3A_437 : memref<128xi32, #tpu.memory_space<vmem>>) semaphore(%arg19 : memref<!tpu.dma_semaphore, #tpu.memory_space<semaphore_mem>>)
      %add3A_441 = arith.constant 1 : i32
      %add3A_442 = arith.addi %mul3A_418, %add3A_441 : i32
      %dma_wait3A_443 = arith.constant 0 : i32
      %dma_wait3A_444 = tpu.memref_slice %arg11[%add3A_442, %dma_wait3A_443] : memref<39x128xi32, #tpu.memory_space<vmem>> -> memref<1x128xi32, #tpu.memory_space<vmem>>
      %dma_wait3A_445 = tpu.memref_squeeze %dma_wait3A_444 : memref<1x128xi32, #tpu.memory_space<vmem>> -> memref<128xi32, #tpu.memory_space<vmem>>
      %dma_wait3A_446 = arith.constant 0 : i32
      %dma_wait3A_447 = arith.constant 0 : i32
      %dma_wait3A_448 = tpu.memref_slice %arg2[%dma_wait3A_446, %dma_wait3A_447] : memref<20000x128xf32, #tpu.memory_space<hbm>> -> memref<20000x128xf32, #tpu.memory_space<hbm>>
      tpu.wait_indirect_dma semaphore(%arg20 : memref<!tpu.dma_semaphore, #tpu.memory_space<semaphore_mem>>) src(%dma_wait3A_448 : memref<20000x128xf32, #tpu.memory_space<hbm>>) dst(%arg16 : memref<128x128xf32, #tpu.memory_space<vmem>>)
      %add3A_449 = arith.constant 1 : i32
      %add3A_450 = arith.addi %mul3A_418, %add3A_449 : i32
      "tpu.region"() ({
        %run_scoped3A_451 = tpu.sem_alloc : memref<!tpu.dma_semaphore, #tpu.memory_space<semaphore_mem>>
        %dma_start3A_452 = arith.constant 0 : i32
        %dma_start3A_453 = tpu.memref_slice %arg12[%add3A_450, %dma_start3A_452] : memref<39x128xi32, #tpu.memory_space<vmem>> -> memref<1x128xi32, #tpu.memory_space<vmem>>
        %dma_start3A_454 = tpu.memref_squeeze %dma_start3A_453 : memref<1x128xi32, #tpu.memory_space<vmem>> -> memref<128xi32, #tpu.memory_space<vmem>>
        %dma_start3A_455 = arith.constant 0 : i32
        %dma_start3A_456 = arith.constant 0 : i32
        %dma_start3A_457 = tpu.memref_slice %arg18[%dma_start3A_455, %dma_start3A_456] : memref<10240x128xf32, #tpu.memory_space<vmem_shared>> -> memref<10240x128xf32, #tpu.memory_space<vmem_shared>>
        tpu.enqueue_indirect_dma source(%arg16 : memref<128x128xf32, #tpu.memory_space<vmem>>) target(%dma_start3A_457 : memref<10240x128xf32, #tpu.memory_space<vmem_shared>>) offsets(%dma_start3A_454 : memref<128xi32, #tpu.memory_space<vmem>>) semaphore(%run_scoped3A_451 : memref<!tpu.dma_semaphore, #tpu.memory_space<semaphore_mem>>) {add = true}
        %dma_wait3A_458 = arith.constant 0 : i32
        %dma_wait3A_459 = tpu.memref_slice %arg12[%add3A_450, %dma_wait3A_458] : memref<39x128xi32, #tpu.memory_space<vmem>> -> memref<1x128xi32, #tpu.memory_space<vmem>>
        %dma_wait3A_460 = tpu.memref_squeeze %dma_wait3A_459 : memref<1x128xi32, #tpu.memory_space<vmem>> -> memref<128xi32, #tpu.memory_space<vmem>>
        %dma_wait3A_461 = arith.constant 0 : i32
        %dma_wait3A_462 = arith.constant 0 : i32
        %dma_wait3A_463 = tpu.memref_slice %arg18[%dma_wait3A_461, %dma_wait3A_462] : memref<10240x128xf32, #tpu.memory_space<vmem_shared>> -> memref<10240x128xf32, #tpu.memory_space<vmem_shared>>
        tpu.wait_indirect_dma semaphore(%run_scoped3A_451 : memref<!tpu.dma_semaphore, #tpu.memory_space<semaphore_mem>>) src(%arg16 : memref<128x128xf32, #tpu.memory_space<vmem>>) dst(%dma_wait3A_463 : memref<10240x128xf32, #tpu.memory_space<vmem_shared>>)
        tpu.yield
      }) : () -> ()
    }
    %scan3A_326 = arith.constant 19 : i32
    %dma_wait3A_327 = arith.constant 38 : i32
    %dma_wait3A_328 = arith.constant 0 : i32
    %dma_wait3A_329 = tpu.memref_slice %arg11[%dma_wait3A_327, %dma_wait3A_328] : memref<39x128xi32, #tpu.memory_space<vmem>> -> memref<1x128xi32, #tpu.memory_space<vmem>>
    %dma_wait3A_330 = tpu.memref_squeeze %dma_wait3A_329 : memref<1x128xi32, #tpu.memory_space<vmem>> -> memref<128xi32, #tpu.memory_space<vmem>>
    %dma_wait3A_331 = arith.constant 0 : i32
    %dma_wait3A_332 = arith.constant 0 : i32
    %dma_wait3A_333 = tpu.memref_slice %arg2[%dma_wait3A_331, %dma_wait3A_332] : memref<20000x128xf32, #tpu.memory_space<hbm>> -> memref<20000x128xf32, #tpu.memory_space<hbm>>
    tpu.wait_indirect_dma semaphore(%arg19 : memref<!tpu.dma_semaphore, #tpu.memory_space<semaphore_mem>>) src(%dma_wait3A_333 : memref<20000x128xf32, #tpu.memory_space<hbm>>) dst(%arg15 : memref<128x128xf32, #tpu.memory_space<vmem>>)
    %run_scoped3A_334 = arith.constant 38 : i32
    "tpu.region"() ({
      %run_scoped3A_416 = tpu.sem_alloc : memref<!tpu.dma_semaphore, #tpu.memory_space<semaphore_mem>>
      %dma_start3A_417 = arith.constant 0 : i32
      %dma_start3A_418 = tpu.memref_slice %arg12[%run_scoped3A_334, %dma_start3A_417] : memref<39x128xi32, #tpu.memory_space<vmem>> -> memref<1x128xi32, #tpu.memory_space<vmem>>
      %dma_start3A_419 = tpu.memref_squeeze %dma_start3A_418 : memref<1x128xi32, #tpu.memory_space<vmem>> -> memref<128xi32, #tpu.memory_space<vmem>>
      %dma_start3A_420 = arith.constant 0 : i32
      %dma_start3A_421 = arith.constant 0 : i32
      %dma_start3A_422 = tpu.memref_slice %arg18[%dma_start3A_420, %dma_start3A_421] : memref<10240x128xf32, #tpu.memory_space<vmem_shared>> -> memref<10240x128xf32, #tpu.memory_space<vmem_shared>>
      tpu.enqueue_indirect_dma source(%arg15 : memref<128x128xf32, #tpu.memory_space<vmem>>) target(%dma_start3A_422 : memref<10240x128xf32, #tpu.memory_space<vmem_shared>>) offsets(%dma_start3A_419 : memref<128xi32, #tpu.memory_space<vmem>>) semaphore(%run_scoped3A_416 : memref<!tpu.dma_semaphore, #tpu.memory_space<semaphore_mem>>) {add = true}
      %dma_wait3A_423 = arith.constant 0 : i32
      %dma_wait3A_424 = tpu.memref_slice %arg12[%run_scoped3A_334, %dma_wait3A_423] : memref<39x128xi32, #tpu.memory_space<vmem>> -> memref<1x128xi32, #tpu.memory_space<vmem>>
      %dma_wait3A_425 = tpu.memref_squeeze %dma_wait3A_424 : memref<1x128xi32, #tpu.memory_space<vmem>> -> memref<128xi32, #tpu.memory_space<vmem>>
      %dma_wait3A_426 = arith.constant 0 : i32
      %dma_wait3A_427 = arith.constant 0 : i32
      %dma_wait3A_428 = tpu.memref_slice %arg18[%dma_wait3A_426, %dma_wait3A_427] : memref<10240x128xf32, #tpu.memory_space<vmem_shared>> -> memref<10240x128xf32, #tpu.memory_space<vmem_shared>>
      tpu.wait_indirect_dma semaphore(%run_scoped3A_416 : memref<!tpu.dma_semaphore, #tpu.memory_space<semaphore_mem>>) src(%arg15 : memref<128x128xf32, #tpu.memory_space<vmem>>) dst(%dma_wait3A_428 : memref<10240x128xf32, #tpu.memory_space<vmem_shared>>)
      tpu.yield
    }) : () -> ()
    "tpu.region"() ({
      %run_scoped3A_416 = tpu.sem_alloc : memref<!tpu.dma_semaphore, #tpu.memory_space<semaphore_mem>>
      %dma_start3A_417 = arith.constant 0 : i32
      %dma_start3A_418 = arith.constant 0 : i32
      %dma_start3A_419 = tpu.memref_slice %arg2[%dma_start3A_417, %dma_start3A_418] : memref<20000x128xf32, #tpu.memory_space<hbm>> -> memref<20000x128xf32, #tpu.memory_space<hbm>>
      tpu.enqueue_indirect_dma source(%dma_start3A_419 : memref<20000x128xf32, #tpu.memory_space<hbm>>) target(%arg17 : memref<8x128xf32, #tpu.memory_space<vmem>>) offsets(%arg13 : memref<8xi32, #tpu.memory_space<vmem>>) semaphore(%run_scoped3A_416 : memref<!tpu.dma_semaphore, #tpu.memory_space<semaphore_mem>>)
      %dma_wait3A_420 = arith.constant 0 : i32
      %dma_wait3A_421 = arith.constant 0 : i32
      %dma_wait3A_422 = tpu.memref_slice %arg2[%dma_wait3A_420, %dma_wait3A_421] : memref<20000x128xf32, #tpu.memory_space<hbm>> -> memref<20000x128xf32, #tpu.memory_space<hbm>>
      tpu.wait_indirect_dma semaphore(%run_scoped3A_416 : memref<!tpu.dma_semaphore, #tpu.memory_space<semaphore_mem>>) src(%dma_wait3A_422 : memref<20000x128xf32, #tpu.memory_space<hbm>>) dst(%arg17 : memref<8x128xf32, #tpu.memory_space<vmem>>)
      tpu.yield
    }) : () -> ()
    "tpu.region"() ({
      %run_scoped3A_416 = tpu.sem_alloc : memref<!tpu.dma_semaphore, #tpu.memory_space<semaphore_mem>>
      %dma_start3A_417 = arith.constant 0 : i32
      %dma_start3A_418 = arith.constant 0 : i32
      %dma_start3A_419 = tpu.memref_slice %arg18[%dma_start3A_417, %dma_start3A_418] : memref<10240x128xf32, #tpu.memory_space<vmem_shared>> -> memref<10240x128xf32, #tpu.memory_space<vmem_shared>>
      tpu.enqueue_indirect_dma source(%arg17 : memref<8x128xf32, #tpu.memory_space<vmem>>) target(%dma_start3A_419 : memref<10240x128xf32, #tpu.memory_space<vmem_shared>>) offsets(%arg14 : memref<8xi32, #tpu.memory_space<vmem>>) semaphore(%run_scoped3A_416 : memref<!tpu.dma_semaphore, #tpu.memory_space<semaphore_mem>>) {add = true}
      %dma_wait3A_420 = arith.constant 0 : i32
      %dma_wait3A_421 = arith.constant 0 : i32
      %dma_wait3A_422 = tpu.memref_slice %arg18[%dma_wait3A_420, %dma_wait3A_421] : memref<10240x128xf32, #tpu.memory_space<vmem_shared>> -> memref<10240x128xf32, #tpu.memory_space<vmem_shared>>
      tpu.wait_indirect_dma semaphore(%run_scoped3A_416 : memref<!tpu.dma_semaphore, #tpu.memory_space<semaphore_mem>>) src(%arg17 : memref<8x128xf32, #tpu.memory_space<vmem>>) dst(%dma_wait3A_422 : memref<10240x128xf32, #tpu.memory_space<vmem_shared>>)
      tpu.yield
    }) : () -> ()
    %barrier3A_335 = arith.constant 0 : index
    tpu.barrier barrier_id(%barrier3A_335)
    %add3A_336 = arith.constant 0 : i32
    %add3A_337 = arith.addi %mul3A_2, %add3A_336 : i32
    %add3A_338 = arith.constant 0 : i32
    %add3A_339 = arith.addi %mul3A_2, %add3A_338 : i32
    %dma_start3A_340 = arith.constant 1 : i32
    %dma_start3A_341 = arith.constant 0 : i32
    %dma_start3A_342 = tpu.memref_slice %arg9[%arg0, %dma_start3A_340, %add3A_339, %dma_start3A_341] : memref<2x2x10240x128xf32, #tpu.memory_space<hbm>> -> memref<1x1x160x128xf32, #tpu.memory_space<hbm>>
    %dma_start3A_343 = tpu.memref_squeeze %dma_start3A_342 : memref<1x1x160x128xf32, #tpu.memory_space<hbm>> -> memref<160x128xf32, #tpu.memory_space<hbm>>
    %dma_start3A_344 = arith.constant 0 : i32
    %dma_start3A_345 = tpu.memref_slice %arg18[%add3A_337, %dma_start3A_344] : memref<10240x128xf32, #tpu.memory_space<vmem_shared>> -> memref<160x128xf32, #tpu.memory_space<vmem_shared>>
    tpu.enqueue_dma source(%dma_start3A_345 : memref<160x128xf32, #tpu.memory_space<vmem_shared>>) target(%dma_start3A_343 : memref<160x128xf32, #tpu.memory_space<hbm>>) target_semaphore(%arg21 : memref<!tpu.dma_semaphore, #tpu.memory_space<semaphore_mem>>)
    %add3A_346 = arith.constant 0 : i32
    %add3A_347 = arith.addi %mul3A_2, %add3A_346 : i32
    %add3A_348 = arith.constant 0 : i32
    %add3A_349 = arith.addi %mul3A_2, %add3A_348 : i32
    %dma_wait3A_350 = arith.constant 1 : i32
    %dma_wait3A_351 = arith.constant 0 : i32
    %dma_wait3A_352 = tpu.memref_slice %arg9[%arg0, %dma_wait3A_350, %add3A_349, %dma_wait3A_351] : memref<2x2x10240x128xf32, #tpu.memory_space<hbm>> -> memref<1x1x160x128xf32, #tpu.memory_space<hbm>>
    %dma_wait3A_353 = tpu.memref_squeeze %dma_wait3A_352 : memref<1x1x160x128xf32, #tpu.memory_space<hbm>> -> memref<160x128xf32, #tpu.memory_space<hbm>>
    %dma_wait3A_354 = arith.constant 0 : i32
    %dma_wait3A_355 = tpu.memref_slice %arg18[%add3A_347, %dma_wait3A_354] : memref<10240x128xf32, #tpu.memory_space<vmem_shared>> -> memref<160x128xf32, #tpu.memory_space<vmem_shared>>
    tpu.wait_dma2 semaphore(%arg21 : memref<!tpu.dma_semaphore, #tpu.memory_space<semaphore_mem>>) src(%dma_wait3A_355 : memref<160x128xf32, #tpu.memory_space<vmem_shared>>) dst(%dma_wait3A_353 : memref<160x128xf32, #tpu.memory_space<hbm>>)
    %add3A_356 = arith.constant 160 : i32
    %add3A_357 = arith.addi %mul3A_2, %add3A_356 : i32
    %add3A_358 = arith.constant 160 : i32
    %add3A_359 = arith.addi %mul3A_2, %add3A_358 : i32
    %dma_start3A_360 = arith.constant 1 : i32
    %dma_start3A_361 = arith.constant 0 : i32
    %dma_start3A_362 = tpu.memref_slice %arg9[%arg0, %dma_start3A_360, %add3A_359, %dma_start3A_361] : memref<2x2x10240x128xf32, #tpu.memory_space<hbm>> -> memref<1x1x160x128xf32, #tpu.memory_space<hbm>>
    %dma_start3A_363 = tpu.memref_squeeze %dma_start3A_362 : memref<1x1x160x128xf32, #tpu.memory_space<hbm>> -> memref<160x128xf32, #tpu.memory_space<hbm>>
    %dma_start3A_364 = arith.constant 0 : i32
    %dma_start3A_365 = tpu.memref_slice %arg18[%add3A_357, %dma_start3A_364] : memref<10240x128xf32, #tpu.memory_space<vmem_shared>> -> memref<160x128xf32, #tpu.memory_space<vmem_shared>>
    tpu.enqueue_dma source(%dma_start3A_365 : memref<160x128xf32, #tpu.memory_space<vmem_shared>>) target(%dma_start3A_363 : memref<160x128xf32, #tpu.memory_space<hbm>>) target_semaphore(%arg21 : memref<!tpu.dma_semaphore, #tpu.memory_space<semaphore_mem>>)
    %add3A_366 = arith.constant 160 : i32
    %add3A_367 = arith.addi %mul3A_2, %add3A_366 : i32
    %add3A_368 = arith.constant 160 : i32
    %add3A_369 = arith.addi %mul3A_2, %add3A_368 : i32
    %dma_wait3A_370 = arith.constant 1 : i32
    %dma_wait3A_371 = arith.constant 0 : i32
    %dma_wait3A_372 = tpu.memref_slice %arg9[%arg0, %dma_wait3A_370, %add3A_369, %dma_wait3A_371] : memref<2x2x10240x128xf32, #tpu.memory_space<hbm>> -> memref<1x1x160x128xf32, #tpu.memory_space<hbm>>
    %dma_wait3A_373 = tpu.memref_squeeze %dma_wait3A_372 : memref<1x1x160x128xf32, #tpu.memory_space<hbm>> -> memref<160x128xf32, #tpu.memory_space<hbm>>
    %dma_wait3A_374 = arith.constant 0 : i32
    %dma_wait3A_375 = tpu.memref_slice %arg18[%add3A_367, %dma_wait3A_374] : memref<10240x128xf32, #tpu.memory_space<vmem_shared>> -> memref<160x128xf32, #tpu.memory_space<vmem_shared>>
    tpu.wait_dma2 semaphore(%arg21 : memref<!tpu.dma_semaphore, #tpu.memory_space<semaphore_mem>>) src(%dma_wait3A_375 : memref<160x128xf32, #tpu.memory_space<vmem_shared>>) dst(%dma_wait3A_373 : memref<160x128xf32, #tpu.memory_space<hbm>>)
    %add3A_376 = arith.constant 320 : i32
    %add3A_377 = arith.addi %mul3A_2, %add3A_376 : i32
    %add3A_378 = arith.constant 320 : i32
    %add3A_379 = arith.addi %mul3A_2, %add3A_378 : i32
    %dma_start3A_380 = arith.constant 1 : i32
    %dma_start3A_381 = arith.constant 0 : i32
    %dma_start3A_382 = tpu.memref_slice %arg9[%arg0, %dma_start3A_380, %add3A_379, %dma_start3A_381] : memref<2x2x10240x128xf32, #tpu.memory_space<hbm>> -> memref<1x1x160x128xf32, #tpu.memory_space<hbm>>
    %dma_start3A_383 = tpu.memref_squeeze %dma_start3A_382 : memref<1x1x160x128xf32, #tpu.memory_space<hbm>> -> memref<160x128xf32, #tpu.memory_space<hbm>>
    %dma_start3A_384 = arith.constant 0 : i32
    %dma_start3A_385 = tpu.memref_slice %arg18[%add3A_377, %dma_start3A_384] : memref<10240x128xf32, #tpu.memory_space<vmem_shared>> -> memref<160x128xf32, #tpu.memory_space<vmem_shared>>
    tpu.enqueue_dma source(%dma_start3A_385 : memref<160x128xf32, #tpu.memory_space<vmem_shared>>) target(%dma_start3A_383 : memref<160x128xf32, #tpu.memory_space<hbm>>) target_semaphore(%arg21 : memref<!tpu.dma_semaphore, #tpu.memory_space<semaphore_mem>>)
    %add3A_386 = arith.constant 320 : i32
    %add3A_387 = arith.addi %mul3A_2, %add3A_386 : i32
    %add3A_388 = arith.constant 320 : i32
    %add3A_389 = arith.addi %mul3A_2, %add3A_388 : i32
    %dma_wait3A_390 = arith.constant 1 : i32
    %dma_wait3A_391 = arith.constant 0 : i32
    %dma_wait3A_392 = tpu.memref_slice %arg9[%arg0, %dma_wait3A_390, %add3A_389, %dma_wait3A_391] : memref<2x2x10240x128xf32, #tpu.memory_space<hbm>> -> memref<1x1x160x128xf32, #tpu.memory_space<hbm>>
    %dma_wait3A_393 = tpu.memref_squeeze %dma_wait3A_392 : memref<1x1x160x128xf32, #tpu.memory_space<hbm>> -> memref<160x128xf32, #tpu.memory_space<hbm>>
    %dma_wait3A_394 = arith.constant 0 : i32
    %dma_wait3A_395 = tpu.memref_slice %arg18[%add3A_387, %dma_wait3A_394] : memref<10240x128xf32, #tpu.memory_space<vmem_shared>> -> memref<160x128xf32, #tpu.memory_space<vmem_shared>>
    tpu.wait_dma2 semaphore(%arg21 : memref<!tpu.dma_semaphore, #tpu.memory_space<semaphore_mem>>) src(%dma_wait3A_395 : memref<160x128xf32, #tpu.memory_space<vmem_shared>>) dst(%dma_wait3A_393 : memref<160x128xf32, #tpu.memory_space<hbm>>)
    %add3A_396 = arith.constant 480 : i32
    %add3A_397 = arith.addi %mul3A_2, %add3A_396 : i32
    %add3A_398 = arith.constant 480 : i32
    %add3A_399 = arith.addi %mul3A_2, %add3A_398 : i32
    %dma_start3A_400 = arith.constant 1 : i32
    %dma_start3A_401 = arith.constant 0 : i32
    %dma_start3A_402 = tpu.memref_slice %arg9[%arg0, %dma_start3A_400, %add3A_399, %dma_start3A_401] : memref<2x2x10240x128xf32, #tpu.memory_space<hbm>> -> memref<1x1x160x128xf32, #tpu.memory_space<hbm>>
    %dma_start3A_403 = tpu.memref_squeeze %dma_start3A_402 : memref<1x1x160x128xf32, #tpu.memory_space<hbm>> -> memref<160x128xf32, #tpu.memory_space<hbm>>
    %dma_start3A_404 = arith.constant 0 : i32
    %dma_start3A_405 = tpu.memref_slice %arg18[%add3A_397, %dma_start3A_404] : memref<10240x128xf32, #tpu.memory_space<vmem_shared>> -> memref<160x128xf32, #tpu.memory_space<vmem_shared>>
    tpu.enqueue_dma source(%dma_start3A_405 : memref<160x128xf32, #tpu.memory_space<vmem_shared>>) target(%dma_start3A_403 : memref<160x128xf32, #tpu.memory_space<hbm>>) target_semaphore(%arg21 : memref<!tpu.dma_semaphore, #tpu.memory_space<semaphore_mem>>)
    %add3A_406 = arith.constant 480 : i32
    %add3A_407 = arith.addi %mul3A_2, %add3A_406 : i32
    %add3A_408 = arith.constant 480 : i32
    %add3A_409 = arith.addi %mul3A_2, %add3A_408 : i32
    %dma_wait3A_410 = arith.constant 1 : i32
    %dma_wait3A_411 = arith.constant 0 : i32
    %dma_wait3A_412 = tpu.memref_slice %arg9[%arg0, %dma_wait3A_410, %add3A_409, %dma_wait3A_411] : memref<2x2x10240x128xf32, #tpu.memory_space<hbm>> -> memref<1x1x160x128xf32, #tpu.memory_space<hbm>>
    %dma_wait3A_413 = tpu.memref_squeeze %dma_wait3A_412 : memref<1x1x160x128xf32, #tpu.memory_space<hbm>> -> memref<160x128xf32, #tpu.memory_space<hbm>>
    %dma_wait3A_414 = arith.constant 0 : i32
    %dma_wait3A_415 = tpu.memref_slice %arg18[%add3A_407, %dma_wait3A_414] : memref<10240x128xf32, #tpu.memory_space<vmem_shared>> -> memref<160x128xf32, #tpu.memory_space<vmem_shared>>
    tpu.wait_dma2 semaphore(%arg21 : memref<!tpu.dma_semaphore, #tpu.memory_space<semaphore_mem>>) src(%dma_wait3A_415 : memref<160x128xf32, #tpu.memory_space<vmem_shared>>) dst(%dma_wait3A_413 : memref<160x128xf32, #tpu.memory_space<hbm>>)
    return
  }
}

module attributes {stable_mosaic.version = 14 : i64} {
  func.func @_dense1_body(%arg0: i32, %arg1: memref<2x2x512x128xf32, #tpu.memory_space<vmem>>, %arg2: memref<2x512x128xf32, #tpu.memory_space<vmem>>, %arg3: memref<512x256xbf16, #tpu.memory_space<vmem>>, %arg4: memref<256x512xbf16, #tpu.memory_space<vmem>>, %arg5: memref<1x512xf32, #tpu.memory_space<vmem>>, %arg6: memref<256x512xbf16, #tpu.memory_space<vmem>>, %arg7: memref<4x512x128xf32, #tpu.memory_space<vmem>>) attributes {dimension_semantics = [#tpu.dimension_semantics<arbitrary>], iteration_bounds = array<i64: 20>, scalar_prefetch = 0 : i64, scratch_operands = 0 : i64, tpu.core_type = #tpu.core_type<tc>, window_params = [{transform_indices = @transform_0, window_bounds = array<i64: 2, 2, 512, 128>}, {transform_indices = @transform_1, window_bounds = array<i64: 2, 512, 128>}, {transform_indices = @transform_2, window_bounds = array<i64: 512, 256>}, {pipeline_mode = #tpu.pipeline_mode<synchronous>, transform_indices = @transform_3, window_bounds = array<i64: 256, 512>}, {pipeline_mode = #tpu.pipeline_mode<synchronous>, transform_indices = @transform_4, window_bounds = array<i64: 1, 512>}, {pipeline_mode = #tpu.pipeline_mode<synchronous>, transform_indices = @transform_5, window_bounds = array<i64: 256, 512>}, {transform_indices = @transform_6, window_bounds = array<i64: 4, 512, 128>}]} {
    %get3A = arith.constant 0 : index
    %get3A_0 = arith.constant 0 : index
    %get3A_1 = arith.constant 0 : index
    %get3A_2 = vector.load %arg2[%get3A, %get3A_0, %get3A_1] : memref<2x512x128xf32, #tpu.memory_space<vmem>>, vector<1x512x1xf32>
    %get3A_3 = vector.shape_cast %get3A_2 : vector<1x512x1xf32> to vector<512xf32>
    %get3A_4 = arith.constant 1 : index
    %get3A_5 = arith.constant 0 : index
    %get3A_6 = arith.constant 0 : index
    %get3A_7 = vector.load %arg2[%get3A_4, %get3A_5, %get3A_6] : memref<2x512x128xf32, #tpu.memory_space<vmem>>, vector<1x512x1xf32>
    %get3A_8 = vector.shape_cast %get3A_7 : vector<1x512x1xf32> to vector<512xf32>
    %add3A = arith.addf %get3A_3, %get3A_8 : vector<512xf32>
    %max3A = arith.constant 1.000000e+00 : f32
    %max3A_9 = vector.broadcast %max3A : f32 to vector<512xf32>
    %max3A_10 = arith.maximumf %add3A, %max3A_9 : vector<512xf32>
    %div3A = arith.constant 1.000000e+00 : f32
    %div3A_11 = vector.broadcast %div3A : f32 to vector<512xf32>
    %div3A_12 = arith.divf %div3A_11, %max3A_10 : vector<512xf32>
    %get3A_13 = arith.constant 0 : index
    %get3A_14 = arith.constant 0 : index
    %get3A_15 = arith.constant 0 : index
    %get3A_16 = arith.constant 0 : index
    %get3A_17 = vector.load %arg1[%get3A_13, %get3A_14, %get3A_15, %get3A_16] : memref<2x2x512x128xf32, #tpu.memory_space<vmem>>, vector<1x1x512x128xf32>
    %get3A_18 = vector.shape_cast %get3A_17 : vector<1x1x512x128xf32> to vector<512x128xf32>
    %get3A_19 = arith.constant 1 : index
    %get3A_20 = arith.constant 0 : index
    %get3A_21 = arith.constant 0 : index
    %get3A_22 = arith.constant 0 : index
    %get3A_23 = vector.load %arg1[%get3A_19, %get3A_20, %get3A_21, %get3A_22] : memref<2x2x512x128xf32, #tpu.memory_space<vmem>>, vector<1x1x512x128xf32>
    %get3A_24 = vector.shape_cast %get3A_23 : vector<1x1x512x128xf32> to vector<512x128xf32>
    %add3A_25 = arith.addf %get3A_18, %get3A_24 : vector<512x128xf32>
    %get3A_26 = arith.constant 0 : index
    %get3A_27 = arith.constant 1 : index
    %get3A_28 = arith.constant 0 : index
    %get3A_29 = arith.constant 0 : index
    %get3A_30 = vector.load %arg1[%get3A_26, %get3A_27, %get3A_28, %get3A_29] : memref<2x2x512x128xf32, #tpu.memory_space<vmem>>, vector<1x1x512x128xf32>
    %get3A_31 = vector.shape_cast %get3A_30 : vector<1x1x512x128xf32> to vector<512x128xf32>
    %get3A_32 = arith.constant 1 : index
    %get3A_33 = arith.constant 1 : index
    %get3A_34 = arith.constant 0 : index
    %get3A_35 = arith.constant 0 : index
    %get3A_36 = vector.load %arg1[%get3A_32, %get3A_33, %get3A_34, %get3A_35] : memref<2x2x512x128xf32, #tpu.memory_space<vmem>>, vector<1x1x512x128xf32>
    %get3A_37 = vector.shape_cast %get3A_36 : vector<1x1x512x128xf32> to vector<512x128xf32>
    %add3A_38 = arith.addf %get3A_31, %get3A_37 : vector<512x128xf32>
    %concatenate3A = tpu.concatenate %add3A_25, %add3A_38 in 1 : vector<512x128xf32>, vector<512x128xf32> -> vector<512x256xf32>
    %broadcast_in_dim3A = vector.shape_cast %div3A_12 : vector<512xf32> to vector<512x1xf32>
    %mul3A = vector.broadcast %broadcast_in_dim3A : vector<512x1xf32> to vector<512x256xf32>
    %mul3A_39 = arith.mulf %concatenate3A, %mul3A : vector<512x256xf32>
    %get3A_40 = arith.constant 0 : index
    %get3A_41 = arith.constant 0 : index
    %get3A_42 = vector.load %arg4[%get3A_40, %get3A_41] : memref<256x512xbf16, #tpu.memory_space<vmem>>, vector<256x512xbf16>
    %convert_element_type3A = arith.truncf %mul3A_39 : vector<512x256xf32> to vector<512x256xbf16>
    %dot_general3A = arith.constant dense<0.000000e+00> : vector<512x512xf32>
    %dot_general3A_43 = tpu.matmul %convert_element_type3A, %get3A_42, %dot_general3A {dimension_numbers = #tpu.dot_dimension_numbers<[1], [0], [0], [1], [0, 0, 1, 1], [], []>, transpose_lhs_hint = false} : vector<512x256xbf16>, vector<256x512xbf16>, vector<512x512xf32> -> vector<512x512xf32>
    %get3A_44 = arith.constant 0 : index
    %get3A_45 = arith.constant 0 : index
    %get3A_46 = vector.load %arg5[%get3A_44, %get3A_45] : memref<1x512xf32, #tpu.memory_space<vmem>>, vector<1x512xf32>
    %get3A_47 = vector.shape_cast %get3A_46 : vector<1x512xf32> to vector<512xf32>
    %broadcast_in_dim3A_48 = vector.shape_cast %get3A_47 : vector<512xf32> to vector<1x512xf32>
    %add3A_49 = vector.broadcast %broadcast_in_dim3A_48 : vector<1x512xf32> to vector<512x512xf32>
    %add3A_50 = arith.addf %dot_general3A_43, %add3A_49 : vector<512x512xf32>
    %get3A_51 = arith.constant 0 : index
    %get3A_52 = arith.constant 0 : index
    %get3A_53 = vector.load %arg3[%get3A_51, %get3A_52] : memref<512x256xbf16, #tpu.memory_space<vmem>>, vector<512x256xbf16>
    %get3A_54 = arith.constant 0 : index
    %get3A_55 = arith.constant 0 : index
    %get3A_56 = vector.load %arg6[%get3A_54, %get3A_55] : memref<256x512xbf16, #tpu.memory_space<vmem>>, vector<256x512xbf16>
    %dot_general3A_57 = arith.constant dense<0.000000e+00> : vector<512x512xf32>
    %dot_general3A_58 = tpu.matmul %get3A_53, %get3A_56, %dot_general3A_57 {dimension_numbers = #tpu.dot_dimension_numbers<[1], [0], [0], [1], [0, 0, 1, 1], [], []>, transpose_lhs_hint = false} : vector<512x256xbf16>, vector<256x512xbf16>, vector<512x512xf32> -> vector<512x512xf32>
    %add3A_59 = arith.addf %add3A_50, %dot_general3A_58 : vector<512x512xf32>
    %max3A_60 = arith.constant 0.000000e+00 : f32
    %max3A_61 = vector.broadcast %max3A_60 : f32 to vector<512x512xf32>
    %max3A_62 = arith.maximumf %add3A_59, %max3A_61 : vector<512x512xf32>
    %slice3A = vector.extract_strided_slice %max3A_62 {offsets = [0, 0], sizes = [512, 128], strides = [1, 1]} : vector<512x512xf32> to vector<512x128xf32>
    %swap3A = arith.constant 0 : index
    %swap3A_63 = arith.constant 0 : index
    %swap3A_64 = arith.constant 0 : index
    %swap3A_65 = vector.load %arg7[%swap3A, %swap3A_63, %swap3A_64] : memref<4x512x128xf32, #tpu.memory_space<vmem>>, vector<1x512x128xf32>
    %swap3A_66 = vector.shape_cast %swap3A_65 : vector<1x512x128xf32> to vector<512x128xf32>
    %swap3A_67 = vector.shape_cast %slice3A : vector<512x128xf32> to vector<1x512x128xf32>
    tpu.vector_store %arg7[%swap3A, %swap3A_63, %swap3A_64], %swap3A_67 {strides = array<i32>} : memref<4x512x128xf32, #tpu.memory_space<vmem>>, vector<1x512x128xf32>,
    %slice3A_68 = vector.extract_strided_slice %max3A_62 {offsets = [0, 128], sizes = [512, 128], strides = [1, 1]} : vector<512x512xf32> to vector<512x128xf32>
    %swap3A_69 = arith.constant 1 : index
    %swap3A_70 = arith.constant 0 : index
    %swap3A_71 = arith.constant 0 : index
    %swap3A_72 = vector.load %arg7[%swap3A_69, %swap3A_70, %swap3A_71] : memref<4x512x128xf32, #tpu.memory_space<vmem>>, vector<1x512x128xf32>
    %swap3A_73 = vector.shape_cast %swap3A_72 : vector<1x512x128xf32> to vector<512x128xf32>
    %swap3A_74 = vector.shape_cast %slice3A_68 : vector<512x128xf32> to vector<1x512x128xf32>
    tpu.vector_store %arg7[%swap3A_69, %swap3A_70, %swap3A_71], %swap3A_74 {strides = array<i32>} : memref<4x512x128xf32, #tpu.memory_space<vmem>>, vector<1x512x128xf32>,
    %slice3A_75 = vector.extract_strided_slice %max3A_62 {offsets = [0, 256], sizes = [512, 128], strides = [1, 1]} : vector<512x512xf32> to vector<512x128xf32>
    %swap3A_76 = arith.constant 2 : index
    %swap3A_77 = arith.constant 0 : index
    %swap3A_78 = arith.constant 0 : index
    %swap3A_79 = vector.load %arg7[%swap3A_76, %swap3A_77, %swap3A_78] : memref<4x512x128xf32, #tpu.memory_space<vmem>>, vector<1x512x128xf32>
    %swap3A_80 = vector.shape_cast %swap3A_79 : vector<1x512x128xf32> to vector<512x128xf32>
    %swap3A_81 = vector.shape_cast %slice3A_75 : vector<512x128xf32> to vector<1x512x128xf32>
    tpu.vector_store %arg7[%swap3A_76, %swap3A_77, %swap3A_78], %swap3A_81 {strides = array<i32>} : memref<4x512x128xf32, #tpu.memory_space<vmem>>, vector<1x512x128xf32>,
    %slice3A_82 = vector.extract_strided_slice %max3A_62 {offsets = [0, 384], sizes = [512, 128], strides = [1, 1]} : vector<512x512xf32> to vector<512x128xf32>
    %swap3A_83 = arith.constant 3 : index
    %swap3A_84 = arith.constant 0 : index
    %swap3A_85 = arith.constant 0 : index
    %swap3A_86 = vector.load %arg7[%swap3A_83, %swap3A_84, %swap3A_85] : memref<4x512x128xf32, #tpu.memory_space<vmem>>, vector<1x512x128xf32>
    %swap3A_87 = vector.shape_cast %swap3A_86 : vector<1x512x128xf32> to vector<512x128xf32>
    %swap3A_88 = vector.shape_cast %slice3A_82 : vector<512x128xf32> to vector<1x512x128xf32>
    tpu.vector_store %arg7[%swap3A_83, %swap3A_84, %swap3A_85], %swap3A_88 {strides = array<i32>} : memref<4x512x128xf32, #tpu.memory_space<vmem>>, vector<1x512x128xf32>,
    return
  }
  func.func @transform_0(%arg0: i32) -> (i32, i32, i32, i32) {
    %c0_i32 = arith.constant 0 : i32
    %c0_i32_0 = arith.constant 0 : i32
    %c0_i32_1 = arith.constant 0 : i32
    %c0_i32_2 = arith.constant 0 : i32
    return %c0_i32, %c0_i32_0, %arg0, %c0_i32_1 : i32, i32, i32, i32
  }
  func.func @transform_1(%arg0: i32) -> (i32, i32, i32) {
    %c0_i32 = arith.constant 0 : i32
    %c0_i32_0 = arith.constant 0 : i32
    %c0_i32_1 = arith.constant 0 : i32
    return %c0_i32, %arg0, %c0_i32_0 : i32, i32, i32
  }
  func.func @transform_2(%arg0: i32) -> (i32, i32) {
    %c0_i32 = arith.constant 0 : i32
    %c0_i32_0 = arith.constant 0 : i32
    return %arg0, %c0_i32 : i32, i32
  }
  func.func @transform_3(%arg0: i32) -> (i32, i32) {
    %c0_i32 = arith.constant 0 : i32
    %c0_i32_0 = arith.constant 0 : i32
    %c0_i32_1 = arith.constant 0 : i32
    return %c0_i32, %c0_i32_0 : i32, i32
  }
  func.func @transform_4(%arg0: i32) -> (i32, i32) {
    %c0_i32 = arith.constant 0 : i32
    %c0_i32_0 = arith.constant 0 : i32
    %c0_i32_1 = arith.constant 0 : i32
    return %c0_i32, %c0_i32_0 : i32, i32
  }
  func.func @transform_5(%arg0: i32) -> (i32, i32) {
    %c0_i32 = arith.constant 0 : i32
    %c0_i32_0 = arith.constant 0 : i32
    %c0_i32_1 = arith.constant 0 : i32
    return %c0_i32, %c0_i32_0 : i32, i32
  }
  func.func @transform_6(%arg0: i32) -> (i32, i32, i32) {
    %c0_i32 = arith.constant 0 : i32
    %c0_i32_0 = arith.constant 0 : i32
    %c0_i32_1 = arith.constant 0 : i32
    return %c0_i32, %arg0, %c0_i32_0 : i32, i32, i32
  }
}

module attributes {stable_mosaic.version = 14 : i64} {
  func.func @_dense2_body(%arg0: i32, %arg1: memref<2x4x512x128xf32, #tpu.memory_space<vmem>>, %arg2: memref<2x512x128xf32, #tpu.memory_space<vmem>>, %arg3: memref<4x512x128xf32, #tpu.memory_space<vmem>>, %arg4: memref<512x512xbf16, #tpu.memory_space<vmem>>, %arg5: memref<1x512xf32, #tpu.memory_space<vmem>>, %arg6: memref<512x512xbf16, #tpu.memory_space<vmem>>, %arg7: memref<512x256xbf16, #tpu.memory_space<vmem>>, %arg8: memref<1x256xf32, #tpu.memory_space<vmem>>, %arg9: memref<512x256xf32, #tpu.memory_space<vmem>>) attributes {dimension_semantics = [#tpu.dimension_semantics<arbitrary>], iteration_bounds = array<i64: 20>, scalar_prefetch = 0 : i64, scratch_operands = 0 : i64, tpu.core_type = #tpu.core_type<tc>, window_params = [{transform_indices = @transform_0, window_bounds = array<i64: 2, 4, 512, 128>}, {transform_indices = @transform_1, window_bounds = array<i64: 2, 512, 128>}, {transform_indices = @transform_2, window_bounds = array<i64: 4, 512, 128>}, {pipeline_mode = #tpu.pipeline_mode<synchronous>, transform_indices = @transform_3, window_bounds = array<i64: 512, 512>}, {pipeline_mode = #tpu.pipeline_mode<synchronous>, transform_indices = @transform_4, window_bounds = array<i64: 1, 512>}, {pipeline_mode = #tpu.pipeline_mode<synchronous>, transform_indices = @transform_5, window_bounds = array<i64: 512, 512>}, {pipeline_mode = #tpu.pipeline_mode<synchronous>, transform_indices = @transform_6, window_bounds = array<i64: 512, 256>}, {pipeline_mode = #tpu.pipeline_mode<synchronous>, transform_indices = @transform_7, window_bounds = array<i64: 1, 256>}, {transform_indices = @transform_8, window_bounds = array<i64: 512, 256>}]} {
    %get3A = arith.constant 0 : index
    %get3A_0 = arith.constant 0 : index
    %get3A_1 = arith.constant 0 : index
    %get3A_2 = vector.load %arg2[%get3A, %get3A_0, %get3A_1] : memref<2x512x128xf32, #tpu.memory_space<vmem>>, vector<1x512x1xf32>
    %get3A_3 = vector.shape_cast %get3A_2 : vector<1x512x1xf32> to vector<512xf32>
    %get3A_4 = arith.constant 1 : index
    %get3A_5 = arith.constant 0 : index
    %get3A_6 = arith.constant 0 : index
    %get3A_7 = vector.load %arg2[%get3A_4, %get3A_5, %get3A_6] : memref<2x512x128xf32, #tpu.memory_space<vmem>>, vector<1x512x1xf32>
    %get3A_8 = vector.shape_cast %get3A_7 : vector<1x512x1xf32> to vector<512xf32>
    %add3A = arith.addf %get3A_3, %get3A_8 : vector<512xf32>
    %max3A = arith.constant 1.000000e+00 : f32
    %max3A_9 = vector.broadcast %max3A : f32 to vector<512xf32>
    %max3A_10 = arith.maximumf %add3A, %max3A_9 : vector<512xf32>
    %div3A = arith.constant 1.000000e+00 : f32
    %div3A_11 = vector.broadcast %div3A : f32 to vector<512xf32>
    %div3A_12 = arith.divf %div3A_11, %max3A_10 : vector<512xf32>
    %get3A_13 = arith.constant 0 : index
    %get3A_14 = arith.constant 0 : index
    %get3A_15 = arith.constant 0 : index
    %get3A_16 = arith.constant 0 : index
    %get3A_17 = vector.load %arg1[%get3A_13, %get3A_14, %get3A_15, %get3A_16] : memref<2x4x512x128xf32, #tpu.memory_space<vmem>>, vector<1x1x512x128xf32>
    %get3A_18 = vector.shape_cast %get3A_17 : vector<1x1x512x128xf32> to vector<512x128xf32>
    %get3A_19 = arith.constant 1 : index
    %get3A_20 = arith.constant 0 : index
    %get3A_21 = arith.constant 0 : index
    %get3A_22 = arith.constant 0 : index
    %get3A_23 = vector.load %arg1[%get3A_19, %get3A_20, %get3A_21, %get3A_22] : memref<2x4x512x128xf32, #tpu.memory_space<vmem>>, vector<1x1x512x128xf32>
    %get3A_24 = vector.shape_cast %get3A_23 : vector<1x1x512x128xf32> to vector<512x128xf32>
    %add3A_25 = arith.addf %get3A_18, %get3A_24 : vector<512x128xf32>
    %get3A_26 = arith.constant 0 : index
    %get3A_27 = arith.constant 1 : index
    %get3A_28 = arith.constant 0 : index
    %get3A_29 = arith.constant 0 : index
    %get3A_30 = vector.load %arg1[%get3A_26, %get3A_27, %get3A_28, %get3A_29] : memref<2x4x512x128xf32, #tpu.memory_space<vmem>>, vector<1x1x512x128xf32>
    %get3A_31 = vector.shape_cast %get3A_30 : vector<1x1x512x128xf32> to vector<512x128xf32>
    %get3A_32 = arith.constant 1 : index
    %get3A_33 = arith.constant 1 : index
    %get3A_34 = arith.constant 0 : index
    %get3A_35 = arith.constant 0 : index
    %get3A_36 = vector.load %arg1[%get3A_32, %get3A_33, %get3A_34, %get3A_35] : memref<2x4x512x128xf32, #tpu.memory_space<vmem>>, vector<1x1x512x128xf32>
    %get3A_37 = vector.shape_cast %get3A_36 : vector<1x1x512x128xf32> to vector<512x128xf32>
    %add3A_38 = arith.addf %get3A_31, %get3A_37 : vector<512x128xf32>
    %get3A_39 = arith.constant 0 : index
    %get3A_40 = arith.constant 2 : index
    %get3A_41 = arith.constant 0 : index
    %get3A_42 = arith.constant 0 : index
    %get3A_43 = vector.load %arg1[%get3A_39, %get3A_40, %get3A_41, %get3A_42] : memref<2x4x512x128xf32, #tpu.memory_space<vmem>>, vector<1x1x512x128xf32>
    %get3A_44 = vector.shape_cast %get3A_43 : vector<1x1x512x128xf32> to vector<512x128xf32>
    %get3A_45 = arith.constant 1 : index
    %get3A_46 = arith.constant 2 : index
    %get3A_47 = arith.constant 0 : index
    %get3A_48 = arith.constant 0 : index
    %get3A_49 = vector.load %arg1[%get3A_45, %get3A_46, %get3A_47, %get3A_48] : memref<2x4x512x128xf32, #tpu.memory_space<vmem>>, vector<1x1x512x128xf32>
    %get3A_50 = vector.shape_cast %get3A_49 : vector<1x1x512x128xf32> to vector<512x128xf32>
    %add3A_51 = arith.addf %get3A_44, %get3A_50 : vector<512x128xf32>
    %get3A_52 = arith.constant 0 : index
    %get3A_53 = arith.constant 3 : index
    %get3A_54 = arith.constant 0 : index
    %get3A_55 = arith.constant 0 : index
    %get3A_56 = vector.load %arg1[%get3A_52, %get3A_53, %get3A_54, %get3A_55] : memref<2x4x512x128xf32, #tpu.memory_space<vmem>>, vector<1x1x512x128xf32>
    %get3A_57 = vector.shape_cast %get3A_56 : vector<1x1x512x128xf32> to vector<512x128xf32>
    %get3A_58 = arith.constant 1 : index
    %get3A_59 = arith.constant 3 : index
    %get3A_60 = arith.constant 0 : index
    %get3A_61 = arith.constant 0 : index
    %get3A_62 = vector.load %arg1[%get3A_58, %get3A_59, %get3A_60, %get3A_61] : memref<2x4x512x128xf32, #tpu.memory_space<vmem>>, vector<1x1x512x128xf32>
    %get3A_63 = vector.shape_cast %get3A_62 : vector<1x1x512x128xf32> to vector<512x128xf32>
    %add3A_64 = arith.addf %get3A_57, %get3A_63 : vector<512x128xf32>
    %concatenate3A = tpu.concatenate %add3A_25, %add3A_38, %add3A_51, %add3A_64 in 1 : vector<512x128xf32>, vector<512x128xf32>, vector<512x128xf32>, vector<512x128xf32> -> vector<512x512xf32>
    %broadcast_in_dim3A = vector.shape_cast %div3A_12 : vector<512xf32> to vector<512x1xf32>
    %mul3A = vector.broadcast %broadcast_in_dim3A : vector<512x1xf32> to vector<512x512xf32>
    %mul3A_65 = arith.mulf %concatenate3A, %mul3A : vector<512x512xf32>
    %get3A_66 = arith.constant 0 : index
    %get3A_67 = arith.constant 0 : index
    %get3A_68 = arith.constant 0 : index
    %get3A_69 = vector.load %arg3[%get3A_66, %get3A_67, %get3A_68] : memref<4x512x128xf32, #tpu.memory_space<vmem>>, vector<1x512x128xf32>
    %get3A_70 = vector.shape_cast %get3A_69 : vector<1x512x128xf32> to vector<512x128xf32>
    %get3A_71 = arith.constant 1 : index
    %get3A_72 = arith.constant 0 : index
    %get3A_73 = arith.constant 0 : index
    %get3A_74 = vector.load %arg3[%get3A_71, %get3A_72, %get3A_73] : memref<4x512x128xf32, #tpu.memory_space<vmem>>, vector<1x512x128xf32>
    %get3A_75 = vector.shape_cast %get3A_74 : vector<1x512x128xf32> to vector<512x128xf32>
    %get3A_76 = arith.constant 2 : index
    %get3A_77 = arith.constant 0 : index
    %get3A_78 = arith.constant 0 : index
    %get3A_79 = vector.load %arg3[%get3A_76, %get3A_77, %get3A_78] : memref<4x512x128xf32, #tpu.memory_space<vmem>>, vector<1x512x128xf32>
    %get3A_80 = vector.shape_cast %get3A_79 : vector<1x512x128xf32> to vector<512x128xf32>
    %get3A_81 = arith.constant 3 : index
    %get3A_82 = arith.constant 0 : index
    %get3A_83 = arith.constant 0 : index
    %get3A_84 = vector.load %arg3[%get3A_81, %get3A_82, %get3A_83] : memref<4x512x128xf32, #tpu.memory_space<vmem>>, vector<1x512x128xf32>
    %get3A_85 = vector.shape_cast %get3A_84 : vector<1x512x128xf32> to vector<512x128xf32>
    %concatenate3A_86 = tpu.concatenate %get3A_70, %get3A_75, %get3A_80, %get3A_85 in 1 : vector<512x128xf32>, vector<512x128xf32>, vector<512x128xf32>, vector<512x128xf32> -> vector<512x512xf32>
    %get3A_87 = arith.constant 0 : index
    %get3A_88 = arith.constant 0 : index
    %get3A_89 = vector.load %arg4[%get3A_87, %get3A_88] : memref<512x512xbf16, #tpu.memory_space<vmem>>, vector<512x512xbf16>
    %convert_element_type3A = arith.truncf %mul3A_65 : vector<512x512xf32> to vector<512x512xbf16>
    %dot_general3A = arith.constant dense<0.000000e+00> : vector<512x512xf32>
    %dot_general3A_90 = tpu.matmul %convert_element_type3A, %get3A_89, %dot_general3A {dimension_numbers = #tpu.dot_dimension_numbers<[1], [0], [0], [1], [0, 0, 1, 1], [], []>, transpose_lhs_hint = false} : vector<512x512xbf16>, vector<512x512xbf16>, vector<512x512xf32> -> vector<512x512xf32>
    %get3A_91 = arith.constant 0 : index
    %get3A_92 = arith.constant 0 : index
    %get3A_93 = vector.load %arg5[%get3A_91, %get3A_92] : memref<1x512xf32, #tpu.memory_space<vmem>>, vector<1x512xf32>
    %get3A_94 = vector.shape_cast %get3A_93 : vector<1x512xf32> to vector<512xf32>
    %broadcast_in_dim3A_95 = vector.shape_cast %get3A_94 : vector<512xf32> to vector<1x512xf32>
    %add3A_96 = vector.broadcast %broadcast_in_dim3A_95 : vector<1x512xf32> to vector<512x512xf32>
    %add3A_97 = arith.addf %dot_general3A_90, %add3A_96 : vector<512x512xf32>
    %get3A_98 = arith.constant 0 : index
    %get3A_99 = arith.constant 0 : index
    %get3A_100 = vector.load %arg6[%get3A_98, %get3A_99] : memref<512x512xbf16, #tpu.memory_space<vmem>>, vector<512x512xbf16>
    %convert_element_type3A_101 = arith.truncf %concatenate3A_86 : vector<512x512xf32> to vector<512x512xbf16>
    %dot_general3A_102 = arith.constant dense<0.000000e+00> : vector<512x512xf32>
    %dot_general3A_103 = tpu.matmul %convert_element_type3A_101, %get3A_100, %dot_general3A_102 {dimension_numbers = #tpu.dot_dimension_numbers<[1], [0], [0], [1], [0, 0, 1, 1], [], []>, transpose_lhs_hint = false} : vector<512x512xbf16>, vector<512x512xbf16>, vector<512x512xf32> -> vector<512x512xf32>
    %add3A_104 = arith.addf %add3A_97, %dot_general3A_103 : vector<512x512xf32>
    %max3A_105 = arith.constant 0.000000e+00 : f32
    %max3A_106 = vector.broadcast %max3A_105 : f32 to vector<512x512xf32>
    %max3A_107 = arith.maximumf %add3A_104, %max3A_106 : vector<512x512xf32>
    %get3A_108 = arith.constant 0 : index
    %get3A_109 = arith.constant 0 : index
    %get3A_110 = vector.load %arg7[%get3A_108, %get3A_109] : memref<512x256xbf16, #tpu.memory_space<vmem>>, vector<512x256xbf16>
    %convert_element_type3A_111 = arith.truncf %max3A_107 : vector<512x512xf32> to vector<512x512xbf16>
    %dot_general3A_112 = arith.constant dense<0.000000e+00> : vector<512x256xf32>
    %dot_general3A_113 = tpu.matmul %convert_element_type3A_111, %get3A_110, %dot_general3A_112 {dimension_numbers = #tpu.dot_dimension_numbers<[1], [0], [0], [1], [0, 0, 1, 1], [], []>, transpose_lhs_hint = false} : vector<512x512xbf16>, vector<512x256xbf16>, vector<512x256xf32> -> vector<512x256xf32>
    %get3A_114 = arith.constant 0 : index
    %get3A_115 = arith.constant 0 : index
    %get3A_116 = vector.load %arg8[%get3A_114, %get3A_115] : memref<1x256xf32, #tpu.memory_space<vmem>>, vector<1x256xf32>
    %get3A_117 = vector.shape_cast %get3A_116 : vector<1x256xf32> to vector<256xf32>
    %broadcast_in_dim3A_118 = vector.shape_cast %get3A_117 : vector<256xf32> to vector<1x256xf32>
    %add3A_119 = vector.broadcast %broadcast_in_dim3A_118 : vector<1x256xf32> to vector<512x256xf32>
    %add3A_120 = arith.addf %dot_general3A_113, %add3A_119 : vector<512x256xf32>
    %swap3A = arith.constant 0 : index
    %swap3A_121 = arith.constant 0 : index
    %swap3A_122 = vector.load %arg9[%swap3A, %swap3A_121] : memref<512x256xf32, #tpu.memory_space<vmem>>, vector<512x256xf32>
    tpu.vector_store %arg9[%swap3A, %swap3A_121], %add3A_120 {strides = array<i32>} : memref<512x256xf32, #tpu.memory_space<vmem>>, vector<512x256xf32>,
    return
  }
  func.func @transform_0(%arg0: i32) -> (i32, i32, i32, i32) {
    %c0_i32 = arith.constant 0 : i32
    %c0_i32_0 = arith.constant 0 : i32
    %c0_i32_1 = arith.constant 0 : i32
    %c0_i32_2 = arith.constant 0 : i32
    return %c0_i32, %c0_i32_0, %arg0, %c0_i32_1 : i32, i32, i32, i32
  }
  func.func @transform_1(%arg0: i32) -> (i32, i32, i32) {
    %c0_i32 = arith.constant 0 : i32
    %c0_i32_0 = arith.constant 0 : i32
    %c0_i32_1 = arith.constant 0 : i32
    return %c0_i32, %arg0, %c0_i32_0 : i32, i32, i32
  }
  func.func @transform_2(%arg0: i32) -> (i32, i32, i32) {
    %c0_i32 = arith.constant 0 : i32
    %c0_i32_0 = arith.constant 0 : i32
    %c0_i32_1 = arith.constant 0 : i32
    return %c0_i32, %arg0, %c0_i32_0 : i32, i32, i32
  }
  func.func @transform_3(%arg0: i32) -> (i32, i32) {
    %c0_i32 = arith.constant 0 : i32
    %c0_i32_0 = arith.constant 0 : i32
    %c0_i32_1 = arith.constant 0 : i32
    return %c0_i32, %c0_i32_0 : i32, i32
  }
  func.func @transform_4(%arg0: i32) -> (i32, i32) {
    %c0_i32 = arith.constant 0 : i32
    %c0_i32_0 = arith.constant 0 : i32
    %c0_i32_1 = arith.constant 0 : i32
    return %c0_i32, %c0_i32_0 : i32, i32
  }
  func.func @transform_5(%arg0: i32) -> (i32, i32) {
    %c0_i32 = arith.constant 0 : i32
    %c0_i32_0 = arith.constant 0 : i32
    %c0_i32_1 = arith.constant 0 : i32
    return %c0_i32, %c0_i32_0 : i32, i32
  }
  func.func @transform_6(%arg0: i32) -> (i32, i32) {
    %c0_i32 = arith.constant 0 : i32
    %c0_i32_0 = arith.constant 0 : i32
    %c0_i32_1 = arith.constant 0 : i32
    return %c0_i32, %c0_i32_0 : i32, i32
  }
  func.func @transform_7(%arg0: i32) -> (i32, i32) {
    %c0_i32 = arith.constant 0 : i32
    %c0_i32_0 = arith.constant 0 : i32
    %c0_i32_1 = arith.constant 0 : i32
    return %c0_i32, %c0_i32_0 : i32, i32
  }
  func.func @transform_8(%arg0: i32) -> (i32, i32) {
    %c0_i32 = arith.constant 0 : i32
    %c0_i32_0 = arith.constant 0 : i32
    return %arg0, %c0_i32 : i32, i32
  }
}

</mosaic_0001>

<sc_bundles>
// kernel: kernel.6.cloned.1.call-start
scs
__scs_entry_jumppad:
0x0: {  	(pc) =	sbr.rel $0x88, $3  }
0x1: {  	(tag) =	ssettag $0x0;
	lr =	simm.s32 $0x1  }
0x2: {  	[smem:$0x3F97] =	sst lr;
	_ =	strace $0xD0000000  }
0x3: {  	_ = 	snop  }
0x4: {  	_ = 	snop  }
0x5: {  	_ = 	snop  }
0x6: {  	_ = 	snop  }
0x7: {  	_ = 	snop  }
__scs_overlays_trampoline_lowered:
0x8: {  	[smem:$0x3FA6] =	sst s0  }
0x9: {  	[smem:$0x3FA7] =	sst s1  }
0xa: {  	[smem:$0x3FA8] =	sst s2  }
0xb: {  	[smem:$0x3FA9] =	sst s3  }
0xc: {  	[smem:$0x3FAA] =	sst s4  }
0xd: {  	[smem:$0x3FAB] =	sst s5  }
0xe: {  	[smem:$0x3FAC] =	sst s6  }
0xf: {  	[smem:$0x3FAD] =	sst s7  }
0x10: {  	[smem:$0x3FAE] =	sst s8  }
0x11: {  	[smem:$0x3FAF] =	sst s9;
	s0 =	simm.s32 @!p0 $0x0  }
0x12: {  	s1 =	sld [smem:$0x3F95];
	s0 =	simm.s32 @p0 $0x1  }
0x13: {  	[smem:$0x3FB0] =	sst s0;
	s0 =	simm.s32 @!p1 $0x0  }
0x14: {  	s2 =	sld [smem:$0x3F94];
	s0 =	simm.s32 @p1 $0x1  }
0x15: {  	[smem:$0x3FB1] =	sst s0;
	s0 =	simm.s32 @!p2 $0x0  }
0x16: {  	s3 =	sld [smem:$0x3FDB];
	s0 =	simm.s32 @p2 $0x1  }
0x17: {  	s4 =	simm.s32 $0x1BF5;
	[smem:$0x3FB3] =	sst s0  }
0x18: {  	s0 =	sld [smem:$0x3F96];
	_ =	swait.ge [sflag:s4], $0x0  }
0x19: {  	s7 =	sld [smem:$0x3F97]  }
0x1a: {  	s8 =	sadd.s32 $0xFFFFE003, lr  }
0x1b: {  	s9 =	sadd.s32 $0xFFFFFEF7, lr;
	s5 =	simm.s32 $0xFFFFFFFF;
	p2 =	slt.u32 s8, $0xFFFFF086  }
0x1c: {  	p1 =	slt.u32 s9, $0xF7A;
	s5 =	simm.s32 @!p2 $0x0  }
0x1d: {  	s5 =	simm.s32 @p1 $0x1;
	p0 =	seq.s32 s7, s2  }
0x1e: {  	s7 =	smul.u32 @!p0 $0xF7A, s2;
	p2 =	seq.s32 @!p0 s5, $0x0  }
0x1f: {  	s9 =	smul.u32 $0xF7A, s1;
	s8 =	simm.s32 @!p0 $0x1BF5;
	p2 =	por !p2, p0  }
0x20: {  	[sflag:s8] =	ssyncset.s32 @!p0 $0xFFFFF086;
	s6 =	sadd.s32 @!p0 s3, s7;
	s7 =	simm.s32 @!p0 $0x108  }
0x21: {  	s3 =	sadd.s32 s3, s9;
	s6 =	sadd.s32 @!p0 $0x88, s6;
	s7 =	simm.s32 @p2 $0x1082  }
0x22: {  	[simem:s7], [sflag:s8] =	dma.local @!p0 [hbm:s6], $0xF7A  }
0x23: {  	s9 =	sor.u32 $0xD0000000, s2;
	s6 =	simm.s32 $0x108;
	_ =	swait.ge @!p0 [sflag:s8], $0x0  }
0x24: {  	s3 =	sadd.s32 $0x88, s3;
	s6 =	simm.s32 @!p1 $0x1082;
	[sflag:s4] =	ssyncset.s32 $0xFFFFF086  }
0x25: {  	[simem:s6], [sflag:s4] =	dma.local [hbm:s3], $0xF7A  }
0x26: {  	[smem:$0x3F97] =	sst s1;
	(tag) =	ssettag s2;
	_ =	strace s9  }
0x27: {  	s1 =	sld [smem:$0x3FA7]  }
0x28: {  	s2 =	sld [smem:$0x3FA8]  }
0x29: {  	s4 =	sld [smem:$0x3FAA]  }
0x2a: {  	p0 =	seq.s32 s5, $0x0;
	s5 =	sld [smem:$0x3FAB]  }
0x2b: {  	s6 =	sld [smem:$0x3FAC]  }
0x2c: {  	s7 =	sld [smem:$0x3FAD]  }
0x2d: {  	s3 =	simm.s32 $0x108;
	s8 =	sld [smem:$0x3FAE]  }
0x2e: {  	s3 =	simm.s32 @!p0 $0x1082;
	s9 =	sld [smem:$0x3FAF]  }
0x2f: {  	lr =	sadd.s32 s0, s3;
	s0 =	sld [smem:$0x3FA6]  }
0x30: {  	s3 =	sld [smem:$0x3FA9]  }
0x31: {  	[smem:$0x3FB2] =	sst s10  }
0x32: {  	s10 =	sld [smem:$0x3FB0];
	_ =	sdelay $0x3  }
0x33: {  	p0 =	seq.s32 s10, $0x1;
	s10 =	sld [smem:$0x3FB2];
	_ =	sdelay $0x3  }
0x34: {  	[smem:$0x3FB2] =	sst s10  }
0x35: {  	s10 =	sld [smem:$0x3FB1];
	_ =	sdelay $0x3  }
0x36: {  	p1 =	seq.s32 s10, $0x1;
	s10 =	sld [smem:$0x3FB2];
	_ =	sdelay $0x3  }
0x37: {  	[smem:$0x3FB2] =	sst s10  }
0x38: {  	s10 =	sld [smem:$0x3FB3]  }
0x39: {  	_ = 	snop;
	(pc) =	sbr.ind lr, $3  }
0x3a: {  	_ = 	snop  }
0x3b: {  	_ = 	snop  }
0x3c: {  	p2 =	seq.s32 s10, $0x1;
	s10 =	sld [smem:$0x3FB2]  }
0x3d: {  	_ =	shalt  }
0x3e: {  	_ =	shalt  }
0x3f: {  	_ =	shalt  }
0x40: {  	_ =	shalt  }
0x41: {  	_ =	shalt  }
0x42: {  	_ =	shalt  }
0x43: {  	_ =	shalt  }
0x44: {  	_ =	shalt  }
0x45: {  	_ =	shalt  }
0x46: {  	_ =	shalt  }
0x47: {  	_ =	shalt  }
0x48: {  	_ =	shalt  }
0x49: {  	_ =	shalt  }
0x4a: {  	_ =	shalt  }
0x4b: {  	_ =	shalt  }
0x4c: {  	_ =	shalt  }
0x4d: {  	_ =	shalt  }
0x4e: {  	_ =	shalt  }
0x4f: {  	_ =	shalt  }
0x50: {  	_ =	shalt  }
0x51: {  	_ =	shalt  }
0x52: {  	_ =	shalt  }
0x53: {  	_ =	shalt  }
0x54: {  	_ =	shalt  }
0x55: {  	_ =	shalt  }
0x56: {  	_ =	shalt  }
0x57: {  	_ =	shalt  }
0x58: {  	_ =	shalt  }
0x59: {  	_ =	shalt  }
0x5a: {  	_ =	shalt  }
0x5b: {  	_ =	shalt  }
0x5c: {  	_ =	shalt  }
0x5d: {  	_ =	shalt  }
0x5e: {  	_ =	shalt  }
0x5f: {  	_ =	shalt  }
0x60: {  	_ =	shalt  }
0x61: {  	_ =	shalt  }
0x62: {  	_ =	shalt  }
0x63: {  	_ =	shalt  }
0x64: {  	_ =	shalt  }
0x65: {  	_ =	shalt  }
0x66: {  	_ =	shalt  }
0x67: {  	_ =	shalt  }
0x68: {  	_ =	shalt  }
0x69: {  	_ =	shalt  }
0x6a: {  	_ =	shalt  }
0x6b: {  	_ =	shalt  }
0x6c: {  	_ =	shalt  }
0x6d: {  	_ =	shalt  }
0x6e: {  	_ =	shalt  }
0x6f: {  	_ =	shalt  }
0x70: {  	_ =	shalt  }
0x71: {  	_ =	shalt  }
0x72: {  	_ =	shalt  }
0x73: {  	_ =	shalt  }
0x74: {  	_ =	shalt  }
0x75: {  	_ =	shalt  }
0x76: {  	_ =	shalt  }
0x77: {  	_ =	shalt  }
0x78: {  	_ =	shalt  }
0x79: {  	_ =	shalt  }
0x7a: {  	_ =	shalt  }
0x7b: {  	_ =	shalt  }
0x7c: {  	_ =	shalt  }
0x7d: {  	_ =	shalt  }
0x7e: {  	_ =	shalt  }
0x7f: {  	_ =	shalt  }
0x80: {  	_ =	shalt  }
0x81: {  	_ =	shalt  }
0x82: {  	_ =	shalt  }
0x83: {  	_ =	shalt  }
0x84: {  	_ =	shalt  }
0x85: {  	_ =	shalt  }
0x86: {  	_ =	shalt  }
0x87: {  	_ =	shalt  }
.Lfunc_end0:
.L_simem_size_0:
called_computation_lowered:
.L_overlay_start_0:
0x88: {  	s2 =	sld [smem:$0x3FD9]  }
0x89: {  	s3 =	sld [smem:$0x3FFE];
	_ =	sdelay $0x1  }
0x8a: {  	s1 =	srdreg.scid  }
0x8b: {  	s0 =	sand.u32 $0x1, s1  }
0x8c: {  	s17 =	sshll.u32 s0, $0xA;
	s2 =	sadd.s32 s3, s2  }
0x8d: {  	s2 =	sadd.s32 s2, s17  }
0x8e: {  	[smem:$0x3FBE] =	sst s2  }
0x8f: {  	_ = 	snop  }
0x90: {  	s2 =	sld [smem:$0x3FD0];
	(tm) =	ssettm $0x1  }
0x91: {  	s18 =	sld [smem:$0x3FFB];
	_ =	sdelay $0x3  }
0x92: {  	_ =	strace s18  }
0x93: {  	s3 =	sld [smem:$0x3FFC];
	_ =	sdelay $0x3  }
0x94: {  	_ =	strace s3  }
0x95: {  	s3 =	sld [smem:$0x3FFD];
	_ =	sdelay $0x3  }
0x96: {  	_ =	strace s3  }
0x97: {  	_ =	strace $0x8FFFFFFF  }
0x98: {  	s19 =	sld [smem:$0x3FDB];
	_ =	sdelay $0x1  }
0x99: {  	s4 =	simm.s32 $_scs_section_size  }
0x9a: {  	s5 =	simm.s32 $_size__tile_overlayer_lowered;
	s6 =	simm.s32 $_tile_overlayer_lowered  }
0x9b: {  	s22 =	simm.s32 $0x1BFF;
	s21 =	sshll.u32 s6, $0x1;
	s3 =	sadd.s32 s4, s19  }
0x9c: {  	s7 =	simm.s32 $0x0;
	s20 =	sshll.u32 s5, $0x1;
	s5 =	sadd.s32 s21, s3  }
0x9d: {  	[timem:s7], [sflag:s22] =	dma.local [hbm:s5], s20  }
0x9e: {  	_ =	swait.ge [sflag:s22], s20  }
0x9f: {  	s4 =	ssub.s32 $0x0, s20;
	[sflag:s22] =	ssyncset.done $0x0  }
0xa0: {  	[sflag:s22] =	ssyncadd.s32 s4;
	_ =	sdelay $0x1  }
0xa1: {  	s23 =	simm.s32 $0x1B8B  }
0xa2: {  	_ =	swait.ge [sflag:s23], $0x1  }
0xa3: {  	[sflag:s23] =	ssyncset.done $0x0  }
0xa4: {  	s25 =	simm.s32 $0x1B8E;
	s24 =	sld [smem:$0x3FFE];
	[sflag:s23] =	ssyncadd.s32 $0xFFFFFFFF  }
0xa5: {  	s26 =	simm.s32 $execute0_lowered;
	[smem:$0x3FD2] =	sst s25  }
0xa6: {  	s5 =	sshll.u32 s26, $0x1;
	_ =	strace $0x80000046;
	[dreg:$0x1] =	wrdreg $0xFFFFFFFF  }
0xa7: {  	s28 =	simm.s32 $_size_execute0_lowered;
	s3 =	sadd.s32 s3, s5;
	[dreg:$0x0] =	wrdreg $0x0  }
0xa8: {  	s5 =	sshll.u32 s28, $0x1;
	[dreg:$0x2] =	wrdreg s3  }
0xa9: {  	[dreg:$0x3] =	wrdreg s5  }
0xaa: {  	[dreg:$0x4] =	wrdreg $0xC0  }
0xab: {  	_ =	task [dreg:s7], $0x5FFFF  }
0xac: {  	[dreg:$0x1] =	wrdreg $0xFFFFFFFF  }
0xad: {  	[dreg:$0x0] =	wrdreg $0x60  }
0xae: {  	[dreg:$0x2] =	wrdreg s2  }
0xaf: {  	[dreg:$0x3] =	wrdreg s24  }
0xb0: {  	[dreg:$0x4] =	wrdreg $0xAD000  }
0xb1: {  	[dreg:$0x5] =	wrdreg $0x9  }
0xb2: {  	_ =	task.clear_ibuf [dreg:s7], $0x6FFFF;
	_ =	strace $0x90000046  }
0xb3: {  	s29 =	simm.s32 $0x9;
	_ =	strace $0x80000048  }
0xb4: {  	_ =	swait.ge [sflag:s29], $0x1  }
0xb5: {  	[sflag:s29] =	ssyncadd.s32 $0xFFFFFFFF  }
0xb6: {  	_ =	strace $0x90000048  }
0xb7: {  	_ =	sfence  }
0xb8: {  	s30 =	sld [smem:$0x0];
	_ =	sdelay $0x2  }
0xb9: {  	s31 =	sshll.u32 s1, $0xD;
	s1 =	sshrl.u32 s1, $0x2  }
0xba: {  	s3 =	sand.u32 $0x4000, s31;
	s1 =	sadd.s32 s1, s30  }
0xbb: {  	s0 =	sor.u32 s3, s0;
	s1 =	sshll.u32 s1, $0x11  }
0xbc: {  	s0 =	sor.u32 s1, s0  }
0xbd: {  	s0 =	sadd.s32 $0x8F2B, s0  }
0xbe: {  	[sflag:s0] =	ssyncadd.remote.s32 $0x1  }
0xbf: {  	_ =	sfence.sel $0xFFFF  }
0xc0: {  	[dreg:$0x0] =	wrdreg $0xFFFFFFFF;
	(pc) =	sbr.abs _section_cstart, $3  }
0xc1: {  	[dreg:$0x1] =	wrdreg $0xFFFFFFFF  }
0xc2: {  	_ =	task.clear_ibuf [dreg:s7], $0x2FFFF;
	_ =	strace $0x9FFFFFFF  }
0xc3: {  	(tm) =	ssettm $0x7FFFFFFF  }
tec
execute0_lowered:
.L_overlay_start_1:
0x0: {  	(tag) =	ssettag $0x1  }
0x1: {  	s1 =	rddreg [dreg:$0x0]  }
0x2: {  	s0 =	srdreg.scid;
	s11 =	stileid.u32  }
0x3: {  	s2 =	rddreg [dreg:$0x1];
	s8 =	smul.u32 $0x280, s11  }
0x4: {  	s3 =	rddreg [dreg:$0x2];
	s0 =	sand.u32 $0x1, s0;
	s19 =	smul.u32 $0x50000, s11  }
0x5: {  	s4 =	sshll.u32 s11, $0x1;
	s9 =	sadd.s32 $0x11600, s2;
	s11 =	smul.u32 $0x14000, s11  }
0x6: {  	s10 =	sadd.s32 $0x10E00, s2;
	s5 =	sor.u32 s0, s4;
	s13 =	smul.u32 $0x140000, s0  }
0x7: {  	s4 =	simm.s32 $0x0;
	s20 =	ssub.s32 $0x2, s0;
	s0 =	smul.u32 $0x280000, s0  }
0x8: {  	s14 =	sadd.s32 $0x89600, s2;
	s6 =	smul.u32 $0x1400, s5;
	[smem:$0x7FF] =	sst s4  }
0x9: {  	s5 =	sshll.u32 s5, $0x4;
	s12 =	sshrl.u32 s20, $0x1;
	s16 =	sshrl.u32 s19, $0x2  }
0xa: {  	s21 =	sshrl.u32 s11, $0x3;
	s23 =	sadd.s32 $0xA0, s8;
	s18 =	sadd.s32 $0x140, s8  }
0xb: {  	s8 =	sadd.s32 $0x1E0, s8;
	_ =	strace $0x80000047;
	s5 =	sadd.s32 s5, s2  }
0xc: {  	[dreg:$0x4] =	wrdreg s10;
	s15 =	ssub.s32 s20, s12;
	s22 =	sadd.s32 s11, s13  }
0xd: {  	s17 =	sshll.u32 s23, $0x7;
	s19 =	sshll.u32 s18, $0x7;
	s20 =	sshll.u32 s8, $0x7  }
0xe: {  	s26 =	sshll.u32 s23, $0x4;
	s29 =	sadd.s32 s11, s0;
	s30 =	sshll.u32 s18, $0x4  }
0xf: {  	s8 =	sshll.u32 s8, $0x4;
	s6 =	sshrl.u32 s6, $0x3;
	s10 =	sshrl.u32 s22, $0x3  }
0x10: {  	s24 =	sadd.s32 s13, s17;
	s25 =	sadd.s32 s13, s19;
	s13 =	sadd.s32 s13, s20  }
0x11: {  	s11 =	sadd.s32 s0, s19;
	s22 =	sadd.s32 s17, s3;
	s23 =	sadd.s32 s19, s3  }
0x12: {  	s7 =	sadd.s32 s6, s2;
	s2 =	sadd.s32 $0x39600, s2;
	s6 =	sadd.s32 s9, s21  }
0x13: {  	s28 =	sshrl.u32 s13, $0x3;
	s13 =	sadd.s32 s9, s8;
	[dreg:$0xf] =	wrdreg s22  }
0x14: {  	s8 =	sadd.s32 s0, s17;
	s21 =	sadd.s32 s16, s3;
	[dreg:$0x10] =	wrdreg s23  }
0x15: {  	s0 =	sadd.s32 s0, s20;
	s10 =	sadd.s32 s2, s10;
	[dreg:$0xe] =	wrdreg s21  }
0x16: {  	s0 =	sshrl.u32 s0, $0x3;
	s18 =	sadd.s32 $0x1E00, s7;
	[dreg:$0x5] =	wrdreg s10  }
0x17: {  	s10 =	sshrl.u32 s24, $0x3;
	[dreg:$0xd] =	wrdreg s18;
	s24 =	sadd.s32 s20, s3  }
0x18: {  	s12 =	sadd.s32 s9, s30;
	s0 =	sadd.s32 s14, s0;
	[dreg:$0x11] =	wrdreg s24  }
0x19: {  	s19 =	simm.s32 $0x4;
	s10 =	sadd.s32 s2, s10;
	[dreg:$0xc] =	wrdreg s0  }
0x1a: {  	s22 =	simm.s32 $0x2;
	s0 =	sadd.s32 $0x28000, s0;
	[dreg:$0x6] =	wrdreg s10  }
0x1b: {  	s10 =	sshrl.u32 s25, $0x3;
	s25 =	sadd.s32 $0x6E00, s7;
	[dreg:$0x1b] =	wrdreg s0  }
0x1c: {  	s21 =	simm.s32 $0x1;
	s7 =	sadd.s32 $0xBE00, s7;
	[dreg:$0x12] =	wrdreg s25  }
0x1d: {  	s18 =	simm.s32 $0x3;
	s10 =	sadd.s32 s2, s10;
	[dreg:$0x13] =	wrdreg s7  }
0x1e: {  	s20 =	simm.s32 $0x2800;
	s2 =	sadd.s32 s2, s28;
	[dreg:$0x7] =	wrdreg s10  }
0x1f: {  	s24 =	simm.s32 $0xA900;
	s28 =	sadd.s32 $0x1A00, s5;
	[dreg:$0x8] =	wrdreg s2  }
0x20: {  	s10 =	sadd.s32 s9, s26;
	s26 =	sadd.s32 $0x1800, s5;
	[dreg:$0x15] =	wrdreg s28  }
0x21: {  	s7 =	simm.s32 $0x2880;
	s5 =	sadd.s32 $0x1C00, s5;
	[dreg:$0x14] =	wrdreg s26  }
0x22: {  	s2 =	sshrl.u32 s29, $0x3;
	s29 =	smax.u32 s15, $0x1;
	[dreg:$0x16] =	wrdreg s5  }
0x23: {  	s25 =	simm.s32 $0x0;
	s31 =	sadd.s32 s14, s2;
	[dreg:$0x17] =	wrdreg s29  }
0x24: {  	s2 =	sshrl.u32 s8, $0x3;
	[dreg:$0x9] =	wrdreg s31;
	s30 =	sadd.s32 $0x28000, s31  }
0x25: {  	s8 =	sshrl.u32 s11, $0x3;
	s2 =	sadd.s32 s14, s2;
	[dreg:$0x18] =	wrdreg s30  }
0x26: {  	s9 =	simm.s32 $0x80;
	s8 =	sadd.s32 s14, s8;
	[dreg:$0xa] =	wrdreg s2  }
0x27: {  	s5 =	simm.s32 $0x5;
	s2 =	sadd.s32 $0x28000, s2;
	[dreg:$0xb] =	wrdreg s8  }
0x28: {  	s11 =	simm.s32 $0x8;
	s31 =	sadd.s32 $0x28000, s8;
	[dreg:$0x19] =	wrdreg s2  }
0x29: {  	s14 =	simm.s32 $0x6900;
	s8 =	simm.s32 $0x2900;
	[dreg:$0x1a] =	wrdreg s31  }
.LBB2_1:
0x2a: {  	s0 =	rddreg [dreg:$0xd];
	s2 =	simm.s32 $0x1400  }
0x2b: {  	[tilespmem:s2], [sflag:$0x5] =	stream.linear.gather [hbm4b:s0+s4], $0x1380, $0x38;
	[tilespmem:$0x1ED00] =	vst v63  }
0x2c: {  	_ =	swait.ge [sflag:s5], $0x1380  }
0x2d: {  	[sflag:s5] =	ssyncset.done $0x0  }
0x2e: {  	s26 =	rddreg [dreg:$0x14];
	[sflag:s5] =	ssyncadd.s32 $0xFFFFEC80  }
0x2f: {  	[tilespmem:s7], [sflag:$0x5] =	stream.linear.gather [hbm4b:s26+s4], $0x80, $0x38;
	[tilespmem:$0x1ED00] =	vst v63  }
0x30: {  	_ =	swait.ge [sflag:s5], $0x80  }
0x31: {  	[sflag:s5] =	ssyncset.done $0x0  }
0x32: {  	s28 =	rddreg [dreg:$0x4];
	[sflag:s5] =	ssyncadd.s32 $0xFFFFFF80  }
0x33: {  	[tilespmem:s8], [sflag:$0x5] =	stream.linear.gather [hbm4b:s28+s4], $0x4000, $0x38;
	[tilespmem:$0x1ED00] =	vst v63  }
0x34: {  	s29 =	stileid.u32;
	_ =	swait.ge [sflag:s5], $0x4000  }
0x35: {  	s16 =	sshll.u32 s29, $0x6;
	[sflag:s5] =	ssyncset.done $0x0;
	s30 =	rddreg [dreg:$0xe]  }
0x36: {  	s15 =	sor.u32 $0x1C05, s16;
	[sflag:s5] =	ssyncadd.s32 $0xFFFFC000;
	s26 =	sshrl.u32 s30, $0x3  }
0x37: {  	[spmem:s26], [sflag:s15] =	dma.local [hbm:s6], $0x2800  }
0x38: {  	_ =	swait.ge [sflag:s5], $0x2800  }
0x39: {  	[sflag:s5] =	ssyncset.done $0x0  }
0x3a: {  	[sflag:s5] =	ssyncadd.s32 $0xFFFFD800  }
0x3b: {  	s31 =	simm.s32 $0x1400;
	[bflag:$0x0] =	sbarrier.arrive $0xFFFF  }
0x3c: {  	[spmem:s3] =	stream.indirect.scatter.add.f32 [tilespmem:s8], [sflag:$0x5], $0x80, s31, s9, $0xb8;
	[tilespmem:$0x1ED00] =	vst v63  }
0x3d: {  	s15 =	simm.s32 $0x200;
	_ =	swait.ge [sflag:s5], $0x4000  }
.LBB2_2:
0x3e: {  	s17 =	sshra.s32 s15, $0x2;
	[sflag:s5] =	ssyncset.done $0x0;
	p0 =	sne.s32 s15, $0x4C00  }
.Ltmp0:
0x3f: {  	s17 =	sadd.s32 $0x1400, s17;
	[sflag:s5] =	ssyncadd.s32 $0xFFFFC000;
	(pc) =	sbr.rel @p0 .LBB2_2-.Ltmp0, $3  }
0x40: {  	[spmem:s3] =	stream.indirect.scatter.add.f32 [tilespmem:s8], [sflag:$0x5], $0x80, s17, s9, $0xb8;
	[tilespmem:$0x1ED00] =	vst v63  }
0x41: {  	s15 =	sadd.s32 $0x200, s15;
	_ =	sdelay $0x1  }
0x42: {  	_ =	swait.ge [sflag:s5], $0x4000  }
0x43: {  	[sflag:s5] =	ssyncset.done $0x0  }
0x44: {  	[sflag:s5] =	ssyncadd.s32 $0xFFFFC000  }
0x45: {  	[spmem:s3] =	stream.indirect.scatter.add.f32 [tilespmem:s8], [sflag:$0x5], $0x80, s7, s11, $0xb8;
	[tilespmem:$0x1ED00] =	vst v63  }
0x46: {  	_ =	swait.ge [sflag:s5], $0x400  }
0x47: {  	[sflag:s5] =	ssyncset.done $0x0  }
0x48: {  	s17 =	simm.s32 $0x0;
	s0 =	rddreg [dreg:$0x12];
	[sflag:s5] =	ssyncadd.s32 $0xFFFFFC00  }
0x49: {  	[tilespmem:s17], [sflag:$0x5] =	stream.linear.gather [hbm4b:s0+s17], $0x1380, $0x38;
	[tilespmem:$0x1ED00] =	vst v63  }
0x4a: {  	_ =	swait.ge [sflag:s5], $0x1380  }
0x4b: {  	[sflag:s5] =	ssyncset.done $0x0  }
0x4c: {  	[sflag:s5] =	ssyncadd.s32 $0xFFFFEC80  }
0x4d: {  	[tilespmem:s8], [sflag:$0x1] =	stream.indirect.gather [hbm4b:s1+s9], $0x80, s17, s9, $0xb8;
	[tilespmem:$0x1ED00] =	vst v63  }
0x4e: {  	[bflag:$0x0] =	sbarrier.arrive $0xFFFF  }
0x4f: {  	s28 =	sor.u32 $0x1C03, s16;
	s15 =	rddreg [dreg:$0x5]  }
0x50: {  	[hbm:s15], [sflag:s28] =	dma.local [spmem:s26], $0xA00  }
0x51: {  	_ =	swait.ge [sflag:s18], $0xA00  }
0x52: {  	s30 =	sor.u32 $0x1C04, s16;
	[sflag:s18] =	ssyncset.done $0x0;
	s23 =	rddreg [dreg:$0xf]  }
0x53: {  	s2 =	rddreg [dreg:$0x6];
	[sflag:s18] =	ssyncadd.s32 $0xFFFFF600;
	s15 =	sshrl.u32 s23, $0x3  }
0x54: {  	[hbm:s2], [sflag:s28] =	dma.local [spmem:s15], $0xA00  }
0x55: {  	[spmem:s26], [sflag:s30] =	dma.local [hbm:s6], $0xA00  }
0x56: {  	_ =	swait.ge [sflag:s18], $0xA00  }
0x57: {  	[sflag:s18] =	ssyncset.done $0x0;
	s23 =	rddreg [dreg:$0x10]  }
0x58: {  	s2 =	rddreg [dreg:$0x7];
	[sflag:s18] =	ssyncadd.s32 $0xFFFFF600;
	s29 =	sshrl.u32 s23, $0x3  }
0x59: {  	[hbm:s2], [sflag:s28] =	dma.local [spmem:s29], $0xA00  }
0x5a: {  	[spmem:s15], [sflag:s30] =	dma.local [hbm:s10], $0xA00  }
0x5b: {  	_ =	swait.ge [sflag:s18], $0xA00  }
0x5c: {  	[sflag:s18] =	ssyncset.done $0x0;
	s16 =	rddreg [dreg:$0x11]  }
0x5d: {  	s23 =	rddreg [dreg:$0x8];
	[sflag:s18] =	ssyncadd.s32 $0xFFFFF600;
	s16 =	sshrl.u32 s16, $0x3  }
0x5e: {  	[hbm:s23], [sflag:s28] =	dma.local [spmem:s16], $0xA00  }
0x5f: {  	[spmem:s29], [sflag:s30] =	dma.local [hbm:s12], $0xA00  }
0x60: {  	_ =	swait.ge [sflag:s18], $0xA00  }
0x61: {  	[sflag:s18] =	ssyncset.done $0x0  }
0x62: {  	[sflag:s18] =	ssyncadd.s32 $0xFFFFF600  }
0x63: {  	[spmem:s16], [sflag:s30] =	dma.local [hbm:s13], $0xA00  }
0x64: {  	_ =	swait.ge [sflag:s19], $0xA00  }
0x65: {  	[sflag:s19] =	ssyncset.done $0x0  }
0x66: {  	[sflag:s19] =	ssyncadd.s32 $0xFFFFF600  }
0x67: {  	_ =	swait.ge [sflag:s19], $0xA00  }
0x68: {  	[sflag:s19] =	ssyncset.done $0x0  }
0x69: {  	[sflag:s19] =	ssyncadd.s32 $0xFFFFF600  }
0x6a: {  	_ =	swait.ge [sflag:s19], $0xA00  }
0x6b: {  	[sflag:s19] =	ssyncset.done $0x0  }
0x6c: {  	[sflag:s19] =	ssyncadd.s32 $0xFFFFF600  }
0x6d: {  	_ =	swait.ge [sflag:s19], $0xA00  }
0x6e: {  	[sflag:s19] =	ssyncset.done $0x0  }
0x6f: {  	s2 =	rddreg [dreg:$0x15];
	[sflag:s19] =	ssyncadd.s32 $0xFFFFF600  }
0x70: {  	[tilespmem:s20], [sflag:$0x5] =	stream.linear.gather [hbm4b:s2+s17], $0x80, $0x38;
	[tilespmem:$0x1ED00] =	vst v63  }
0x71: {  	_ =	swait.ge [sflag:s5], $0x80  }
0x72: {  	[sflag:s5] =	ssyncset.done $0x0  }
0x73: {  	[sflag:s5] =	ssyncadd.s32 $0xFFFFFF80  }
0x74: {  	s23 =	simm.s32 $0x80;
	[bflag:$0x0] =	sbarrier.arrive $0xFFFF  }
0x75: {  	[tilespmem:s14], [sflag:$0x2] =	stream.indirect.gather [hbm4b:s1+s9], $0x80, s23, s9, $0xb8;
	[tilespmem:$0x1ED00] =	vst v63  }
0x76: {  	_ =	swait.ge [sflag:s21], $0x4000  }
0x77: {  	[sflag:s21] =	ssyncset.done $0x0  }
0x78: {  	s0 =	simm.s32 $0x1400;
	[sflag:s21] =	ssyncadd.s32 $0xFFFFC000  }
0x79: {  	[spmem:s3] =	stream.indirect.scatter.add.f32 [tilespmem:s8], [sflag:$0x5], $0x80, s0, s9, $0xb8;
	[tilespmem:$0x1ED00] =	vst v63  }
0x7a: {  	_ =	swait.ge [sflag:s5], $0x4000  }
0x7b: {  	[sflag:s5] =	ssyncset.done $0x0  }
0x7c: {  	s2 =	simm.s32 $0x100;
	[sflag:s5] =	ssyncadd.s32 $0xFFFFC000  }
0x7d: {  	[tilespmem:s8], [sflag:$0x1] =	stream.indirect.gather [hbm4b:s1+s9], $0x80, s2, s9, $0xb8;
	[tilespmem:$0x1ED00] =	vst v63  }
0x7e: {  	_ =	swait.ge [sflag:s22], $0x4000  }
0x7f: {  	[sflag:s22] =	ssyncset.done $0x0  }
0x80: {  	s23 =	simm.s32 $0x1480;
	[sflag:s22] =	ssyncadd.s32 $0xFFFFC000  }
0x81: {  	[spmem:s3] =	stream.indirect.scatter.add.f32 [tilespmem:s14], [sflag:$0x5], $0x80, s23, s9, $0xb8;
	[tilespmem:$0x1ED00] =	vst v63  }
0x82: {  	_ =	swait.ge [sflag:s5], $0x4000  }
0x83: {  	s31 =	simm.s32 $0x800;
	s17 =	simm.s32 $0x100;
	[sflag:s5] =	ssyncset.done $0x0  }
.LBB2_4:
0x84: {  	s2 =	sadd.s32 $0x80, s17  }
0x85: {  	[sflag:s5] =	ssyncadd.s32 $0xFFFFC000;
	s0 =	smov.u32 s31;
	s23 =	sadd.s32 $0x400, s31  }
0x86: {  	[tilespmem:s14], [sflag:$0x2] =	stream.indirect.gather [hbm4b:s1+s9], $0x80, s2, s9, $0xb8;
	[tilespmem:$0x1ED00] =	vst v63  }
0x87: {  	p0 =	sne.s32 s31, $0x4800;
	_ =	swait.ge [sflag:s21], $0x4000  }
0x88: {  	[sflag:s21] =	ssyncset.done $0x0  }
0x89: {  	s2 =	sadd.s32 $0x1400, s17;
	[sflag:s21] =	ssyncadd.s32 $0xFFFFC000  }
0x8a: {  	[spmem:s3] =	stream.indirect.scatter.add.f32 [tilespmem:s8], [sflag:$0x5], $0x80, s2, s9, $0xb8;
	[tilespmem:$0x1ED00] =	vst v63  }
0x8b: {  	_ =	swait.ge [sflag:s5], $0x4000  }
0x8c: {  	[sflag:s5] =	ssyncset.done $0x0  }
0x8d: {  	s2 =	sadd.s32 $0x100, s17;
	[sflag:s5] =	ssyncadd.s32 $0xFFFFC000  }
0x8e: {  	[tilespmem:s8], [sflag:$0x1] =	stream.indirect.gather [hbm4b:s1+s9], $0x80, s2, s9, $0xb8;
	[tilespmem:$0x1ED00] =	vst v63  }
0x8f: {  	_ =	swait.ge [sflag:s22], $0x4000  }
.Ltmp1:
0x90: {  	[sflag:s22] =	ssyncset.done $0x0;
	(pc) =	sbr.rel @p0 .LBB2_4-.Ltmp1, $4  }
0x91: {  	s2 =	sadd.s32 $0x1480, s17;
	[sflag:s22] =	ssyncadd.s32 $0xFFFFC000  }
0x92: {  	[spmem:s3] =	stream.indirect.scatter.add.f32 [tilespmem:s14], [sflag:$0x5], $0x80, s2, s9, $0xb8;
	[tilespmem:$0x1ED00] =	vst v63  }
0x93: {  	_ =	swait.ge [sflag:s5], $0x4000  }
0x94: {  	s31 =	smov.u32 s23;
	s17 =	sshra.s32 s0, $0x2;
	[sflag:s5] =	ssyncset.done $0x0  }
0x95: {  	s0 =	sadd.s32 $0x80, s17;
	[sflag:s5] =	ssyncadd.s32 $0xFFFFC000  }
0x96: {  	[tilespmem:s14], [sflag:$0x2] =	stream.indirect.gather [hbm4b:s1+s9], $0x80, s0, s9, $0xb8;
	[tilespmem:$0x1ED00] =	vst v63  }
0x97: {  	_ =	swait.ge [sflag:s21], $0x4000  }
0x98: {  	[sflag:s21] =	ssyncset.done $0x0  }
0x99: {  	s2 =	sadd.s32 $0x1400, s17;
	[sflag:s21] =	ssyncadd.s32 $0xFFFFC000  }
0x9a: {  	[spmem:s3] =	stream.indirect.scatter.add.f32 [tilespmem:s8], [sflag:$0x5], $0x80, s2, s9, $0xb8;
	[tilespmem:$0x1ED00] =	vst v63  }
0x9b: {  	_ =	swait.ge [sflag:s5], $0x4000  }
0x9c: {  	[sflag:s5] =	ssyncset.done $0x0  }
0x9d: {  	s23 =	sadd.s32 $0x100, s17;
	[sflag:s5] =	ssyncadd.s32 $0xFFFFC000  }
0x9e: {  	[tilespmem:s8], [sflag:$0x1] =	stream.indirect.gather [hbm4b:s1+s9], $0x80, s23, s9, $0xb8;
	[tilespmem:$0x1ED00] =	vst v63  }
0x9f: {  	_ =	swait.ge [sflag:s22], $0x4000  }
0xa0: {  	[sflag:s22] =	ssyncset.done $0x0  }
0xa1: {  	s2 =	sadd.s32 $0x1480, s17;
	[sflag:s22] =	ssyncadd.s32 $0xFFFFC000  }
0xa2: {  	[spmem:s3] =	stream.indirect.scatter.add.f32 [tilespmem:s14], [sflag:$0x5], $0x80, s2, s9, $0xb8;
	[tilespmem:$0x1ED00] =	vst v63  }
0xa3: {  	_ =	swait.ge [sflag:s5], $0x4000  }
0xa4: {  	[sflag:s5] =	ssyncset.done $0x0  }
0xa5: {  	[sflag:s5] =	ssyncadd.s32 $0xFFFFC000  }
0xa6: {  	_ =	swait.ge [sflag:s21], $0x4000  }
0xa7: {  	[sflag:s21] =	ssyncset.done $0x0  }
0xa8: {  	s31 =	simm.s32 $0x2700;
	[sflag:s21] =	ssyncadd.s32 $0xFFFFC000  }
0xa9: {  	[spmem:s3] =	stream.indirect.scatter.add.f32 [tilespmem:s8], [sflag:$0x5], $0x80, s31, s9, $0xb8;
	[tilespmem:$0x1ED00] =	vst v63  }
0xaa: {  	_ =	swait.ge [sflag:s5], $0x4000  }
0xab: {  	[sflag:s5] =	ssyncset.done $0x0  }
0xac: {  	s0 =	simm.s32 $0x0;
	s2 =	rddreg [dreg:$0x13];
	[sflag:s5] =	ssyncadd.s32 $0xFFFFC000  }
0xad: {  	[tilespmem:s0], [sflag:$0x5] =	stream.linear.gather [hbm4b:s2+s0], $0x1380, $0x38;
	[tilespmem:$0x1ED00] =	vst v63  }
0xae: {  	_ =	swait.ge [sflag:s5], $0x1380  }
0xaf: {  	[sflag:s5] =	ssyncset.done $0x0  }
0xb0: {  	[sflag:s5] =	ssyncadd.s32 $0xFFFFEC80  }
0xb1: {  	[tilespmem:s8], [sflag:$0x1] =	stream.indirect.gather [hbm4b:s1+s9], $0x80, s0, s9, $0xb8;
	[tilespmem:$0x1ED00] =	vst v63  }
0xb2: {  	_ = 	snop  }
0xb3: {  	[tilespmem:s24], [sflag:$0x5] =	stream.indirect.gather [hbm4b:s1+s11], $0x80, s20, s11, $0xb8;
	[tilespmem:$0x1ED00] =	vst v63  }
0xb4: {  	_ =	swait.ge [sflag:s5], $0x400  }
0xb5: {  	[sflag:s5] =	ssyncset.done $0x0  }
0xb6: {  	[sflag:s5] =	ssyncadd.s32 $0xFFFFFC00  }
0xb7: {  	[spmem:s3] =	stream.indirect.scatter.add.f32 [tilespmem:s24], [sflag:$0x5], $0x80, s7, s11, $0xb8;
	[tilespmem:$0x1ED00] =	vst v63  }
0xb8: {  	_ =	swait.ge [sflag:s5], $0x400  }
0xb9: {  	[sflag:s5] =	ssyncset.done $0x0  }
0xba: {  	[sflag:s5] =	ssyncadd.s32 $0xFFFFFC00  }
0xbb: {  	[bflag:$0x0] =	sbarrier.arrive $0xFFFF  }
0xbc: {  	s17 =	rddreg [dreg:$0x9]  }
0xbd: {  	[hbm:s17], [sflag:s28] =	dma.local [spmem:s26], $0xA00  }
0xbe: {  	_ =	swait.ge [sflag:s18], $0xA00  }
0xbf: {  	[sflag:s18] =	ssyncset.done $0x0  }
0xc0: {  	s23 =	rddreg [dreg:$0xa];
	[sflag:s18] =	ssyncadd.s32 $0xFFFFF600  }
0xc1: {  	[hbm:s23], [sflag:s28] =	dma.local [spmem:s15], $0xA00  }
0xc2: {  	[spmem:s26], [sflag:s30] =	dma.local [hbm:s6], $0xA00  }
0xc3: {  	_ =	swait.ge [sflag:s18], $0xA00  }
0xc4: {  	[sflag:s18] =	ssyncset.done $0x0  }
0xc5: {  	s17 =	rddreg [dreg:$0xb];
	[sflag:s18] =	ssyncadd.s32 $0xFFFFF600  }
0xc6: {  	[hbm:s17], [sflag:s28] =	dma.local [spmem:s29], $0xA00  }
0xc7: {  	[spmem:s15], [sflag:s30] =	dma.local [hbm:s10], $0xA00  }
0xc8: {  	_ =	swait.ge [sflag:s18], $0xA00  }
0xc9: {  	[sflag:s18] =	ssyncset.done $0x0  }
0xca: {  	s23 =	rddreg [dreg:$0xc];
	[sflag:s18] =	ssyncadd.s32 $0xFFFFF600  }
0xcb: {  	[hbm:s23], [sflag:s28] =	dma.local [spmem:s16], $0xA00  }
0xcc: {  	[spmem:s29], [sflag:s30] =	dma.local [hbm:s12], $0xA00  }
0xcd: {  	_ =	swait.ge [sflag:s18], $0xA00  }
0xce: {  	[sflag:s18] =	ssyncset.done $0x0  }
0xcf: {  	[sflag:s18] =	ssyncadd.s32 $0xFFFFF600  }
0xd0: {  	[spmem:s16], [sflag:s30] =	dma.local [hbm:s13], $0xA00  }
0xd1: {  	_ =	swait.ge [sflag:s19], $0xA00  }
0xd2: {  	[sflag:s19] =	ssyncset.done $0x0  }
0xd3: {  	[sflag:s19] =	ssyncadd.s32 $0xFFFFF600  }
0xd4: {  	_ =	swait.ge [sflag:s19], $0xA00  }
0xd5: {  	[sflag:s19] =	ssyncset.done $0x0  }
0xd6: {  	[sflag:s19] =	ssyncadd.s32 $0xFFFFF600  }
0xd7: {  	_ =	swait.ge [sflag:s19], $0xA00  }
0xd8: {  	[sflag:s19] =	ssyncset.done $0x0  }
0xd9: {  	[sflag:s19] =	ssyncadd.s32 $0xFFFFF600  }
0xda: {  	_ =	swait.ge [sflag:s19], $0xA00  }
0xdb: {  	[sflag:s19] =	ssyncset.done $0x0  }
0xdc: {  	s17 =	rddreg [dreg:$0x16];
	[sflag:s19] =	ssyncadd.s32 $0xFFFFF600  }
0xdd: {  	[tilespmem:s20], [sflag:$0x5] =	stream.linear.gather [hbm4b:s17+s0], $0x80, $0x38;
	[tilespmem:$0x1ED00] =	vst v63  }
0xde: {  	_ =	swait.ge [sflag:s5], $0x80  }
0xdf: {  	[sflag:s5] =	ssyncset.done $0x0  }
0xe0: {  	[sflag:s5] =	ssyncadd.s32 $0xFFFFFF80  }
0xe1: {  	s23 =	simm.s32 $0x80;
	[bflag:$0x0] =	sbarrier.arrive $0xFFFF  }
0xe2: {  	[tilespmem:s14], [sflag:$0x2] =	stream.indirect.gather [hbm4b:s1+s9], $0x80, s23, s9, $0xb8;
	[tilespmem:$0x1ED00] =	vst v63  }
0xe3: {  	_ =	swait.ge [sflag:s21], $0x4000  }
0xe4: {  	[sflag:s21] =	ssyncset.done $0x0  }
0xe5: {  	s2 =	simm.s32 $0x1400;
	[sflag:s21] =	ssyncadd.s32 $0xFFFFC000  }
0xe6: {  	[spmem:s3] =	stream.indirect.scatter.add.f32 [tilespmem:s8], [sflag:$0x5], $0x80, s2, s9, $0xb8;
	[tilespmem:$0x1ED00] =	vst v63  }
0xe7: {  	_ =	swait.ge [sflag:s5], $0x4000  }
0xe8: {  	[sflag:s5] =	ssyncset.done $0x0  }
0xe9: {  	s17 =	simm.s32 $0x100;
	[sflag:s5] =	ssyncadd.s32 $0xFFFFC000  }
0xea: {  	[tilespmem:s8], [sflag:$0x1] =	stream.indirect.gather [hbm4b:s1+s9], $0x80, s17, s9, $0xb8;
	[tilespmem:$0x1ED00] =	vst v63  }
0xeb: {  	_ =	swait.ge [sflag:s22], $0x4000  }
0xec: {  	[sflag:s22] =	ssyncset.done $0x0  }
0xed: {  	s23 =	simm.s32 $0x1480;
	[sflag:s22] =	ssyncadd.s32 $0xFFFFC000  }
0xee: {  	[spmem:s3] =	stream.indirect.scatter.add.f32 [tilespmem:s14], [sflag:$0x5], $0x80, s23, s9, $0xb8;
	[tilespmem:$0x1ED00] =	vst v63  }
0xef: {  	_ =	swait.ge [sflag:s5], $0x4000  }
0xf0: {  	s30 =	simm.s32 $0x800;
	s17 =	simm.s32 $0x100;
	[sflag:s5] =	ssyncset.done $0x0  }
.LBB2_6:
0xf1: {  	s0 =	sadd.s32 $0x80, s17  }
0xf2: {  	[sflag:s5] =	ssyncadd.s32 $0xFFFFC000;
	s2 =	smov.u32 s30;
	s23 =	sadd.s32 $0x400, s30  }
0xf3: {  	[tilespmem:s14], [sflag:$0x2] =	stream.indirect.gather [hbm4b:s1+s9], $0x80, s0, s9, $0xb8;
	[tilespmem:$0x1ED00] =	vst v63  }
0xf4: {  	p0 =	sne.s32 s30, $0x4800;
	_ =	swait.ge [sflag:s21], $0x4000  }
0xf5: {  	[sflag:s21] =	ssyncset.done $0x0  }
0xf6: {  	s0 =	sadd.s32 $0x1400, s17;
	[sflag:s21] =	ssyncadd.s32 $0xFFFFC000  }
0xf7: {  	[spmem:s3] =	stream.indirect.scatter.add.f32 [tilespmem:s8], [sflag:$0x5], $0x80, s0, s9, $0xb8;
	[tilespmem:$0x1ED00] =	vst v63  }
0xf8: {  	_ =	swait.ge [sflag:s5], $0x4000  }
0xf9: {  	[sflag:s5] =	ssyncset.done $0x0  }
0xfa: {  	s0 =	sadd.s32 $0x100, s17;
	[sflag:s5] =	ssyncadd.s32 $0xFFFFC000  }
0xfb: {  	[tilespmem:s8], [sflag:$0x1] =	stream.indirect.gather [hbm4b:s1+s9], $0x80, s0, s9, $0xb8;
	[tilespmem:$0x1ED00] =	vst v63  }
0xfc: {  	_ =	swait.ge [sflag:s22], $0x4000  }
.Ltmp2:
0xfd: {  	[sflag:s22] =	ssyncset.done $0x0;
	(pc) =	sbr.rel @p0 .LBB2_6-.Ltmp2, $4  }
0xfe: {  	s0 =	sadd.s32 $0x1480, s17;
	[sflag:s22] =	ssyncadd.s32 $0xFFFFC000  }
0xff: {  	[spmem:s3] =	stream.indirect.scatter.add.f32 [tilespmem:s14], [sflag:$0x5], $0x80, s0, s9, $0xb8;
	[tilespmem:$0x1ED00] =	vst v63  }
0x100: {  	_ =	swait.ge [sflag:s5], $0x4000  }
0x101: {  	s30 =	smov.u32 s23;
	s17 =	sshra.s32 s2, $0x2;
	[sflag:s5] =	ssyncset.done $0x0  }
0x102: {  	s0 =	sadd.s32 $0x80, s17;
	[sflag:s5] =	ssyncadd.s32 $0xFFFFC000  }
0x103: {  	[tilespmem:s14], [sflag:$0x2] =	stream.indirect.gather [hbm4b:s1+s9], $0x80, s0, s9, $0xb8;
	[tilespmem:$0x1ED00] =	vst v63  }
0x104: {  	_ =	swait.ge [sflag:s21], $0x4000  }
0x105: {  	[sflag:s21] =	ssyncset.done $0x0  }
0x106: {  	s23 =	sadd.s32 $0x1400, s17;
	[sflag:s21] =	ssyncadd.s32 $0xFFFFC000  }
0x107: {  	[spmem:s3] =	stream.indirect.scatter.add.f32 [tilespmem:s8], [sflag:$0x5], $0x80, s23, s9, $0xb8;
	[tilespmem:$0x1ED00] =	vst v63  }
0x108: {  	_ =	swait.ge [sflag:s5], $0x4000  }
0x109: {  	[sflag:s5] =	ssyncset.done $0x0  }
0x10a: {  	s30 =	sadd.s32 $0x100, s17;
	[sflag:s5] =	ssyncadd.s32 $0xFFFFC000  }
0x10b: {  	[tilespmem:s8], [sflag:$0x1] =	stream.indirect.gather [hbm4b:s1+s9], $0x80, s30, s9, $0xb8;
	[tilespmem:$0x1ED00] =	vst v63  }
0x10c: {  	_ =	swait.ge [sflag:s22], $0x4000  }
0x10d: {  	[sflag:s22] =	ssyncset.done $0x0  }
0x10e: {  	s2 =	sadd.s32 $0x1480, s17;
	[sflag:s22] =	ssyncadd.s32 $0xFFFFC000  }
0x10f: {  	[spmem:s3] =	stream.indirect.scatter.add.f32 [tilespmem:s14], [sflag:$0x5], $0x80, s2, s9, $0xb8;
	[tilespmem:$0x1ED00] =	vst v63  }
0x110: {  	_ =	swait.ge [sflag:s5], $0x4000  }
0x111: {  	[sflag:s5] =	ssyncset.done $0x0  }
0x112: {  	[sflag:s5] =	ssyncadd.s32 $0xFFFFC000  }
0x113: {  	_ =	swait.ge [sflag:s21], $0x4000  }
0x114: {  	[sflag:s21] =	ssyncset.done $0x0  }
0x115: {  	[sflag:s21] =	ssyncadd.s32 $0xFFFFC000  }
0x116: {  	[spmem:s3] =	stream.indirect.scatter.add.f32 [tilespmem:s8], [sflag:$0x5], $0x80, s31, s9, $0xb8;
	[tilespmem:$0x1ED00] =	vst v63  }
0x117: {  	_ =	swait.ge [sflag:s5], $0x4000  }
0x118: {  	[sflag:s5] =	ssyncset.done $0x0  }
0x119: {  	[sflag:s5] =	ssyncadd.s32 $0xFFFFC000  }
0x11a: {  	[tilespmem:s24], [sflag:$0x5] =	stream.indirect.gather [hbm4b:s1+s11], $0x80, s20, s11, $0xb8;
	[tilespmem:$0x1ED00] =	vst v63  }
0x11b: {  	_ =	swait.ge [sflag:s5], $0x400  }
0x11c: {  	[sflag:s5] =	ssyncset.done $0x0  }
0x11d: {  	[sflag:s5] =	ssyncadd.s32 $0xFFFFFC00  }
0x11e: {  	[spmem:s3] =	stream.indirect.scatter.add.f32 [tilespmem:s24], [sflag:$0x5], $0x80, s7, s11, $0xb8;
	[tilespmem:$0x1ED00] =	vst v63  }
0x11f: {  	_ =	swait.ge [sflag:s5], $0x400  }
0x120: {  	[sflag:s5] =	ssyncset.done $0x0  }
0x121: {  	[sflag:s5] =	ssyncadd.s32 $0xFFFFFC00  }
0x122: {  	[bflag:$0x0] =	sbarrier.arrive $0xFFFF  }
0x123: {  	s17 =	rddreg [dreg:$0x18]  }
0x124: {  	[hbm:s17], [sflag:s28] =	dma.local [spmem:s26], $0xA00  }
0x125: {  	_ =	swait.ge [sflag:s18], $0xA00  }
0x126: {  	[sflag:s18] =	ssyncset.done $0x0  }
0x127: {  	s23 =	rddreg [dreg:$0x19];
	[sflag:s18] =	ssyncadd.s32 $0xFFFFF600  }
0x128: {  	[hbm:s23], [sflag:s28] =	dma.local [spmem:s15], $0xA00  }
0x129: {  	_ =	swait.ge [sflag:s18], $0xA00  }
0x12a: {  	[sflag:s18] =	ssyncset.done $0x0  }
0x12b: {  	s26 =	rddreg [dreg:$0x1a];
	[sflag:s18] =	ssyncadd.s32 $0xFFFFF600  }
0x12c: {  	[hbm:s26], [sflag:s28] =	dma.local [spmem:s29], $0xA00  }
0x12d: {  	_ =	swait.ge [sflag:s18], $0xA00  }
0x12e: {  	[sflag:s18] =	ssyncset.done $0x0  }
0x12f: {  	s30 =	rddreg [dreg:$0x1b];
	[sflag:s18] =	ssyncadd.s32 $0xFFFFF600  }
0x130: {  	[hbm:s30], [sflag:s28] =	dma.local [spmem:s16], $0xA00  }
0x131: {  	_ =	swait.ge [sflag:s18], $0xA00  }
0x132: {  	s25 =	sadd.s32 $0x1, s25;
	s31 =	rddreg [dreg:$0x17]  }
0x133: {  	p0 =	sne.s32 s25, s31  }
.Ltmp3:
0x134: {  	_ = 	snop;
	(pc) =	sbr.rel @p0 .LBB2_1-.Ltmp3, $3  }
0x135: {  	_ =	sdelay $0x1  }
0x136: {  	[sflag:s18] =	ssyncset.done $0x0  }
0x137: {  	[sflag:s18] =	ssyncadd.s32 $0xFFFFF600  }
0x138: {  	_ =	sfence.sel $0x180000  }
0x139: {  	[bflag:$0x0] =	sbarrier.arrive $0xFFFF  }
0x13a: {  	_ =	strace $0x90000047  }
0x13b: {  	s0 =	stileid.u32;
	[bflag:$0x2] =	sbarrier.arrive $0xFFFF  }
0x13c: {  	p0 =	sne.s32 s0, $0x0;
	s0 =	rddreg [dreg:$0x3]  }
0x13d: {  	s0 =	sadd.s32 @!p0 $0x100000, s0  }
0x13e: {  	[sflag:s0] =	ssyncadd.tile.s32 @!p0 $0x1;
	_ =	shalt  }
.Lfunc_end2:
_tile_overlayer_lowered:
.L_overlay_start_2:
0x13f: {  	(tag) =	ssettag $0x2  }
0x140: {  	s0 =	rddreg [dreg:$0x0];
	s2 =	stileid.u32  }
0x141: {  	s1 =	rddreg [dreg:$0x1];
	p0 =	sne.s32 s2, $0x0  }
0x142: {  	s3 =	rddreg [dreg:$0x2];
	[bflag:$0x3] =	sbarrier.arrive $0xFFFF;
	s2 =	simm.s32 @!p0 $0x1C05  }
0x143: {  	[timem:s3], [sflag:s2] =	dma.local @!p0 [hbm:s0], s1  }
0x144: {  	s0 =	simm.s32 @!p0 $0x5  }
0x145: {  	_ =	swait.ge @!p0 [sflag:s0], s1  }
0x146: {  	s1 =	ssub.s32 @!p0 $0x0, s1;
	[sflag:s0] =	ssyncset.done @!p0 $0x0  }
0x147: {  	[sflag:s0] =	ssyncadd.s32 @!p0 s1  }
0x148: {  	[bflag:$0x3] =	sbarrier.arrive $0xFFFF  }
0x149: {  	_ =	shalt  }

// kernel: kernel.9.cloned.1.call-start
scs
__scs_entry_jumppad:
0x0: {  	(pc) =	sbr.rel $0x88, $3  }
0x1: {  	(tag) =	ssettag $0x0;
	lr =	simm.s32 $0x1  }
0x2: {  	[smem:$0x3F97] =	sst lr;
	_ =	strace $0xD0000000  }
0x3: {  	_ = 	snop  }
0x4: {  	_ = 	snop  }
0x5: {  	_ = 	snop  }
0x6: {  	_ = 	snop  }
0x7: {  	_ = 	snop  }
__scs_overlays_trampoline_lowered:
0x8: {  	[smem:$0x3FA6] =	sst s0  }
0x9: {  	[smem:$0x3FA7] =	sst s1  }
0xa: {  	[smem:$0x3FA8] =	sst s2  }
0xb: {  	[smem:$0x3FA9] =	sst s3  }
0xc: {  	[smem:$0x3FAA] =	sst s4  }
0xd: {  	[smem:$0x3FAB] =	sst s5  }
0xe: {  	[smem:$0x3FAC] =	sst s6  }
0xf: {  	[smem:$0x3FAD] =	sst s7  }
0x10: {  	[smem:$0x3FAE] =	sst s8  }
0x11: {  	[smem:$0x3FAF] =	sst s9;
	s0 =	simm.s32 @!p0 $0x0  }
0x12: {  	s1 =	sld [smem:$0x3F95];
	s0 =	simm.s32 @p0 $0x1  }
0x13: {  	[smem:$0x3FB0] =	sst s0;
	s0 =	simm.s32 @!p1 $0x0  }
0x14: {  	s2 =	sld [smem:$0x3F94];
	s0 =	simm.s32 @p1 $0x1  }
0x15: {  	[smem:$0x3FB1] =	sst s0;
	s0 =	simm.s32 @!p2 $0x0  }
0x16: {  	s3 =	sld [smem:$0x3FDB];
	s0 =	simm.s32 @p2 $0x1  }
0x17: {  	s4 =	simm.s32 $0x1BF5;
	[smem:$0x3FB3] =	sst s0  }
0x18: {  	s0 =	sld [smem:$0x3F96];
	_ =	swait.ge [sflag:s4], $0x0  }
0x19: {  	s7 =	sld [smem:$0x3F97]  }
0x1a: {  	s8 =	sadd.s32 $0xFFFFE003, lr  }
0x1b: {  	s9 =	sadd.s32 $0xFFFFFEF7, lr;
	s5 =	simm.s32 $0xFFFFFFFF;
	p2 =	slt.u32 s8, $0xFFFFF086  }
0x1c: {  	p1 =	slt.u32 s9, $0xF7A;
	s5 =	simm.s32 @!p2 $0x0  }
0x1d: {  	s5 =	simm.s32 @p1 $0x1;
	p0 =	seq.s32 s7, s2  }
0x1e: {  	s7 =	smul.u32 @!p0 $0xF7A, s2;
	p2 =	seq.s32 @!p0 s5, $0x0  }
0x1f: {  	s9 =	smul.u32 $0xF7A, s1;
	s8 =	simm.s32 @!p0 $0x1BF5;
	p2 =	por !p2, p0  }
0x20: {  	[sflag:s8] =	ssyncset.s32 @!p0 $0xFFFFF086;
	s6 =	sadd.s32 @!p0 s3, s7;
	s7 =	simm.s32 @!p0 $0x108  }
0x21: {  	s3 =	sadd.s32 s3, s9;
	s6 =	sadd.s32 @!p0 $0x88, s6;
	s7 =	simm.s32 @p2 $0x1082  }
0x22: {  	[simem:s7], [sflag:s8] =	dma.local @!p0 [hbm:s6], $0xF7A  }
0x23: {  	s9 =	sor.u32 $0xD0000000, s2;
	s6 =	simm.s32 $0x108;
	_ =	swait.ge @!p0 [sflag:s8], $0x0  }
0x24: {  	s3 =	sadd.s32 $0x88, s3;
	s6 =	simm.s32 @!p1 $0x1082;
	[sflag:s4] =	ssyncset.s32 $0xFFFFF086  }
0x25: {  	[simem:s6], [sflag:s4] =	dma.local [hbm:s3], $0xF7A  }
0x26: {  	[smem:$0x3F97] =	sst s1;
	(tag) =	ssettag s2;
	_ =	strace s9  }
0x27: {  	s1 =	sld [smem:$0x3FA7]  }
0x28: {  	s2 =	sld [smem:$0x3FA8]  }
0x29: {  	s4 =	sld [smem:$0x3FAA]  }
0x2a: {  	p0 =	seq.s32 s5, $0x0;
	s5 =	sld [smem:$0x3FAB]  }
0x2b: {  	s6 =	sld [smem:$0x3FAC]  }
0x2c: {  	s7 =	sld [smem:$0x3FAD]  }
0x2d: {  	s3 =	simm.s32 $0x108;
	s8 =	sld [smem:$0x3FAE]  }
0x2e: {  	s3 =	simm.s32 @!p0 $0x1082;
	s9 =	sld [smem:$0x3FAF]  }
0x2f: {  	lr =	sadd.s32 s0, s3;
	s0 =	sld [smem:$0x3FA6]  }
0x30: {  	s3 =	sld [smem:$0x3FA9]  }
0x31: {  	[smem:$0x3FB2] =	sst s10  }
0x32: {  	s10 =	sld [smem:$0x3FB0];
	_ =	sdelay $0x3  }
0x33: {  	p0 =	seq.s32 s10, $0x1;
	s10 =	sld [smem:$0x3FB2];
	_ =	sdelay $0x3  }
0x34: {  	[smem:$0x3FB2] =	sst s10  }
0x35: {  	s10 =	sld [smem:$0x3FB1];
	_ =	sdelay $0x3  }
0x36: {  	p1 =	seq.s32 s10, $0x1;
	s10 =	sld [smem:$0x3FB2];
	_ =	sdelay $0x3  }
0x37: {  	[smem:$0x3FB2] =	sst s10  }
0x38: {  	s10 =	sld [smem:$0x3FB3]  }
0x39: {  	_ = 	snop;
	(pc) =	sbr.ind lr, $3  }
0x3a: {  	_ = 	snop  }
0x3b: {  	_ = 	snop  }
0x3c: {  	p2 =	seq.s32 s10, $0x1;
	s10 =	sld [smem:$0x3FB2]  }
0x3d: {  	_ =	shalt  }
0x3e: {  	_ =	shalt  }
0x3f: {  	_ =	shalt  }
0x40: {  	_ =	shalt  }
0x41: {  	_ =	shalt  }
0x42: {  	_ =	shalt  }
0x43: {  	_ =	shalt  }
0x44: {  	_ =	shalt  }
0x45: {  	_ =	shalt  }
0x46: {  	_ =	shalt  }
0x47: {  	_ =	shalt  }
0x48: {  	_ =	shalt  }
0x49: {  	_ =	shalt  }
0x4a: {  	_ =	shalt  }
0x4b: {  	_ =	shalt  }
0x4c: {  	_ =	shalt  }
0x4d: {  	_ =	shalt  }
0x4e: {  	_ =	shalt  }
0x4f: {  	_ =	shalt  }
0x50: {  	_ =	shalt  }
0x51: {  	_ =	shalt  }
0x52: {  	_ =	shalt  }
0x53: {  	_ =	shalt  }
0x54: {  	_ =	shalt  }
0x55: {  	_ =	shalt  }
0x56: {  	_ =	shalt  }
0x57: {  	_ =	shalt  }
0x58: {  	_ =	shalt  }
0x59: {  	_ =	shalt  }
0x5a: {  	_ =	shalt  }
0x5b: {  	_ =	shalt  }
0x5c: {  	_ =	shalt  }
0x5d: {  	_ =	shalt  }
0x5e: {  	_ =	shalt  }
0x5f: {  	_ =	shalt  }
0x60: {  	_ =	shalt  }
0x61: {  	_ =	shalt  }
0x62: {  	_ =	shalt  }
0x63: {  	_ =	shalt  }
0x64: {  	_ =	shalt  }
0x65: {  	_ =	shalt  }
0x66: {  	_ =	shalt  }
0x67: {  	_ =	shalt  }
0x68: {  	_ =	shalt  }
0x69: {  	_ =	shalt  }
0x6a: {  	_ =	shalt  }
0x6b: {  	_ =	shalt  }
0x6c: {  	_ =	shalt  }
0x6d: {  	_ =	shalt  }
0x6e: {  	_ =	shalt  }
0x6f: {  	_ =	shalt  }
0x70: {  	_ =	shalt  }
0x71: {  	_ =	shalt  }
0x72: {  	_ =	shalt  }
0x73: {  	_ =	shalt  }
0x74: {  	_ =	shalt  }
0x75: {  	_ =	shalt  }
0x76: {  	_ =	shalt  }
0x77: {  	_ =	shalt  }
0x78: {  	_ =	shalt  }
0x79: {  	_ =	shalt  }
0x7a: {  	_ =	shalt  }
0x7b: {  	_ =	shalt  }
0x7c: {  	_ =	shalt  }
0x7d: {  	_ =	shalt  }
0x7e: {  	_ =	shalt  }
0x7f: {  	_ =	shalt  }
0x80: {  	_ =	shalt  }
0x81: {  	_ =	shalt  }
0x82: {  	_ =	shalt  }
0x83: {  	_ =	shalt  }
0x84: {  	_ =	shalt  }
0x85: {  	_ =	shalt  }
0x86: {  	_ =	shalt  }
0x87: {  	_ =	shalt  }
.Lfunc_end0:
.L_simem_size_0:
called_computation.1_lowered:
.L_overlay_start_0:
0x88: {  	s2 =	sld [smem:$0x3FD9]  }
0x89: {  	s3 =	sld [smem:$0x3FFE];
	_ =	sdelay $0x1  }
0x8a: {  	s1 =	srdreg.scid  }
0x8b: {  	s0 =	sand.u32 $0x1, s1  }
0x8c: {  	s16 =	sshll.u32 s0, $0xA;
	s2 =	sadd.s32 s3, s2  }
0x8d: {  	s2 =	sadd.s32 s2, s16  }
0x8e: {  	[smem:$0x3FBE] =	sst s2  }
0x8f: {  	_ = 	snop  }
0x90: {  	(tm) =	ssettm $0x1  }
0x91: {  	s17 =	sld [smem:$0x3FFB];
	_ =	sdelay $0x3  }
0x92: {  	_ =	strace s17  }
0x93: {  	s2 =	sld [smem:$0x3FFC];
	_ =	sdelay $0x3  }
0x94: {  	_ =	strace s2  }
0x95: {  	s2 =	sld [smem:$0x3FFD];
	_ =	sdelay $0x3  }
0x96: {  	_ =	strace s2  }
0x97: {  	_ =	strace $0x8FFFFFFF  }
0x98: {  	s18 =	sld [smem:$0x3FDB];
	_ =	sdelay $0x1  }
0x99: {  	s19 =	simm.s32 $_scs_section_size  }
0x9a: {  	s4 =	simm.s32 $_size__tile_overlayer_lowered;
	s5 =	simm.s32 $_tile_overlayer_lowered  }
0x9b: {  	s22 =	simm.s32 $0x1BFF;
	s21 =	sshll.u32 s5, $0x1;
	s2 =	sadd.s32 s19, s18  }
0x9c: {  	s6 =	simm.s32 $0x0;
	s20 =	sshll.u32 s4, $0x1;
	s4 =	sadd.s32 s21, s2  }
0x9d: {  	[timem:s6], [sflag:s22] =	dma.local [hbm:s4], s20  }
0x9e: {  	_ =	swait.ge [sflag:s22], s20  }
0x9f: {  	s3 =	ssub.s32 $0x0, s20;
	[sflag:s22] =	ssyncset.done $0x0  }
0xa0: {  	[sflag:s22] =	ssyncadd.s32 s3;
	_ =	sdelay $0x1  }
0xa1: {  	s23 =	simm.s32 $0x1B8B  }
0xa2: {  	_ =	swait.ge [sflag:s23], $0x1  }
0xa3: {  	[sflag:s23] =	ssyncset.done $0x0  }
0xa4: {  	s25 =	simm.s32 $0x1B8E;
	s24 =	sld [smem:$0x3FFE];
	[sflag:s23] =	ssyncadd.s32 $0xFFFFFFFF  }
0xa5: {  	s26 =	simm.s32 $execute0_lowered;
	[smem:$0x3FD2] =	sst s25  }
0xa6: {  	s4 =	sshll.u32 s26, $0x1;
	_ =	strace $0x80000049;
	[dreg:$0x1] =	wrdreg $0xFFFFFFFF  }
0xa7: {  	s28 =	simm.s32 $_size_execute0_lowered;
	s2 =	sadd.s32 s2, s4;
	[dreg:$0x0] =	wrdreg $0x0  }
0xa8: {  	s4 =	sshll.u32 s28, $0x1;
	[dreg:$0x2] =	wrdreg s2  }
0xa9: {  	[dreg:$0x3] =	wrdreg s4  }
0xaa: {  	[dreg:$0x4] =	wrdreg $0xC0  }
0xab: {  	_ =	task [dreg:s6], $0x5FFFF  }
0xac: {  	[dreg:$0x1] =	wrdreg $0xFFFFFFFF  }
0xad: {  	[dreg:$0x0] =	wrdreg $0x60  }
0xae: {  	[dreg:$0x2] =	wrdreg s24  }
0xaf: {  	[dreg:$0x3] =	wrdreg $0xAD000  }
0xb0: {  	[dreg:$0x4] =	wrdreg $0x9  }
0xb1: {  	_ =	task.clear_ibuf [dreg:s6], $0x5FFFF;
	_ =	strace $0x90000049  }
0xb2: {  	s29 =	simm.s32 $0x9;
	_ =	strace $0x8000004B  }
0xb3: {  	_ =	swait.ge [sflag:s29], $0x1  }
0xb4: {  	[sflag:s29] =	ssyncadd.s32 $0xFFFFFFFF  }
0xb5: {  	_ =	strace $0x9000004B  }
0xb6: {  	_ =	sfence  }
0xb7: {  	s30 =	sld [smem:$0x0];
	_ =	sdelay $0x2  }
0xb8: {  	s31 =	sshll.u32 s1, $0xD;
	s1 =	sshrl.u32 s1, $0x2  }
0xb9: {  	s3 =	sand.u32 $0x4000, s31;
	s1 =	sadd.s32 s1, s30  }
0xba: {  	s0 =	sor.u32 s3, s0;
	s1 =	sshll.u32 s1, $0x11  }
0xbb: {  	s0 =	sor.u32 s1, s0  }
0xbc: {  	s0 =	sadd.s32 $0x8F2B, s0  }
0xbd: {  	[sflag:s0] =	ssyncadd.remote.s32 $0x1  }
0xbe: {  	_ =	sfence.sel $0xFFFF  }
0xbf: {  	[dreg:$0x0] =	wrdreg $0xFFFFFFFF;
	(pc) =	sbr.abs _section_cstart, $3  }
0xc0: {  	[dreg:$0x1] =	wrdreg $0xFFFFFFFF  }
0xc1: {  	_ =	task.clear_ibuf [dreg:s6], $0x2FFFF;
	_ =	strace $0x9FFFFFFF  }
0xc2: {  	(tm) =	ssettm $0x7FFFFFFF  }
0xc3: {  	_ =	shalt  }
tec
execute0_lowered:
.L_overlay_start_1:
0x0: {  	(tag) =	ssettag $0x1  }
0x1: {  	s0 =	srdreg.scid;
	s1 =	rddreg [dreg:$0x0]  }
0x2: {  	s12 =	stileid.u32;
	s2 =	rddreg [dreg:$0x1];
	s17 =	simm.s32 $0x0  }
0x3: {  	s0 =	sand.u32 $0x1, s0;
	s3 =	sshll.u32 s12, $0x1;
	s7 =	smul.u32 $0x280, s12  }
0x4: {  	[smem:$0x7FF] =	sst s17;
	s4 =	sadd.s32 $0x13DE00, s1;
	s9 =	smul.u32 $0x50000, s12  }
0x5: {  	s10 =	sadd.s32 $0x11600, s1;
	s12 =	smul.u32 $0x14000, s12;
	s5 =	sor.u32 s0, s3  }
0x6: {  	_ =	strace $0x8000004A;
	s8 =	ssub.s32 $0x2, s0;
	s0 =	smul.u32 $0x500000, s0  }
0x7: {  	s6 =	smul.u32 $0x1400, s5;
	s5 =	sshll.u32 s5, $0x4;
	s11 =	sshrl.u32 s8, $0x1  }
0x8: {  	s9 =	sshrl.u32 s9, $0x2;
	s21 =	sshrl.u32 s12, $0x3;
	s24 =	sadd.s32 $0xA0, s7  }
0x9: {  	s15 =	sadd.s32 $0x140, s7;
	s7 =	sadd.s32 $0x1E0, s7;
	s5 =	sadd.s32 s5, s1  }
0xa: {  	s8 =	ssub.s32 s8, s11;
	s12 =	sadd.s32 s12, s0;
	s9 =	sadd.s32 s9, s2  }
0xb: {  	s25 =	sshll.u32 s24, $0x7;
	s16 =	sshll.u32 s15, $0x7;
	s17 =	sshll.u32 s7, $0x7  }
0xc: {  	s6 =	sshrl.u32 s6, $0x3;
	s19 =	sadd.s32 $0x1800, s5;
	[dreg:$0x6] =	wrdreg s9  }
0xd: {  	s9 =	sadd.s32 s10, s21;
	s22 =	sshrl.u32 s12, $0x3;
	s23 =	sadd.s32 $0x129600, s5  }
0xe: {  	s13 =	sadd.s32 s0, s25;
	s14 =	sadd.s32 s0, s16;
	s0 =	sadd.s32 s0, s17  }
0xf: {  	s12 =	sadd.s32 s25, s2;
	s25 =	sadd.s32 s17, s2;
	[dreg:$0x4] =	wrdreg s19  }
0x10: {  	s6 =	sadd.s32 s6, s1;
	s1 =	sadd.s32 $0x1DA200, s1;
	[dreg:$0x7] =	wrdreg s23  }
0x11: {  	s13 =	sshrl.u32 s13, $0x3;
	s26 =	sshrl.u32 s14, $0x3;
	[dreg:$0xd] =	wrdreg s12  }
0x12: {  	s0 =	sshrl.u32 s0, $0x3;
	[dreg:$0x10] =	wrdreg s25;
	s18 =	sadd.s32 $0x1E00, s6  }
0x13: {  	s19 =	sshll.u32 s24, $0x4;
	s20 =	sadd.s32 $0x129E00, s6;
	[dreg:$0x3] =	wrdreg s18  }
0x14: {  	s21 =	sadd.s32 s1, s22;
	s3 =	sadd.s32 $0x12EE00, s6;
	[dreg:$0x5] =	wrdreg s20  }
0x15: {  	s22 =	sadd.s32 s1, s13;
	s24 =	sadd.s32 $0x133E00, s6;
	[dreg:$0xc] =	wrdreg s3  }
0x16: {  	s13 =	sadd.s32 s1, s26;
	s26 =	sadd.s32 $0x138E00, s6;
	[dreg:$0xf] =	wrdreg s24  }
0x17: {  	s14 =	sadd.s32 s1, s0;
	s1 =	sadd.s32 $0x129800, s5;
	[dreg:$0x11] =	wrdreg s26  }
0x18: {  	s6 =	smax.u32 s8, $0x1;
	[dreg:$0x12] =	wrdreg s1  }
0x19: {  	[dreg:$0x15] =	wrdreg s6  }
0x1a: {  	[dreg:$0x8] =	wrdreg s21  }
0x1b: {  	[dreg:$0x9] =	wrdreg s22  }
0x1c: {  	[dreg:$0xa] =	wrdreg s13  }
0x1d: {  	s18 =	sadd.s32 s16, s2;
	[dreg:$0xb] =	wrdreg s14  }
0x1e: {  	s28 =	simm.s32 $0x2;
	s3 =	sadd.s32 $0x129A00, s5;
	[dreg:$0xe] =	wrdreg s18  }
0x1f: {  	s29 =	simm.s32 $0x2700;
	s5 =	sadd.s32 $0x129C00, s5;
	[dreg:$0x13] =	wrdreg s3  }
0x20: {  	s23 =	sshll.u32 s7, $0x4;
	s7 =	sadd.s32 $0x28000, s21;
	[dreg:$0x14] =	wrdreg s5  }
0x21: {  	s30 =	simm.s32 $0x8;
	s8 =	sadd.s32 $0x28000, s22;
	[dreg:$0x16] =	wrdreg s7  }
0x22: {  	s31 =	simm.s32 $0xA900;
	s11 =	sadd.s32 $0x28000, s14;
	[dreg:$0x17] =	wrdreg s8  }
0x23: {  	s0 =	simm.s32 $0x4;
	s12 =	sadd.s32 $0x50000, s21;
	[dreg:$0x19] =	wrdreg s11  }
0x24: {  	s20 =	sshll.u32 s15, $0x4;
	s15 =	sadd.s32 $0x50000, s22;
	[dreg:$0x1a] =	wrdreg s12  }
0x25: {  	s16 =	sadd.s32 $0x50000, s13;
	s17 =	sadd.s32 $0x50000, s14;
	[dreg:$0x1b] =	wrdreg s15  }
0x26: {  	s24 =	sadd.s32 $0x78000, s22;
	s25 =	sadd.s32 $0x78000, s13;
	[dreg:$0x1c] =	wrdreg s16  }
0x27: {  	s26 =	sadd.s32 $0x78000, s14;
	s22 =	simm.s32 $0x80;
	[dreg:$0x1d] =	wrdreg s17  }
0x28: {  	s1 =	simm.s32 $0x3;
	s18 =	sadd.s32 s10, s19;
	[dreg:$0x1f] =	wrdreg s24  }
0x29: {  	s19 =	sadd.s32 s10, s20;
	s20 =	sadd.s32 s10, s23;
	[smem:$0x7FC] =	sst s25  }
0x2a: {  	s10 =	sadd.s32 $0x28000, s13;
	s23 =	sadd.s32 $0x78000, s21;
	[smem:$0x7FD] =	sst s26  }
0x2b: {  	s17 =	simm.s32 $0x5;
	s21 =	simm.s32 $0x2880;
	s24 =	simm.s32 $0x2800  }
0x2c: {  	s25 =	simm.s32 $0x6900;
	s26 =	simm.s32 $0x1;
	[dreg:$0x18] =	wrdreg s10  }
0x2d: {  	s5 =	simm.s32 $0x0;
	[dreg:$0x1e] =	wrdreg s23;
	s23 =	simm.s32 $0x2900  }
.LBB2_1:
0x2e: {  	s6 =	rddreg [dreg:$0x3];
	s7 =	simm.s32 $0x1400;
	s3 =	simm.s32 $0x0  }
0x2f: {  	[tilespmem:s7], [sflag:$0x5] =	stream.linear.gather [hbm4b:s6+s3], $0x1380, $0x38;
	[tilespmem:$0x1ED00] =	vst v63  }
0x30: {  	_ =	swait.ge [sflag:s17], $0x1380  }
0x31: {  	[sflag:s17] =	ssyncset.done $0x0  }
0x32: {  	s15 =	rddreg [dreg:$0x4];
	[sflag:s17] =	ssyncadd.s32 $0xFFFFEC80  }
0x33: {  	[tilespmem:s21], [sflag:$0x5] =	stream.linear.gather [hbm4b:s15+s3], $0x80, $0x38;
	[tilespmem:$0x1ED00] =	vst v63  }
0x34: {  	_ =	swait.ge [sflag:s17], $0x80  }
0x35: {  	[sflag:s17] =	ssyncset.done $0x0  }
0x36: {  	s16 =	rddreg [dreg:$0x5];
	[sflag:s17] =	ssyncadd.s32 $0xFFFFFF80  }
0x37: {  	[tilespmem:s3], [sflag:$0x5] =	stream.linear.gather [hbm4b:s16+s3], $0x1380, $0x38;
	[tilespmem:$0x1ED00] =	vst v63  }
0x38: {  	s7 =	stileid.u32;
	_ =	swait.ge [sflag:s17], $0x1380  }
0x39: {  	s10 =	sshll.u32 s7, $0x6;
	[sflag:s17] =	ssyncset.done $0x0;
	s11 =	rddreg [dreg:$0x6]  }
0x3a: {  	s8 =	sor.u32 $0x1C05, s10;
	[sflag:s17] =	ssyncadd.s32 $0xFFFFEC80;
	s6 =	sshrl.u32 s11, $0x3  }
0x3b: {  	[tilespmem:s23], [sflag:$0x1] =	stream.indirect.gather [hbm4b:s4+s22], $0x80, s3, s22, $0xb8;
	[tilespmem:$0x1ED00] =	vst v63  }
0x3c: {  	[spmem:s6], [sflag:s8] =	dma.local [hbm:s9], $0x2800  }
0x3d: {  	_ =	swait.ge [sflag:s17], $0x2800  }
0x3e: {  	[sflag:s17] =	ssyncset.done $0x0  }
0x3f: {  	s12 =	rddreg [dreg:$0x7];
	[sflag:s17] =	ssyncadd.s32 $0xFFFFD800  }
0x40: {  	[tilespmem:s24], [sflag:$0x5] =	stream.linear.gather [hbm4b:s12+s3], $0x80, $0x38;
	[tilespmem:$0x1ED00] =	vst v63  }
0x41: {  	_ =	swait.ge [sflag:s17], $0x80  }
0x42: {  	[sflag:s17] =	ssyncset.done $0x0  }
0x43: {  	[sflag:s17] =	ssyncadd.s32 $0xFFFFFF80  }
0x44: {  	s13 =	simm.s32 $0x80;
	[bflag:$0x0] =	sbarrier.arrive $0xFFFF  }
0x45: {  	[tilespmem:s25], [sflag:$0x2] =	stream.indirect.gather [hbm4b:s4+s22], $0x80, s13, s22, $0xb8;
	[tilespmem:$0x1ED00] =	vst v63  }
0x46: {  	_ =	swait.ge [sflag:s26], $0x4000  }
0x47: {  	[sflag:s26] =	ssyncset.done $0x0  }
0x48: {  	s14 =	simm.s32 $0x1400;
	[sflag:s26] =	ssyncadd.s32 $0xFFFFC000  }
0x49: {  	[spmem:s2] =	stream.indirect.scatter.add.f32 [tilespmem:s23], [sflag:$0x5], $0x80, s14, s22, $0xb8;
	[tilespmem:$0x1ED00] =	vst v63  }
0x4a: {  	_ =	swait.ge [sflag:s17], $0x4000  }
0x4b: {  	[sflag:s17] =	ssyncset.done $0x0  }
0x4c: {  	s15 =	simm.s32 $0x100;
	[sflag:s17] =	ssyncadd.s32 $0xFFFFC000  }
0x4d: {  	[tilespmem:s23], [sflag:$0x1] =	stream.indirect.gather [hbm4b:s4+s22], $0x80, s15, s22, $0xb8;
	[tilespmem:$0x1ED00] =	vst v63  }
0x4e: {  	_ =	swait.ge [sflag:s28], $0x4000  }
0x4f: {  	[sflag:s28] =	ssyncset.done $0x0  }
0x50: {  	s16 =	simm.s32 $0x1480;
	[sflag:s28] =	ssyncadd.s32 $0xFFFFC000  }
0x51: {  	[spmem:s2] =	stream.indirect.scatter.add.f32 [tilespmem:s25], [sflag:$0x5], $0x80, s16, s22, $0xb8;
	[tilespmem:$0x1ED00] =	vst v63  }
0x52: {  	_ =	swait.ge [sflag:s17], $0x4000  }
0x53: {  	s7 =	simm.s32 $0x100;
	s8 =	simm.s32 $0x800;
	[sflag:s17] =	ssyncset.done $0x0  }
.LBB2_2:
0x54: {  	s11 =	sadd.s32 $0x80, s7  }
0x55: {  	[sflag:s17] =	ssyncadd.s32 $0xFFFFC000;
	s12 =	smov.u32 s8;
	s15 =	sadd.s32 $0x400, s8  }
0x56: {  	[tilespmem:s25], [sflag:$0x2] =	stream.indirect.gather [hbm4b:s4+s22], $0x80, s11, s22, $0xb8;
	[tilespmem:$0x1ED00] =	vst v63  }
0x57: {  	p0 =	sne.s32 s8, $0x4800;
	_ =	swait.ge [sflag:s26], $0x4000  }
0x58: {  	[sflag:s26] =	ssyncset.done $0x0  }
0x59: {  	s8 =	sadd.s32 $0x1400, s7;
	[sflag:s26] =	ssyncadd.s32 $0xFFFFC000  }
0x5a: {  	[spmem:s2] =	stream.indirect.scatter.add.f32 [tilespmem:s23], [sflag:$0x5], $0x80, s8, s22, $0xb8;
	[tilespmem:$0x1ED00] =	vst v63  }
0x5b: {  	_ =	swait.ge [sflag:s17], $0x4000  }
0x5c: {  	[sflag:s17] =	ssyncset.done $0x0  }
0x5d: {  	s8 =	sadd.s32 $0x100, s7;
	[sflag:s17] =	ssyncadd.s32 $0xFFFFC000  }
0x5e: {  	[tilespmem:s23], [sflag:$0x1] =	stream.indirect.gather [hbm4b:s4+s22], $0x80, s8, s22, $0xb8;
	[tilespmem:$0x1ED00] =	vst v63  }
0x5f: {  	_ =	swait.ge [sflag:s28], $0x4000  }
.Ltmp0:
0x60: {  	[sflag:s28] =	ssyncset.done $0x0;
	(pc) =	sbr.rel @p0 .LBB2_2-.Ltmp0, $4  }
0x61: {  	s7 =	sadd.s32 $0x1480, s7;
	[sflag:s28] =	ssyncadd.s32 $0xFFFFC000  }
0x62: {  	[spmem:s2] =	stream.indirect.scatter.add.f32 [tilespmem:s25], [sflag:$0x5], $0x80, s7, s22, $0xb8;
	[tilespmem:$0x1ED00] =	vst v63  }
0x63: {  	_ =	swait.ge [sflag:s17], $0x4000  }
0x64: {  	s8 =	smov.u32 s15;
	s7 =	sshra.s32 s12, $0x2;
	[sflag:s17] =	ssyncset.done $0x0  }
0x65: {  	s8 =	sadd.s32 $0x80, s7;
	[sflag:s17] =	ssyncadd.s32 $0xFFFFC000  }
0x66: {  	[tilespmem:s25], [sflag:$0x2] =	stream.indirect.gather [hbm4b:s4+s22], $0x80, s8, s22, $0xb8;
	[tilespmem:$0x1ED00] =	vst v63  }
0x67: {  	_ =	swait.ge [sflag:s26], $0x4000  }
0x68: {  	[sflag:s26] =	ssyncset.done $0x0  }
0x69: {  	s16 =	sadd.s32 $0x1400, s7;
	[sflag:s26] =	ssyncadd.s32 $0xFFFFC000  }
0x6a: {  	[spmem:s2] =	stream.indirect.scatter.add.f32 [tilespmem:s23], [sflag:$0x5], $0x80, s16, s22, $0xb8;
	[tilespmem:$0x1ED00] =	vst v63  }
0x6b: {  	_ =	swait.ge [sflag:s17], $0x4000  }
0x6c: {  	[sflag:s17] =	ssyncset.done $0x0  }
0x6d: {  	s3 =	sadd.s32 $0x100, s7;
	[sflag:s17] =	ssyncadd.s32 $0xFFFFC000  }
0x6e: {  	[tilespmem:s23], [sflag:$0x1] =	stream.indirect.gather [hbm4b:s4+s22], $0x80, s3, s22, $0xb8;
	[tilespmem:$0x1ED00] =	vst v63  }
0x6f: {  	_ =	swait.ge [sflag:s28], $0x4000  }
0x70: {  	[sflag:s28] =	ssyncset.done $0x0  }
0x71: {  	s11 =	sadd.s32 $0x1480, s7;
	[sflag:s28] =	ssyncadd.s32 $0xFFFFC000  }
0x72: {  	[spmem:s2] =	stream.indirect.scatter.add.f32 [tilespmem:s25], [sflag:$0x5], $0x80, s11, s22, $0xb8;
	[tilespmem:$0x1ED00] =	vst v63  }
0x73: {  	_ =	swait.ge [sflag:s17], $0x4000  }
0x74: {  	[sflag:s17] =	ssyncset.done $0x0  }
0x75: {  	[sflag:s17] =	ssyncadd.s32 $0xFFFFC000  }
0x76: {  	_ =	swait.ge [sflag:s26], $0x4000  }
0x77: {  	[sflag:s26] =	ssyncset.done $0x0  }
0x78: {  	[sflag:s26] =	ssyncadd.s32 $0xFFFFC000  }
0x79: {  	[spmem:s2] =	stream.indirect.scatter.add.f32 [tilespmem:s23], [sflag:$0x5], $0x80, s29, s22, $0xb8;
	[tilespmem:$0x1ED00] =	vst v63  }
0x7a: {  	_ =	swait.ge [sflag:s17], $0x4000  }
0x7b: {  	[sflag:s17] =	ssyncset.done $0x0  }
0x7c: {  	s11 =	simm.s32 $0x0;
	s12 =	rddreg [dreg:$0xc];
	[sflag:s17] =	ssyncadd.s32 $0xFFFFC000  }
0x7d: {  	[tilespmem:s11], [sflag:$0x5] =	stream.linear.gather [hbm4b:s12+s11], $0x1380, $0x38;
	[tilespmem:$0x1ED00] =	vst v63  }
0x7e: {  	_ =	swait.ge [sflag:s17], $0x1380  }
0x7f: {  	[sflag:s17] =	ssyncset.done $0x0  }
0x80: {  	[sflag:s17] =	ssyncadd.s32 $0xFFFFEC80  }
0x81: {  	[tilespmem:s23], [sflag:$0x1] =	stream.indirect.gather [hbm4b:s4+s22], $0x80, s11, s22, $0xb8;
	[tilespmem:$0x1ED00] =	vst v63  }
0x82: {  	_ = 	snop  }
0x83: {  	[tilespmem:s31], [sflag:$0x5] =	stream.indirect.gather [hbm4b:s4+s30], $0x80, s24, s30, $0xb8;
	[tilespmem:$0x1ED00] =	vst v63  }
0x84: {  	_ =	swait.ge [sflag:s17], $0x400  }
0x85: {  	[sflag:s17] =	ssyncset.done $0x0  }
0x86: {  	[sflag:s17] =	ssyncadd.s32 $0xFFFFFC00  }
0x87: {  	[spmem:s2] =	stream.indirect.scatter.add.f32 [tilespmem:s31], [sflag:$0x5], $0x80, s21, s30, $0xb8;
	[tilespmem:$0x1ED00] =	vst v63  }
0x88: {  	_ =	swait.ge [sflag:s17], $0x400  }
0x89: {  	[sflag:s17] =	ssyncset.done $0x0  }
0x8a: {  	[sflag:s17] =	ssyncadd.s32 $0xFFFFFC00  }
0x8b: {  	[bflag:$0x0] =	sbarrier.arrive $0xFFFF  }
0x8c: {  	s7 =	sor.u32 $0x1C03, s10;
	s13 =	rddreg [dreg:$0x8]  }
0x8d: {  	[hbm:s13], [sflag:s7] =	dma.local [spmem:s6], $0xA00  }
0x8e: {  	_ =	swait.ge [sflag:s1], $0xA00  }
0x8f: {  	s16 =	sor.u32 $0x1C04, s10;
	[sflag:s1] =	ssyncset.done $0x0;
	s14 =	rddreg [dreg:$0xd]  }
0x90: {  	s12 =	rddreg [dreg:$0x9];
	[sflag:s1] =	ssyncadd.s32 $0xFFFFF600;
	s8 =	sshrl.u32 s14, $0x3  }
0x91: {  	[hbm:s12], [sflag:s7] =	dma.local [spmem:s8], $0xA00  }
0x92: {  	[spmem:s6], [sflag:s16] =	dma.local [hbm:s9], $0xA00  }
0x93: {  	_ =	swait.ge [sflag:s1], $0xA00  }
0x94: {  	[sflag:s1] =	ssyncset.done $0x0;
	s15 =	rddreg [dreg:$0xe]  }
0x95: {  	s29 =	rddreg [dreg:$0xa];
	[sflag:s1] =	ssyncadd.s32 $0xFFFFF600;
	s10 =	sshrl.u32 s15, $0x3  }
0x96: {  	[hbm:s29], [sflag:s7] =	dma.local [spmem:s10], $0xA00  }
0x97: {  	[spmem:s8], [sflag:s16] =	dma.local [hbm:s18], $0xA00  }
0x98: {  	_ =	swait.ge [sflag:s1], $0xA00  }
0x99: {  	[sflag:s1] =	ssyncset.done $0x0;
	s13 =	rddreg [dreg:$0x10]  }
0x9a: {  	s14 =	rddreg [dreg:$0xb];
	[sflag:s1] =	ssyncadd.s32 $0xFFFFF600;
	s15 =	sshrl.u32 s13, $0x3  }
0x9b: {  	[hbm:s14], [sflag:s7] =	dma.local [spmem:s15], $0xA00  }
0x9c: {  	[spmem:s10], [sflag:s16] =	dma.local [hbm:s19], $0xA00  }
0x9d: {  	_ =	swait.ge [sflag:s1], $0xA00  }
0x9e: {  	[sflag:s1] =	ssyncset.done $0x0  }
0x9f: {  	[sflag:s1] =	ssyncadd.s32 $0xFFFFF600  }
0xa0: {  	[spmem:s15], [sflag:s16] =	dma.local [hbm:s20], $0xA00  }
0xa1: {  	_ =	swait.ge [sflag:s0], $0xA00  }
0xa2: {  	[sflag:s0] =	ssyncset.done $0x0  }
0xa3: {  	[sflag:s0] =	ssyncadd.s32 $0xFFFFF600  }
0xa4: {  	_ =	swait.ge [sflag:s0], $0xA00  }
0xa5: {  	[sflag:s0] =	ssyncset.done $0x0  }
0xa6: {  	[sflag:s0] =	ssyncadd.s32 $0xFFFFF600  }
0xa7: {  	_ =	swait.ge [sflag:s0], $0xA00  }
0xa8: {  	[sflag:s0] =	ssyncset.done $0x0  }
0xa9: {  	[sflag:s0] =	ssyncadd.s32 $0xFFFFF600  }
0xaa: {  	_ =	swait.ge [sflag:s0], $0xA00  }
0xab: {  	[sflag:s0] =	ssyncset.done $0x0  }
0xac: {  	s29 =	rddreg [dreg:$0x12];
	[sflag:s0] =	ssyncadd.s32 $0xFFFFF600  }
0xad: {  	[tilespmem:s24], [sflag:$0x5] =	stream.linear.gather [hbm4b:s29+s11], $0x80, $0x38;
	[tilespmem:$0x1ED00] =	vst v63  }
0xae: {  	_ =	swait.ge [sflag:s17], $0x80  }
0xaf: {  	[sflag:s17] =	ssyncset.done $0x0  }
0xb0: {  	[sflag:s17] =	ssyncadd.s32 $0xFFFFFF80  }
0xb1: {  	s12 =	simm.s32 $0x80;
	[bflag:$0x0] =	sbarrier.arrive $0xFFFF  }
0xb2: {  	[tilespmem:s25], [sflag:$0x2] =	stream.indirect.gather [hbm4b:s4+s22], $0x80, s12, s22, $0xb8;
	[tilespmem:$0x1ED00] =	vst v63  }
0xb3: {  	_ =	swait.ge [sflag:s26], $0x4000  }
0xb4: {  	[sflag:s26] =	ssyncset.done $0x0  }
0xb5: {  	s13 =	simm.s32 $0x1400;
	[sflag:s26] =	ssyncadd.s32 $0xFFFFC000  }
0xb6: {  	[spmem:s2] =	stream.indirect.scatter.add.f32 [tilespmem:s23], [sflag:$0x5], $0x80, s13, s22, $0xb8;
	[tilespmem:$0x1ED00] =	vst v63  }
0xb7: {  	_ =	swait.ge [sflag:s17], $0x4000  }
0xb8: {  	[sflag:s17] =	ssyncset.done $0x0  }
0xb9: {  	s14 =	simm.s32 $0x100;
	[sflag:s17] =	ssyncadd.s32 $0xFFFFC000  }
0xba: {  	[tilespmem:s23], [sflag:$0x1] =	stream.indirect.gather [hbm4b:s4+s22], $0x80, s14, s22, $0xb8;
	[tilespmem:$0x1ED00] =	vst v63  }
0xbb: {  	_ =	swait.ge [sflag:s28], $0x4000  }
0xbc: {  	[sflag:s28] =	ssyncset.done $0x0  }
0xbd: {  	s29 =	simm.s32 $0x1480;
	[sflag:s28] =	ssyncadd.s32 $0xFFFFC000  }
0xbe: {  	[spmem:s2] =	stream.indirect.scatter.add.f32 [tilespmem:s25], [sflag:$0x5], $0x80, s29, s22, $0xb8;
	[tilespmem:$0x1ED00] =	vst v63  }
0xbf: {  	s3 =	simm.s32 $0x2700;
	_ =	swait.ge [sflag:s17], $0x4000  }
0xc0: {  	s11 =	simm.s32 $0x100;
	s12 =	simm.s32 $0x800;
	[sflag:s17] =	ssyncset.done $0x0  }
.LBB2_4:
0xc1: {  	s13 =	sadd.s32 $0x80, s11  }
0xc2: {  	[sflag:s17] =	ssyncadd.s32 $0xFFFFC000;
	s14 =	smov.u32 s12;
	s29 =	sadd.s32 $0x400, s12  }
0xc3: {  	[tilespmem:s25], [sflag:$0x2] =	stream.indirect.gather [hbm4b:s4+s22], $0x80, s13, s22, $0xb8;
	[tilespmem:$0x1ED00] =	vst v63  }
0xc4: {  	p0 =	sne.s32 s12, $0x4800;
	_ =	swait.ge [sflag:s26], $0x4000  }
0xc5: {  	[sflag:s26] =	ssyncset.done $0x0  }
0xc6: {  	s12 =	sadd.s32 $0x1400, s11;
	[sflag:s26] =	ssyncadd.s32 $0xFFFFC000  }
0xc7: {  	[spmem:s2] =	stream.indirect.scatter.add.f32 [tilespmem:s23], [sflag:$0x5], $0x80, s12, s22, $0xb8;
	[tilespmem:$0x1ED00] =	vst v63  }
0xc8: {  	_ =	swait.ge [sflag:s17], $0x4000  }
0xc9: {  	[sflag:s17] =	ssyncset.done $0x0  }
0xca: {  	s12 =	sadd.s32 $0x100, s11;
	[sflag:s17] =	ssyncadd.s32 $0xFFFFC000  }
0xcb: {  	[tilespmem:s23], [sflag:$0x1] =	stream.indirect.gather [hbm4b:s4+s22], $0x80, s12, s22, $0xb8;
	[tilespmem:$0x1ED00] =	vst v63  }
0xcc: {  	_ =	swait.ge [sflag:s28], $0x4000  }
.Ltmp1:
0xcd: {  	[sflag:s28] =	ssyncset.done $0x0;
	(pc) =	sbr.rel @p0 .LBB2_4-.Ltmp1, $4  }
0xce: {  	s11 =	sadd.s32 $0x1480, s11;
	[sflag:s28] =	ssyncadd.s32 $0xFFFFC000  }
0xcf: {  	[spmem:s2] =	stream.indirect.scatter.add.f32 [tilespmem:s25], [sflag:$0x5], $0x80, s11, s22, $0xb8;
	[tilespmem:$0x1ED00] =	vst v63  }
0xd0: {  	_ =	swait.ge [sflag:s17], $0x4000  }
0xd1: {  	s12 =	smov.u32 s29;
	s11 =	sshra.s32 s14, $0x2;
	[sflag:s17] =	ssyncset.done $0x0  }
0xd2: {  	s12 =	sadd.s32 $0x80, s11;
	[sflag:s17] =	ssyncadd.s32 $0xFFFFC000  }
0xd3: {  	[tilespmem:s25], [sflag:$0x2] =	stream.indirect.gather [hbm4b:s4+s22], $0x80, s12, s22, $0xb8;
	[tilespmem:$0x1ED00] =	vst v63  }
0xd4: {  	_ =	swait.ge [sflag:s26], $0x4000  }
0xd5: {  	[sflag:s26] =	ssyncset.done $0x0  }
0xd6: {  	s29 =	sadd.s32 $0x1400, s11;
	[sflag:s26] =	ssyncadd.s32 $0xFFFFC000  }
0xd7: {  	[spmem:s2] =	stream.indirect.scatter.add.f32 [tilespmem:s23], [sflag:$0x5], $0x80, s29, s22, $0xb8;
	[tilespmem:$0x1ED00] =	vst v63  }
0xd8: {  	_ =	swait.ge [sflag:s17], $0x4000  }
0xd9: {  	[sflag:s17] =	ssyncset.done $0x0  }
0xda: {  	s13 =	sadd.s32 $0x100, s11;
	[sflag:s17] =	ssyncadd.s32 $0xFFFFC000  }
0xdb: {  	[tilespmem:s23], [sflag:$0x1] =	stream.indirect.gather [hbm4b:s4+s22], $0x80, s13, s22, $0xb8;
	[tilespmem:$0x1ED00] =	vst v63  }
0xdc: {  	_ =	swait.ge [sflag:s28], $0x4000  }
0xdd: {  	[sflag:s28] =	ssyncset.done $0x0  }
0xde: {  	s14 =	sadd.s32 $0x1480, s11;
	[sflag:s28] =	ssyncadd.s32 $0xFFFFC000  }
0xdf: {  	[spmem:s2] =	stream.indirect.scatter.add.f32 [tilespmem:s25], [sflag:$0x5], $0x80, s14, s22, $0xb8;
	[tilespmem:$0x1ED00] =	vst v63  }
0xe0: {  	_ =	swait.ge [sflag:s17], $0x4000  }
0xe1: {  	[sflag:s17] =	ssyncset.done $0x0  }
0xe2: {  	[sflag:s17] =	ssyncadd.s32 $0xFFFFC000  }
0xe3: {  	_ =	swait.ge [sflag:s26], $0x4000  }
0xe4: {  	[sflag:s26] =	ssyncset.done $0x0  }
0xe5: {  	[sflag:s26] =	ssyncadd.s32 $0xFFFFC000  }
0xe6: {  	[spmem:s2] =	stream.indirect.scatter.add.f32 [tilespmem:s23], [sflag:$0x5], $0x80, s3, s22, $0xb8;
	[tilespmem:$0x1ED00] =	vst v63  }
0xe7: {  	_ =	swait.ge [sflag:s17], $0x4000  }
0xe8: {  	[sflag:s17] =	ssyncset.done $0x0  }
0xe9: {  	s11 =	simm.s32 $0x0;
	s29 =	rddreg [dreg:$0xf];
	[sflag:s17] =	ssyncadd.s32 $0xFFFFC000  }
0xea: {  	[tilespmem:s11], [sflag:$0x5] =	stream.linear.gather [hbm4b:s29+s11], $0x1380, $0x38;
	[tilespmem:$0x1ED00] =	vst v63  }
0xeb: {  	_ =	swait.ge [sflag:s17], $0x1380  }
0xec: {  	[sflag:s17] =	ssyncset.done $0x0  }
0xed: {  	[sflag:s17] =	ssyncadd.s32 $0xFFFFEC80  }
0xee: {  	[tilespmem:s23], [sflag:$0x1] =	stream.indirect.gather [hbm4b:s4+s22], $0x80, s11, s22, $0xb8;
	[tilespmem:$0x1ED00] =	vst v63  }
0xef: {  	_ = 	snop  }
0xf0: {  	[tilespmem:s31], [sflag:$0x5] =	stream.indirect.gather [hbm4b:s4+s30], $0x80, s24, s30, $0xb8;
	[tilespmem:$0x1ED00] =	vst v63  }
0xf1: {  	_ =	swait.ge [sflag:s17], $0x400  }
0xf2: {  	[sflag:s17] =	ssyncset.done $0x0  }
0xf3: {  	[sflag:s17] =	ssyncadd.s32 $0xFFFFFC00  }
0xf4: {  	[spmem:s2] =	stream.indirect.scatter.add.f32 [tilespmem:s31], [sflag:$0x5], $0x80, s21, s30, $0xb8;
	[tilespmem:$0x1ED00] =	vst v63  }
0xf5: {  	_ =	swait.ge [sflag:s17], $0x400  }
0xf6: {  	[sflag:s17] =	ssyncset.done $0x0  }
0xf7: {  	[sflag:s17] =	ssyncadd.s32 $0xFFFFFC00  }
0xf8: {  	[bflag:$0x0] =	sbarrier.arrive $0xFFFF  }
0xf9: {  	s3 =	rddreg [dreg:$0x16]  }
0xfa: {  	[hbm:s3], [sflag:s7] =	dma.local [spmem:s6], $0xA00  }
0xfb: {  	_ =	swait.ge [sflag:s1], $0xA00  }
0xfc: {  	[sflag:s1] =	ssyncset.done $0x0  }
0xfd: {  	s13 =	rddreg [dreg:$0x17];
	[sflag:s1] =	ssyncadd.s32 $0xFFFFF600  }
0xfe: {  	[hbm:s13], [sflag:s7] =	dma.local [spmem:s8], $0xA00  }
0xff: {  	[spmem:s6], [sflag:s16] =	dma.local [hbm:s9], $0xA00  }
0x100: {  	_ =	swait.ge [sflag:s1], $0xA00  }
0x101: {  	[sflag:s1] =	ssyncset.done $0x0  }
0x102: {  	s14 =	rddreg [dreg:$0x18];
	[sflag:s1] =	ssyncadd.s32 $0xFFFFF600  }
0x103: {  	[hbm:s14], [sflag:s7] =	dma.local [spmem:s10], $0xA00  }
0x104: {  	[spmem:s8], [sflag:s16] =	dma.local [hbm:s18], $0xA00  }
0x105: {  	_ =	swait.ge [sflag:s1], $0xA00  }
0x106: {  	[sflag:s1] =	ssyncset.done $0x0  }
0x107: {  	s29 =	rddreg [dreg:$0x19];
	[sflag:s1] =	ssyncadd.s32 $0xFFFFF600  }
0x108: {  	[hbm:s29], [sflag:s7] =	dma.local [spmem:s15], $0xA00  }
0x109: {  	[spmem:s10], [sflag:s16] =	dma.local [hbm:s19], $0xA00  }
0x10a: {  	_ =	swait.ge [sflag:s1], $0xA00  }
0x10b: {  	[sflag:s1] =	ssyncset.done $0x0  }
0x10c: {  	[sflag:s1] =	ssyncadd.s32 $0xFFFFF600  }
0x10d: {  	[spmem:s15], [sflag:s16] =	dma.local [hbm:s20], $0xA00  }
0x10e: {  	_ =	swait.ge [sflag:s0], $0xA00  }
0x10f: {  	[sflag:s0] =	ssyncset.done $0x0  }
0x110: {  	[sflag:s0] =	ssyncadd.s32 $0xFFFFF600  }
0x111: {  	_ =	swait.ge [sflag:s0], $0xA00  }
0x112: {  	[sflag:s0] =	ssyncset.done $0x0  }
0x113: {  	[sflag:s0] =	ssyncadd.s32 $0xFFFFF600  }
0x114: {  	_ =	swait.ge [sflag:s0], $0xA00  }
0x115: {  	[sflag:s0] =	ssyncset.done $0x0  }
0x116: {  	[sflag:s0] =	ssyncadd.s32 $0xFFFFF600  }
0x117: {  	_ =	swait.ge [sflag:s0], $0xA00  }
0x118: {  	[sflag:s0] =	ssyncset.done $0x0  }
0x119: {  	s3 =	rddreg [dreg:$0x13];
	[sflag:s0] =	ssyncadd.s32 $0xFFFFF600  }
0x11a: {  	[tilespmem:s24], [sflag:$0x5] =	stream.linear.gather [hbm4b:s3+s11], $0x80, $0x38;
	[tilespmem:$0x1ED00] =	vst v63  }
0x11b: {  	_ =	swait.ge [sflag:s17], $0x80  }
0x11c: {  	[sflag:s17] =	ssyncset.done $0x0  }
0x11d: {  	[sflag:s17] =	ssyncadd.s32 $0xFFFFFF80  }
0x11e: {  	s12 =	simm.s32 $0x80;
	[bflag:$0x0] =	sbarrier.arrive $0xFFFF  }
0x11f: {  	[tilespmem:s25], [sflag:$0x2] =	stream.indirect.gather [hbm4b:s4+s22], $0x80, s12, s22, $0xb8;
	[tilespmem:$0x1ED00] =	vst v63  }
0x120: {  	_ =	swait.ge [sflag:s26], $0x4000  }
0x121: {  	[sflag:s26] =	ssyncset.done $0x0  }
0x122: {  	s13 =	simm.s32 $0x1400;
	[sflag:s26] =	ssyncadd.s32 $0xFFFFC000  }
0x123: {  	[spmem:s2] =	stream.indirect.scatter.add.f32 [tilespmem:s23], [sflag:$0x5], $0x80, s13, s22, $0xb8;
	[tilespmem:$0x1ED00] =	vst v63  }
0x124: {  	_ =	swait.ge [sflag:s17], $0x4000  }
0x125: {  	[sflag:s17] =	ssyncset.done $0x0  }
0x126: {  	s14 =	simm.s32 $0x100;
	[sflag:s17] =	ssyncadd.s32 $0xFFFFC000  }
0x127: {  	[tilespmem:s23], [sflag:$0x1] =	stream.indirect.gather [hbm4b:s4+s22], $0x80, s14, s22, $0xb8;
	[tilespmem:$0x1ED00] =	vst v63  }
0x128: {  	_ =	swait.ge [sflag:s28], $0x4000  }
0x129: {  	[sflag:s28] =	ssyncset.done $0x0  }
0x12a: {  	s29 =	simm.s32 $0x1480;
	[sflag:s28] =	ssyncadd.s32 $0xFFFFC000  }
0x12b: {  	[spmem:s2] =	stream.indirect.scatter.add.f32 [tilespmem:s25], [sflag:$0x5], $0x80, s29, s22, $0xb8;
	[tilespmem:$0x1ED00] =	vst v63  }
0x12c: {  	_ =	swait.ge [sflag:s17], $0x4000  }
0x12d: {  	s11 =	simm.s32 $0x100;
	s12 =	simm.s32 $0x800;
	[sflag:s17] =	ssyncset.done $0x0  }
.LBB2_6:
0x12e: {  	s13 =	sadd.s32 $0x80, s11  }
0x12f: {  	[sflag:s17] =	ssyncadd.s32 $0xFFFFC000;
	s14 =	smov.u32 s12;
	s29 =	sadd.s32 $0x400, s12  }
0x130: {  	[tilespmem:s25], [sflag:$0x2] =	stream.indirect.gather [hbm4b:s4+s22], $0x80, s13, s22, $0xb8;
	[tilespmem:$0x1ED00] =	vst v63  }
0x131: {  	p0 =	sne.s32 s12, $0x4800;
	_ =	swait.ge [sflag:s26], $0x4000  }
0x132: {  	[sflag:s26] =	ssyncset.done $0x0  }
0x133: {  	s12 =	sadd.s32 $0x1400, s11;
	[sflag:s26] =	ssyncadd.s32 $0xFFFFC000  }
0x134: {  	[spmem:s2] =	stream.indirect.scatter.add.f32 [tilespmem:s23], [sflag:$0x5], $0x80, s12, s22, $0xb8;
	[tilespmem:$0x1ED00] =	vst v63  }
0x135: {  	_ =	swait.ge [sflag:s17], $0x4000  }
0x136: {  	[sflag:s17] =	ssyncset.done $0x0  }
0x137: {  	s12 =	sadd.s32 $0x100, s11;
	[sflag:s17] =	ssyncadd.s32 $0xFFFFC000  }
0x138: {  	[tilespmem:s23], [sflag:$0x1] =	stream.indirect.gather [hbm4b:s4+s22], $0x80, s12, s22, $0xb8;
	[tilespmem:$0x1ED00] =	vst v63  }
0x139: {  	_ =	swait.ge [sflag:s28], $0x4000  }
.Ltmp2:
0x13a: {  	[sflag:s28] =	ssyncset.done $0x0;
	(pc) =	sbr.rel @p0 .LBB2_6-.Ltmp2, $4  }
0x13b: {  	s11 =	sadd.s32 $0x1480, s11;
	[sflag:s28] =	ssyncadd.s32 $0xFFFFC000  }
0x13c: {  	[spmem:s2] =	stream.indirect.scatter.add.f32 [tilespmem:s25], [sflag:$0x5], $0x80, s11, s22, $0xb8;
	[tilespmem:$0x1ED00] =	vst v63  }
0x13d: {  	_ =	swait.ge [sflag:s17], $0x4000  }
0x13e: {  	s12 =	smov.u32 s29;
	s11 =	sshra.s32 s14, $0x2;
	[sflag:s17] =	ssyncset.done $0x0  }
0x13f: {  	s12 =	sadd.s32 $0x80, s11;
	[sflag:s17] =	ssyncadd.s32 $0xFFFFC000  }
0x140: {  	[tilespmem:s25], [sflag:$0x2] =	stream.indirect.gather [hbm4b:s4+s22], $0x80, s12, s22, $0xb8;
	[tilespmem:$0x1ED00] =	vst v63  }
0x141: {  	_ =	swait.ge [sflag:s26], $0x4000  }
0x142: {  	[sflag:s26] =	ssyncset.done $0x0  }
0x143: {  	s14 =	sadd.s32 $0x1400, s11;
	[sflag:s26] =	ssyncadd.s32 $0xFFFFC000  }
0x144: {  	[spmem:s2] =	stream.indirect.scatter.add.f32 [tilespmem:s23], [sflag:$0x5], $0x80, s14, s22, $0xb8;
	[tilespmem:$0x1ED00] =	vst v63  }
0x145: {  	_ =	swait.ge [sflag:s17], $0x4000  }
0x146: {  	[sflag:s17] =	ssyncset.done $0x0  }
0x147: {  	s3 =	sadd.s32 $0x100, s11;
	[sflag:s17] =	ssyncadd.s32 $0xFFFFC000  }
0x148: {  	[tilespmem:s23], [sflag:$0x1] =	stream.indirect.gather [hbm4b:s4+s22], $0x80, s3, s22, $0xb8;
	[tilespmem:$0x1ED00] =	vst v63  }
0x149: {  	_ =	swait.ge [sflag:s28], $0x4000  }
0x14a: {  	[sflag:s28] =	ssyncset.done $0x0  }
0x14b: {  	s12 =	sadd.s32 $0x1480, s11;
	[sflag:s28] =	ssyncadd.s32 $0xFFFFC000  }
0x14c: {  	[spmem:s2] =	stream.indirect.scatter.add.f32 [tilespmem:s25], [sflag:$0x5], $0x80, s12, s22, $0xb8;
	[tilespmem:$0x1ED00] =	vst v63  }
0x14d: {  	_ =	swait.ge [sflag:s17], $0x4000  }
0x14e: {  	[sflag:s17] =	ssyncset.done $0x0  }
0x14f: {  	[sflag:s17] =	ssyncadd.s32 $0xFFFFC000  }
0x150: {  	_ =	swait.ge [sflag:s26], $0x4000  }
0x151: {  	[sflag:s26] =	ssyncset.done $0x0  }
0x152: {  	s29 =	simm.s32 $0x2700;
	[sflag:s26] =	ssyncadd.s32 $0xFFFFC000  }
0x153: {  	[spmem:s2] =	stream.indirect.scatter.add.f32 [tilespmem:s23], [sflag:$0x5], $0x80, s29, s22, $0xb8;
	[tilespmem:$0x1ED00] =	vst v63  }
0x154: {  	_ =	swait.ge [sflag:s17], $0x4000  }
0x155: {  	[sflag:s17] =	ssyncset.done $0x0  }
0x156: {  	s11 =	simm.s32 $0x0;
	s13 =	rddreg [dreg:$0x11];
	[sflag:s17] =	ssyncadd.s32 $0xFFFFC000  }
0x157: {  	[tilespmem:s11], [sflag:$0x5] =	stream.linear.gather [hbm4b:s13+s11], $0x1380, $0x38;
	[tilespmem:$0x1ED00] =	vst v63  }
0x158: {  	_ =	swait.ge [sflag:s17], $0x1380  }
0x159: {  	[sflag:s17] =	ssyncset.done $0x0  }
0x15a: {  	[sflag:s17] =	ssyncadd.s32 $0xFFFFEC80  }
0x15b: {  	[tilespmem:s23], [sflag:$0x1] =	stream.indirect.gather [hbm4b:s4+s22], $0x80, s11, s22, $0xb8;
	[tilespmem:$0x1ED00] =	vst v63  }
0x15c: {  	_ = 	snop  }
0x15d: {  	[tilespmem:s31], [sflag:$0x5] =	stream.indirect.gather [hbm4b:s4+s30], $0x80, s24, s30, $0xb8;
	[tilespmem:$0x1ED00] =	vst v63  }
0x15e: {  	_ =	swait.ge [sflag:s17], $0x400  }
0x15f: {  	[sflag:s17] =	ssyncset.done $0x0  }
0x160: {  	[sflag:s17] =	ssyncadd.s32 $0xFFFFFC00  }
0x161: {  	[spmem:s2] =	stream.indirect.scatter.add.f32 [tilespmem:s31], [sflag:$0x5], $0x80, s21, s30, $0xb8;
	[tilespmem:$0x1ED00] =	vst v63  }
0x162: {  	_ =	swait.ge [sflag:s17], $0x400  }
0x163: {  	[sflag:s17] =	ssyncset.done $0x0  }
0x164: {  	[sflag:s17] =	ssyncadd.s32 $0xFFFFFC00  }
0x165: {  	[bflag:$0x0] =	sbarrier.arrive $0xFFFF  }
0x166: {  	s14 =	rddreg [dreg:$0x1a]  }
0x167: {  	[hbm:s14], [sflag:s7] =	dma.local [spmem:s6], $0xA00  }
0x168: {  	_ =	swait.ge [sflag:s1], $0xA00  }
0x169: {  	[sflag:s1] =	ssyncset.done $0x0  }
0x16a: {  	s3 =	rddreg [dreg:$0x1b];
	[sflag:s1] =	ssyncadd.s32 $0xFFFFF600  }
0x16b: {  	[hbm:s3], [sflag:s7] =	dma.local [spmem:s8], $0xA00  }
0x16c: {  	[spmem:s6], [sflag:s16] =	dma.local [hbm:s9], $0xA00  }
0x16d: {  	_ =	swait.ge [sflag:s1], $0xA00  }
0x16e: {  	[sflag:s1] =	ssyncset.done $0x0  }
0x16f: {  	s13 =	rddreg [dreg:$0x1c];
	[sflag:s1] =	ssyncadd.s32 $0xFFFFF600  }
0x170: {  	[hbm:s13], [sflag:s7] =	dma.local [spmem:s10], $0xA00  }
0x171: {  	[spmem:s8], [sflag:s16] =	dma.local [hbm:s18], $0xA00  }
0x172: {  	_ =	swait.ge [sflag:s1], $0xA00  }
0x173: {  	[sflag:s1] =	ssyncset.done $0x0  }
0x174: {  	s14 =	rddreg [dreg:$0x1d];
	[sflag:s1] =	ssyncadd.s32 $0xFFFFF600  }
0x175: {  	[hbm:s14], [sflag:s7] =	dma.local [spmem:s15], $0xA00  }
0x176: {  	[spmem:s10], [sflag:s16] =	dma.local [hbm:s19], $0xA00  }
0x177: {  	_ =	swait.ge [sflag:s1], $0xA00  }
0x178: {  	[sflag:s1] =	ssyncset.done $0x0  }
0x179: {  	[sflag:s1] =	ssyncadd.s32 $0xFFFFF600  }
0x17a: {  	[spmem:s15], [sflag:s16] =	dma.local [hbm:s20], $0xA00  }
0x17b: {  	_ =	swait.ge [sflag:s0], $0xA00  }
0x17c: {  	[sflag:s0] =	ssyncset.done $0x0  }
0x17d: {  	[sflag:s0] =	ssyncadd.s32 $0xFFFFF600  }
0x17e: {  	_ =	swait.ge [sflag:s0], $0xA00  }
0x17f: {  	[sflag:s0] =	ssyncset.done $0x0  }
0x180: {  	[sflag:s0] =	ssyncadd.s32 $0xFFFFF600  }
0x181: {  	_ =	swait.ge [sflag:s0], $0xA00  }
0x182: {  	[sflag:s0] =	ssyncset.done $0x0  }
0x183: {  	[sflag:s0] =	ssyncadd.s32 $0xFFFFF600  }
0x184: {  	_ =	swait.ge [sflag:s0], $0xA00  }
0x185: {  	[sflag:s0] =	ssyncset.done $0x0  }
0x186: {  	s3 =	rddreg [dreg:$0x14];
	[sflag:s0] =	ssyncadd.s32 $0xFFFFF600  }
0x187: {  	[tilespmem:s24], [sflag:$0x5] =	stream.linear.gather [hbm4b:s3+s11], $0x80, $0x38;
	[tilespmem:$0x1ED00] =	vst v63  }
0x188: {  	_ =	swait.ge [sflag:s17], $0x80  }
0x189: {  	[sflag:s17] =	ssyncset.done $0x0  }
0x18a: {  	[sflag:s17] =	ssyncadd.s32 $0xFFFFFF80  }
0x18b: {  	s12 =	simm.s32 $0x80;
	[bflag:$0x0] =	sbarrier.arrive $0xFFFF  }
0x18c: {  	[tilespmem:s25], [sflag:$0x2] =	stream.indirect.gather [hbm4b:s4+s22], $0x80, s12, s22, $0xb8;
	[tilespmem:$0x1ED00] =	vst v63  }
0x18d: {  	_ =	swait.ge [sflag:s26], $0x4000  }
0x18e: {  	[sflag:s26] =	ssyncset.done $0x0  }
0x18f: {  	s13 =	simm.s32 $0x1400;
	[sflag:s26] =	ssyncadd.s32 $0xFFFFC000  }
0x190: {  	[spmem:s2] =	stream.indirect.scatter.add.f32 [tilespmem:s23], [sflag:$0x5], $0x80, s13, s22, $0xb8;
	[tilespmem:$0x1ED00] =	vst v63  }
0x191: {  	_ =	swait.ge [sflag:s17], $0x4000  }
0x192: {  	[sflag:s17] =	ssyncset.done $0x0  }
0x193: {  	s14 =	simm.s32 $0x100;
	[sflag:s17] =	ssyncadd.s32 $0xFFFFC000  }
0x194: {  	[tilespmem:s23], [sflag:$0x1] =	stream.indirect.gather [hbm4b:s4+s22], $0x80, s14, s22, $0xb8;
	[tilespmem:$0x1ED00] =	vst v63  }
0x195: {  	_ =	swait.ge [sflag:s28], $0x4000  }
0x196: {  	[sflag:s28] =	ssyncset.done $0x0  }
0x197: {  	s16 =	simm.s32 $0x1480;
	[sflag:s28] =	ssyncadd.s32 $0xFFFFC000  }
0x198: {  	[spmem:s2] =	stream.indirect.scatter.add.f32 [tilespmem:s25], [sflag:$0x5], $0x80, s16, s22, $0xb8;
	[tilespmem:$0x1ED00] =	vst v63  }
0x199: {  	_ =	swait.ge [sflag:s17], $0x4000  }
0x19a: {  	s11 =	simm.s32 $0x100;
	s12 =	simm.s32 $0x800;
	[sflag:s17] =	ssyncset.done $0x0  }
.LBB2_8:
0x19b: {  	s13 =	sadd.s32 $0x80, s11  }
0x19c: {  	[sflag:s17] =	ssyncadd.s32 $0xFFFFC000;
	s14 =	smov.u32 s12;
	s16 =	sadd.s32 $0x400, s12  }
0x19d: {  	[tilespmem:s25], [sflag:$0x2] =	stream.indirect.gather [hbm4b:s4+s22], $0x80, s13, s22, $0xb8;
	[tilespmem:$0x1ED00] =	vst v63  }
0x19e: {  	p0 =	sne.s32 s12, $0x4800;
	_ =	swait.ge [sflag:s26], $0x4000  }
0x19f: {  	[sflag:s26] =	ssyncset.done $0x0  }
0x1a0: {  	s12 =	sadd.s32 $0x1400, s11;
	[sflag:s26] =	ssyncadd.s32 $0xFFFFC000  }
0x1a1: {  	[spmem:s2] =	stream.indirect.scatter.add.f32 [tilespmem:s23], [sflag:$0x5], $0x80, s12, s22, $0xb8;
	[tilespmem:$0x1ED00] =	vst v63  }
0x1a2: {  	_ =	swait.ge [sflag:s17], $0x4000  }
0x1a3: {  	[sflag:s17] =	ssyncset.done $0x0  }
0x1a4: {  	s12 =	sadd.s32 $0x100, s11;
	[sflag:s17] =	ssyncadd.s32 $0xFFFFC000  }
0x1a5: {  	[tilespmem:s23], [sflag:$0x1] =	stream.indirect.gather [hbm4b:s4+s22], $0x80, s12, s22, $0xb8;
	[tilespmem:$0x1ED00] =	vst v63  }
0x1a6: {  	_ =	swait.ge [sflag:s28], $0x4000  }
.Ltmp3:
0x1a7: {  	[sflag:s28] =	ssyncset.done $0x0;
	(pc) =	sbr.rel @p0 .LBB2_8-.Ltmp3, $4  }
0x1a8: {  	s11 =	sadd.s32 $0x1480, s11;
	[sflag:s28] =	ssyncadd.s32 $0xFFFFC000  }
0x1a9: {  	[spmem:s2] =	stream.indirect.scatter.add.f32 [tilespmem:s25], [sflag:$0x5], $0x80, s11, s22, $0xb8;
	[tilespmem:$0x1ED00] =	vst v63  }
0x1aa: {  	_ =	swait.ge [sflag:s17], $0x4000  }
0x1ab: {  	s12 =	smov.u32 s16;
	s11 =	sshra.s32 s14, $0x2;
	[sflag:s17] =	ssyncset.done $0x0  }
0x1ac: {  	s12 =	sadd.s32 $0x80, s11;
	[sflag:s17] =	ssyncadd.s32 $0xFFFFC000  }
0x1ad: {  	[tilespmem:s25], [sflag:$0x2] =	stream.indirect.gather [hbm4b:s4+s22], $0x80, s12, s22, $0xb8;
	[tilespmem:$0x1ED00] =	vst v63  }
0x1ae: {  	_ =	swait.ge [sflag:s26], $0x4000  }
0x1af: {  	[sflag:s26] =	ssyncset.done $0x0  }
0x1b0: {  	s13 =	sadd.s32 $0x1400, s11;
	[sflag:s26] =	ssyncadd.s32 $0xFFFFC000  }
0x1b1: {  	[spmem:s2] =	stream.indirect.scatter.add.f32 [tilespmem:s23], [sflag:$0x5], $0x80, s13, s22, $0xb8;
	[tilespmem:$0x1ED00] =	vst v63  }
0x1b2: {  	_ =	swait.ge [sflag:s17], $0x4000  }
0x1b3: {  	[sflag:s17] =	ssyncset.done $0x0  }
0x1b4: {  	s14 =	sadd.s32 $0x100, s11;
	[sflag:s17] =	ssyncadd.s32 $0xFFFFC000  }
0x1b5: {  	[tilespmem:s23], [sflag:$0x1] =	stream.indirect.gather [hbm4b:s4+s22], $0x80, s14, s22, $0xb8;
	[tilespmem:$0x1ED00] =	vst v63  }
0x1b6: {  	_ =	swait.ge [sflag:s28], $0x4000  }
0x1b7: {  	[sflag:s28] =	ssyncset.done $0x0  }
0x1b8: {  	s16 =	sadd.s32 $0x1480, s11;
	[sflag:s28] =	ssyncadd.s32 $0xFFFFC000  }
0x1b9: {  	[spmem:s2] =	stream.indirect.scatter.add.f32 [tilespmem:s25], [sflag:$0x5], $0x80, s16, s22, $0xb8;
	[tilespmem:$0x1ED00] =	vst v63  }
0x1ba: {  	_ =	swait.ge [sflag:s17], $0x4000  }
0x1bb: {  	[sflag:s17] =	ssyncset.done $0x0  }
0x1bc: {  	[sflag:s17] =	ssyncadd.s32 $0xFFFFC000  }
0x1bd: {  	_ =	swait.ge [sflag:s26], $0x4000  }
0x1be: {  	[sflag:s26] =	ssyncset.done $0x0  }
0x1bf: {  	[sflag:s26] =	ssyncadd.s32 $0xFFFFC000  }
0x1c0: {  	[spmem:s2] =	stream.indirect.scatter.add.f32 [tilespmem:s23], [sflag:$0x5], $0x80, s29, s22, $0xb8;
	[tilespmem:$0x1ED00] =	vst v63  }
0x1c1: {  	_ =	swait.ge [sflag:s17], $0x4000  }
0x1c2: {  	[sflag:s17] =	ssyncset.done $0x0  }
0x1c3: {  	[sflag:s17] =	ssyncadd.s32 $0xFFFFC000  }
0x1c4: {  	[tilespmem:s31], [sflag:$0x5] =	stream.indirect.gather [hbm4b:s4+s30], $0x80, s24, s30, $0xb8;
	[tilespmem:$0x1ED00] =	vst v63  }
0x1c5: {  	_ =	swait.ge [sflag:s17], $0x400  }
0x1c6: {  	[sflag:s17] =	ssyncset.done $0x0  }
0x1c7: {  	[sflag:s17] =	ssyncadd.s32 $0xFFFFFC00  }
0x1c8: {  	[spmem:s2] =	stream.indirect.scatter.add.f32 [tilespmem:s31], [sflag:$0x5], $0x80, s21, s30, $0xb8;
	[tilespmem:$0x1ED00] =	vst v63  }
0x1c9: {  	_ =	swait.ge [sflag:s17], $0x400  }
0x1ca: {  	[sflag:s17] =	ssyncset.done $0x0  }
0x1cb: {  	[sflag:s17] =	ssyncadd.s32 $0xFFFFFC00  }
0x1cc: {  	[bflag:$0x0] =	sbarrier.arrive $0xFFFF  }
0x1cd: {  	s3 =	rddreg [dreg:$0x1e]  }
0x1ce: {  	[hbm:s3], [sflag:s7] =	dma.local [spmem:s6], $0xA00  }
0x1cf: {  	_ =	swait.ge [sflag:s1], $0xA00  }
0x1d0: {  	[sflag:s1] =	ssyncset.done $0x0  }
0x1d1: {  	s12 =	rddreg [dreg:$0x1f];
	[sflag:s1] =	ssyncadd.s32 $0xFFFFF600  }
0x1d2: {  	[hbm:s12], [sflag:s7] =	dma.local [spmem:s8], $0xA00  }
0x1d3: {  	_ =	swait.ge [sflag:s1], $0xA00  }
0x1d4: {  	s13 =	sld [smem:$0x7FC]  }
0x1d5: {  	[sflag:s1] =	ssyncset.done $0x0  }
0x1d6: {  	[sflag:s1] =	ssyncadd.s32 $0xFFFFF600  }
0x1d7: {  	[hbm:s13], [sflag:s7] =	dma.local [spmem:s10], $0xA00  }
0x1d8: {  	_ =	swait.ge [sflag:s1], $0xA00  }
0x1d9: {  	s14 =	sld [smem:$0x7FD]  }
0x1da: {  	[sflag:s1] =	ssyncset.done $0x0  }
0x1db: {  	[sflag:s1] =	ssyncadd.s32 $0xFFFFF600  }
0x1dc: {  	[hbm:s14], [sflag:s7] =	dma.local [spmem:s15], $0xA00  }
0x1dd: {  	_ =	swait.ge [sflag:s1], $0xA00  }
0x1de: {  	s5 =	sadd.s32 $0x1, s5;
	s16 =	rddreg [dreg:$0x15]  }
0x1df: {  	p0 =	sne.s32 s5, s16  }
.Ltmp4:
0x1e0: {  	_ = 	snop;
	(pc) =	sbr.rel @p0 .LBB2_1-.Ltmp4, $3  }
0x1e1: {  	_ =	sdelay $0x1  }
0x1e2: {  	[sflag:s1] =	ssyncset.done $0x0  }
0x1e3: {  	[sflag:s1] =	ssyncadd.s32 $0xFFFFF600  }
0x1e4: {  	_ =	sfence.sel $0x180000  }
0x1e5: {  	[bflag:$0x0] =	sbarrier.arrive $0xFFFF  }
0x1e6: {  	_ =	strace $0x9000004A  }
0x1e7: {  	s0 =	stileid.u32;
	[bflag:$0x2] =	sbarrier.arrive $0xFFFF  }
0x1e8: {  	p0 =	sne.s32 s0, $0x0;
	s0 =	rddreg [dreg:$0x2]  }
0x1e9: {  	s0 =	sadd.s32 @!p0 $0x100000, s0  }
0x1ea: {  	[sflag:s0] =	ssyncadd.tile.s32 @!p0 $0x1;
	_ =	shalt  }
.Lfunc_end2:
_tile_overlayer_lowered:
.L_overlay_start_2:
0x1eb: {  	(tag) =	ssettag $0x2  }
0x1ec: {  	s0 =	rddreg [dreg:$0x0];
	s2 =	stileid.u32  }
0x1ed: {  	s1 =	rddreg [dreg:$0x1];
	p0 =	sne.s32 s2, $0x0  }
0x1ee: {  	s3 =	rddreg [dreg:$0x2];
	[bflag:$0x3] =	sbarrier.arrive $0xFFFF;
	s2 =	simm.s32 @!p0 $0x1C05  }
0x1ef: {  	[timem:s3], [sflag:s2] =	dma.local @!p0 [hbm:s0], s1  }
0x1f0: {  	s0 =	simm.s32 @!p0 $0x5  }
0x1f1: {  	_ =	swait.ge @!p0 [sflag:s0], s1  }
0x1f2: {  	s1 =	ssub.s32 @!p0 $0x0, s1;
	[sflag:s0] =	ssyncset.done @!p0 $0x0  }
0x1f3: {  	[sflag:s0] =	ssyncadd.s32 @!p0 s1  }
0x1f4: {  	[bflag:$0x3] =	sbarrier.arrive $0xFFFF  }
0x1f5: {  	_ =	shalt  }

</sc_bundles>
